<compile_context>
chip_gen: v7x
topology: tpu7x:2x2x1
jax: 0.10.2.dev20260603
libtpu: 0.0.44.dev20260713+nightly
codegen_flags: <defaults>
</compile_context>

<pallas_src>
import jax
import jax.numpy as jnp
from jax import lax
from jax.experimental import pallas as pl
from jax.experimental.pallas import tpu as pltpu
from jax.experimental.pallas import tpu_sc as plsc

B, S, H = 4096, 200, 128
V, P, T, TLD, TD = 128, 512, 2, 1000, 64
EPS = 1e-12

TLD_PAD = 1024
NW = 32
BPW = B // NW
L = 16
NJ = H // L


def _tables_body(tld_emb_ref, w_ref, b_ref, char_ref, type_ref, pos_ref,
                 tldtab_ref, charc_ref, posc_ref):
    tld = (jnp.dot(tld_emb_ref[...], w_ref[...],
                   preferred_element_type=jnp.float32) + b_ref[...])
    tldtab_ref[...] = tld - jnp.mean(tld, axis=-1, keepdims=True)
    cb = char_ref[...] + type_ref[0:1, :]
    charc_ref[...] = cb - jnp.mean(cb, axis=-1, keepdims=True)
    p = pos_ref[...]
    posc_ref[...] = p - jnp.mean(p, axis=-1, keepdims=True)


def _sc_body(char_hbm, pos_hbm, tldtab_hbm, gamma_hbm, beta_hbm, ids_hbm,
             tldid_hbm, out_hbm,
             char_v, pos_v, gamma_v, beta_v, tldid_v, tldrows_v,
             ids0_v, ids1_v, out0_v, out1_v,
             gsem, isem0, isem1, osem0, osem1):
    wid = lax.axis_index("s") * 2 + lax.axis_index("c")
    base = wid * BPW

    pltpu.sync_copy(char_hbm, char_v)
    pltpu.sync_copy(pos_hbm.at[pl.ds(0, S)], pos_v)
    pltpu.sync_copy(gamma_hbm, gamma_v)
    pltpu.sync_copy(beta_hbm, beta_v)
    pltpu.sync_copy(tldid_hbm.at[pl.ds(base, BPW)], tldid_v)
    pltpu.async_copy(tldtab_hbm.at[tldid_v], tldrows_v, gsem).wait()

    def compute_row(r, ids_v, out_v):
        tld8 = [tldrows_v[r, pl.ds(L * j, L)] for j in range(NJ)]

        @plsc.parallel_loop(0, S, unroll=4)
        def tok_body(t):
            tid = ids_v[pl.ds(t, L)][0]
            e = []
            acc = None
            for j in range(NJ):
                ej = (char_v[tid, pl.ds(L * j, L)]
                      + pos_v[t, pl.ds(L * j, L)] + tld8[j])
                e.append(ej)
                sq = ej * ej
                acc = sq if acc is None else acc + sq
            lanes = lax.iota(jnp.int32, L)
            for sh in (1, 2, 4, 8):
                acc = acc + acc.at[lanes ^ sh].get(mode="promise_in_bounds")
            x = acc * (1.0 / H) + EPS
            xi = lax.bitcast_convert_type(x, jnp.int32)
            yi = jnp.int32(0x5F3759DF) - lax.shift_right_logical(xi, 1)
            y = lax.bitcast_convert_type(yi, jnp.float32)
            y = y * (1.5 - 0.5 * x * y * y)
            y = y * (1.5 - 0.5 * x * y * y)
            for j in range(NJ):
                out_v[t, pl.ds(L * j, L)] = (
                    e[j] * y * gamma_v[pl.ds(L * j, L)]
                    + beta_v[pl.ds(L * j, L)])

    def ids_copy(row, ids_v, sem):
        return pltpu.make_async_copy(
            ids_hbm.at[pl.ds((base + row) * S, S)], ids_v.at[pl.ds(0, S)],
            sem)

    def out_copy(row, out_v, sem):
        return pltpu.make_async_copy(out_v, out_hbm.at[base + row], sem)

    ids_copy(0, ids0_v, isem0).start()
    HB = BPW // 2

    def row_pair(rp, carry):
        r0 = 2 * rp
        ids_copy(r0 + 1, ids1_v, isem1).start()
        ids_copy(r0, ids0_v, isem0).wait()

        @pl.when(rp >= 1)
        def _():
            out_copy(r0, out0_v, osem0).wait()
        compute_row(r0, ids0_v, out0_v)
        out_copy(r0, out0_v, osem0).start()

        @pl.when(rp < HB - 1)
        def _():
            ids_copy(r0 + 2, ids0_v, isem0).start()
        ids_copy(r0 + 1, ids1_v, isem1).wait()

        @pl.when(rp >= 1)
        def _():
            out_copy(r0 + 1, out1_v, osem1).wait()
        compute_row(r0 + 1, ids1_v, out1_v)
        out_copy(r0 + 1, out1_v, osem1).start()
        return carry

    lax.fori_loop(0, HB, row_pair, 0)
    out_copy(BPW - 2, out0_v, osem0).wait()
    out_copy(BPW - 1, out1_v, osem1).wait()


def kernel(input_ids, tld_ids, char_emb, pos_emb, type_emb, tld_emb, W_tld, b_tld, gamma, beta):
    tld_emb_p = jnp.pad(tld_emb, ((0, TLD_PAD - TLD), (0, 0)))
    tld_table, char_c, pos_c = pl.pallas_call(
        _tables_body,
        out_shape=(
            jax.ShapeDtypeStruct((TLD_PAD, H), jnp.float32),
            jax.ShapeDtypeStruct((V, H), jnp.float32),
            jax.ShapeDtypeStruct((P, H), jnp.float32),
        ),
    )(tld_emb_p, W_tld, b_tld.reshape(1, H), char_emb, type_emb, pos_emb)

    ids = input_ids.astype(jnp.int32).reshape(B * S)
    tid = tld_ids.astype(jnp.int32).reshape(B)

    sc = pl.kernel(
        _sc_body,
        out_type=jax.ShapeDtypeStruct((B, S, H), jnp.float32),
        mesh=plsc.VectorSubcoreMesh(core_axis_name="c", subcore_axis_name="s"),
        scratch_types=[
            pltpu.VMEM((V, H), jnp.float32),
            pltpu.VMEM((S, H), jnp.float32),
            pltpu.VMEM((H,), jnp.float32),
            pltpu.VMEM((H,), jnp.float32),
            pltpu.VMEM((BPW,), jnp.int32),
            pltpu.VMEM((BPW, H), jnp.float32),
            pltpu.VMEM((S + L,), jnp.int32),
            pltpu.VMEM((S + L,), jnp.int32),
            pltpu.VMEM((S, H), jnp.float32),
            pltpu.VMEM((S, H), jnp.float32),
            pltpu.SemaphoreType.DMA,
            pltpu.SemaphoreType.DMA,
            pltpu.SemaphoreType.DMA,
            pltpu.SemaphoreType.DMA,
            pltpu.SemaphoreType.DMA,
        ],
    )
    return sc(char_c, pos_c, tld_table, gamma, beta, ids, tid)

# --- scband reference (transcript-rebuilt; emitter-appended) ---
"""Pipeline reference for scband-domain-embeddings-10041633538729 (READ-ONLY COPY).

The authoritative reference and input builder live on the scoring server;
editing this copy changes nothing except your own understanding.
"""

import jax, jax.numpy as jnp
import numpy as np

B, S, H = 4096, 200, 128
V, P, T, TLD, TD = 128, 512, 2, 1000, 64
EPS = 1e-12

def setup_inputs(seed: int = 0) -> dict:
    key = jax.random.key(seed)
    ks = jax.random.split(key, 10)
    input_ids = jax.random.randint(ks[0], (B, S), 0, V)
    tld_ids = jax.random.randint(ks[1], (B,), 0, TLD)
    char_emb = (jax.random.normal(ks[2], (V, H), jnp.float32) * 0.02).at[0].set(0.0)  # padding_idx=0
    pos_emb = jax.random.normal(ks[3], (P, H), jnp.float32) * 0.02
    type_emb = jax.random.normal(ks[4], (T, H), jnp.float32) * 0.02
    tld_emb = jax.random.normal(ks[5], (TLD, TD), jnp.float32) * 0.02
    W_tld = jax.random.normal(ks[6], (TD, H), jnp.float32) * 0.02
    b_tld = jnp.zeros((H,), jnp.float32)
    gamma = jnp.ones((H,), jnp.float32)
    beta = jnp.zeros((H,), jnp.float32)
    return {"input_ids": input_ids, "tld_ids": tld_ids, "char_emb": char_emb,
            "pos_emb": pos_emb, "type_emb": type_emb, "tld_emb": tld_emb,
            "W_tld": W_tld, "b_tld": b_tld, "gamma": gamma, "beta": beta}

def reference(input_ids, tld_ids, char_emb, pos_emb, type_emb, tld_emb, W_tld, b_tld, gamma, beta):
    b, s = input_ids.shape
    inputs_embeds = jnp.take(char_emb, input_ids, axis=0)            # [B,S,H] gather
    position_embeddings = pos_emb[:s][None, :, :]                    # [1,S,H]
    token_type_ids = jnp.zeros_like(input_ids)
    token_type_embeddings = jnp.take(type_emb, token_type_ids, axis=0)
    embeddings = inputs_embeds + position_embeddings + token_type_embeddings
    tld_embeds = jnp.take(tld_emb, tld_ids, axis=0)                  # [B,TD] gather
    tld_embeds = tld_embeds @ W_tld + b_tld                          # [B,H]
    embeddings = embeddings + tld_embeds[:, None, :]
    mean = jnp.mean(embeddings, axis=-1, keepdims=True)
    var = jnp.mean(jnp.square(embeddings - mean), axis=-1, keepdims=True)
    out = (embeddings - mean) / jnp.sqrt(var + EPS) * gamma + beta
    # dropout is identity in eval mode
    return out

if __name__ == "__main__":
    import jax
    _d = setup_inputs()
    print(jax.jit(kernel)(*tuple(_d.values())))

</pallas_src>

<mosaic_0001>
#map = affine_map<(d0, d1) -> (0, 0)>
#map1 = affine_map<(d0, d1) -> (0)>
#map2 = affine_map<(d0, d1) -> (0, 0, 0)>
module attributes {stable_mosaic.version = 14 : i64} {
  func.func @_sc_body(%arg0: i32, %arg1: i32, %arg2: memref<128x128xf32, #tpu.memory_space<hbm>>, %arg3: memref<512x128xf32, #tpu.memory_space<hbm>>, %arg4: memref<1024x128xf32, #tpu.memory_space<hbm>>, %arg5: memref<128xf32, #tpu.memory_space<hbm>>, %arg6: memref<128xf32, #tpu.memory_space<hbm>>, %arg7: memref<819200xi32, #tpu.memory_space<hbm>>, %arg8: memref<4096xi32, #tpu.memory_space<hbm>>, %arg9: memref<4096x200x128xf32, #tpu.memory_space<hbm>>, %arg10: memref<128x128xf32, #tpu.memory_space<vmem>>, %arg11: memref<200x128xf32, #tpu.memory_space<vmem>>, %arg12: memref<128xf32, #tpu.memory_space<vmem>>, %arg13: memref<128xf32, #tpu.memory_space<vmem>>, %arg14: memref<128xi32, #tpu.memory_space<vmem>>, %arg15: memref<128x128xf32, #tpu.memory_space<vmem>>, %arg16: memref<216xi32, #tpu.memory_space<vmem>>, %arg17: memref<216xi32, #tpu.memory_space<vmem>>, %arg18: memref<200x128xf32, #tpu.memory_space<vmem>>, %arg19: memref<200x128xf32, #tpu.memory_space<vmem>>, %arg20: memref<!tpu.dma_semaphore, #tpu.memory_space<semaphore_mem>>, %arg21: memref<!tpu.dma_semaphore, #tpu.memory_space<semaphore_mem>>, %arg22: memref<!tpu.dma_semaphore, #tpu.memory_space<semaphore_mem>>, %arg23: memref<!tpu.dma_semaphore, #tpu.memory_space<semaphore_mem>>, %arg24: memref<!tpu.dma_semaphore, #tpu.memory_space<semaphore_mem>>) attributes {dimension_semantics = [#tpu.dimension_semantics<core_parallel>, #tpu.dimension_semantics<subcore_parallel>], iteration_bounds = array<i64: 2, 16>, scalar_prefetch = 0 : i64, scratch_operands = 15 : i64, tpu.core_type = #tpu.core_type<sc_vector_subcore>, window_params = [{transform_indices = #map}, {transform_indices = #map}, {transform_indices = #map}, {transform_indices = #map1}, {transform_indices = #map1}, {transform_indices = #map1}, {transform_indices = #map1}, {transform_indices = #map2}]} {
    %mul3A = arith.constant 2 : i32
    %mul3A_0 = arith.muli %arg1, %mul3A : i32
    %add3A = arith.addi %mul3A_0, %arg0 : i32
    %mul3A_1 = arith.constant 128 : i32
    %mul3A_2 = arith.muli %add3A, %mul3A_1 : i32
    "tpu.region"() ({
      %run_scoped3A = tpu.sem_alloc : memref<!tpu.dma_semaphore, #tpu.memory_space<semaphore_mem>>
      tpu.enqueue_dma source(%arg2 : memref<128x128xf32, #tpu.memory_space<hbm>>) target(%arg10 : memref<128x128xf32, #tpu.memory_space<vmem>>) target_semaphore(%run_scoped3A : memref<!tpu.dma_semaphore, #tpu.memory_space<semaphore_mem>>)
      tpu.wait_dma2 semaphore(%run_scoped3A : memref<!tpu.dma_semaphore, #tpu.memory_space<semaphore_mem>>) src(%arg2 : memref<128x128xf32, #tpu.memory_space<hbm>>) dst(%arg10 : memref<128x128xf32, #tpu.memory_space<vmem>>)
      tpu.yield
    }) : () -> ()
    "tpu.region"() ({
      %run_scoped3A = tpu.sem_alloc : memref<!tpu.dma_semaphore, #tpu.memory_space<semaphore_mem>>
      %dma_start3A_42 = arith.constant 0 : i32
      %dma_start3A_43 = arith.constant 0 : i32
      %dma_start3A_44 = tpu.memref_slice %arg3[%dma_start3A_42, %dma_start3A_43] : memref<512x128xf32, #tpu.memory_space<hbm>> -> memref<200x128xf32, #tpu.memory_space<hbm>>
      %dma_start3A_45 = arith.constant 0 : i32
      %dma_start3A_46 = arith.constant 0 : i32
      %dma_start3A_47 = tpu.memref_slice %arg3[%dma_start3A_45, %dma_start3A_46] : memref<512x128xf32, #tpu.memory_space<hbm>> -> memref<200x128xf32, #tpu.memory_space<hbm>>
      tpu.enqueue_dma source(%dma_start3A_47 : memref<200x128xf32, #tpu.memory_space<hbm>>) target(%arg11 : memref<200x128xf32, #tpu.memory_space<vmem>>) target_semaphore(%run_scoped3A : memref<!tpu.dma_semaphore, #tpu.memory_space<semaphore_mem>>)
      %dma_wait3A_48 = arith.constant 0 : i32
      %dma_wait3A_49 = arith.constant 0 : i32
      %dma_wait3A_50 = tpu.memref_slice %arg3[%dma_wait3A_48, %dma_wait3A_49] : memref<512x128xf32, #tpu.memory_space<hbm>> -> memref<200x128xf32, #tpu.memory_space<hbm>>
      %dma_wait3A_51 = arith.constant 0 : i32
      %dma_wait3A_52 = arith.constant 0 : i32
      %dma_wait3A_53 = tpu.memref_slice %arg3[%dma_wait3A_51, %dma_wait3A_52] : memref<512x128xf32, #tpu.memory_space<hbm>> -> memref<200x128xf32, #tpu.memory_space<hbm>>
      tpu.wait_dma2 semaphore(%run_scoped3A : memref<!tpu.dma_semaphore, #tpu.memory_space<semaphore_mem>>) src(%dma_wait3A_53 : memref<200x128xf32, #tpu.memory_space<hbm>>) dst(%arg11 : memref<200x128xf32, #tpu.memory_space<vmem>>)
      tpu.yield
    }) : () -> ()
    "tpu.region"() ({
      %run_scoped3A = tpu.sem_alloc : memref<!tpu.dma_semaphore, #tpu.memory_space<semaphore_mem>>
      tpu.enqueue_dma source(%arg5 : memref<128xf32, #tpu.memory_space<hbm>>) target(%arg12 : memref<128xf32, #tpu.memory_space<vmem>>) target_semaphore(%run_scoped3A : memref<!tpu.dma_semaphore, #tpu.memory_space<semaphore_mem>>)
      tpu.wait_dma2 semaphore(%run_scoped3A : memref<!tpu.dma_semaphore, #tpu.memory_space<semaphore_mem>>) src(%arg5 : memref<128xf32, #tpu.memory_space<hbm>>) dst(%arg12 : memref<128xf32, #tpu.memory_space<vmem>>)
      tpu.yield
    }) : () -> ()
    "tpu.region"() ({
      %run_scoped3A = tpu.sem_alloc : memref<!tpu.dma_semaphore, #tpu.memory_space<semaphore_mem>>
      tpu.enqueue_dma source(%arg6 : memref<128xf32, #tpu.memory_space<hbm>>) target(%arg13 : memref<128xf32, #tpu.memory_space<vmem>>) target_semaphore(%run_scoped3A : memref<!tpu.dma_semaphore, #tpu.memory_space<semaphore_mem>>)
      tpu.wait_dma2 semaphore(%run_scoped3A : memref<!tpu.dma_semaphore, #tpu.memory_space<semaphore_mem>>) src(%arg6 : memref<128xf32, #tpu.memory_space<hbm>>) dst(%arg13 : memref<128xf32, #tpu.memory_space<vmem>>)
      tpu.yield
    }) : () -> ()
    "tpu.region"() ({
      %run_scoped3A = tpu.sem_alloc : memref<!tpu.dma_semaphore, #tpu.memory_space<semaphore_mem>>
      %dma_start3A_42 = tpu.memref_slice %arg8[%mul3A_2] : memref<4096xi32, #tpu.memory_space<hbm>> -> memref<128xi32, #tpu.memory_space<hbm>>
      %dma_start3A_43 = tpu.memref_slice %arg8[%mul3A_2] : memref<4096xi32, #tpu.memory_space<hbm>> -> memref<128xi32, #tpu.memory_space<hbm>>
      tpu.enqueue_dma source(%dma_start3A_43 : memref<128xi32, #tpu.memory_space<hbm>>) target(%arg14 : memref<128xi32, #tpu.memory_space<vmem>>) target_semaphore(%run_scoped3A : memref<!tpu.dma_semaphore, #tpu.memory_space<semaphore_mem>>)
      %dma_wait3A_44 = tpu.memref_slice %arg8[%mul3A_2] : memref<4096xi32, #tpu.memory_space<hbm>> -> memref<128xi32, #tpu.memory_space<hbm>>
      %dma_wait3A_45 = tpu.memref_slice %arg8[%mul3A_2] : memref<4096xi32, #tpu.memory_space<hbm>> -> memref<128xi32, #tpu.memory_space<hbm>>
      tpu.wait_dma2 semaphore(%run_scoped3A : memref<!tpu.dma_semaphore, #tpu.memory_space<semaphore_mem>>) src(%dma_wait3A_45 : memref<128xi32, #tpu.memory_space<hbm>>) dst(%arg14 : memref<128xi32, #tpu.memory_space<vmem>>)
      tpu.yield
    }) : () -> ()
    %dma_start3A = arith.constant 0 : i32
    %dma_start3A_3 = arith.constant 0 : i32
    %dma_start3A_4 = tpu.memref_slice %arg4[%dma_start3A, %dma_start3A_3] : memref<1024x128xf32, #tpu.memory_space<hbm>> -> memref<1024x128xf32, #tpu.memory_space<hbm>>
    tpu.enqueue_indirect_dma source(%dma_start3A_4 : memref<1024x128xf32, #tpu.memory_space<hbm>>) target(%arg15 : memref<128x128xf32, #tpu.memory_space<vmem>>) offsets(%arg14 : memref<128xi32, #tpu.memory_space<vmem>>) semaphore(%arg20 : memref<!tpu.dma_semaphore, #tpu.memory_space<semaphore_mem>>)
    %dma_wait3A = arith.constant 0 : i32
    %dma_wait3A_5 = arith.constant 0 : i32
    %dma_wait3A_6 = tpu.memref_slice %arg4[%dma_wait3A, %dma_wait3A_5] : memref<1024x128xf32, #tpu.memory_space<hbm>> -> memref<1024x128xf32, #tpu.memory_space<hbm>>
    tpu.wait_indirect_dma semaphore(%arg20 : memref<!tpu.dma_semaphore, #tpu.memory_space<semaphore_mem>>) src(%dma_wait3A_6 : memref<1024x128xf32, #tpu.memory_space<hbm>>) dst(%arg15 : memref<128x128xf32, #tpu.memory_space<vmem>>)
    %add3A_7 = arith.constant 0 : i32
    %add3A_8 = arith.addi %mul3A_2, %add3A_7 : i32
    %mul3A_9 = arith.constant 200 : i32
    %mul3A_10 = arith.muli %add3A_8, %mul3A_9 : i32
    %dma_start3A_11 = arith.constant 0 : i32
    %dma_start3A_12 = tpu.memref_slice %arg16[%dma_start3A_11] : memref<216xi32, #tpu.memory_space<vmem>> -> memref<200xi32, #tpu.memory_space<vmem>>
    %dma_start3A_13 = tpu.memref_slice %arg7[%mul3A_10] : memref<819200xi32, #tpu.memory_space<hbm>> -> memref<200xi32, #tpu.memory_space<hbm>>
    %dma_start3A_14 = arith.constant 0 : i32
    %dma_start3A_15 = tpu.memref_slice %arg16[%dma_start3A_14] : memref<216xi32, #tpu.memory_space<vmem>> -> memref<200xi32, #tpu.memory_space<vmem>>
    %dma_start3A_16 = tpu.memref_slice %arg7[%mul3A_10] : memref<819200xi32, #tpu.memory_space<hbm>> -> memref<200xi32, #tpu.memory_space<hbm>>
    tpu.enqueue_dma source(%dma_start3A_16 : memref<200xi32, #tpu.memory_space<hbm>>) target(%dma_start3A_15 : memref<200xi32, #tpu.memory_space<vmem>>) target_semaphore(%arg21 : memref<!tpu.dma_semaphore, #tpu.memory_space<semaphore_mem>>)
    %scan3A = arith.constant 0 : i32
    %scan3A_17 = arith.constant 0 : i32
    %scan3A_18 = arith.constant 64 : i32
    %scan3A_19 = arith.addi %scan3A_17, %scan3A_18 : i32
    %scan3A_20 = arith.constant 1 : i32
    scf.for %scan3A_42 = %scan3A_17 to %scan3A_19 step %scan3A_20  : i32 {
      %mul3A_43 = arith.constant 2 : i32
      %mul3A_44 = arith.muli %mul3A_43, %scan3A_42 : i32
      %add3A_45 = arith.constant 1 : i32
      %add3A_46 = arith.addi %mul3A_44, %add3A_45 : i32
      %add3A_47 = arith.addi %mul3A_2, %add3A_46 : i32
      %mul3A_48 = arith.constant 200 : i32
      %mul3A_49 = arith.muli %add3A_47, %mul3A_48 : i32
      %dma_start3A_50 = arith.constant 0 : i32
      %dma_start3A_51 = tpu.memref_slice %arg17[%dma_start3A_50] : memref<216xi32, #tpu.memory_space<vmem>> -> memref<200xi32, #tpu.memory_space<vmem>>
      %dma_start3A_52 = tpu.memref_slice %arg7[%mul3A_49] : memref<819200xi32, #tpu.memory_space<hbm>> -> memref<200xi32, #tpu.memory_space<hbm>>
      %dma_start3A_53 = arith.constant 0 : i32
      %dma_start3A_54 = tpu.memref_slice %arg17[%dma_start3A_53] : memref<216xi32, #tpu.memory_space<vmem>> -> memref<200xi32, #tpu.memory_space<vmem>>
      %dma_start3A_55 = tpu.memref_slice %arg7[%mul3A_49] : memref<819200xi32, #tpu.memory_space<hbm>> -> memref<200xi32, #tpu.memory_space<hbm>>
      tpu.enqueue_dma source(%dma_start3A_55 : memref<200xi32, #tpu.memory_space<hbm>>) target(%dma_start3A_54 : memref<200xi32, #tpu.memory_space<vmem>>) target_semaphore(%arg22 : memref<!tpu.dma_semaphore, #tpu.memory_space<semaphore_mem>>)
      %add3A_56 = arith.addi %mul3A_2, %mul3A_44 : i32
      %mul3A_57 = arith.constant 200 : i32
      %mul3A_58 = arith.muli %add3A_56, %mul3A_57 : i32
      %dma_wait3A_59 = arith.constant 0 : i32
      %dma_wait3A_60 = tpu.memref_slice %arg16[%dma_wait3A_59] : memref<216xi32, #tpu.memory_space<vmem>> -> memref<200xi32, #tpu.memory_space<vmem>>
      %dma_wait3A_61 = tpu.memref_slice %arg7[%mul3A_58] : memref<819200xi32, #tpu.memory_space<hbm>> -> memref<200xi32, #tpu.memory_space<hbm>>
      %dma_wait3A_62 = arith.constant 0 : i32
      %dma_wait3A_63 = tpu.memref_slice %arg16[%dma_wait3A_62] : memref<216xi32, #tpu.memory_space<vmem>> -> memref<200xi32, #tpu.memory_space<vmem>>
      %dma_wait3A_64 = tpu.memref_slice %arg7[%mul3A_58] : memref<819200xi32, #tpu.memory_space<hbm>> -> memref<200xi32, #tpu.memory_space<hbm>>
      tpu.wait_dma2 semaphore(%arg21 : memref<!tpu.dma_semaphore, #tpu.memory_space<semaphore_mem>>) src(%dma_wait3A_64 : memref<200xi32, #tpu.memory_space<hbm>>) dst(%dma_wait3A_63 : memref<200xi32, #tpu.memory_space<vmem>>)
      %ge3A = arith.constant 1 : i32
      %ge3A_65 = arith.cmpi sge, %scan3A_42, %ge3A : i32
      %convert_element_type3A = arith.extui %ge3A_65 : i1 to i32
      %cond3A = arith.constant 0 : i32
      %cond3A_66 = arith.cmpi ne, %convert_element_type3A, %cond3A : i32
      scf.if %cond3A_66 {
        %add3A_177 = arith.addi %mul3A_2, %mul3A_44 : i32
        %dma_wait3A_178 = arith.constant 0 : i32
        %dma_wait3A_179 = arith.constant 0 : i32
        %dma_wait3A_180 = tpu.memref_slice %arg9[%add3A_177, %dma_wait3A_178, %dma_wait3A_179] : memref<4096x200x128xf32, #tpu.memory_space<hbm>> -> memref<1x200x128xf32, #tpu.memory_space<hbm>>
        %dma_wait3A_181 = tpu.memref_squeeze %dma_wait3A_180 : memref<1x200x128xf32, #tpu.memory_space<hbm>> -> memref<200x128xf32, #tpu.memory_space<hbm>>
        %dma_wait3A_182 = arith.constant 0 : i32
        %dma_wait3A_183 = arith.constant 0 : i32
        %dma_wait3A_184 = tpu.memref_slice %arg9[%add3A_177, %dma_wait3A_182, %dma_wait3A_183] : memref<4096x200x128xf32, #tpu.memory_space<hbm>> -> memref<1x200x128xf32, #tpu.memory_space<hbm>>
        %dma_wait3A_185 = tpu.memref_squeeze %dma_wait3A_184 : memref<1x200x128xf32, #tpu.memory_space<hbm>> -> memref<200x128xf32, #tpu.memory_space<hbm>>
        tpu.wait_dma2 semaphore(%arg23 : memref<!tpu.dma_semaphore, #tpu.memory_space<semaphore_mem>>) src(%arg18 : memref<200x128xf32, #tpu.memory_space<vmem>>) dst(%dma_wait3A_185 : memref<200x128xf32, #tpu.memory_space<hbm>>)
      } else {
      }
      %get3A = arith.index_cast %mul3A_44 : i32 to index
      %get3A_67 = arith.constant 0 : index
      %get3A_68 = tpu.vector_load %arg15[%get3A, %get3A_67] {strides = array<i32>} : memref<128x128xf32, #tpu.memory_space<vmem>>, vector<1x16xf32>,
      %get3A_69 = vector.shape_cast %get3A_68 : vector<1x16xf32> to vector<16xf32>
      %get3A_70 = arith.index_cast %mul3A_44 : i32 to index
      %get3A_71 = arith.constant 16 : index
      %get3A_72 = tpu.vector_load %arg15[%get3A_70, %get3A_71] {strides = array<i32>} : memref<128x128xf32, #tpu.memory_space<vmem>>, vector<1x16xf32>,
      %get3A_73 = vector.shape_cast %get3A_72 : vector<1x16xf32> to vector<16xf32>
      %get3A_74 = arith.index_cast %mul3A_44 : i32 to index
      %get3A_75 = arith.constant 32 : index
      %get3A_76 = tpu.vector_load %arg15[%get3A_74, %get3A_75] {strides = array<i32>} : memref<128x128xf32, #tpu.memory_space<vmem>>, vector<1x16xf32>,
      %get3A_77 = vector.shape_cast %get3A_76 : vector<1x16xf32> to vector<16xf32>
      %get3A_78 = arith.index_cast %mul3A_44 : i32 to index
      %get3A_79 = arith.constant 48 : index
      %get3A_80 = tpu.vector_load %arg15[%get3A_78, %get3A_79] {strides = array<i32>} : memref<128x128xf32, #tpu.memory_space<vmem>>, vector<1x16xf32>,
      %get3A_81 = vector.shape_cast %get3A_80 : vector<1x16xf32> to vector<16xf32>
      %get3A_82 = arith.index_cast %mul3A_44 : i32 to index
      %get3A_83 = arith.constant 64 : index
      %get3A_84 = tpu.vector_load %arg15[%get3A_82, %get3A_83] {strides = array<i32>} : memref<128x128xf32, #tpu.memory_space<vmem>>, vector<1x16xf32>,
      %get3A_85 = vector.shape_cast %get3A_84 : vector<1x16xf32> to vector<16xf32>
      %get3A_86 = arith.index_cast %mul3A_44 : i32 to index
      %get3A_87 = arith.constant 80 : index
      %get3A_88 = tpu.vector_load %arg15[%get3A_86, %get3A_87] {strides = array<i32>} : memref<128x128xf32, #tpu.memory_space<vmem>>, vector<1x16xf32>,
      %get3A_89 = vector.shape_cast %get3A_88 : vector<1x16xf32> to vector<16xf32>
      %get3A_90 = arith.index_cast %mul3A_44 : i32 to index
      %get3A_91 = arith.constant 96 : index
      %get3A_92 = tpu.vector_load %arg15[%get3A_90, %get3A_91] {strides = array<i32>} : memref<128x128xf32, #tpu.memory_space<vmem>>, vector<1x16xf32>,
      %get3A_93 = vector.shape_cast %get3A_92 : vector<1x16xf32> to vector<16xf32>
      %get3A_94 = arith.index_cast %mul3A_44 : i32 to index
      %get3A_95 = arith.constant 112 : index
      %get3A_96 = tpu.vector_load %arg15[%get3A_94, %get3A_95] {strides = array<i32>} : memref<128x128xf32, #tpu.memory_space<vmem>>, vector<1x16xf32>,
      %get3A_97 = vector.shape_cast %get3A_96 : vector<1x16xf32> to vector<16xf32>
      %parallel_loop3A = arith.constant 0 : i32
      %parallel_loop3A_98 = arith.constant 200 : i32
      %parallel_loop3A_99 = arith.constant 1 : i32
      scf.for %parallel_loop3A_177 = %parallel_loop3A to %parallel_loop3A_98 step %parallel_loop3A_99  : i32 {
        %parallel_loop3A_178 = arith.index_cast %parallel_loop3A_177 : i32 to index
        %parallel_loop3A_179 = tpu.vector_load %arg16[%parallel_loop3A_178] {strides = array<i32>} : memref<216xi32, #tpu.memory_space<vmem>>, vector<16xi32>,
        %parallel_loop3A_180 = vector.shape_cast %parallel_loop3A_179 : vector<16xi32> to vector<16xi32>
        %parallel_loop3A_181 = vector.extract_strided_slice %parallel_loop3A_180 {offsets = [0], sizes = [1], strides = [1]} : vector<16xi32> to vector<1xi32>
        %parallel_loop3A_182 = vector.extract %parallel_loop3A_181[0] : i32 from vector<1xi32>
        %parallel_loop3A_183 = arith.index_cast %parallel_loop3A_182 : i32 to index
        %parallel_loop3A_184 = arith.constant 0 : index
        %parallel_loop3A_185 = tpu.vector_load %arg10[%parallel_loop3A_183, %parallel_loop3A_184] {strides = array<i32>} : memref<128x128xf32, #tpu.memory_space<vmem>>, vector<1x16xf32>,
        %parallel_loop3A_186 = vector.shape_cast %parallel_loop3A_185 : vector<1x16xf32> to vector<16xf32>
        %parallel_loop3A_187 = arith.index_cast %parallel_loop3A_177 : i32 to index
        %parallel_loop3A_188 = arith.constant 0 : index
        %parallel_loop3A_189 = tpu.vector_load %arg11[%parallel_loop3A_187, %parallel_loop3A_188] {strides = array<i32>} : memref<200x128xf32, #tpu.memory_space<vmem>>, vector<1x16xf32>,
        %parallel_loop3A_190 = vector.shape_cast %parallel_loop3A_189 : vector<1x16xf32> to vector<16xf32>
        %parallel_loop3A_191 = arith.addf %parallel_loop3A_186, %parallel_loop3A_190 : vector<16xf32>
        %parallel_loop3A_192 = arith.addf %parallel_loop3A_191, %get3A_69 : vector<16xf32>
        %parallel_loop3A_193 = arith.mulf %parallel_loop3A_192, %parallel_loop3A_192 : vector<16xf32>
        %parallel_loop3A_194 = arith.index_cast %parallel_loop3A_182 : i32 to index
        %parallel_loop3A_195 = arith.constant 16 : index
        %parallel_loop3A_196 = tpu.vector_load %arg10[%parallel_loop3A_194, %parallel_loop3A_195] {strides = array<i32>} : memref<128x128xf32, #tpu.memory_space<vmem>>, vector<1x16xf32>,
        %parallel_loop3A_197 = vector.shape_cast %parallel_loop3A_196 : vector<1x16xf32> to vector<16xf32>
        %parallel_loop3A_198 = arith.index_cast %parallel_loop3A_177 : i32 to index
        %parallel_loop3A_199 = arith.constant 16 : index
        %parallel_loop3A_200 = tpu.vector_load %arg11[%parallel_loop3A_198, %parallel_loop3A_199] {strides = array<i32>} : memref<200x128xf32, #tpu.memory_space<vmem>>, vector<1x16xf32>,
        %parallel_loop3A_201 = vector.shape_cast %parallel_loop3A_200 : vector<1x16xf32> to vector<16xf32>
        %parallel_loop3A_202 = arith.addf %parallel_loop3A_197, %parallel_loop3A_201 : vector<16xf32>
        %parallel_loop3A_203 = arith.addf %parallel_loop3A_202, %get3A_73 : vector<16xf32>
        %parallel_loop3A_204 = arith.mulf %parallel_loop3A_203, %parallel_loop3A_203 : vector<16xf32>
        %parallel_loop3A_205 = arith.addf %parallel_loop3A_193, %parallel_loop3A_204 : vector<16xf32>
        %parallel_loop3A_206 = arith.index_cast %parallel_loop3A_182 : i32 to index
        %parallel_loop3A_207 = arith.constant 32 : index
        %parallel_loop3A_208 = tpu.vector_load %arg10[%parallel_loop3A_206, %parallel_loop3A_207] {strides = array<i32>} : memref<128x128xf32, #tpu.memory_space<vmem>>, vector<1x16xf32>,
        %parallel_loop3A_209 = vector.shape_cast %parallel_loop3A_208 : vector<1x16xf32> to vector<16xf32>
        %parallel_loop3A_210 = arith.index_cast %parallel_loop3A_177 : i32 to index
        %parallel_loop3A_211 = arith.constant 32 : index
        %parallel_loop3A_212 = tpu.vector_load %arg11[%parallel_loop3A_210, %parallel_loop3A_211] {strides = array<i32>} : memref<200x128xf32, #tpu.memory_space<vmem>>, vector<1x16xf32>,
        %parallel_loop3A_213 = vector.shape_cast %parallel_loop3A_212 : vector<1x16xf32> to vector<16xf32>
        %parallel_loop3A_214 = arith.addf %parallel_loop3A_209, %parallel_loop3A_213 : vector<16xf32>
        %parallel_loop3A_215 = arith.addf %parallel_loop3A_214, %get3A_77 : vector<16xf32>
        %parallel_loop3A_216 = arith.mulf %parallel_loop3A_215, %parallel_loop3A_215 : vector<16xf32>
        %parallel_loop3A_217 = arith.addf %parallel_loop3A_205, %parallel_loop3A_216 : vector<16xf32>
        %parallel_loop3A_218 = arith.index_cast %parallel_loop3A_182 : i32 to index
        %parallel_loop3A_219 = arith.constant 48 : index
        %parallel_loop3A_220 = tpu.vector_load %arg10[%parallel_loop3A_218, %parallel_loop3A_219] {strides = array<i32>} : memref<128x128xf32, #tpu.memory_space<vmem>>, vector<1x16xf32>,
        %parallel_loop3A_221 = vector.shape_cast %parallel_loop3A_220 : vector<1x16xf32> to vector<16xf32>
        %parallel_loop3A_222 = arith.index_cast %parallel_loop3A_177 : i32 to index
        %parallel_loop3A_223 = arith.constant 48 : index
        %parallel_loop3A_224 = tpu.vector_load %arg11[%parallel_loop3A_222, %parallel_loop3A_223] {strides = array<i32>} : memref<200x128xf32, #tpu.memory_space<vmem>>, vector<1x16xf32>,
        %parallel_loop3A_225 = vector.shape_cast %parallel_loop3A_224 : vector<1x16xf32> to vector<16xf32>
        %parallel_loop3A_226 = arith.addf %parallel_loop3A_221, %parallel_loop3A_225 : vector<16xf32>
        %parallel_loop3A_227 = arith.addf %parallel_loop3A_226, %get3A_81 : vector<16xf32>
        %parallel_loop3A_228 = arith.mulf %parallel_loop3A_227, %parallel_loop3A_227 : vector<16xf32>
        %parallel_loop3A_229 = arith.addf %parallel_loop3A_217, %parallel_loop3A_228 : vector<16xf32>
        %parallel_loop3A_230 = arith.index_cast %parallel_loop3A_182 : i32 to index
        %parallel_loop3A_231 = arith.constant 64 : index
        %parallel_loop3A_232 = tpu.vector_load %arg10[%parallel_loop3A_230, %parallel_loop3A_231] {strides = array<i32>} : memref<128x128xf32, #tpu.memory_space<vmem>>, vector<1x16xf32>,
        %parallel_loop3A_233 = vector.shape_cast %parallel_loop3A_232 : vector<1x16xf32> to vector<16xf32>
        %parallel_loop3A_234 = arith.index_cast %parallel_loop3A_177 : i32 to index
        %parallel_loop3A_235 = arith.constant 64 : index
        %parallel_loop3A_236 = tpu.vector_load %arg11[%parallel_loop3A_234, %parallel_loop3A_235] {strides = array<i32>} : memref<200x128xf32, #tpu.memory_space<vmem>>, vector<1x16xf32>,
        %parallel_loop3A_237 = vector.shape_cast %parallel_loop3A_236 : vector<1x16xf32> to vector<16xf32>
        %parallel_loop3A_238 = arith.addf %parallel_loop3A_233, %parallel_loop3A_237 : vector<16xf32>
        %parallel_loop3A_239 = arith.addf %parallel_loop3A_238, %get3A_85 : vector<16xf32>
        %parallel_loop3A_240 = arith.mulf %parallel_loop3A_239, %parallel_loop3A_239 : vector<16xf32>
        %parallel_loop3A_241 = arith.addf %parallel_loop3A_229, %parallel_loop3A_240 : vector<16xf32>
        %parallel_loop3A_242 = arith.index_cast %parallel_loop3A_182 : i32 to index
        %parallel_loop3A_243 = arith.constant 80 : index
        %parallel_loop3A_244 = tpu.vector_load %arg10[%parallel_loop3A_242, %parallel_loop3A_243] {strides = array<i32>} : memref<128x128xf32, #tpu.memory_space<vmem>>, vector<1x16xf32>,
        %parallel_loop3A_245 = vector.shape_cast %parallel_loop3A_244 : vector<1x16xf32> to vector<16xf32>
        %parallel_loop3A_246 = arith.index_cast %parallel_loop3A_177 : i32 to index
        %parallel_loop3A_247 = arith.constant 80 : index
        %parallel_loop3A_248 = tpu.vector_load %arg11[%parallel_loop3A_246, %parallel_loop3A_247] {strides = array<i32>} : memref<200x128xf32, #tpu.memory_space<vmem>>, vector<1x16xf32>,
        %parallel_loop3A_249 = vector.shape_cast %parallel_loop3A_248 : vector<1x16xf32> to vector<16xf32>
        %parallel_loop3A_250 = arith.addf %parallel_loop3A_245, %parallel_loop3A_249 : vector<16xf32>
        %parallel_loop3A_251 = arith.addf %parallel_loop3A_250, %get3A_89 : vector<16xf32>
        %parallel_loop3A_252 = arith.mulf %parallel_loop3A_251, %parallel_loop3A_251 : vector<16xf32>
        %parallel_loop3A_253 = arith.addf %parallel_loop3A_241, %parallel_loop3A_252 : vector<16xf32>
        %parallel_loop3A_254 = arith.index_cast %parallel_loop3A_182 : i32 to index
        %parallel_loop3A_255 = arith.constant 96 : index
        %parallel_loop3A_256 = tpu.vector_load %arg10[%parallel_loop3A_254, %parallel_loop3A_255] {strides = array<i32>} : memref<128x128xf32, #tpu.memory_space<vmem>>, vector<1x16xf32>,
        %parallel_loop3A_257 = vector.shape_cast %parallel_loop3A_256 : vector<1x16xf32> to vector<16xf32>
        %parallel_loop3A_258 = arith.index_cast %parallel_loop3A_177 : i32 to index
        %parallel_loop3A_259 = arith.constant 96 : index
        %parallel_loop3A_260 = tpu.vector_load %arg11[%parallel_loop3A_258, %parallel_loop3A_259] {strides = array<i32>} : memref<200x128xf32, #tpu.memory_space<vmem>>, vector<1x16xf32>,
        %parallel_loop3A_261 = vector.shape_cast %parallel_loop3A_260 : vector<1x16xf32> to vector<16xf32>
        %parallel_loop3A_262 = arith.addf %parallel_loop3A_257, %parallel_loop3A_261 : vector<16xf32>
        %parallel_loop3A_263 = arith.addf %parallel_loop3A_262, %get3A_93 : vector<16xf32>
        %parallel_loop3A_264 = arith.mulf %parallel_loop3A_263, %parallel_loop3A_263 : vector<16xf32>
        %parallel_loop3A_265 = arith.addf %parallel_loop3A_253, %parallel_loop3A_264 : vector<16xf32>
        %parallel_loop3A_266 = arith.index_cast %parallel_loop3A_182 : i32 to index
        %parallel_loop3A_267 = arith.constant 112 : index
        %parallel_loop3A_268 = tpu.vector_load %arg10[%parallel_loop3A_266, %parallel_loop3A_267] {strides = array<i32>} : memref<128x128xf32, #tpu.memory_space<vmem>>, vector<1x16xf32>,
        %parallel_loop3A_269 = vector.shape_cast %parallel_loop3A_268 : vector<1x16xf32> to vector<16xf32>
        %parallel_loop3A_270 = arith.index_cast %parallel_loop3A_177 : i32 to index
        %parallel_loop3A_271 = arith.constant 112 : index
        %parallel_loop3A_272 = tpu.vector_load %arg11[%parallel_loop3A_270, %parallel_loop3A_271] {strides = array<i32>} : memref<200x128xf32, #tpu.memory_space<vmem>>, vector<1x16xf32>,
        %parallel_loop3A_273 = vector.shape_cast %parallel_loop3A_272 : vector<1x16xf32> to vector<16xf32>
        %parallel_loop3A_274 = arith.addf %parallel_loop3A_269, %parallel_loop3A_273 : vector<16xf32>
        %parallel_loop3A_275 = arith.addf %parallel_loop3A_274, %get3A_97 : vector<16xf32>
        %parallel_loop3A_276 = arith.mulf %parallel_loop3A_275, %parallel_loop3A_275 : vector<16xf32>
        %parallel_loop3A_277 = arith.addf %parallel_loop3A_265, %parallel_loop3A_276 : vector<16xf32>
        %parallel_loop3A_278 = tpu.iota {dimensions = array<i32: 0>} : vector<16xi32>
        %parallel_loop3A_279 = arith.constant 1 : i32
        %parallel_loop3A_280 = vector.broadcast %parallel_loop3A_279 : i32 to vector<16xi32>
        %parallel_loop3A_281 = arith.xori %parallel_loop3A_278, %parallel_loop3A_280 : vector<16xi32>
        %parallel_loop3A_282 = arith.constant 0 : i32
        %parallel_loop3A_283 = vector.broadcast %parallel_loop3A_282 : i32 to vector<16xi32>
        %parallel_loop3A_284 = arith.cmpi slt, %parallel_loop3A_281, %parallel_loop3A_283 : vector<16xi32>
        %parallel_loop3A_285 = arith.constant 16 : i32
        %parallel_loop3A_286 = vector.broadcast %parallel_loop3A_285 : i32 to vector<16xi32>
        %parallel_loop3A_287 = arith.addi %parallel_loop3A_281, %parallel_loop3A_286 : vector<16xi32>
        %parallel_loop3A_288 = arith.select %parallel_loop3A_284, %parallel_loop3A_287, %parallel_loop3A_281 : vector<16xi1>, vector<16xi32>
        %parallel_loop3A_289 = vector.shape_cast %parallel_loop3A_288 : vector<16xi32> to vector<16x1xi32>
        %parallel_loop3A_290 = vector.shape_cast %parallel_loop3A_289 : vector<16x1xi32> to vector<16xi32>
        %parallel_loop3A_291 = tpu.dynamic_gather %parallel_loop3A_277[%parallel_loop3A_290] in [0] : vector<16xf32>, vector<16xi32> -> vector<16xf32>
        %parallel_loop3A_292 = arith.addf %parallel_loop3A_277, %parallel_loop3A_291 : vector<16xf32>
        %parallel_loop3A_293 = arith.constant 2 : i32
        %parallel_loop3A_294 = vector.broadcast %parallel_loop3A_293 : i32 to vector<16xi32>
        %parallel_loop3A_295 = arith.xori %parallel_loop3A_278, %parallel_loop3A_294 : vector<16xi32>
        %parallel_loop3A_296 = arith.constant 0 : i32
        %parallel_loop3A_297 = vector.broadcast %parallel_loop3A_296 : i32 to vector<16xi32>
        %parallel_loop3A_298 = arith.cmpi slt, %parallel_loop3A_295, %parallel_loop3A_297 : vector<16xi32>
        %parallel_loop3A_299 = arith.constant 16 : i32
        %parallel_loop3A_300 = vector.broadcast %parallel_loop3A_299 : i32 to vector<16xi32>
        %parallel_loop3A_301 = arith.addi %parallel_loop3A_295, %parallel_loop3A_300 : vector<16xi32>
        %parallel_loop3A_302 = arith.select %parallel_loop3A_298, %parallel_loop3A_301, %parallel_loop3A_295 : vector<16xi1>, vector<16xi32>
        %parallel_loop3A_303 = vector.shape_cast %parallel_loop3A_302 : vector<16xi32> to vector<16x1xi32>
        %parallel_loop3A_304 = vector.shape_cast %parallel_loop3A_303 : vector<16x1xi32> to vector<16xi32>
        %parallel_loop3A_305 = tpu.dynamic_gather %parallel_loop3A_292[%parallel_loop3A_304] in [0] : vector<16xf32>, vector<16xi32> -> vector<16xf32>
        %parallel_loop3A_306 = arith.addf %parallel_loop3A_292, %parallel_loop3A_305 : vector<16xf32>
        %parallel_loop3A_307 = arith.constant 4 : i32
        %parallel_loop3A_308 = vector.broadcast %parallel_loop3A_307 : i32 to vector<16xi32>
        %parallel_loop3A_309 = arith.xori %parallel_loop3A_278, %parallel_loop3A_308 : vector<16xi32>
        %parallel_loop3A_310 = arith.constant 0 : i32
        %parallel_loop3A_311 = vector.broadcast %parallel_loop3A_310 : i32 to vector<16xi32>
        %parallel_loop3A_312 = arith.cmpi slt, %parallel_loop3A_309, %parallel_loop3A_311 : vector<16xi32>
        %parallel_loop3A_313 = arith.constant 16 : i32
        %parallel_loop3A_314 = vector.broadcast %parallel_loop3A_313 : i32 to vector<16xi32>
        %parallel_loop3A_315 = arith.addi %parallel_loop3A_309, %parallel_loop3A_314 : vector<16xi32>
        %parallel_loop3A_316 = arith.select %parallel_loop3A_312, %parallel_loop3A_315, %parallel_loop3A_309 : vector<16xi1>, vector<16xi32>
        %parallel_loop3A_317 = vector.shape_cast %parallel_loop3A_316 : vector<16xi32> to vector<16x1xi32>
        %parallel_loop3A_318 = vector.shape_cast %parallel_loop3A_317 : vector<16x1xi32> to vector<16xi32>
        %parallel_loop3A_319 = tpu.dynamic_gather %parallel_loop3A_306[%parallel_loop3A_318] in [0] : vector<16xf32>, vector<16xi32> -> vector<16xf32>
        %parallel_loop3A_320 = arith.addf %parallel_loop3A_306, %parallel_loop3A_319 : vector<16xf32>
        %parallel_loop3A_321 = arith.constant 8 : i32
        %parallel_loop3A_322 = vector.broadcast %parallel_loop3A_321 : i32 to vector<16xi32>
        %parallel_loop3A_323 = arith.xori %parallel_loop3A_278, %parallel_loop3A_322 : vector<16xi32>
        %parallel_loop3A_324 = arith.constant 0 : i32
        %parallel_loop3A_325 = vector.broadcast %parallel_loop3A_324 : i32 to vector<16xi32>
        %parallel_loop3A_326 = arith.cmpi slt, %parallel_loop3A_323, %parallel_loop3A_325 : vector<16xi32>
        %parallel_loop3A_327 = arith.constant 16 : i32
        %parallel_loop3A_328 = vector.broadcast %parallel_loop3A_327 : i32 to vector<16xi32>
        %parallel_loop3A_329 = arith.addi %parallel_loop3A_323, %parallel_loop3A_328 : vector<16xi32>
        %parallel_loop3A_330 = arith.select %parallel_loop3A_326, %parallel_loop3A_329, %parallel_loop3A_323 : vector<16xi1>, vector<16xi32>
        %parallel_loop3A_331 = vector.shape_cast %parallel_loop3A_330 : vector<16xi32> to vector<16x1xi32>
        %parallel_loop3A_332 = vector.shape_cast %parallel_loop3A_331 : vector<16x1xi32> to vector<16xi32>
        %parallel_loop3A_333 = tpu.dynamic_gather %parallel_loop3A_320[%parallel_loop3A_332] in [0] : vector<16xf32>, vector<16xi32> -> vector<16xf32>
        %parallel_loop3A_334 = arith.addf %parallel_loop3A_320, %parallel_loop3A_333 : vector<16xf32>
        %parallel_loop3A_335 = arith.constant 7.812500e-03 : f32
        %parallel_loop3A_336 = vector.broadcast %parallel_loop3A_335 : f32 to vector<16xf32>
        %parallel_loop3A_337 = arith.mulf %parallel_loop3A_334, %parallel_loop3A_336 : vector<16xf32>
        %parallel_loop3A_338 = arith.constant 9.99999996E-13 : f32
        %parallel_loop3A_339 = vector.broadcast %parallel_loop3A_338 : f32 to vector<16xf32>
        %parallel_loop3A_340 = arith.addf %parallel_loop3A_337, %parallel_loop3A_339 : vector<16xf32>
        %parallel_loop3A_341 = tpu.bitcast %parallel_loop3A_340 : vector<16xf32> -> vector<16xi32>
        %parallel_loop3A_342 = arith.constant 1 : i32
        %parallel_loop3A_343 = vector.broadcast %parallel_loop3A_342 : i32 to vector<16xi32>
        %parallel_loop3A_344 = arith.shrui %parallel_loop3A_341, %parallel_loop3A_343 : vector<16xi32>
        %parallel_loop3A_345 = arith.constant 1597463007 : i32
        %parallel_loop3A_346 = vector.broadcast %parallel_loop3A_345 : i32 to vector<16xi32>
        %parallel_loop3A_347 = arith.subi %parallel_loop3A_346, %parallel_loop3A_344 : vector<16xi32>
        %parallel_loop3A_348 = tpu.bitcast %parallel_loop3A_347 : vector<16xi32> -> vector<16xf32>
        %parallel_loop3A_349 = arith.constant 5.000000e-01 : f32
        %parallel_loop3A_350 = vector.broadcast %parallel_loop3A_349 : f32 to vector<16xf32>
        %parallel_loop3A_351 = arith.mulf %parallel_loop3A_350, %parallel_loop3A_340 : vector<16xf32>
        %parallel_loop3A_352 = arith.mulf %parallel_loop3A_351, %parallel_loop3A_348 : vector<16xf32>
        %parallel_loop3A_353 = arith.mulf %parallel_loop3A_352, %parallel_loop3A_348 : vector<16xf32>
        %parallel_loop3A_354 = arith.constant 1.500000e+00 : f32
        %parallel_loop3A_355 = vector.broadcast %parallel_loop3A_354 : f32 to vector<16xf32>
        %parallel_loop3A_356 = arith.subf %parallel_loop3A_355, %parallel_loop3A_353 : vector<16xf32>
        %parallel_loop3A_357 = arith.mulf %parallel_loop3A_348, %parallel_loop3A_356 : vector<16xf32>
        %parallel_loop3A_358 = arith.constant 5.000000e-01 : f32
        %parallel_loop3A_359 = vector.broadcast %parallel_loop3A_358 : f32 to vector<16xf32>
        %parallel_loop3A_360 = arith.mulf %parallel_loop3A_359, %parallel_loop3A_340 : vector<16xf32>
        %parallel_loop3A_361 = arith.mulf %parallel_loop3A_360, %parallel_loop3A_357 : vector<16xf32>
        %parallel_loop3A_362 = arith.mulf %parallel_loop3A_361, %parallel_loop3A_357 : vector<16xf32>
        %parallel_loop3A_363 = arith.constant 1.500000e+00 : f32
        %parallel_loop3A_364 = vector.broadcast %parallel_loop3A_363 : f32 to vector<16xf32>
        %parallel_loop3A_365 = arith.subf %parallel_loop3A_364, %parallel_loop3A_362 : vector<16xf32>
        %parallel_loop3A_366 = arith.mulf %parallel_loop3A_357, %parallel_loop3A_365 : vector<16xf32>
        %parallel_loop3A_367 = arith.mulf %parallel_loop3A_192, %parallel_loop3A_366 : vector<16xf32>
        %parallel_loop3A_368 = arith.constant 0 : index
        %parallel_loop3A_369 = tpu.vector_load %arg12[%parallel_loop3A_368] {strides = array<i32>} : memref<128xf32, #tpu.memory_space<vmem>>, vector<16xf32>,
        %parallel_loop3A_370 = vector.shape_cast %parallel_loop3A_369 : vector<16xf32> to vector<16xf32>
        %parallel_loop3A_371 = arith.mulf %parallel_loop3A_367, %parallel_loop3A_370 : vector<16xf32>
        %parallel_loop3A_372 = arith.constant 0 : index
        %parallel_loop3A_373 = tpu.vector_load %arg13[%parallel_loop3A_372] {strides = array<i32>} : memref<128xf32, #tpu.memory_space<vmem>>, vector<16xf32>,
        %parallel_loop3A_374 = vector.shape_cast %parallel_loop3A_373 : vector<16xf32> to vector<16xf32>
        %parallel_loop3A_375 = arith.addf %parallel_loop3A_371, %parallel_loop3A_374 : vector<16xf32>
        %parallel_loop3A_376 = arith.index_cast %parallel_loop3A_177 : i32 to index
        %parallel_loop3A_377 = arith.constant 0 : index
        %parallel_loop3A_378 = tpu.vector_load %arg18[%parallel_loop3A_376, %parallel_loop3A_377] {strides = array<i32>} : memref<200x128xf32, #tpu.memory_space<vmem>>, vector<1x16xf32>,
        %parallel_loop3A_379 = vector.shape_cast %parallel_loop3A_378 : vector<1x16xf32> to vector<16xf32>
        %parallel_loop3A_380 = vector.shape_cast %parallel_loop3A_375 : vector<16xf32> to vector<1x16xf32>
        tpu.vector_store %arg18[%parallel_loop3A_376, %parallel_loop3A_377], %parallel_loop3A_380 {strides = array<i32>} : memref<200x128xf32, #tpu.memory_space<vmem>>, vector<1x16xf32>,
        %parallel_loop3A_381 = arith.mulf %parallel_loop3A_203, %parallel_loop3A_366 : vector<16xf32>
        %parallel_loop3A_382 = arith.constant 16 : index
        %parallel_loop3A_383 = tpu.vector_load %arg12[%parallel_loop3A_382] {strides = array<i32>} : memref<128xf32, #tpu.memory_space<vmem>>, vector<16xf32>,
        %parallel_loop3A_384 = vector.shape_cast %parallel_loop3A_383 : vector<16xf32> to vector<16xf32>
        %parallel_loop3A_385 = arith.mulf %parallel_loop3A_381, %parallel_loop3A_384 : vector<16xf32>
        %parallel_loop3A_386 = arith.constant 16 : index
        %parallel_loop3A_387 = tpu.vector_load %arg13[%parallel_loop3A_386] {strides = array<i32>} : memref<128xf32, #tpu.memory_space<vmem>>, vector<16xf32>,
        %parallel_loop3A_388 = vector.shape_cast %parallel_loop3A_387 : vector<16xf32> to vector<16xf32>
        %parallel_loop3A_389 = arith.addf %parallel_loop3A_385, %parallel_loop3A_388 : vector<16xf32>
        %parallel_loop3A_390 = arith.index_cast %parallel_loop3A_177 : i32 to index
        %parallel_loop3A_391 = arith.constant 16 : index
        %parallel_loop3A_392 = tpu.vector_load %arg18[%parallel_loop3A_390, %parallel_loop3A_391] {strides = array<i32>} : memref<200x128xf32, #tpu.memory_space<vmem>>, vector<1x16xf32>,
        %parallel_loop3A_393 = vector.shape_cast %parallel_loop3A_392 : vector<1x16xf32> to vector<16xf32>
        %parallel_loop3A_394 = vector.shape_cast %parallel_loop3A_389 : vector<16xf32> to vector<1x16xf32>
        tpu.vector_store %arg18[%parallel_loop3A_390, %parallel_loop3A_391], %parallel_loop3A_394 {strides = array<i32>} : memref<200x128xf32, #tpu.memory_space<vmem>>, vector<1x16xf32>,
        %parallel_loop3A_395 = arith.mulf %parallel_loop3A_215, %parallel_loop3A_366 : vector<16xf32>
        %parallel_loop3A_396 = arith.constant 32 : index
        %parallel_loop3A_397 = tpu.vector_load %arg12[%parallel_loop3A_396] {strides = array<i32>} : memref<128xf32, #tpu.memory_space<vmem>>, vector<16xf32>,
        %parallel_loop3A_398 = vector.shape_cast %parallel_loop3A_397 : vector<16xf32> to vector<16xf32>
        %parallel_loop3A_399 = arith.mulf %parallel_loop3A_395, %parallel_loop3A_398 : vector<16xf32>
        %parallel_loop3A_400 = arith.constant 32 : index
        %parallel_loop3A_401 = tpu.vector_load %arg13[%parallel_loop3A_400] {strides = array<i32>} : memref<128xf32, #tpu.memory_space<vmem>>, vector<16xf32>,
        %parallel_loop3A_402 = vector.shape_cast %parallel_loop3A_401 : vector<16xf32> to vector<16xf32>
        %parallel_loop3A_403 = arith.addf %parallel_loop3A_399, %parallel_loop3A_402 : vector<16xf32>
        %parallel_loop3A_404 = arith.index_cast %parallel_loop3A_177 : i32 to index
        %parallel_loop3A_405 = arith.constant 32 : index
        %parallel_loop3A_406 = tpu.vector_load %arg18[%parallel_loop3A_404, %parallel_loop3A_405] {strides = array<i32>} : memref<200x128xf32, #tpu.memory_space<vmem>>, vector<1x16xf32>,
        %parallel_loop3A_407 = vector.shape_cast %parallel_loop3A_406 : vector<1x16xf32> to vector<16xf32>
        %parallel_loop3A_408 = vector.shape_cast %parallel_loop3A_403 : vector<16xf32> to vector<1x16xf32>
        tpu.vector_store %arg18[%parallel_loop3A_404, %parallel_loop3A_405], %parallel_loop3A_408 {strides = array<i32>} : memref<200x128xf32, #tpu.memory_space<vmem>>, vector<1x16xf32>,
        %parallel_loop3A_409 = arith.mulf %parallel_loop3A_227, %parallel_loop3A_366 : vector<16xf32>
        %parallel_loop3A_410 = arith.constant 48 : index
        %parallel_loop3A_411 = tpu.vector_load %arg12[%parallel_loop3A_410] {strides = array<i32>} : memref<128xf32, #tpu.memory_space<vmem>>, vector<16xf32>,
        %parallel_loop3A_412 = vector.shape_cast %parallel_loop3A_411 : vector<16xf32> to vector<16xf32>
        %parallel_loop3A_413 = arith.mulf %parallel_loop3A_409, %parallel_loop3A_412 : vector<16xf32>
        %parallel_loop3A_414 = arith.constant 48 : index
        %parallel_loop3A_415 = tpu.vector_load %arg13[%parallel_loop3A_414] {strides = array<i32>} : memref<128xf32, #tpu.memory_space<vmem>>, vector<16xf32>,
        %parallel_loop3A_416 = vector.shape_cast %parallel_loop3A_415 : vector<16xf32> to vector<16xf32>
        %parallel_loop3A_417 = arith.addf %parallel_loop3A_413, %parallel_loop3A_416 : vector<16xf32>
        %parallel_loop3A_418 = arith.index_cast %parallel_loop3A_177 : i32 to index
        %parallel_loop3A_419 = arith.constant 48 : index
        %parallel_loop3A_420 = tpu.vector_load %arg18[%parallel_loop3A_418, %parallel_loop3A_419] {strides = array<i32>} : memref<200x128xf32, #tpu.memory_space<vmem>>, vector<1x16xf32>,
        %parallel_loop3A_421 = vector.shape_cast %parallel_loop3A_420 : vector<1x16xf32> to vector<16xf32>
        %parallel_loop3A_422 = vector.shape_cast %parallel_loop3A_417 : vector<16xf32> to vector<1x16xf32>
        tpu.vector_store %arg18[%parallel_loop3A_418, %parallel_loop3A_419], %parallel_loop3A_422 {strides = array<i32>} : memref<200x128xf32, #tpu.memory_space<vmem>>, vector<1x16xf32>,
        %parallel_loop3A_423 = arith.mulf %parallel_loop3A_239, %parallel_loop3A_366 : vector<16xf32>
        %parallel_loop3A_424 = arith.constant 64 : index
        %parallel_loop3A_425 = tpu.vector_load %arg12[%parallel_loop3A_424] {strides = array<i32>} : memref<128xf32, #tpu.memory_space<vmem>>, vector<16xf32>,
        %parallel_loop3A_426 = vector.shape_cast %parallel_loop3A_425 : vector<16xf32> to vector<16xf32>
        %parallel_loop3A_427 = arith.mulf %parallel_loop3A_423, %parallel_loop3A_426 : vector<16xf32>
        %parallel_loop3A_428 = arith.constant 64 : index
        %parallel_loop3A_429 = tpu.vector_load %arg13[%parallel_loop3A_428] {strides = array<i32>} : memref<128xf32, #tpu.memory_space<vmem>>, vector<16xf32>,
        %parallel_loop3A_430 = vector.shape_cast %parallel_loop3A_429 : vector<16xf32> to vector<16xf32>
        %parallel_loop3A_431 = arith.addf %parallel_loop3A_427, %parallel_loop3A_430 : vector<16xf32>
        %parallel_loop3A_432 = arith.index_cast %parallel_loop3A_177 : i32 to index
        %parallel_loop3A_433 = arith.constant 64 : index
        %parallel_loop3A_434 = tpu.vector_load %arg18[%parallel_loop3A_432, %parallel_loop3A_433] {strides = array<i32>} : memref<200x128xf32, #tpu.memory_space<vmem>>, vector<1x16xf32>,
        %parallel_loop3A_435 = vector.shape_cast %parallel_loop3A_434 : vector<1x16xf32> to vector<16xf32>
        %parallel_loop3A_436 = vector.shape_cast %parallel_loop3A_431 : vector<16xf32> to vector<1x16xf32>
        tpu.vector_store %arg18[%parallel_loop3A_432, %parallel_loop3A_433], %parallel_loop3A_436 {strides = array<i32>} : memref<200x128xf32, #tpu.memory_space<vmem>>, vector<1x16xf32>,
        %parallel_loop3A_437 = arith.mulf %parallel_loop3A_251, %parallel_loop3A_366 : vector<16xf32>
        %parallel_loop3A_438 = arith.constant 80 : index
        %parallel_loop3A_439 = tpu.vector_load %arg12[%parallel_loop3A_438] {strides = array<i32>} : memref<128xf32, #tpu.memory_space<vmem>>, vector<16xf32>,
        %parallel_loop3A_440 = vector.shape_cast %parallel_loop3A_439 : vector<16xf32> to vector<16xf32>
        %parallel_loop3A_441 = arith.mulf %parallel_loop3A_437, %parallel_loop3A_440 : vector<16xf32>
        %parallel_loop3A_442 = arith.constant 80 : index
        %parallel_loop3A_443 = tpu.vector_load %arg13[%parallel_loop3A_442] {strides = array<i32>} : memref<128xf32, #tpu.memory_space<vmem>>, vector<16xf32>,
        %parallel_loop3A_444 = vector.shape_cast %parallel_loop3A_443 : vector<16xf32> to vector<16xf32>
        %parallel_loop3A_445 = arith.addf %parallel_loop3A_441, %parallel_loop3A_444 : vector<16xf32>
        %parallel_loop3A_446 = arith.index_cast %parallel_loop3A_177 : i32 to index
        %parallel_loop3A_447 = arith.constant 80 : index
        %parallel_loop3A_448 = tpu.vector_load %arg18[%parallel_loop3A_446, %parallel_loop3A_447] {strides = array<i32>} : memref<200x128xf32, #tpu.memory_space<vmem>>, vector<1x16xf32>,
        %parallel_loop3A_449 = vector.shape_cast %parallel_loop3A_448 : vector<1x16xf32> to vector<16xf32>
        %parallel_loop3A_450 = vector.shape_cast %parallel_loop3A_445 : vector<16xf32> to vector<1x16xf32>
        tpu.vector_store %arg18[%parallel_loop3A_446, %parallel_loop3A_447], %parallel_loop3A_450 {strides = array<i32>} : memref<200x128xf32, #tpu.memory_space<vmem>>, vector<1x16xf32>,
        %parallel_loop3A_451 = arith.mulf %parallel_loop3A_263, %parallel_loop3A_366 : vector<16xf32>
        %parallel_loop3A_452 = arith.constant 96 : index
        %parallel_loop3A_453 = tpu.vector_load %arg12[%parallel_loop3A_452] {strides = array<i32>} : memref<128xf32, #tpu.memory_space<vmem>>, vector<16xf32>,
        %parallel_loop3A_454 = vector.shape_cast %parallel_loop3A_453 : vector<16xf32> to vector<16xf32>
        %parallel_loop3A_455 = arith.mulf %parallel_loop3A_451, %parallel_loop3A_454 : vector<16xf32>
        %parallel_loop3A_456 = arith.constant 96 : index
        %parallel_loop3A_457 = tpu.vector_load %arg13[%parallel_loop3A_456] {strides = array<i32>} : memref<128xf32, #tpu.memory_space<vmem>>, vector<16xf32>,
        %parallel_loop3A_458 = vector.shape_cast %parallel_loop3A_457 : vector<16xf32> to vector<16xf32>
        %parallel_loop3A_459 = arith.addf %parallel_loop3A_455, %parallel_loop3A_458 : vector<16xf32>
        %parallel_loop3A_460 = arith.index_cast %parallel_loop3A_177 : i32 to index
        %parallel_loop3A_461 = arith.constant 96 : index
        %parallel_loop3A_462 = tpu.vector_load %arg18[%parallel_loop3A_460, %parallel_loop3A_461] {strides = array<i32>} : memref<200x128xf32, #tpu.memory_space<vmem>>, vector<1x16xf32>,
        %parallel_loop3A_463 = vector.shape_cast %parallel_loop3A_462 : vector<1x16xf32> to vector<16xf32>
        %parallel_loop3A_464 = vector.shape_cast %parallel_loop3A_459 : vector<16xf32> to vector<1x16xf32>
        tpu.vector_store %arg18[%parallel_loop3A_460, %parallel_loop3A_461], %parallel_loop3A_464 {strides = array<i32>} : memref<200x128xf32, #tpu.memory_space<vmem>>, vector<1x16xf32>,
        %parallel_loop3A_465 = arith.mulf %parallel_loop3A_275, %parallel_loop3A_366 : vector<16xf32>
        %parallel_loop3A_466 = arith.constant 112 : index
        %parallel_loop3A_467 = tpu.vector_load %arg12[%parallel_loop3A_466] {strides = array<i32>} : memref<128xf32, #tpu.memory_space<vmem>>, vector<16xf32>,
        %parallel_loop3A_468 = vector.shape_cast %parallel_loop3A_467 : vector<16xf32> to vector<16xf32>
        %parallel_loop3A_469 = arith.mulf %parallel_loop3A_465, %parallel_loop3A_468 : vector<16xf32>
        %parallel_loop3A_470 = arith.constant 112 : index
        %parallel_loop3A_471 = tpu.vector_load %arg13[%parallel_loop3A_470] {strides = array<i32>} : memref<128xf32, #tpu.memory_space<vmem>>, vector<16xf32>,
        %parallel_loop3A_472 = vector.shape_cast %parallel_loop3A_471 : vector<16xf32> to vector<16xf32>
        %parallel_loop3A_473 = arith.addf %parallel_loop3A_469, %parallel_loop3A_472 : vector<16xf32>
        %parallel_loop3A_474 = arith.index_cast %parallel_loop3A_177 : i32 to index
        %parallel_loop3A_475 = arith.constant 112 : index
        %parallel_loop3A_476 = tpu.vector_load %arg18[%parallel_loop3A_474, %parallel_loop3A_475] {strides = array<i32>} : memref<200x128xf32, #tpu.memory_space<vmem>>, vector<1x16xf32>,
        %parallel_loop3A_477 = vector.shape_cast %parallel_loop3A_476 : vector<1x16xf32> to vector<16xf32>
        %parallel_loop3A_478 = vector.shape_cast %parallel_loop3A_473 : vector<16xf32> to vector<1x16xf32>
        tpu.vector_store %arg18[%parallel_loop3A_474, %parallel_loop3A_475], %parallel_loop3A_478 {strides = array<i32>} : memref<200x128xf32, #tpu.memory_space<vmem>>, vector<1x16xf32>,
      } {sc.loop_unroll_factor = 4 : i64, sc.parallel_access}
      %add3A_100 = arith.addi %mul3A_2, %mul3A_44 : i32
      %dma_start3A_101 = arith.constant 0 : i32
      %dma_start3A_102 = arith.constant 0 : i32
      %dma_start3A_103 = tpu.memref_slice %arg9[%add3A_100, %dma_start3A_101, %dma_start3A_102] : memref<4096x200x128xf32, #tpu.memory_space<hbm>> -> memref<1x200x128xf32, #tpu.memory_space<hbm>>
      %dma_start3A_104 = tpu.memref_squeeze %dma_start3A_103 : memref<1x200x128xf32, #tpu.memory_space<hbm>> -> memref<200x128xf32, #tpu.memory_space<hbm>>
      %dma_start3A_105 = arith.constant 0 : i32
      %dma_start3A_106 = arith.constant 0 : i32
      %dma_start3A_107 = tpu.memref_slice %arg9[%add3A_100, %dma_start3A_105, %dma_start3A_106] : memref<4096x200x128xf32, #tpu.memory_space<hbm>> -> memref<1x200x128xf32, #tpu.memory_space<hbm>>
      %dma_start3A_108 = tpu.memref_squeeze %dma_start3A_107 : memref<1x200x128xf32, #tpu.memory_space<hbm>> -> memref<200x128xf32, #tpu.memory_space<hbm>>
      tpu.enqueue_dma source(%arg18 : memref<200x128xf32, #tpu.memory_space<vmem>>) target(%dma_start3A_108 : memref<200x128xf32, #tpu.memory_space<hbm>>) target_semaphore(%arg23 : memref<!tpu.dma_semaphore, #tpu.memory_space<semaphore_mem>>)
      %lt3A = arith.constant 63 : i32
      %lt3A_109 = arith.cmpi slt, %scan3A_42, %lt3A : i32
      %convert_element_type3A_110 = arith.extui %lt3A_109 : i1 to i32
      %cond3A_111 = arith.constant 0 : i32
      %cond3A_112 = arith.cmpi ne, %convert_element_type3A_110, %cond3A_111 : i32
      scf.if %cond3A_112 {
        %add3A_177 = arith.constant 2 : i32
        %add3A_178 = arith.addi %mul3A_44, %add3A_177 : i32
        %add3A_179 = arith.addi %mul3A_2, %add3A_178 : i32
        %mul3A_180 = arith.constant 200 : i32
        %mul3A_181 = arith.muli %add3A_179, %mul3A_180 : i32
        %dma_start3A_182 = arith.constant 0 : i32
        %dma_start3A_183 = tpu.memref_slice %arg16[%dma_start3A_182] : memref<216xi32, #tpu.memory_space<vmem>> -> memref<200xi32, #tpu.memory_space<vmem>>
        %dma_start3A_184 = tpu.memref_slice %arg7[%mul3A_181] : memref<819200xi32, #tpu.memory_space<hbm>> -> memref<200xi32, #tpu.memory_space<hbm>>
        %dma_start3A_185 = arith.constant 0 : i32
        %dma_start3A_186 = tpu.memref_slice %arg16[%dma_start3A_185] : memref<216xi32, #tpu.memory_space<vmem>> -> memref<200xi32, #tpu.memory_space<vmem>>
        %dma_start3A_187 = tpu.memref_slice %arg7[%mul3A_181] : memref<819200xi32, #tpu.memory_space<hbm>> -> memref<200xi32, #tpu.memory_space<hbm>>
        tpu.enqueue_dma source(%dma_start3A_187 : memref<200xi32, #tpu.memory_space<hbm>>) target(%dma_start3A_186 : memref<200xi32, #tpu.memory_space<vmem>>) target_semaphore(%arg21 : memref<!tpu.dma_semaphore, #tpu.memory_space<semaphore_mem>>)
      } else {
      }
      %add3A_113 = arith.constant 1 : i32
      %add3A_114 = arith.addi %mul3A_44, %add3A_113 : i32
      %add3A_115 = arith.addi %mul3A_2, %add3A_114 : i32
      %mul3A_116 = arith.constant 200 : i32
      %mul3A_117 = arith.muli %add3A_115, %mul3A_116 : i32
      %dma_wait3A_118 = arith.constant 0 : i32
      %dma_wait3A_119 = tpu.memref_slice %arg17[%dma_wait3A_118] : memref<216xi32, #tpu.memory_space<vmem>> -> memref<200xi32, #tpu.memory_space<vmem>>
      %dma_wait3A_120 = tpu.memref_slice %arg7[%mul3A_117] : memref<819200xi32, #tpu.memory_space<hbm>> -> memref<200xi32, #tpu.memory_space<hbm>>
      %dma_wait3A_121 = arith.constant 0 : i32
      %dma_wait3A_122 = tpu.memref_slice %arg17[%dma_wait3A_121] : memref<216xi32, #tpu.memory_space<vmem>> -> memref<200xi32, #tpu.memory_space<vmem>>
      %dma_wait3A_123 = tpu.memref_slice %arg7[%mul3A_117] : memref<819200xi32, #tpu.memory_space<hbm>> -> memref<200xi32, #tpu.memory_space<hbm>>
      tpu.wait_dma2 semaphore(%arg22 : memref<!tpu.dma_semaphore, #tpu.memory_space<semaphore_mem>>) src(%dma_wait3A_123 : memref<200xi32, #tpu.memory_space<hbm>>) dst(%dma_wait3A_122 : memref<200xi32, #tpu.memory_space<vmem>>)
      %ge3A_124 = arith.constant 1 : i32
      %ge3A_125 = arith.cmpi sge, %scan3A_42, %ge3A_124 : i32
      %convert_element_type3A_126 = arith.extui %ge3A_125 : i1 to i32
      %cond3A_127 = arith.constant 0 : i32
      %cond3A_128 = arith.cmpi ne, %convert_element_type3A_126, %cond3A_127 : i32
      scf.if %cond3A_128 {
        %add3A_177 = arith.constant 1 : i32
        %add3A_178 = arith.addi %mul3A_44, %add3A_177 : i32
        %add3A_179 = arith.addi %mul3A_2, %add3A_178 : i32
        %dma_wait3A_180 = arith.constant 0 : i32
        %dma_wait3A_181 = arith.constant 0 : i32
        %dma_wait3A_182 = tpu.memref_slice %arg9[%add3A_179, %dma_wait3A_180, %dma_wait3A_181] : memref<4096x200x128xf32, #tpu.memory_space<hbm>> -> memref<1x200x128xf32, #tpu.memory_space<hbm>>
        %dma_wait3A_183 = tpu.memref_squeeze %dma_wait3A_182 : memref<1x200x128xf32, #tpu.memory_space<hbm>> -> memref<200x128xf32, #tpu.memory_space<hbm>>
        %dma_wait3A_184 = arith.constant 0 : i32
        %dma_wait3A_185 = arith.constant 0 : i32
        %dma_wait3A_186 = tpu.memref_slice %arg9[%add3A_179, %dma_wait3A_184, %dma_wait3A_185] : memref<4096x200x128xf32, #tpu.memory_space<hbm>> -> memref<1x200x128xf32, #tpu.memory_space<hbm>>
        %dma_wait3A_187 = tpu.memref_squeeze %dma_wait3A_186 : memref<1x200x128xf32, #tpu.memory_space<hbm>> -> memref<200x128xf32, #tpu.memory_space<hbm>>
        tpu.wait_dma2 semaphore(%arg24 : memref<!tpu.dma_semaphore, #tpu.memory_space<semaphore_mem>>) src(%arg19 : memref<200x128xf32, #tpu.memory_space<vmem>>) dst(%dma_wait3A_187 : memref<200x128xf32, #tpu.memory_space<hbm>>)
      } else {
      }
      %add3A_129 = arith.constant 1 : i32
      %add3A_130 = arith.addi %mul3A_44, %add3A_129 : i32
      %get3A_131 = arith.index_cast %add3A_130 : i32 to index
      %get3A_132 = arith.constant 0 : index
      %get3A_133 = tpu.vector_load %arg15[%get3A_131, %get3A_132] {strides = array<i32>} : memref<128x128xf32, #tpu.memory_space<vmem>>, vector<1x16xf32>,
      %get3A_134 = vector.shape_cast %get3A_133 : vector<1x16xf32> to vector<16xf32>
      %get3A_135 = arith.index_cast %add3A_130 : i32 to index
      %get3A_136 = arith.constant 16 : index
      %get3A_137 = tpu.vector_load %arg15[%get3A_135, %get3A_136] {strides = array<i32>} : memref<128x128xf32, #tpu.memory_space<vmem>>, vector<1x16xf32>,
      %get3A_138 = vector.shape_cast %get3A_137 : vector<1x16xf32> to vector<16xf32>
      %get3A_139 = arith.index_cast %add3A_130 : i32 to index
      %get3A_140 = arith.constant 32 : index
      %get3A_141 = tpu.vector_load %arg15[%get3A_139, %get3A_140] {strides = array<i32>} : memref<128x128xf32, #tpu.memory_space<vmem>>, vector<1x16xf32>,
      %get3A_142 = vector.shape_cast %get3A_141 : vector<1x16xf32> to vector<16xf32>
      %get3A_143 = arith.index_cast %add3A_130 : i32 to index
      %get3A_144 = arith.constant 48 : index
      %get3A_145 = tpu.vector_load %arg15[%get3A_143, %get3A_144] {strides = array<i32>} : memref<128x128xf32, #tpu.memory_space<vmem>>, vector<1x16xf32>,
      %get3A_146 = vector.shape_cast %get3A_145 : vector<1x16xf32> to vector<16xf32>
      %get3A_147 = arith.index_cast %add3A_130 : i32 to index
      %get3A_148 = arith.constant 64 : index
      %get3A_149 = tpu.vector_load %arg15[%get3A_147, %get3A_148] {strides = array<i32>} : memref<128x128xf32, #tpu.memory_space<vmem>>, vector<1x16xf32>,
      %get3A_150 = vector.shape_cast %get3A_149 : vector<1x16xf32> to vector<16xf32>
      %get3A_151 = arith.index_cast %add3A_130 : i32 to index
      %get3A_152 = arith.constant 80 : index
      %get3A_153 = tpu.vector_load %arg15[%get3A_151, %get3A_152] {strides = array<i32>} : memref<128x128xf32, #tpu.memory_space<vmem>>, vector<1x16xf32>,
      %get3A_154 = vector.shape_cast %get3A_153 : vector<1x16xf32> to vector<16xf32>
      %get3A_155 = arith.index_cast %add3A_130 : i32 to index
      %get3A_156 = arith.constant 96 : index
      %get3A_157 = tpu.vector_load %arg15[%get3A_155, %get3A_156] {strides = array<i32>} : memref<128x128xf32, #tpu.memory_space<vmem>>, vector<1x16xf32>,
      %get3A_158 = vector.shape_cast %get3A_157 : vector<1x16xf32> to vector<16xf32>
      %get3A_159 = arith.index_cast %add3A_130 : i32 to index
      %get3A_160 = arith.constant 112 : index
      %get3A_161 = tpu.vector_load %arg15[%get3A_159, %get3A_160] {strides = array<i32>} : memref<128x128xf32, #tpu.memory_space<vmem>>, vector<1x16xf32>,
      %get3A_162 = vector.shape_cast %get3A_161 : vector<1x16xf32> to vector<16xf32>
      %parallel_loop3A_163 = arith.constant 0 : i32
      %parallel_loop3A_164 = arith.constant 200 : i32
      %parallel_loop3A_165 = arith.constant 1 : i32
      scf.for %parallel_loop3A_177 = %parallel_loop3A_163 to %parallel_loop3A_164 step %parallel_loop3A_165  : i32 {
        %parallel_loop3A_178 = arith.index_cast %parallel_loop3A_177 : i32 to index
        %parallel_loop3A_179 = tpu.vector_load %arg17[%parallel_loop3A_178] {strides = array<i32>} : memref<216xi32, #tpu.memory_space<vmem>>, vector<16xi32>,
        %parallel_loop3A_180 = vector.shape_cast %parallel_loop3A_179 : vector<16xi32> to vector<16xi32>
        %parallel_loop3A_181 = vector.extract_strided_slice %parallel_loop3A_180 {offsets = [0], sizes = [1], strides = [1]} : vector<16xi32> to vector<1xi32>
        %parallel_loop3A_182 = vector.extract %parallel_loop3A_181[0] : i32 from vector<1xi32>
        %parallel_loop3A_183 = arith.index_cast %parallel_loop3A_182 : i32 to index
        %parallel_loop3A_184 = arith.constant 0 : index
        %parallel_loop3A_185 = tpu.vector_load %arg10[%parallel_loop3A_183, %parallel_loop3A_184] {strides = array<i32>} : memref<128x128xf32, #tpu.memory_space<vmem>>, vector<1x16xf32>,
        %parallel_loop3A_186 = vector.shape_cast %parallel_loop3A_185 : vector<1x16xf32> to vector<16xf32>
        %parallel_loop3A_187 = arith.index_cast %parallel_loop3A_177 : i32 to index
        %parallel_loop3A_188 = arith.constant 0 : index
        %parallel_loop3A_189 = tpu.vector_load %arg11[%parallel_loop3A_187, %parallel_loop3A_188] {strides = array<i32>} : memref<200x128xf32, #tpu.memory_space<vmem>>, vector<1x16xf32>,
        %parallel_loop3A_190 = vector.shape_cast %parallel_loop3A_189 : vector<1x16xf32> to vector<16xf32>
        %parallel_loop3A_191 = arith.addf %parallel_loop3A_186, %parallel_loop3A_190 : vector<16xf32>
        %parallel_loop3A_192 = arith.addf %parallel_loop3A_191, %get3A_134 : vector<16xf32>
        %parallel_loop3A_193 = arith.mulf %parallel_loop3A_192, %parallel_loop3A_192 : vector<16xf32>
        %parallel_loop3A_194 = arith.index_cast %parallel_loop3A_182 : i32 to index
        %parallel_loop3A_195 = arith.constant 16 : index
        %parallel_loop3A_196 = tpu.vector_load %arg10[%parallel_loop3A_194, %parallel_loop3A_195] {strides = array<i32>} : memref<128x128xf32, #tpu.memory_space<vmem>>, vector<1x16xf32>,
        %parallel_loop3A_197 = vector.shape_cast %parallel_loop3A_196 : vector<1x16xf32> to vector<16xf32>
        %parallel_loop3A_198 = arith.index_cast %parallel_loop3A_177 : i32 to index
        %parallel_loop3A_199 = arith.constant 16 : index
        %parallel_loop3A_200 = tpu.vector_load %arg11[%parallel_loop3A_198, %parallel_loop3A_199] {strides = array<i32>} : memref<200x128xf32, #tpu.memory_space<vmem>>, vector<1x16xf32>,
        %parallel_loop3A_201 = vector.shape_cast %parallel_loop3A_200 : vector<1x16xf32> to vector<16xf32>
        %parallel_loop3A_202 = arith.addf %parallel_loop3A_197, %parallel_loop3A_201 : vector<16xf32>
        %parallel_loop3A_203 = arith.addf %parallel_loop3A_202, %get3A_138 : vector<16xf32>
        %parallel_loop3A_204 = arith.mulf %parallel_loop3A_203, %parallel_loop3A_203 : vector<16xf32>
        %parallel_loop3A_205 = arith.addf %parallel_loop3A_193, %parallel_loop3A_204 : vector<16xf32>
        %parallel_loop3A_206 = arith.index_cast %parallel_loop3A_182 : i32 to index
        %parallel_loop3A_207 = arith.constant 32 : index
        %parallel_loop3A_208 = tpu.vector_load %arg10[%parallel_loop3A_206, %parallel_loop3A_207] {strides = array<i32>} : memref<128x128xf32, #tpu.memory_space<vmem>>, vector<1x16xf32>,
        %parallel_loop3A_209 = vector.shape_cast %parallel_loop3A_208 : vector<1x16xf32> to vector<16xf32>
        %parallel_loop3A_210 = arith.index_cast %parallel_loop3A_177 : i32 to index
        %parallel_loop3A_211 = arith.constant 32 : index
        %parallel_loop3A_212 = tpu.vector_load %arg11[%parallel_loop3A_210, %parallel_loop3A_211] {strides = array<i32>} : memref<200x128xf32, #tpu.memory_space<vmem>>, vector<1x16xf32>,
        %parallel_loop3A_213 = vector.shape_cast %parallel_loop3A_212 : vector<1x16xf32> to vector<16xf32>
        %parallel_loop3A_214 = arith.addf %parallel_loop3A_209, %parallel_loop3A_213 : vector<16xf32>
        %parallel_loop3A_215 = arith.addf %parallel_loop3A_214, %get3A_142 : vector<16xf32>
        %parallel_loop3A_216 = arith.mulf %parallel_loop3A_215, %parallel_loop3A_215 : vector<16xf32>
        %parallel_loop3A_217 = arith.addf %parallel_loop3A_205, %parallel_loop3A_216 : vector<16xf32>
        %parallel_loop3A_218 = arith.index_cast %parallel_loop3A_182 : i32 to index
        %parallel_loop3A_219 = arith.constant 48 : index
        %parallel_loop3A_220 = tpu.vector_load %arg10[%parallel_loop3A_218, %parallel_loop3A_219] {strides = array<i32>} : memref<128x128xf32, #tpu.memory_space<vmem>>, vector<1x16xf32>,
        %parallel_loop3A_221 = vector.shape_cast %parallel_loop3A_220 : vector<1x16xf32> to vector<16xf32>
        %parallel_loop3A_222 = arith.index_cast %parallel_loop3A_177 : i32 to index
        %parallel_loop3A_223 = arith.constant 48 : index
        %parallel_loop3A_224 = tpu.vector_load %arg11[%parallel_loop3A_222, %parallel_loop3A_223] {strides = array<i32>} : memref<200x128xf32, #tpu.memory_space<vmem>>, vector<1x16xf32>,
        %parallel_loop3A_225 = vector.shape_cast %parallel_loop3A_224 : vector<1x16xf32> to vector<16xf32>
        %parallel_loop3A_226 = arith.addf %parallel_loop3A_221, %parallel_loop3A_225 : vector<16xf32>
        %parallel_loop3A_227 = arith.addf %parallel_loop3A_226, %get3A_146 : vector<16xf32>
        %parallel_loop3A_228 = arith.mulf %parallel_loop3A_227, %parallel_loop3A_227 : vector<16xf32>
        %parallel_loop3A_229 = arith.addf %parallel_loop3A_217, %parallel_loop3A_228 : vector<16xf32>
        %parallel_loop3A_230 = arith.index_cast %parallel_loop3A_182 : i32 to index
        %parallel_loop3A_231 = arith.constant 64 : index
        %parallel_loop3A_232 = tpu.vector_load %arg10[%parallel_loop3A_230, %parallel_loop3A_231] {strides = array<i32>} : memref<128x128xf32, #tpu.memory_space<vmem>>, vector<1x16xf32>,
        %parallel_loop3A_233 = vector.shape_cast %parallel_loop3A_232 : vector<1x16xf32> to vector<16xf32>
        %parallel_loop3A_234 = arith.index_cast %parallel_loop3A_177 : i32 to index
        %parallel_loop3A_235 = arith.constant 64 : index
        %parallel_loop3A_236 = tpu.vector_load %arg11[%parallel_loop3A_234, %parallel_loop3A_235] {strides = array<i32>} : memref<200x128xf32, #tpu.memory_space<vmem>>, vector<1x16xf32>,
        %parallel_loop3A_237 = vector.shape_cast %parallel_loop3A_236 : vector<1x16xf32> to vector<16xf32>
        %parallel_loop3A_238 = arith.addf %parallel_loop3A_233, %parallel_loop3A_237 : vector<16xf32>
        %parallel_loop3A_239 = arith.addf %parallel_loop3A_238, %get3A_150 : vector<16xf32>
        %parallel_loop3A_240 = arith.mulf %parallel_loop3A_239, %parallel_loop3A_239 : vector<16xf32>
        %parallel_loop3A_241 = arith.addf %parallel_loop3A_229, %parallel_loop3A_240 : vector<16xf32>
        %parallel_loop3A_242 = arith.index_cast %parallel_loop3A_182 : i32 to index
        %parallel_loop3A_243 = arith.constant 80 : index
        %parallel_loop3A_244 = tpu.vector_load %arg10[%parallel_loop3A_242, %parallel_loop3A_243] {strides = array<i32>} : memref<128x128xf32, #tpu.memory_space<vmem>>, vector<1x16xf32>,
        %parallel_loop3A_245 = vector.shape_cast %parallel_loop3A_244 : vector<1x16xf32> to vector<16xf32>
        %parallel_loop3A_246 = arith.index_cast %parallel_loop3A_177 : i32 to index
        %parallel_loop3A_247 = arith.constant 80 : index
        %parallel_loop3A_248 = tpu.vector_load %arg11[%parallel_loop3A_246, %parallel_loop3A_247] {strides = array<i32>} : memref<200x128xf32, #tpu.memory_space<vmem>>, vector<1x16xf32>,
        %parallel_loop3A_249 = vector.shape_cast %parallel_loop3A_248 : vector<1x16xf32> to vector<16xf32>
        %parallel_loop3A_250 = arith.addf %parallel_loop3A_245, %parallel_loop3A_249 : vector<16xf32>
        %parallel_loop3A_251 = arith.addf %parallel_loop3A_250, %get3A_154 : vector<16xf32>
        %parallel_loop3A_252 = arith.mulf %parallel_loop3A_251, %parallel_loop3A_251 : vector<16xf32>
        %parallel_loop3A_253 = arith.addf %parallel_loop3A_241, %parallel_loop3A_252 : vector<16xf32>
        %parallel_loop3A_254 = arith.index_cast %parallel_loop3A_182 : i32 to index
        %parallel_loop3A_255 = arith.constant 96 : index
        %parallel_loop3A_256 = tpu.vector_load %arg10[%parallel_loop3A_254, %parallel_loop3A_255] {strides = array<i32>} : memref<128x128xf32, #tpu.memory_space<vmem>>, vector<1x16xf32>,
        %parallel_loop3A_257 = vector.shape_cast %parallel_loop3A_256 : vector<1x16xf32> to vector<16xf32>
        %parallel_loop3A_258 = arith.index_cast %parallel_loop3A_177 : i32 to index
        %parallel_loop3A_259 = arith.constant 96 : index
        %parallel_loop3A_260 = tpu.vector_load %arg11[%parallel_loop3A_258, %parallel_loop3A_259] {strides = array<i32>} : memref<200x128xf32, #tpu.memory_space<vmem>>, vector<1x16xf32>,
        %parallel_loop3A_261 = vector.shape_cast %parallel_loop3A_260 : vector<1x16xf32> to vector<16xf32>
        %parallel_loop3A_262 = arith.addf %parallel_loop3A_257, %parallel_loop3A_261 : vector<16xf32>
        %parallel_loop3A_263 = arith.addf %parallel_loop3A_262, %get3A_158 : vector<16xf32>
        %parallel_loop3A_264 = arith.mulf %parallel_loop3A_263, %parallel_loop3A_263 : vector<16xf32>
        %parallel_loop3A_265 = arith.addf %parallel_loop3A_253, %parallel_loop3A_264 : vector<16xf32>
        %parallel_loop3A_266 = arith.index_cast %parallel_loop3A_182 : i32 to index
        %parallel_loop3A_267 = arith.constant 112 : index
        %parallel_loop3A_268 = tpu.vector_load %arg10[%parallel_loop3A_266, %parallel_loop3A_267] {strides = array<i32>} : memref<128x128xf32, #tpu.memory_space<vmem>>, vector<1x16xf32>,
        %parallel_loop3A_269 = vector.shape_cast %parallel_loop3A_268 : vector<1x16xf32> to vector<16xf32>
        %parallel_loop3A_270 = arith.index_cast %parallel_loop3A_177 : i32 to index
        %parallel_loop3A_271 = arith.constant 112 : index
        %parallel_loop3A_272 = tpu.vector_load %arg11[%parallel_loop3A_270, %parallel_loop3A_271] {strides = array<i32>} : memref<200x128xf32, #tpu.memory_space<vmem>>, vector<1x16xf32>,
        %parallel_loop3A_273 = vector.shape_cast %parallel_loop3A_272 : vector<1x16xf32> to vector<16xf32>
        %parallel_loop3A_274 = arith.addf %parallel_loop3A_269, %parallel_loop3A_273 : vector<16xf32>
        %parallel_loop3A_275 = arith.addf %parallel_loop3A_274, %get3A_162 : vector<16xf32>
        %parallel_loop3A_276 = arith.mulf %parallel_loop3A_275, %parallel_loop3A_275 : vector<16xf32>
        %parallel_loop3A_277 = arith.addf %parallel_loop3A_265, %parallel_loop3A_276 : vector<16xf32>
        %parallel_loop3A_278 = tpu.iota {dimensions = array<i32: 0>} : vector<16xi32>
        %parallel_loop3A_279 = arith.constant 1 : i32
        %parallel_loop3A_280 = vector.broadcast %parallel_loop3A_279 : i32 to vector<16xi32>
        %parallel_loop3A_281 = arith.xori %parallel_loop3A_278, %parallel_loop3A_280 : vector<16xi32>
        %parallel_loop3A_282 = arith.constant 0 : i32
        %parallel_loop3A_283 = vector.broadcast %parallel_loop3A_282 : i32 to vector<16xi32>
        %parallel_loop3A_284 = arith.cmpi slt, %parallel_loop3A_281, %parallel_loop3A_283 : vector<16xi32>
        %parallel_loop3A_285 = arith.constant 16 : i32
        %parallel_loop3A_286 = vector.broadcast %parallel_loop3A_285 : i32 to vector<16xi32>
        %parallel_loop3A_287 = arith.addi %parallel_loop3A_281, %parallel_loop3A_286 : vector<16xi32>
        %parallel_loop3A_288 = arith.select %parallel_loop3A_284, %parallel_loop3A_287, %parallel_loop3A_281 : vector<16xi1>, vector<16xi32>
        %parallel_loop3A_289 = vector.shape_cast %parallel_loop3A_288 : vector<16xi32> to vector<16x1xi32>
        %parallel_loop3A_290 = vector.shape_cast %parallel_loop3A_289 : vector<16x1xi32> to vector<16xi32>
        %parallel_loop3A_291 = tpu.dynamic_gather %parallel_loop3A_277[%parallel_loop3A_290] in [0] : vector<16xf32>, vector<16xi32> -> vector<16xf32>
        %parallel_loop3A_292 = arith.addf %parallel_loop3A_277, %parallel_loop3A_291 : vector<16xf32>
        %parallel_loop3A_293 = arith.constant 2 : i32
        %parallel_loop3A_294 = vector.broadcast %parallel_loop3A_293 : i32 to vector<16xi32>
        %parallel_loop3A_295 = arith.xori %parallel_loop3A_278, %parallel_loop3A_294 : vector<16xi32>
        %parallel_loop3A_296 = arith.constant 0 : i32
        %parallel_loop3A_297 = vector.broadcast %parallel_loop3A_296 : i32 to vector<16xi32>
        %parallel_loop3A_298 = arith.cmpi slt, %parallel_loop3A_295, %parallel_loop3A_297 : vector<16xi32>
        %parallel_loop3A_299 = arith.constant 16 : i32
        %parallel_loop3A_300 = vector.broadcast %parallel_loop3A_299 : i32 to vector<16xi32>
        %parallel_loop3A_301 = arith.addi %parallel_loop3A_295, %parallel_loop3A_300 : vector<16xi32>
        %parallel_loop3A_302 = arith.select %parallel_loop3A_298, %parallel_loop3A_301, %parallel_loop3A_295 : vector<16xi1>, vector<16xi32>
        %parallel_loop3A_303 = vector.shape_cast %parallel_loop3A_302 : vector<16xi32> to vector<16x1xi32>
        %parallel_loop3A_304 = vector.shape_cast %parallel_loop3A_303 : vector<16x1xi32> to vector<16xi32>
        %parallel_loop3A_305 = tpu.dynamic_gather %parallel_loop3A_292[%parallel_loop3A_304] in [0] : vector<16xf32>, vector<16xi32> -> vector<16xf32>
        %parallel_loop3A_306 = arith.addf %parallel_loop3A_292, %parallel_loop3A_305 : vector<16xf32>
        %parallel_loop3A_307 = arith.constant 4 : i32
        %parallel_loop3A_308 = vector.broadcast %parallel_loop3A_307 : i32 to vector<16xi32>
        %parallel_loop3A_309 = arith.xori %parallel_loop3A_278, %parallel_loop3A_308 : vector<16xi32>
        %parallel_loop3A_310 = arith.constant 0 : i32
        %parallel_loop3A_311 = vector.broadcast %parallel_loop3A_310 : i32 to vector<16xi32>
        %parallel_loop3A_312 = arith.cmpi slt, %parallel_loop3A_309, %parallel_loop3A_311 : vector<16xi32>
        %parallel_loop3A_313 = arith.constant 16 : i32
        %parallel_loop3A_314 = vector.broadcast %parallel_loop3A_313 : i32 to vector<16xi32>
        %parallel_loop3A_315 = arith.addi %parallel_loop3A_309, %parallel_loop3A_314 : vector<16xi32>
        %parallel_loop3A_316 = arith.select %parallel_loop3A_312, %parallel_loop3A_315, %parallel_loop3A_309 : vector<16xi1>, vector<16xi32>
        %parallel_loop3A_317 = vector.shape_cast %parallel_loop3A_316 : vector<16xi32> to vector<16x1xi32>
        %parallel_loop3A_318 = vector.shape_cast %parallel_loop3A_317 : vector<16x1xi32> to vector<16xi32>
        %parallel_loop3A_319 = tpu.dynamic_gather %parallel_loop3A_306[%parallel_loop3A_318] in [0] : vector<16xf32>, vector<16xi32> -> vector<16xf32>
        %parallel_loop3A_320 = arith.addf %parallel_loop3A_306, %parallel_loop3A_319 : vector<16xf32>
        %parallel_loop3A_321 = arith.constant 8 : i32
        %parallel_loop3A_322 = vector.broadcast %parallel_loop3A_321 : i32 to vector<16xi32>
        %parallel_loop3A_323 = arith.xori %parallel_loop3A_278, %parallel_loop3A_322 : vector<16xi32>
        %parallel_loop3A_324 = arith.constant 0 : i32
        %parallel_loop3A_325 = vector.broadcast %parallel_loop3A_324 : i32 to vector<16xi32>
        %parallel_loop3A_326 = arith.cmpi slt, %parallel_loop3A_323, %parallel_loop3A_325 : vector<16xi32>
        %parallel_loop3A_327 = arith.constant 16 : i32
        %parallel_loop3A_328 = vector.broadcast %parallel_loop3A_327 : i32 to vector<16xi32>
        %parallel_loop3A_329 = arith.addi %parallel_loop3A_323, %parallel_loop3A_328 : vector<16xi32>
        %parallel_loop3A_330 = arith.select %parallel_loop3A_326, %parallel_loop3A_329, %parallel_loop3A_323 : vector<16xi1>, vector<16xi32>
        %parallel_loop3A_331 = vector.shape_cast %parallel_loop3A_330 : vector<16xi32> to vector<16x1xi32>
        %parallel_loop3A_332 = vector.shape_cast %parallel_loop3A_331 : vector<16x1xi32> to vector<16xi32>
        %parallel_loop3A_333 = tpu.dynamic_gather %parallel_loop3A_320[%parallel_loop3A_332] in [0] : vector<16xf32>, vector<16xi32> -> vector<16xf32>
        %parallel_loop3A_334 = arith.addf %parallel_loop3A_320, %parallel_loop3A_333 : vector<16xf32>
        %parallel_loop3A_335 = arith.constant 7.812500e-03 : f32
        %parallel_loop3A_336 = vector.broadcast %parallel_loop3A_335 : f32 to vector<16xf32>
        %parallel_loop3A_337 = arith.mulf %parallel_loop3A_334, %parallel_loop3A_336 : vector<16xf32>
        %parallel_loop3A_338 = arith.constant 9.99999996E-13 : f32
        %parallel_loop3A_339 = vector.broadcast %parallel_loop3A_338 : f32 to vector<16xf32>
        %parallel_loop3A_340 = arith.addf %parallel_loop3A_337, %parallel_loop3A_339 : vector<16xf32>
        %parallel_loop3A_341 = tpu.bitcast %parallel_loop3A_340 : vector<16xf32> -> vector<16xi32>
        %parallel_loop3A_342 = arith.constant 1 : i32
        %parallel_loop3A_343 = vector.broadcast %parallel_loop3A_342 : i32 to vector<16xi32>
        %parallel_loop3A_344 = arith.shrui %parallel_loop3A_341, %parallel_loop3A_343 : vector<16xi32>
        %parallel_loop3A_345 = arith.constant 1597463007 : i32
        %parallel_loop3A_346 = vector.broadcast %parallel_loop3A_345 : i32 to vector<16xi32>
        %parallel_loop3A_347 = arith.subi %parallel_loop3A_346, %parallel_loop3A_344 : vector<16xi32>
        %parallel_loop3A_348 = tpu.bitcast %parallel_loop3A_347 : vector<16xi32> -> vector<16xf32>
        %parallel_loop3A_349 = arith.constant 5.000000e-01 : f32
        %parallel_loop3A_350 = vector.broadcast %parallel_loop3A_349 : f32 to vector<16xf32>
        %parallel_loop3A_351 = arith.mulf %parallel_loop3A_350, %parallel_loop3A_340 : vector<16xf32>
        %parallel_loop3A_352 = arith.mulf %parallel_loop3A_351, %parallel_loop3A_348 : vector<16xf32>
        %parallel_loop3A_353 = arith.mulf %parallel_loop3A_352, %parallel_loop3A_348 : vector<16xf32>
        %parallel_loop3A_354 = arith.constant 1.500000e+00 : f32
        %parallel_loop3A_355 = vector.broadcast %parallel_loop3A_354 : f32 to vector<16xf32>
        %parallel_loop3A_356 = arith.subf %parallel_loop3A_355, %parallel_loop3A_353 : vector<16xf32>
        %parallel_loop3A_357 = arith.mulf %parallel_loop3A_348, %parallel_loop3A_356 : vector<16xf32>
        %parallel_loop3A_358 = arith.constant 5.000000e-01 : f32
        %parallel_loop3A_359 = vector.broadcast %parallel_loop3A_358 : f32 to vector<16xf32>
        %parallel_loop3A_360 = arith.mulf %parallel_loop3A_359, %parallel_loop3A_340 : vector<16xf32>
        %parallel_loop3A_361 = arith.mulf %parallel_loop3A_360, %parallel_loop3A_357 : vector<16xf32>
        %parallel_loop3A_362 = arith.mulf %parallel_loop3A_361, %parallel_loop3A_357 : vector<16xf32>
        %parallel_loop3A_363 = arith.constant 1.500000e+00 : f32
        %parallel_loop3A_364 = vector.broadcast %parallel_loop3A_363 : f32 to vector<16xf32>
        %parallel_loop3A_365 = arith.subf %parallel_loop3A_364, %parallel_loop3A_362 : vector<16xf32>
        %parallel_loop3A_366 = arith.mulf %parallel_loop3A_357, %parallel_loop3A_365 : vector<16xf32>
        %parallel_loop3A_367 = arith.mulf %parallel_loop3A_192, %parallel_loop3A_366 : vector<16xf32>
        %parallel_loop3A_368 = arith.constant 0 : index
        %parallel_loop3A_369 = tpu.vector_load %arg12[%parallel_loop3A_368] {strides = array<i32>} : memref<128xf32, #tpu.memory_space<vmem>>, vector<16xf32>,
        %parallel_loop3A_370 = vector.shape_cast %parallel_loop3A_369 : vector<16xf32> to vector<16xf32>
        %parallel_loop3A_371 = arith.mulf %parallel_loop3A_367, %parallel_loop3A_370 : vector<16xf32>
        %parallel_loop3A_372 = arith.constant 0 : index
        %parallel_loop3A_373 = tpu.vector_load %arg13[%parallel_loop3A_372] {strides = array<i32>} : memref<128xf32, #tpu.memory_space<vmem>>, vector<16xf32>,
        %parallel_loop3A_374 = vector.shape_cast %parallel_loop3A_373 : vector<16xf32> to vector<16xf32>
        %parallel_loop3A_375 = arith.addf %parallel_loop3A_371, %parallel_loop3A_374 : vector<16xf32>
        %parallel_loop3A_376 = arith.index_cast %parallel_loop3A_177 : i32 to index
        %parallel_loop3A_377 = arith.constant 0 : index
        %parallel_loop3A_378 = tpu.vector_load %arg19[%parallel_loop3A_376, %parallel_loop3A_377] {strides = array<i32>} : memref<200x128xf32, #tpu.memory_space<vmem>>, vector<1x16xf32>,
        %parallel_loop3A_379 = vector.shape_cast %parallel_loop3A_378 : vector<1x16xf32> to vector<16xf32>
        %parallel_loop3A_380 = vector.shape_cast %parallel_loop3A_375 : vector<16xf32> to vector<1x16xf32>
        tpu.vector_store %arg19[%parallel_loop3A_376, %parallel_loop3A_377], %parallel_loop3A_380 {strides = array<i32>} : memref<200x128xf32, #tpu.memory_space<vmem>>, vector<1x16xf32>,
        %parallel_loop3A_381 = arith.mulf %parallel_loop3A_203, %parallel_loop3A_366 : vector<16xf32>
        %parallel_loop3A_382 = arith.constant 16 : index
        %parallel_loop3A_383 = tpu.vector_load %arg12[%parallel_loop3A_382] {strides = array<i32>} : memref<128xf32, #tpu.memory_space<vmem>>, vector<16xf32>,
        %parallel_loop3A_384 = vector.shape_cast %parallel_loop3A_383 : vector<16xf32> to vector<16xf32>
        %parallel_loop3A_385 = arith.mulf %parallel_loop3A_381, %parallel_loop3A_384 : vector<16xf32>
        %parallel_loop3A_386 = arith.constant 16 : index
        %parallel_loop3A_387 = tpu.vector_load %arg13[%parallel_loop3A_386] {strides = array<i32>} : memref<128xf32, #tpu.memory_space<vmem>>, vector<16xf32>,
        %parallel_loop3A_388 = vector.shape_cast %parallel_loop3A_387 : vector<16xf32> to vector<16xf32>
        %parallel_loop3A_389 = arith.addf %parallel_loop3A_385, %parallel_loop3A_388 : vector<16xf32>
        %parallel_loop3A_390 = arith.index_cast %parallel_loop3A_177 : i32 to index
        %parallel_loop3A_391 = arith.constant 16 : index
        %parallel_loop3A_392 = tpu.vector_load %arg19[%parallel_loop3A_390, %parallel_loop3A_391] {strides = array<i32>} : memref<200x128xf32, #tpu.memory_space<vmem>>, vector<1x16xf32>,
        %parallel_loop3A_393 = vector.shape_cast %parallel_loop3A_392 : vector<1x16xf32> to vector<16xf32>
        %parallel_loop3A_394 = vector.shape_cast %parallel_loop3A_389 : vector<16xf32> to vector<1x16xf32>
        tpu.vector_store %arg19[%parallel_loop3A_390, %parallel_loop3A_391], %parallel_loop3A_394 {strides = array<i32>} : memref<200x128xf32, #tpu.memory_space<vmem>>, vector<1x16xf32>,
        %parallel_loop3A_395 = arith.mulf %parallel_loop3A_215, %parallel_loop3A_366 : vector<16xf32>
        %parallel_loop3A_396 = arith.constant 32 : index
        %parallel_loop3A_397 = tpu.vector_load %arg12[%parallel_loop3A_396] {strides = array<i32>} : memref<128xf32, #tpu.memory_space<vmem>>, vector<16xf32>,
        %parallel_loop3A_398 = vector.shape_cast %parallel_loop3A_397 : vector<16xf32> to vector<16xf32>
        %parallel_loop3A_399 = arith.mulf %parallel_loop3A_395, %parallel_loop3A_398 : vector<16xf32>
        %parallel_loop3A_400 = arith.constant 32 : index
        %parallel_loop3A_401 = tpu.vector_load %arg13[%parallel_loop3A_400] {strides = array<i32>} : memref<128xf32, #tpu.memory_space<vmem>>, vector<16xf32>,
        %parallel_loop3A_402 = vector.shape_cast %parallel_loop3A_401 : vector<16xf32> to vector<16xf32>
        %parallel_loop3A_403 = arith.addf %parallel_loop3A_399, %parallel_loop3A_402 : vector<16xf32>
        %parallel_loop3A_404 = arith.index_cast %parallel_loop3A_177 : i32 to index
        %parallel_loop3A_405 = arith.constant 32 : index
        %parallel_loop3A_406 = tpu.vector_load %arg19[%parallel_loop3A_404, %parallel_loop3A_405] {strides = array<i32>} : memref<200x128xf32, #tpu.memory_space<vmem>>, vector<1x16xf32>,
        %parallel_loop3A_407 = vector.shape_cast %parallel_loop3A_406 : vector<1x16xf32> to vector<16xf32>
        %parallel_loop3A_408 = vector.shape_cast %parallel_loop3A_403 : vector<16xf32> to vector<1x16xf32>
        tpu.vector_store %arg19[%parallel_loop3A_404, %parallel_loop3A_405], %parallel_loop3A_408 {strides = array<i32>} : memref<200x128xf32, #tpu.memory_space<vmem>>, vector<1x16xf32>,
        %parallel_loop3A_409 = arith.mulf %parallel_loop3A_227, %parallel_loop3A_366 : vector<16xf32>
        %parallel_loop3A_410 = arith.constant 48 : index
        %parallel_loop3A_411 = tpu.vector_load %arg12[%parallel_loop3A_410] {strides = array<i32>} : memref<128xf32, #tpu.memory_space<vmem>>, vector<16xf32>,
        %parallel_loop3A_412 = vector.shape_cast %parallel_loop3A_411 : vector<16xf32> to vector<16xf32>
        %parallel_loop3A_413 = arith.mulf %parallel_loop3A_409, %parallel_loop3A_412 : vector<16xf32>
        %parallel_loop3A_414 = arith.constant 48 : index
        %parallel_loop3A_415 = tpu.vector_load %arg13[%parallel_loop3A_414] {strides = array<i32>} : memref<128xf32, #tpu.memory_space<vmem>>, vector<16xf32>,
        %parallel_loop3A_416 = vector.shape_cast %parallel_loop3A_415 : vector<16xf32> to vector<16xf32>
        %parallel_loop3A_417 = arith.addf %parallel_loop3A_413, %parallel_loop3A_416 : vector<16xf32>
        %parallel_loop3A_418 = arith.index_cast %parallel_loop3A_177 : i32 to index
        %parallel_loop3A_419 = arith.constant 48 : index
        %parallel_loop3A_420 = tpu.vector_load %arg19[%parallel_loop3A_418, %parallel_loop3A_419] {strides = array<i32>} : memref<200x128xf32, #tpu.memory_space<vmem>>, vector<1x16xf32>,
        %parallel_loop3A_421 = vector.shape_cast %parallel_loop3A_420 : vector<1x16xf32> to vector<16xf32>
        %parallel_loop3A_422 = vector.shape_cast %parallel_loop3A_417 : vector<16xf32> to vector<1x16xf32>
        tpu.vector_store %arg19[%parallel_loop3A_418, %parallel_loop3A_419], %parallel_loop3A_422 {strides = array<i32>} : memref<200x128xf32, #tpu.memory_space<vmem>>, vector<1x16xf32>,
        %parallel_loop3A_423 = arith.mulf %parallel_loop3A_239, %parallel_loop3A_366 : vector<16xf32>
        %parallel_loop3A_424 = arith.constant 64 : index
        %parallel_loop3A_425 = tpu.vector_load %arg12[%parallel_loop3A_424] {strides = array<i32>} : memref<128xf32, #tpu.memory_space<vmem>>, vector<16xf32>,
        %parallel_loop3A_426 = vector.shape_cast %parallel_loop3A_425 : vector<16xf32> to vector<16xf32>
        %parallel_loop3A_427 = arith.mulf %parallel_loop3A_423, %parallel_loop3A_426 : vector<16xf32>
        %parallel_loop3A_428 = arith.constant 64 : index
        %parallel_loop3A_429 = tpu.vector_load %arg13[%parallel_loop3A_428] {strides = array<i32>} : memref<128xf32, #tpu.memory_space<vmem>>, vector<16xf32>,
        %parallel_loop3A_430 = vector.shape_cast %parallel_loop3A_429 : vector<16xf32> to vector<16xf32>
        %parallel_loop3A_431 = arith.addf %parallel_loop3A_427, %parallel_loop3A_430 : vector<16xf32>
        %parallel_loop3A_432 = arith.index_cast %parallel_loop3A_177 : i32 to index
        %parallel_loop3A_433 = arith.constant 64 : index
        %parallel_loop3A_434 = tpu.vector_load %arg19[%parallel_loop3A_432, %parallel_loop3A_433] {strides = array<i32>} : memref<200x128xf32, #tpu.memory_space<vmem>>, vector<1x16xf32>,
        %parallel_loop3A_435 = vector.shape_cast %parallel_loop3A_434 : vector<1x16xf32> to vector<16xf32>
        %parallel_loop3A_436 = vector.shape_cast %parallel_loop3A_431 : vector<16xf32> to vector<1x16xf32>
        tpu.vector_store %arg19[%parallel_loop3A_432, %parallel_loop3A_433], %parallel_loop3A_436 {strides = array<i32>} : memref<200x128xf32, #tpu.memory_space<vmem>>, vector<1x16xf32>,
        %parallel_loop3A_437 = arith.mulf %parallel_loop3A_251, %parallel_loop3A_366 : vector<16xf32>
        %parallel_loop3A_438 = arith.constant 80 : index
        %parallel_loop3A_439 = tpu.vector_load %arg12[%parallel_loop3A_438] {strides = array<i32>} : memref<128xf32, #tpu.memory_space<vmem>>, vector<16xf32>,
        %parallel_loop3A_440 = vector.shape_cast %parallel_loop3A_439 : vector<16xf32> to vector<16xf32>
        %parallel_loop3A_441 = arith.mulf %parallel_loop3A_437, %parallel_loop3A_440 : vector<16xf32>
        %parallel_loop3A_442 = arith.constant 80 : index
        %parallel_loop3A_443 = tpu.vector_load %arg13[%parallel_loop3A_442] {strides = array<i32>} : memref<128xf32, #tpu.memory_space<vmem>>, vector<16xf32>,
        %parallel_loop3A_444 = vector.shape_cast %parallel_loop3A_443 : vector<16xf32> to vector<16xf32>
        %parallel_loop3A_445 = arith.addf %parallel_loop3A_441, %parallel_loop3A_444 : vector<16xf32>
        %parallel_loop3A_446 = arith.index_cast %parallel_loop3A_177 : i32 to index
        %parallel_loop3A_447 = arith.constant 80 : index
        %parallel_loop3A_448 = tpu.vector_load %arg19[%parallel_loop3A_446, %parallel_loop3A_447] {strides = array<i32>} : memref<200x128xf32, #tpu.memory_space<vmem>>, vector<1x16xf32>,
        %parallel_loop3A_449 = vector.shape_cast %parallel_loop3A_448 : vector<1x16xf32> to vector<16xf32>
        %parallel_loop3A_450 = vector.shape_cast %parallel_loop3A_445 : vector<16xf32> to vector<1x16xf32>
        tpu.vector_store %arg19[%parallel_loop3A_446, %parallel_loop3A_447], %parallel_loop3A_450 {strides = array<i32>} : memref<200x128xf32, #tpu.memory_space<vmem>>, vector<1x16xf32>,
        %parallel_loop3A_451 = arith.mulf %parallel_loop3A_263, %parallel_loop3A_366 : vector<16xf32>
        %parallel_loop3A_452 = arith.constant 96 : index
        %parallel_loop3A_453 = tpu.vector_load %arg12[%parallel_loop3A_452] {strides = array<i32>} : memref<128xf32, #tpu.memory_space<vmem>>, vector<16xf32>,
        %parallel_loop3A_454 = vector.shape_cast %parallel_loop3A_453 : vector<16xf32> to vector<16xf32>
        %parallel_loop3A_455 = arith.mulf %parallel_loop3A_451, %parallel_loop3A_454 : vector<16xf32>
        %parallel_loop3A_456 = arith.constant 96 : index
        %parallel_loop3A_457 = tpu.vector_load %arg13[%parallel_loop3A_456] {strides = array<i32>} : memref<128xf32, #tpu.memory_space<vmem>>, vector<16xf32>,
        %parallel_loop3A_458 = vector.shape_cast %parallel_loop3A_457 : vector<16xf32> to vector<16xf32>
        %parallel_loop3A_459 = arith.addf %parallel_loop3A_455, %parallel_loop3A_458 : vector<16xf32>
        %parallel_loop3A_460 = arith.index_cast %parallel_loop3A_177 : i32 to index
        %parallel_loop3A_461 = arith.constant 96 : index
        %parallel_loop3A_462 = tpu.vector_load %arg19[%parallel_loop3A_460, %parallel_loop3A_461] {strides = array<i32>} : memref<200x128xf32, #tpu.memory_space<vmem>>, vector<1x16xf32>,
        %parallel_loop3A_463 = vector.shape_cast %parallel_loop3A_462 : vector<1x16xf32> to vector<16xf32>
        %parallel_loop3A_464 = vector.shape_cast %parallel_loop3A_459 : vector<16xf32> to vector<1x16xf32>
        tpu.vector_store %arg19[%parallel_loop3A_460, %parallel_loop3A_461], %parallel_loop3A_464 {strides = array<i32>} : memref<200x128xf32, #tpu.memory_space<vmem>>, vector<1x16xf32>,
        %parallel_loop3A_465 = arith.mulf %parallel_loop3A_275, %parallel_loop3A_366 : vector<16xf32>
        %parallel_loop3A_466 = arith.constant 112 : index
        %parallel_loop3A_467 = tpu.vector_load %arg12[%parallel_loop3A_466] {strides = array<i32>} : memref<128xf32, #tpu.memory_space<vmem>>, vector<16xf32>,
        %parallel_loop3A_468 = vector.shape_cast %parallel_loop3A_467 : vector<16xf32> to vector<16xf32>
        %parallel_loop3A_469 = arith.mulf %parallel_loop3A_465, %parallel_loop3A_468 : vector<16xf32>
        %parallel_loop3A_470 = arith.constant 112 : index
        %parallel_loop3A_471 = tpu.vector_load %arg13[%parallel_loop3A_470] {strides = array<i32>} : memref<128xf32, #tpu.memory_space<vmem>>, vector<16xf32>,
        %parallel_loop3A_472 = vector.shape_cast %parallel_loop3A_471 : vector<16xf32> to vector<16xf32>
        %parallel_loop3A_473 = arith.addf %parallel_loop3A_469, %parallel_loop3A_472 : vector<16xf32>
        %parallel_loop3A_474 = arith.index_cast %parallel_loop3A_177 : i32 to index
        %parallel_loop3A_475 = arith.constant 112 : index
        %parallel_loop3A_476 = tpu.vector_load %arg19[%parallel_loop3A_474, %parallel_loop3A_475] {strides = array<i32>} : memref<200x128xf32, #tpu.memory_space<vmem>>, vector<1x16xf32>,
        %parallel_loop3A_477 = vector.shape_cast %parallel_loop3A_476 : vector<1x16xf32> to vector<16xf32>
        %parallel_loop3A_478 = vector.shape_cast %parallel_loop3A_473 : vector<16xf32> to vector<1x16xf32>
        tpu.vector_store %arg19[%parallel_loop3A_474, %parallel_loop3A_475], %parallel_loop3A_478 {strides = array<i32>} : memref<200x128xf32, #tpu.memory_space<vmem>>, vector<1x16xf32>,
      } {sc.loop_unroll_factor = 4 : i64, sc.parallel_access}
      %add3A_166 = arith.constant 1 : i32
      %add3A_167 = arith.addi %mul3A_44, %add3A_166 : i32
      %add3A_168 = arith.addi %mul3A_2, %add3A_167 : i32
      %dma_start3A_169 = arith.constant 0 : i32
      %dma_start3A_170 = arith.constant 0 : i32
      %dma_start3A_171 = tpu.memref_slice %arg9[%add3A_168, %dma_start3A_169, %dma_start3A_170] : memref<4096x200x128xf32, #tpu.memory_space<hbm>> -> memref<1x200x128xf32, #tpu.memory_space<hbm>>
      %dma_start3A_172 = tpu.memref_squeeze %dma_start3A_171 : memref<1x200x128xf32, #tpu.memory_space<hbm>> -> memref<200x128xf32, #tpu.memory_space<hbm>>
      %dma_start3A_173 = arith.constant 0 : i32
      %dma_start3A_174 = arith.constant 0 : i32
      %dma_start3A_175 = tpu.memref_slice %arg9[%add3A_168, %dma_start3A_173, %dma_start3A_174] : memref<4096x200x128xf32, #tpu.memory_space<hbm>> -> memref<1x200x128xf32, #tpu.memory_space<hbm>>
      %dma_start3A_176 = tpu.memref_squeeze %dma_start3A_175 : memref<1x200x128xf32, #tpu.memory_space<hbm>> -> memref<200x128xf32, #tpu.memory_space<hbm>>
      tpu.enqueue_dma source(%arg19 : memref<200x128xf32, #tpu.memory_space<vmem>>) target(%dma_start3A_176 : memref<200x128xf32, #tpu.memory_space<hbm>>) target_semaphore(%arg24 : memref<!tpu.dma_semaphore, #tpu.memory_space<semaphore_mem>>)
    }
    %scan3A_21 = arith.constant 64 : i32
    %add3A_22 = arith.constant 126 : i32
    %add3A_23 = arith.addi %mul3A_2, %add3A_22 : i32
    %dma_wait3A_24 = arith.constant 0 : i32
    %dma_wait3A_25 = arith.constant 0 : i32
    %dma_wait3A_26 = tpu.memref_slice %arg9[%add3A_23, %dma_wait3A_24, %dma_wait3A_25] : memref<4096x200x128xf32, #tpu.memory_space<hbm>> -> memref<1x200x128xf32, #tpu.memory_space<hbm>>
    %dma_wait3A_27 = tpu.memref_squeeze %dma_wait3A_26 : memref<1x200x128xf32, #tpu.memory_space<hbm>> -> memref<200x128xf32, #tpu.memory_space<hbm>>
    %dma_wait3A_28 = arith.constant 0 : i32
    %dma_wait3A_29 = arith.constant 0 : i32
    %dma_wait3A_30 = tpu.memref_slice %arg9[%add3A_23, %dma_wait3A_28, %dma_wait3A_29] : memref<4096x200x128xf32, #tpu.memory_space<hbm>> -> memref<1x200x128xf32, #tpu.memory_space<hbm>>
    %dma_wait3A_31 = tpu.memref_squeeze %dma_wait3A_30 : memref<1x200x128xf32, #tpu.memory_space<hbm>> -> memref<200x128xf32, #tpu.memory_space<hbm>>
    tpu.wait_dma2 semaphore(%arg23 : memref<!tpu.dma_semaphore, #tpu.memory_space<semaphore_mem>>) src(%arg18 : memref<200x128xf32, #tpu.memory_space<vmem>>) dst(%dma_wait3A_31 : memref<200x128xf32, #tpu.memory_space<hbm>>)
    %add3A_32 = arith.constant 127 : i32
    %add3A_33 = arith.addi %mul3A_2, %add3A_32 : i32
    %dma_wait3A_34 = arith.constant 0 : i32
    %dma_wait3A_35 = arith.constant 0 : i32
    %dma_wait3A_36 = tpu.memref_slice %arg9[%add3A_33, %dma_wait3A_34, %dma_wait3A_35] : memref<4096x200x128xf32, #tpu.memory_space<hbm>> -> memref<1x200x128xf32, #tpu.memory_space<hbm>>
    %dma_wait3A_37 = tpu.memref_squeeze %dma_wait3A_36 : memref<1x200x128xf32, #tpu.memory_space<hbm>> -> memref<200x128xf32, #tpu.memory_space<hbm>>
    %dma_wait3A_38 = arith.constant 0 : i32
    %dma_wait3A_39 = arith.constant 0 : i32
    %dma_wait3A_40 = tpu.memref_slice %arg9[%add3A_33, %dma_wait3A_38, %dma_wait3A_39] : memref<4096x200x128xf32, #tpu.memory_space<hbm>> -> memref<1x200x128xf32, #tpu.memory_space<hbm>>
    %dma_wait3A_41 = tpu.memref_squeeze %dma_wait3A_40 : memref<1x200x128xf32, #tpu.memory_space<hbm>> -> memref<200x128xf32, #tpu.memory_space<hbm>>
    tpu.wait_dma2 semaphore(%arg24 : memref<!tpu.dma_semaphore, #tpu.memory_space<semaphore_mem>>) src(%arg19 : memref<200x128xf32, #tpu.memory_space<vmem>>) dst(%dma_wait3A_41 : memref<200x128xf32, #tpu.memory_space<hbm>>)
    return
  }
}

module attributes {stable_mosaic.version = 14 : i64} {
  func.func @_tables_body(%arg0: memref<1024x64xf32, #tpu.memory_space<vmem>>, %arg1: memref<64x128xf32, #tpu.memory_space<vmem>>, %arg2: memref<1x128xf32, #tpu.memory_space<vmem>>, %arg3: memref<128x128xf32, #tpu.memory_space<vmem>>, %arg4: memref<2x128xf32, #tpu.memory_space<vmem>>, %arg5: memref<512x128xf32, #tpu.memory_space<vmem>>, %arg6: memref<1024x128xf32, #tpu.memory_space<vmem>>, %arg7: memref<128x128xf32, #tpu.memory_space<vmem>>, %arg8: memref<512x128xf32, #tpu.memory_space<vmem>>) attributes {dimension_semantics = [], scalar_prefetch = 0 : i64, scratch_operands = 0 : i64, tpu.core_type = #tpu.core_type<tc>} {
    %get3A = arith.constant 0 : index
    %get3A_0 = arith.constant 0 : index
    %get3A_1 = vector.load %arg0[%get3A, %get3A_0] : memref<1024x64xf32, #tpu.memory_space<vmem>>, vector<1024x64xf32>
    %get3A_2 = arith.constant 0 : index
    %get3A_3 = arith.constant 0 : index
    %get3A_4 = vector.load %arg1[%get3A_2, %get3A_3] : memref<64x128xf32, #tpu.memory_space<vmem>>, vector<64x128xf32>
    %dot_general3A = arith.constant dense<0.000000e+00> : vector<1024x128xf32>
    %dot_general3A_5 = tpu.matmul %get3A_1, %get3A_4, %dot_general3A {dimension_numbers = #tpu.dot_dimension_numbers<[1], [0], [0], [1], [0, 0, 1, 1], [], []>, transpose_lhs_hint = false} : vector<1024x64xf32>, vector<64x128xf32>, vector<1024x128xf32> -> vector<1024x128xf32>
    %get3A_6 = arith.constant 0 : index
    %get3A_7 = arith.constant 0 : index
    %get3A_8 = vector.load %arg2[%get3A_6, %get3A_7] : memref<1x128xf32, #tpu.memory_space<vmem>>, vector<1x128xf32>
    %add3A = vector.broadcast %get3A_8 : vector<1x128xf32> to vector<1024x128xf32>
    %add3A_9 = arith.addf %dot_general3A_5, %add3A : vector<1024x128xf32>
    %reduce_sum3A = arith.constant dense<0.000000e+00> : vector<1024xf32>
    %reduce_sum3A_10 = vector.multi_reduction <add>, %add3A_9, %reduce_sum3A [1] : vector<1024x128xf32> to vector<1024xf32>
    %broadcast_in_dim3A = vector.shape_cast %reduce_sum3A_10 : vector<1024xf32> to vector<1024x1xf32>
    %div3A = arith.constant 1.280000e+02 : f32
    %div3A_11 = vector.broadcast %div3A : f32 to vector<1024x1xf32>
    %div3A_12 = arith.divf %broadcast_in_dim3A, %div3A_11 : vector<1024x1xf32>
    %sub3A = vector.broadcast %div3A_12 : vector<1024x1xf32> to vector<1024x128xf32>
    %sub3A_13 = arith.subf %add3A_9, %sub3A : vector<1024x128xf32>
    %swap3A = arith.constant 0 : index
    %swap3A_14 = arith.constant 0 : index
    %swap3A_15 = vector.load %arg6[%swap3A, %swap3A_14] : memref<1024x128xf32, #tpu.memory_space<vmem>>, vector<1024x128xf32>
    tpu.vector_store %arg6[%swap3A, %swap3A_14], %sub3A_13 {strides = array<i32>} : memref<1024x128xf32, #tpu.memory_space<vmem>>, vector<1024x128xf32>,
    %get3A_16 = arith.constant 0 : index
    %get3A_17 = arith.constant 0 : index
    %get3A_18 = vector.load %arg3[%get3A_16, %get3A_17] : memref<128x128xf32, #tpu.memory_space<vmem>>, vector<128x128xf32>
    %get3A_19 = arith.constant 0 : index
    %get3A_20 = arith.constant 0 : index
    %get3A_21 = vector.load %arg4[%get3A_19, %get3A_20] : memref<2x128xf32, #tpu.memory_space<vmem>>, vector<1x128xf32>
    %add3A_22 = vector.broadcast %get3A_21 : vector<1x128xf32> to vector<128x128xf32>
    %add3A_23 = arith.addf %get3A_18, %add3A_22 : vector<128x128xf32>
    %reduce_sum3A_24 = arith.constant dense<0.000000e+00> : vector<128xf32>
    %reduce_sum3A_25 = vector.multi_reduction <add>, %add3A_23, %reduce_sum3A_24 [1] : vector<128x128xf32> to vector<128xf32>
    %broadcast_in_dim3A_26 = vector.shape_cast %reduce_sum3A_25 : vector<128xf32> to vector<128x1xf32>
    %div3A_27 = arith.constant 1.280000e+02 : f32
    %div3A_28 = vector.broadcast %div3A_27 : f32 to vector<128x1xf32>
    %div3A_29 = arith.divf %broadcast_in_dim3A_26, %div3A_28 : vector<128x1xf32>
    %sub3A_30 = vector.broadcast %div3A_29 : vector<128x1xf32> to vector<128x128xf32>
    %sub3A_31 = arith.subf %add3A_23, %sub3A_30 : vector<128x128xf32>
    %swap3A_32 = arith.constant 0 : index
    %swap3A_33 = arith.constant 0 : index
    %swap3A_34 = vector.load %arg7[%swap3A_32, %swap3A_33] : memref<128x128xf32, #tpu.memory_space<vmem>>, vector<128x128xf32>
    tpu.vector_store %arg7[%swap3A_32, %swap3A_33], %sub3A_31 {strides = array<i32>} : memref<128x128xf32, #tpu.memory_space<vmem>>, vector<128x128xf32>,
    %get3A_35 = arith.constant 0 : index
    %get3A_36 = arith.constant 0 : index
    %get3A_37 = vector.load %arg5[%get3A_35, %get3A_36] : memref<512x128xf32, #tpu.memory_space<vmem>>, vector<512x128xf32>
    %reduce_sum3A_38 = arith.constant dense<0.000000e+00> : vector<512xf32>
    %reduce_sum3A_39 = vector.multi_reduction <add>, %get3A_37, %reduce_sum3A_38 [1] : vector<512x128xf32> to vector<512xf32>
    %broadcast_in_dim3A_40 = vector.shape_cast %reduce_sum3A_39 : vector<512xf32> to vector<512x1xf32>
    %div3A_41 = arith.constant 1.280000e+02 : f32
    %div3A_42 = vector.broadcast %div3A_41 : f32 to vector<512x1xf32>
    %div3A_43 = arith.divf %broadcast_in_dim3A_40, %div3A_42 : vector<512x1xf32>
    %sub3A_44 = vector.broadcast %div3A_43 : vector<512x1xf32> to vector<512x128xf32>
    %sub3A_45 = arith.subf %get3A_37, %sub3A_44 : vector<512x128xf32>
    %swap3A_46 = arith.constant 0 : index
    %swap3A_47 = arith.constant 0 : index
    %swap3A_48 = vector.load %arg8[%swap3A_46, %swap3A_47] : memref<512x128xf32, #tpu.memory_space<vmem>>, vector<512x128xf32>
    tpu.vector_store %arg8[%swap3A_46, %swap3A_47], %sub3A_45 {strides = array<i32>} : memref<512x128xf32, #tpu.memory_space<vmem>>, vector<512x128xf32>,
    return
  }
}

</mosaic_0001>

<sc_bundles>
// kernel: kernel.4.cloned.1.call-start
scs
__scs_entry_jumppad:
0x0: {  	(pc) =	sbr.rel $0x88, $3  }
0x1: {  	(tag) =	ssettag $0x0;
	lr =	simm.s32 $0x1  }
0x2: {  	[smem:$0x3F97] =	sst lr;
	_ =	strace $0xD0000000  }
0x3: {  	_ = 	snop  }
0x4: {  	_ = 	snop  }
0x5: {  	_ = 	snop  }
0x6: {  	_ = 	snop  }
0x7: {  	_ = 	snop  }
__scs_overlays_trampoline_lowered:
0x8: {  	[smem:$0x3FA6] =	sst s0  }
0x9: {  	[smem:$0x3FA7] =	sst s1  }
0xa: {  	[smem:$0x3FA8] =	sst s2  }
0xb: {  	[smem:$0x3FA9] =	sst s3  }
0xc: {  	[smem:$0x3FAA] =	sst s4  }
0xd: {  	[smem:$0x3FAB] =	sst s5  }
0xe: {  	[smem:$0x3FAC] =	sst s6  }
0xf: {  	[smem:$0x3FAD] =	sst s7  }
0x10: {  	[smem:$0x3FAE] =	sst s8  }
0x11: {  	[smem:$0x3FAF] =	sst s9;
	s0 =	simm.s32 @!p0 $0x0  }
0x12: {  	s1 =	sld [smem:$0x3F95];
	s0 =	simm.s32 @p0 $0x1  }
0x13: {  	[smem:$0x3FB0] =	sst s0;
	s0 =	simm.s32 @!p1 $0x0  }
0x14: {  	s2 =	sld [smem:$0x3F94];
	s0 =	simm.s32 @p1 $0x1  }
0x15: {  	[smem:$0x3FB1] =	sst s0;
	s0 =	simm.s32 @!p2 $0x0  }
0x16: {  	s3 =	sld [smem:$0x3FDB];
	s0 =	simm.s32 @p2 $0x1  }
0x17: {  	s4 =	simm.s32 $0x1BF5;
	[smem:$0x3FB3] =	sst s0  }
0x18: {  	s0 =	sld [smem:$0x3F96];
	_ =	swait.ge [sflag:s4], $0x0  }
0x19: {  	s7 =	sld [smem:$0x3F97]  }
0x1a: {  	s8 =	sadd.s32 $0xFFFFE003, lr  }
0x1b: {  	s9 =	sadd.s32 $0xFFFFFEF7, lr;
	s5 =	simm.s32 $0xFFFFFFFF;
	p2 =	slt.u32 s8, $0xFFFFF086  }
0x1c: {  	p1 =	slt.u32 s9, $0xF7A;
	s5 =	simm.s32 @!p2 $0x0  }
0x1d: {  	s5 =	simm.s32 @p1 $0x1;
	p0 =	seq.s32 s7, s2  }
0x1e: {  	s7 =	smul.u32 @!p0 $0xF7A, s2;
	p2 =	seq.s32 @!p0 s5, $0x0  }
0x1f: {  	s9 =	smul.u32 $0xF7A, s1;
	s8 =	simm.s32 @!p0 $0x1BF5;
	p2 =	por !p2, p0  }
0x20: {  	[sflag:s8] =	ssyncset.s32 @!p0 $0xFFFFF086;
	s6 =	sadd.s32 @!p0 s3, s7;
	s7 =	simm.s32 @!p0 $0x108  }
0x21: {  	s3 =	sadd.s32 s3, s9;
	s6 =	sadd.s32 @!p0 $0x88, s6;
	s7 =	simm.s32 @p2 $0x1082  }
0x22: {  	[simem:s7], [sflag:s8] =	dma.local @!p0 [hbm:s6], $0xF7A  }
0x23: {  	s9 =	sor.u32 $0xD0000000, s2;
	s6 =	simm.s32 $0x108;
	_ =	swait.ge @!p0 [sflag:s8], $0x0  }
0x24: {  	s3 =	sadd.s32 $0x88, s3;
	s6 =	simm.s32 @!p1 $0x1082;
	[sflag:s4] =	ssyncset.s32 $0xFFFFF086  }
0x25: {  	[simem:s6], [sflag:s4] =	dma.local [hbm:s3], $0xF7A  }
0x26: {  	[smem:$0x3F97] =	sst s1;
	(tag) =	ssettag s2;
	_ =	strace s9  }
0x27: {  	s1 =	sld [smem:$0x3FA7]  }
0x28: {  	s2 =	sld [smem:$0x3FA8]  }
0x29: {  	s4 =	sld [smem:$0x3FAA]  }
0x2a: {  	p0 =	seq.s32 s5, $0x0;
	s5 =	sld [smem:$0x3FAB]  }
0x2b: {  	s6 =	sld [smem:$0x3FAC]  }
0x2c: {  	s7 =	sld [smem:$0x3FAD]  }
0x2d: {  	s3 =	simm.s32 $0x108;
	s8 =	sld [smem:$0x3FAE]  }
0x2e: {  	s3 =	simm.s32 @!p0 $0x1082;
	s9 =	sld [smem:$0x3FAF]  }
0x2f: {  	lr =	sadd.s32 s0, s3;
	s0 =	sld [smem:$0x3FA6]  }
0x30: {  	s3 =	sld [smem:$0x3FA9]  }
0x31: {  	[smem:$0x3FB2] =	sst s10  }
0x32: {  	s10 =	sld [smem:$0x3FB0];
	_ =	sdelay $0x3  }
0x33: {  	p0 =	seq.s32 s10, $0x1;
	s10 =	sld [smem:$0x3FB2];
	_ =	sdelay $0x3  }
0x34: {  	[smem:$0x3FB2] =	sst s10  }
0x35: {  	s10 =	sld [smem:$0x3FB1];
	_ =	sdelay $0x3  }
0x36: {  	p1 =	seq.s32 s10, $0x1;
	s10 =	sld [smem:$0x3FB2];
	_ =	sdelay $0x3  }
0x37: {  	[smem:$0x3FB2] =	sst s10  }
0x38: {  	s10 =	sld [smem:$0x3FB3]  }
0x39: {  	_ = 	snop;
	(pc) =	sbr.ind lr, $3  }
0x3a: {  	_ = 	snop  }
0x3b: {  	_ = 	snop  }
0x3c: {  	p2 =	seq.s32 s10, $0x1;
	s10 =	sld [smem:$0x3FB2]  }
0x3d: {  	_ =	shalt  }
0x3e: {  	_ =	shalt  }
0x3f: {  	_ =	shalt  }
0x40: {  	_ =	shalt  }
0x41: {  	_ =	shalt  }
0x42: {  	_ =	shalt  }
0x43: {  	_ =	shalt  }
0x44: {  	_ =	shalt  }
0x45: {  	_ =	shalt  }
0x46: {  	_ =	shalt  }
0x47: {  	_ =	shalt  }
0x48: {  	_ =	shalt  }
0x49: {  	_ =	shalt  }
0x4a: {  	_ =	shalt  }
0x4b: {  	_ =	shalt  }
0x4c: {  	_ =	shalt  }
0x4d: {  	_ =	shalt  }
0x4e: {  	_ =	shalt  }
0x4f: {  	_ =	shalt  }
0x50: {  	_ =	shalt  }
0x51: {  	_ =	shalt  }
0x52: {  	_ =	shalt  }
0x53: {  	_ =	shalt  }
0x54: {  	_ =	shalt  }
0x55: {  	_ =	shalt  }
0x56: {  	_ =	shalt  }
0x57: {  	_ =	shalt  }
0x58: {  	_ =	shalt  }
0x59: {  	_ =	shalt  }
0x5a: {  	_ =	shalt  }
0x5b: {  	_ =	shalt  }
0x5c: {  	_ =	shalt  }
0x5d: {  	_ =	shalt  }
0x5e: {  	_ =	shalt  }
0x5f: {  	_ =	shalt  }
0x60: {  	_ =	shalt  }
0x61: {  	_ =	shalt  }
0x62: {  	_ =	shalt  }
0x63: {  	_ =	shalt  }
0x64: {  	_ =	shalt  }
0x65: {  	_ =	shalt  }
0x66: {  	_ =	shalt  }
0x67: {  	_ =	shalt  }
0x68: {  	_ =	shalt  }
0x69: {  	_ =	shalt  }
0x6a: {  	_ =	shalt  }
0x6b: {  	_ =	shalt  }
0x6c: {  	_ =	shalt  }
0x6d: {  	_ =	shalt  }
0x6e: {  	_ =	shalt  }
0x6f: {  	_ =	shalt  }
0x70: {  	_ =	shalt  }
0x71: {  	_ =	shalt  }
0x72: {  	_ =	shalt  }
0x73: {  	_ =	shalt  }
0x74: {  	_ =	shalt  }
0x75: {  	_ =	shalt  }
0x76: {  	_ =	shalt  }
0x77: {  	_ =	shalt  }
0x78: {  	_ =	shalt  }
0x79: {  	_ =	shalt  }
0x7a: {  	_ =	shalt  }
0x7b: {  	_ =	shalt  }
0x7c: {  	_ =	shalt  }
0x7d: {  	_ =	shalt  }
0x7e: {  	_ =	shalt  }
0x7f: {  	_ =	shalt  }
0x80: {  	_ =	shalt  }
0x81: {  	_ =	shalt  }
0x82: {  	_ =	shalt  }
0x83: {  	_ =	shalt  }
0x84: {  	_ =	shalt  }
0x85: {  	_ =	shalt  }
0x86: {  	_ =	shalt  }
0x87: {  	_ =	shalt  }
.Lfunc_end0:
.L_simem_size_0:
called_computation_lowered:
.L_overlay_start_0:
0x88: {  	s2 =	sld [smem:$0x3FD9]  }
0x89: {  	s3 =	sld [smem:$0x3FFE];
	_ =	sdelay $0x1  }
0x8a: {  	s1 =	srdreg.scid  }
0x8b: {  	s0 =	sand.u32 $0x1, s1  }
0x8c: {  	s17 =	sshll.u32 s0, $0xA;
	s2 =	sadd.s32 s3, s2  }
0x8d: {  	s2 =	sadd.s32 s2, s17  }
0x8e: {  	[smem:$0x3FBE] =	sst s2  }
0x8f: {  	_ = 	snop  }
0x90: {  	s2 =	sld [smem:$0x3FC8]  }
0x91: {  	s18 =	sld [smem:$0x3FC1]  }
0x92: {  	s4 =	sld [smem:$0x3FC0]  }
0x93: {  	s5 =	sld [smem:$0x3FD0];
	(tm) =	ssettm $0x1  }
0x94: {  	s6 =	sld [smem:$0x3FFB];
	_ =	sdelay $0x3  }
0x95: {  	_ =	strace s6  }
0x96: {  	s6 =	sld [smem:$0x3FFC];
	_ =	sdelay $0x3  }
0x97: {  	_ =	strace s6  }
0x98: {  	s6 =	sld [smem:$0x3FFD];
	_ =	sdelay $0x3  }
0x99: {  	_ =	strace s6  }
0x9a: {  	_ =	strace $0x8FFFFFFF  }
0x9b: {  	s19 =	sld [smem:$0x3FDB];
	_ =	sdelay $0x1  }
0x9c: {  	s7 =	simm.s32 $_scs_section_size  }
0x9d: {  	s8 =	simm.s32 $_size__tile_overlayer_lowered;
	s9 =	simm.s32 $_tile_overlayer_lowered  }
0x9e: {  	s22 =	simm.s32 $0x1BFF;
	s21 =	sshll.u32 s9, $0x1;
	s6 =	sadd.s32 s7, s19  }
0x9f: {  	s10 =	simm.s32 $0x0;
	s20 =	sshll.u32 s8, $0x1;
	s8 =	sadd.s32 s21, s6  }
0xa0: {  	[timem:s10], [sflag:s22] =	dma.local [hbm:s8], s20  }
0xa1: {  	_ =	swait.ge [sflag:s22], s20  }
0xa2: {  	s7 =	ssub.s32 $0x0, s20;
	[sflag:s22] =	ssyncset.done $0x0  }
0xa3: {  	[sflag:s22] =	ssyncadd.s32 s7;
	_ =	sdelay $0x1  }
0xa4: {  	s23 =	simm.s32 $0x1B8B  }
0xa5: {  	_ =	swait.ge [sflag:s23], $0x1  }
0xa6: {  	[sflag:s23] =	ssyncset.done $0x0  }
0xa7: {  	s25 =	simm.s32 $0x1B8E;
	s24 =	sld [smem:$0x3FFE];
	[sflag:s23] =	ssyncadd.s32 $0xFFFFFFFF  }
0xa8: {  	s26 =	simm.s32 $execute0_lowered;
	[smem:$0x3FD2] =	sst s25  }
0xa9: {  	s8 =	sshll.u32 s26, $0x1;
	_ =	strace $0x80000046;
	[dreg:$0x1] =	wrdreg $0xFFFFFFFF  }
0xaa: {  	s28 =	simm.s32 $_size_execute0_lowered;
	s6 =	sadd.s32 s6, s8;
	[dreg:$0x0] =	wrdreg $0x0  }
0xab: {  	s8 =	sshll.u32 s28, $0x1;
	[dreg:$0x2] =	wrdreg s6  }
0xac: {  	[dreg:$0x3] =	wrdreg s8  }
0xad: {  	[dreg:$0x4] =	wrdreg $0xC0  }
0xae: {  	_ =	task [dreg:s10], $0x5FFFF  }
0xaf: {  	[dreg:$0x1] =	wrdreg $0xFFFFFFFF  }
0xb0: {  	[dreg:$0x0] =	wrdreg $0x60  }
0xb1: {  	[dreg:$0x2] =	wrdreg s24  }
0xb2: {  	[dreg:$0x3] =	wrdreg s18  }
0xb3: {  	[dreg:$0x4] =	wrdreg s4  }
0xb4: {  	[dreg:$0x5] =	wrdreg s2  }
0xb5: {  	[dreg:$0x6] =	wrdreg s5  }
0xb6: {  	[dreg:$0x7] =	wrdreg $0x9  }
0xb7: {  	_ =	task.clear_ibuf [dreg:s10], $0x8FFFF;
	_ =	strace $0x90000046  }
0xb8: {  	s29 =	simm.s32 $0x9;
	_ =	strace $0x80000048  }
0xb9: {  	_ =	swait.ge [sflag:s29], $0x1  }
0xba: {  	[sflag:s29] =	ssyncadd.s32 $0xFFFFFFFF  }
0xbb: {  	_ =	strace $0x90000048  }
0xbc: {  	_ =	sfence  }
0xbd: {  	s30 =	sld [smem:$0x0];
	_ =	sdelay $0x2  }
0xbe: {  	s31 =	sshll.u32 s1, $0xD;
	s1 =	sshrl.u32 s1, $0x2  }
0xbf: {  	s3 =	sand.u32 $0x4000, s31;
	s1 =	sadd.s32 s1, s30  }
0xc0: {  	s0 =	sor.u32 s3, s0;
	s1 =	sshll.u32 s1, $0x11  }
0xc1: {  	s0 =	sor.u32 s1, s0  }
0xc2: {  	s0 =	sadd.s32 $0x8F2B, s0  }
0xc3: {  	[sflag:s0] =	ssyncadd.remote.s32 $0x1  }
0xc4: {  	_ =	sfence.sel $0xFFFF  }
0xc5: {  	[dreg:$0x0] =	wrdreg $0xFFFFFFFF;
	(pc) =	sbr.abs _section_cstart, $3  }
0xc6: {  	[dreg:$0x1] =	wrdreg $0xFFFFFFFF  }
0xc7: {  	_ =	task.clear_ibuf [dreg:s10], $0x2FFFF;
	_ =	strace $0x9FFFFFFF  }
0xc8: {  	(tm) =	ssettm $0x7FFFFFFF  }
0xc9: {  	_ =	shalt  }
tec
execute0_lowered:
.L_overlay_start_1:
0x0: {  	(tag) =	ssettag $0x1  }
0x1: {  	s0 =	rddreg [dreg:$0x0]  }
0x2: {  	s1 =	rddreg [dreg:$0x3];
	v0 =	vimm.s32 $0xEFCDAB89;
	v1 =	vimm.s32 $0x67452301  }
0x3: {  	s3 =	rddreg [dreg:$0x4];
	s4 =	simm.s32 $0x0;
	s22 =	srdreg.scid;
	v2 =	vimm.s32 $0xDCFE98BA;
	v3 =	vimm.s32 $0x54761032;
	v4 =	vimm.s32 $0xBA98FEDC  }
0x4: {  	s5 =	stileid.u32;
	v5 =	vimm.s32 $0x32107654;
	v6 =	vimm.s32 $0xFEDCBA98;
	s15 =	simm.s32 $0x6;
	v7 =	vimm.s32 $0x76543210;
	s28 =	simm.s32 $0x3  }
0x5: {  	s29 =	simm.s32 $0x5;
	s30 =	simm.s32 $0x14B80;
	s31 =	simm.s32 $0x4;
	v0 =	vunpack.c.l.s4.s8 v0;
	v1 =	vunpack.c.l.s4.s8 v1;
	v2 =	vunpack.c.l.s4.s8 v2  }
0x6: {  	[smem:$0x7FF] =	sst s4;
	s2 =	sadd.s32 $0x20600, s0;
	s6 =	sadd.s32 $0x1E600, s0;
	v3 =	vunpack.c.l.s4.s8 v3;
	v4 =	vunpack.c.l.s4.s8 v4;
	v5 =	vunpack.c.l.s4.s8 v5  }
0x7: {  	s5 =	sshll.u32 s5, $0x1;
	v6 =	vunpack.c.l.s4.s8 v6;
	_ =	strace $0x80000047;
	[dreg:$0x6] =	wrdreg s2;
	v0 =	vunpack.c.0.s8.s32 v0;
	v1 =	vunpack.c.0.s8.s32 v1  }
0x8: {  	s23 =	sadd.s32 $0x1A600, s0;
	v7 =	vunpack.c.l.s4.s8 v7;
	[dreg:$0x7] =	wrdreg s6;
	s2 =	sand.u32 $0x1, s22;
	v2 =	vunpack.c.0.s8.s32 v2;
	v3 =	vunpack.c.0.s8.s32 v3  }
0x9: {  	s9 =	sadd.s32 $0x1600, s0;
	[dreg:$0x8] =	wrdreg s23;
	s24 =	ssub.s32 $0x2, s2;
	v4 =	vunpack.c.0.s8.s32 v4;
	v5 =	vunpack.c.0.s8.s32 v5;
	v0 =	vcombine.low v1, v0  }
0xa: {  	s23 =	simm.s32 $0xE580;
	s2 =	sor.u32 s2, s5;
	v57 =	vunpack.c.0.s8.s32 v6;
	s25 =	sshrl.u32 s24, $0x1;
	v2 =	vcombine.low v3, v2  }
0xb: {  	v59 =	vunpack.c.0.s8.s32 v7;
	s5 =	smul.u32 $0xC80, s2;
	s10 =	sshll.u32 s2, $0x7;
	s2 =	sshll.u32 s2, $0x4;
	v58 =	vcombine.low v5, v4;
	v62 =	vand.u32 $0xF, v0  }
0xc: {  	s0 =	ssub.s32 s24, s25;
	s1 =	sadd.s32 s1, s2;
	s13 =	sor.u32 $0x2, s10;
	v63 =	vand.u32 $0xF, v57;
	v28 =	vand.u32 $0xF, v2;
	[tilespmem:$0x1FFC0] =	vst v62  }
0xd: {  	s24 =	simm.s32 $0xE680;
	[dreg:$0x9] =	wrdreg s1;
	s26 =	sadd.s32 s9, s5;
	v20 =	vcombine.low v63, v59;
	v51 =	vand.u32 $0xF, v58;
	[tilespmem:$0x1FFD0] =	vst v28  }
0xe: {  	s25 =	simm.s32 $0x2;
	s0 =	smax.u32 s0, $0x1;
	[dreg:$0xa] =	wrdreg s26;
	[tilespmem:$0x1FFE0] =	vst v51  }
0xf: {  	[dreg:$0xb] =	wrdreg s0;
	s26 =	simm.s32 $0xE780;
	s0 =	simm.s32 $0x0;
	[tilespmem:$0x1FFF0] =	vst v20  }
.LBB2_1:
0x10: {  	s1 =	rddreg [dreg:$0x6]  }
0x11: {  	[tilespmem:s4], [sflag:$0x6] =	stream.linear.gather [hbm4b:s1+s4], $0x4000, $0x38;
	[tilespmem:$0x1AF80] =	vst v63  }
0x12: {  	_ =	swait.ge [sflag:s15], $0x4000  }
0x13: {  	[sflag:s15] =	ssyncset.done $0x0  }
0x14: {  	s2 =	simm.s32 $0x4000;
	s11 =	rddreg [dreg:$0x7];
	[sflag:s15] =	ssyncadd.s32 $0xFFFFC000  }
0x15: {  	[tilespmem:s2], [sflag:$0x6] =	stream.linear.gather [hbm4b:s11+s4], $0x6400, $0x38;
	[tilespmem:$0x1AF80] =	vst v63  }
0x16: {  	_ =	swait.ge [sflag:s15], $0x6400  }
0x17: {  	[sflag:s15] =	ssyncset.done $0x0  }
0x18: {  	[sflag:s15] =	ssyncadd.s32 $0xFFFF9C00  }
0x19: {  	s14 =	simm.s32 $0xA400;
	s12 =	rddreg [dreg:$0x1]  }
0x1a: {  	[tilespmem:s14], [sflag:$0x6] =	stream.linear.gather [hbm4b:s12+s4], $0x80, $0x38;
	[tilespmem:$0x1AF80] =	vst v63  }
0x1b: {  	_ =	swait.ge [sflag:s15], $0x80  }
0x1c: {  	[sflag:s15] =	ssyncset.done $0x0  }
0x1d: {  	[sflag:s15] =	ssyncadd.s32 $0xFFFFFF80  }
0x1e: {  	s17 =	simm.s32 $0xA480;
	s16 =	rddreg [dreg:$0x2]  }
0x1f: {  	[tilespmem:s17], [sflag:$0x6] =	stream.linear.gather [hbm4b:s16+s4], $0x80, $0x38;
	[tilespmem:$0x1AF80] =	vst v63  }
0x20: {  	_ =	swait.ge [sflag:s15], $0x80  }
0x21: {  	[sflag:s15] =	ssyncset.done $0x0  }
0x22: {  	s19 =	simm.s32 $0xA500;
	s18 =	rddreg [dreg:$0x9];
	[sflag:s15] =	ssyncadd.s32 $0xFFFFFF80  }
0x23: {  	[tilespmem:s19], [sflag:$0x6] =	stream.linear.gather [hbm4b:s18+s4], $0x80, $0x38;
	[tilespmem:$0x1AF80] =	vst v63  }
0x24: {  	_ =	swait.ge [sflag:s15], $0x80  }
0x25: {  	s5 =	simm.s32 $0x80;
	s6 =	simm.s32 $0xA580;
	[sflag:s15] =	ssyncset.done $0x0  }
0x26: {  	s21 =	simm.s32 $0x1;
	s20 =	rddreg [dreg:$0x8];
	[sflag:s15] =	ssyncadd.s32 $0xFFFFFF80  }
0x27: {  	[tilespmem:s6], [sflag:$0x1] =	stream.indirect.gather [hbm4b:s20+s5], $0x80, s19, s5, $0xb8;
	[tilespmem:$0x1AF80] =	vst v63  }
0x28: {  	_ =	swait.ge [sflag:s21], $0x4000  }
0x29: {  	[sflag:s21] =	ssyncset.done $0x0  }
0x2a: {  	s5 =	simm.s32 $0x0;
	s22 =	rddreg [dreg:$0xa];
	[sflag:s21] =	ssyncadd.s32 $0xFFFFC000  }
0x2b: {  	[tilespmem:s23], [sflag:$0x2] =	stream.linear.gather [hbm4b:s22+s4], $0xC8, $0x38;
	[tilespmem:$0x1AF80] =	vst v63  }
.LBB2_2:
0x2c: {  	s2 =	sshllo.u32 s5, $0x1  }
0x2d: {  	s1 =	sor.u32 s10, s2  }
0x2e: {  	s6 =	smul.u32 $0x19, s1;
	_ =	sdelay $0x1  }
0x2f: {  	s6 =	sadd.s32 s9, s6  }
0x30: {  	[tilespmem:s24], [sflag:$0x3] =	stream.linear.gather [hbm4b:s6+s4], $0xC8, $0x38;
	[tilespmem:$0x1AF80] =	vst v63  }
0x31: {  	_ =	swait.ge [sflag:s25], $0xC8  }
0x32: {  	p0 =	seq.s32 s5, $0x0;
	[sflag:s25] =	ssyncset.done $0x0  }
0x33: {  	s6 =	simm.s32 @!p0 $0x4;
	[sflag:s25] =	ssyncadd.s32 $0xFFFFFF38  }
0x34: {  	_ =	swait.ge @!p0 [sflag:s6], $0x6400  }
0x35: {  	[sflag:s6] =	ssyncset.done @!p0 $0x0  }
0x36: {  	s7 =	simm.s32 $0xE582;
	[sflag:s6] =	ssyncadd.s32 @!p0 $0xFFFF9C00  }
0x37: {  	v0 =	vld [tilespmem:s7+$0x1];
	_ =	sdelay $0x4  }
0x38: {  	(v2sf) =	vpush v0, $0x0;
	_ =	sdelay $0x3  }
0x39: {  	s16 =	sshll.u32 s5, $0x8  }
0x3a: {  	s8 =	sand.u32 $0x3FFFFF00, s16  }
0x3b: {  	v27 =	vld [tilespmem:s8+$0xA580]  }
0x3c: {  	v63 =	vld [tilespmem:s8+$0xA590]  }
0x3d: {  	v34 =	vld [tilespmem:s8+$0xA5A0]  }
0x3e: {  	v33 =	vld [tilespmem:s8+$0xA5B0]  }
0x3f: {  	v44 =	vld [tilespmem:s8+$0xA5C0]  }
0x40: {  	v35 =	vld [tilespmem:s8+$0xA5D0]  }
0x41: {  	v1 =	vld [tilespmem:s7+$0x0]  }
0x42: {  	s17 =	simm.s32 $0x4100;
	v2 =	vld [tilespmem:s7+$0xFFFFFFFE]  }
0x43: {  	v3 =	vld [tilespmem:s17+$0xB0]  }
0x44: {  	v4 =	vld [tilespmem:s17+$0x80];
	s18 =	spop (v2sf)  }
0x45: {  	v0 =	vld [tilespmem:s7+$0xFFFFFFFF];
	s7 =	sshll.u32 s18, $0x9  }
0x46: {  	v5 =	vld [tilespmem:s17+$0x90];
	s7 =	sshra.s32 s7, $0x2  }
0x47: {  	v6 =	vld [tilespmem:s7+$0x0]  }
0x48: {  	v7 =	vld [tilespmem:s7+$0x10]  }
0x49: {  	v9 =	vld [tilespmem:s17+$0xA0]  }
0x4a: {  	v10 =	vld [tilespmem:s7+$0x20]  }
0x4b: {  	v11 =	vld [tilespmem:s7+$0x30]  }
0x4c: {  	v13 =	vld [tilespmem:s17+$0xC0];
	(v2sf) =	vpush v0, $0x0;
	v4 =	vadd.f32 v4, v6  }
0x4d: {  	(v2sf) =	vpush v1, $0x0;
	v1 =	vld [tilespmem:s7+$0x40];
	v0 =	vadd.f32 v5, v7  }
0x4e: {  	v12 =	vld [tilespmem:s17+$0xD0];
	v8 =	vadd.f32 v4, v27  }
0x4f: {  	v6 =	vadd.f32 v0, v63;
	v0 =	vadd.f32 v9, v10;
	v4 =	vld [tilespmem:s7+$0x50]  }
0x50: {  	(v2sf) =	vpush v2, $0x0;
	v2 =	vadd.f32 v3, v11;
	v7 =	vld [tilespmem:s17+$0xE0]  }
0x51: {  	v10 =	vld [tilespmem:s7+$0x60];
	v3 =	vmul.f32 v8, v8;
	v9 =	vmul.f32 v6, v6;
	v5 =	vadd.f32 v0, v34  }
0x52: {  	v1 =	vadd.f32 v13, v1;
	v11 =	vld [tilespmem:s7+$0x70]  }
0x53: {  	v0 =	vadd.f32 v2, v33;
	v2 =	vld [tilespmem:s17+$0xF0];
	v3 =	vadd.f32 v9, v3;
	v9 =	vmul.f32 v5, v5  }
0x54: {  	v45 =	vld [tilespmem:s8+$0xA5E0];
	v4 =	vadd.f32 v12, v4  }
0x55: {  	v12 =	vmul.f32 v0, v0;
	v9 =	vadd.f32 v9, v3;
	v3 =	vadd.f32 v1, v44  }
0x56: {  	v48 =	vld [tilespmem:s8+$0xA5F0];
	v7 =	vadd.f32 v7, v10  }
0x57: {  	v1 =	vadd.f32 v4, v35;
	v9 =	vadd.f32 v12, v9;
	v10 =	vmul.f32 v3, v3  }
0x58: {  	v2 =	vadd.f32 v2, v11  }
0x59: {  	v7 =	vadd.f32 v7, v45;
	v4 =	vadd.f32 v10, v9;
	v9 =	vmul.f32 v1, v1;
	_ =	sdelay $0x1  }
0x5a: {  	[tilespmem:$0x1F920] =	vst v7;
	v7 =	vmul.f32 v7, v7;
	v4 =	vadd.f32 v9, v4;
	v9 =	vadd.f32 v2, v48;
	_ =	sdelay $0x1  }
0x5b: {  	v2 =	vadd.f32 v7, v4;
	v4 =	vmul.f32 v9, v9;
	_ =	sdelay $0x1  }
0x5c: {  	v2 =	vadd.f32 v4, v2  }
0x5d: {  	s19 =	spop (v2sf)  }
0x5e: {  	s12 =	spop (v2sf);
	v4 =	vperm.xlane v2, v62  }
0x5f: {  	s20 =	spop (v2sf)  }
0x60: {  	s8 =	sshll.u32 s20, $0x9;
	v2 =	vadd.f32 v2, v4  }
0x61: {  	s7 =	sshll.u32 s19, $0x9;
	s11 =	sshra.s32 s8, $0x2;
	[tilespmem:$0x1FAE0] =	vst v9  }
0x62: {  	s21 =	sshra.s32 s7, $0x2;
	v7 =	vld [tilespmem:s11+$0x0];
	v10 =	vperm.xlane v2, v28  }
0x63: {  	s22 =	sshll.u32 s12, $0x9;
	v9 =	vld [tilespmem:s21+$0x0]  }
0x64: {  	s7 =	sshra.s32 s22, $0x2;
	v11 =	vld [tilespmem:s21+$0x10];
	v2 =	vadd.f32 v2, v10  }
0x65: {  	v12 =	vld [tilespmem:s7+$0x0]  }
0x66: {  	v13 =	vld [tilespmem:s7+$0x10];
	v14 =	vperm.xlane v2, v51  }
0x67: {  	v15 =	vld [tilespmem:s17+$0xFFFFFF10]  }
0x68: {  	v16 =	vld [tilespmem:s17+$0xFFFFFF80];
	v2 =	vadd.f32 v2, v14  }
0x69: {  	v17 =	vld [tilespmem:s17+$0x0]  }
0x6a: {  	v19 =	vld [tilespmem:s17+$0x10];
	v18 =	vperm.xlane v2, v20  }
0x6b: {  	v21 =	vld [tilespmem:s11+$0x20]  }
0x6c: {  	v50 =	vld [tilespmem:s21+$0x20];
	v2 =	vadd.f32 v2, v18  }
0x6d: {  	v4 =	vld [tilespmem:s11+$0x10]  }
0x6e: {  	v10 =	vld [tilespmem:s17+$0xFFFFFF00];
	v2 =	vmul.f32 $7.812500000e-03, v2  }
0x6f: {  	v14 =	vld [tilespmem:s17+$0xFFFFFF90]  }
0x70: {  	v22 =	vld [tilespmem:s7+$0x20];
	v2 =	vadd.f32 $9.999999960e-13, v2  }
0x71: {  	v23 =	vld [tilespmem:s17+$0xFFFFFF20]  }
0x72: {  	v36 =	vmovc v20;
	v24 =	vld [tilespmem:s17+$0xFFFFFFA0];
	v20 =	vshrl.u32 v2, $0x1;
	v28 =	vmul.f32 $5.000000000e-01, v2;
	v2 =	vadd.f32 v15, v4  }
0x73: {  	v25 =	vld [tilespmem:s17+$0x20];
	v9 =	vadd.f32 v16, v9;
	v7 =	vadd.f32 v10, v7  }
0x74: {  	v26 =	vld [tilespmem:s11+$0x30];
	v29 =	vadd.f32 v2, v63;
	v2 =	vadd.f32 v14, v11  }
0x75: {  	v52 =	vld [tilespmem:s17+$0xFFFFFF30];
	v12 =	vadd.f32 v17, v12;
	v13 =	vadd.f32 v19, v13  }
0x76: {  	v30 =	vld [tilespmem:s17+$0xFFFFFFB0];
	v10 =	vadd.f32 v7, v27;
	v7 =	vsub.s32 $0x5F3759DF, v20;
	v20 =	vadd.f32 v2, v63  }
0x77: {  	v21 =	vadd.f32 v23, v21;
	v23 =	vadd.f32 v24, v50;
	v4 =	vld [tilespmem:s21+$0x30]  }
0x78: {  	v14 =	vmul.f32 v10, v10;
	v11 =	vadd.f32 v9, v27;
	v9 =	vld [tilespmem:s11+$0x40];
	v53 =	vmul.f32 v29, v29;
	[tilespmem:$0x1F8E0] =	vst v20  }
0x79: {  	v37 =	vadd.f32 v13, v63;
	v15 =	vmul.f32 v7, v28;
	v2 =	vadd.f32 v12, v27;
	v54 =	vld [tilespmem:s21+$0x40]  }
0x7a: {  	v17 =	vadd.f32 v53, v14;
	v14 =	vmul.f32 v11, v11;
	v31 =	vmul.f32 v20, v20;
	v12 =	vld [tilespmem:s17+$0xFFFFFF40]  }
0x7b: {  	v55 =	vadd.f32 v21, v34;
	v15 =	vmul.f32 v7, v15;
	v32 =	vld [tilespmem:s17+$0xFFFFFFC0]  }
0x7c: {  	v24 =	vld [tilespmem:s11+$0x50];
	[tilespmem:$0x1F8F0] =	vst v37;
	v13 =	vadd.f32 v31, v14;
	v14 =	vadd.f32 v23, v34  }
0x7d: {  	v16 =	vadd.f32 v52, v26;
	v15 =	vsub.f32 $1.500000000e+00, v15;
	v31 =	vld [tilespmem:s21+$0x50];
	[tilespmem:$0x1F900] =	vst v55  }
0x7e: {  	v4 =	vadd.f32 v30, v4;
	[tilespmem:$0x1F910] =	vst v14  }
0x7f: {  	v22 =	vadd.f32 v25, v22;
	v20 =	vadd.f32 v16, v33;
	v7 =	vmul.f32 v7, v15;
	v21 =	vld [tilespmem:s17+$0xFFFFFF50]  }
0x80: {  	v25 =	vmul.f32 v55, v55;
	v30 =	vmul.f32 v14, v14;
	v14 =	vadd.f32 v4, v33;
	v26 =	vld [tilespmem:s17+$0xFFFFFFD0]  }
0x81: {  	v23 =	vmul.f32 v7, v28;
	v28 =	vld [tilespmem:s11+$0x60];
	[tilespmem:$0x1F930] =	vst v20;
	v9 =	vadd.f32 v12, v9  }
0x82: {  	v17 =	vadd.f32 v25, v17;
	[tilespmem:$0x1F940] =	vst v14  }
0x83: {  	v23 =	vmul.f32 v23, v7;
	v25 =	vmul.f32 v14, v14;
	v56 =	vld [tilespmem:s21+$0x60];
	v14 =	vadd.f32 v9, v44  }
0x84: {  	v58 =	vadd.f32 v32, v54;
	v57 =	vld [tilespmem:s17+$0xFFFFFF60]  }
0x85: {  	v4 =	vld [tilespmem:$0xA400];
	v12 =	vsub.f32 $1.500000000e+00, v23;
	v23 =	vmul.f32 v20, v20;
	[tilespmem:$0x1F950] =	vst v14  }
0x86: {  	v13 =	vadd.f32 v30, v13;
	v20 =	vadd.f32 v58, v44;
	v30 =	vld [tilespmem:s17+$0xFFFFFFE0]  }
0x87: {  	v12 =	vmul.f32 v12, v7;
	v9 =	vadd.f32 v23, v17;
	v59 =	vmul.f32 v14, v14;
	v7 =	vld [tilespmem:$0xA480]  }
0x88: {  	v13 =	vadd.f32 v25, v13;
	v60 =	vadd.f32 v21, v24;
	v23 =	vld [tilespmem:s11+$0x70];
	[tilespmem:$0x1F960] =	vst v20  }
0x89: {  	v8 =	vmul.f32 v12, v8;
	v21 =	vld [tilespmem:s17+$0xFFFFFF70];
	v19 =	vadd.f32 v59, v9;
	v9 =	vadd.f32 v26, v31  }
0x8a: {  	v14 =	vadd.f32 v60, v35;
	v61 =	vadd.f32 v57, v28  }
0x8b: {  	v28 =	vmul.f32 v20, v20;
	v8 =	vmul.f32 v8, v4;
	v9 =	vadd.f32 v9, v35  }
0x8c: {  	v24 =	vld [tilespmem:s21+$0x70];
	[tilespmem:$0x1F9C0] =	vst v14;
	v38 =	vmul.f32 v14, v14;
	v14 =	vadd.f32 v61, v45;
	v16 =	vadd.f32 v30, v56  }
0x8d: {  	v13 =	vadd.f32 v28, v13;
	v26 =	vld [tilespmem:s17+$0xFFFFFFF0];
	[tilespmem:$0x1F9D0] =	vst v9;
	v8 =	vadd.f32 v8, v7  }
0x8e: {  	s16 =	simm.s32 $0xE880;
	v28 =	vmul.f32 v9, v9;
	v31 =	vld [tilespmem:s7+$0x30];
	[tilespmem:$0x1FA50] =	vst v14;
	v21 =	vadd.f32 v21, v23;
	v9 =	vadd.f32 v16, v45  }
0x8f: {  	[tilespmem:s16+$0x80] =	vst v8  }
0x90: {  	v40 =	vmul.f32 v14, v14;
	v39 =	vld [tilespmem:s17+$0x30];
	v14 =	vadd.f32 v21, v48;
	[tilespmem:$0x1FAC0] =	vst v9  }
0x91: {  	v41 =	vld [tilespmem:$0xA410]  }
0x92: {  	v30 =	vld [tilespmem:s7+$0x40];
	[tilespmem:$0x1FAB0] =	vst v14  }
0x93: {  	v42 =	vld [tilespmem:$0xA490]  }
0x94: {  	v6 =	vmul.f32 v12, v6;
	v24 =	vadd.f32 v26, v24  }
0x95: {  	v8 =	vadd.f32 v38, v19;
	v26 =	vld [tilespmem:s17+$0x40]  }
0x96: {  	v21 =	vmul.f32 v9, v9;
	v9 =	vadd.f32 v24, v48;
	v6 =	vmul.f32 v6, v41  }
0x97: {  	v32 =	vadd.f32 v22, v34;
	v13 =	vadd.f32 v28, v13  }
0x98: {  	s12 =	simm.s32 $0xE586;
	v8 =	vadd.f32 v40, v8;
	v24 =	vmul.f32 v14, v14;
	[tilespmem:$0x1FAD0] =	vst v9;
	v6 =	vadd.f32 v6, v42  }
0x99: {  	v23 =	vmul.f32 v2, v2;
	v28 =	vmul.f32 v37, v37;
	v13 =	vadd.f32 v21, v13;
	v43 =	vld [tilespmem:s12+$0x1]  }
0x9a: {  	v21 =	vmul.f32 v9, v9;
	v8 =	vadd.f32 v24, v8;
	v24 =	vld [tilespmem:s7+$0x50];
	v46 =	vadd.f32 v26, v30;
	[tilespmem:s16+$0x90] =	vst v6  }
0x9b: {  	v22 =	vadd.f32 v28, v23;
	v23 =	vmul.f32 v32, v32;
	v9 =	vld [tilespmem:$0x1FFD0]  }
0x9c: {  	v28 =	vld [tilespmem:s17+$0x50];
	v13 =	vadd.f32 v21, v13;
	v21 =	vperm.xlane v8, v62;
	v14 =	vadd.f32 v46, v44  }
0x9d: {  	v22 =	vadd.f32 v23, v22;
	v17 =	vadd.f32 v39, v31;
	v23 =	vld [tilespmem:s17+$0x60]  }
0x9e: {  	v18 =	vmov v33;
	v26 =	vld [tilespmem:s7+$0x60];
	v8 =	vadd.f32 v8, v21;
	[tilespmem:$0x1F990] =	vst v14  }
0x9f: {  	v16 =	vadd.f32 v17, v18;
	v47 =	vld [tilespmem:$0xA420]  }
0xa0: {  	v31 =	vperm.xlane v13, v62;
	(v2sf) =	vpush v43, $0x0;
	v21 =	vperm.xlane v8, v9;
	v9 =	vld [tilespmem:$0x1FFD0]  }
0xa1: {  	v49 =	vld [tilespmem:s7+$0x70]  }
0xa2: {  	v6 =	vmul.f32 v16, v16;
	v13 =	vadd.f32 v13, v31;
	v31 =	vld [tilespmem:$0xA4A0]  }
0xa3: {  	v50 =	vld [tilespmem:s17+$0x70];
	v8 =	vadd.f32 v8, v21;
	v21 =	vadd.f32 v28, v24  }
0xa4: {  	v5 =	vmul.f32 v12, v5;
	v6 =	vadd.f32 v6, v22;
	v22 =	vmul.f32 v14, v14  }
0xa5: {  	v53 =	vadd.f32 v23, v26;
	v52 =	vperm.xlane v13, v9;
	v9 =	vadd.f32 v21, v35  }
0xa6: {  	v6 =	vadd.f32 v22, v6;
	v5 =	vmul.f32 v5, v47;
	v24 =	vperm.xlane v8, v51  }
0xa7: {  	v22 =	vadd.f32 v13, v52;
	[tilespmem:$0x1F9F0] =	vst v9;
	v23 =	vmul.f32 v9, v9;
	v9 =	vadd.f32 v53, v45  }
0xa8: {  	v54 =	vadd.f32 v50, v49;
	v5 =	vadd.f32 v5, v31  }
0xa9: {  	v8 =	vadd.f32 v8, v24;
	v21 =	vperm.xlane v22, v51;
	[tilespmem:$0x1FB00] =	vst v9  }
0xaa: {  	[tilespmem:s16+$0xA0] =	vst v5;
	v5 =	vadd.f32 v23, v6;
	v6 =	vmul.f32 v9, v9;
	v9 =	vadd.f32 v54, v48  }
0xab: {  	v55 =	vadd.f32 v22, v21  }
0xac: {  	v21 =	vperm.xlane v8, v36;
	[tilespmem:$0x1FB10] =	vst v9;
	v5 =	vadd.f32 v6, v5;
	v6 =	vmul.f32 v9, v9;
	v9 =	vld [tilespmem:$0x1FFD0]  }
0xad: {  	v56 =	vld [tilespmem:$0xA430]  }
0xae: {  	v8 =	vadd.f32 v8, v21;
	v21 =	vld [tilespmem:$0xA4B0]  }
0xaf: {  	s14 =	simm.s32 $0x4300;
	s17 =	spop (v2sf);
	v23 =	vld [tilespmem:s12+$0xFFFFFFFF]  }
0xb0: {  	s7 =	sshll.u32 s17, $0x9;
	v22 =	vperm.xlane v55, v36;
	v24 =	vld [tilespmem:s14+$0xB0]  }
0xb1: {  	s7 =	sshra.s32 s7, $0x2;
	v28 =	vld [tilespmem:s14+$0x80]  }
0xb2: {  	v60 =	vld [tilespmem:s7+$0x10];
	v5 =	vadd.f32 v6, v5;
	v19 =	vadd.f32 v55, v22  }
0xb3: {  	v0 =	vmul.f32 v12, v0;
	v41 =	vld [tilespmem:s14+$0xD0];
	v8 =	vmul.f32 $7.812500000e-03, v8  }
0xb4: {  	v49 =	vld [tilespmem:s7+$0x50];
	v26 =	vperm.xlane v5, v62;
	v19 =	vmul.f32 $7.812500000e-03, v19  }
0xb5: {  	v6 =	vld [tilespmem:s12+$0xFFFFFFFE];
	v8 =	vadd.f32 $9.999999960e-13, v8  }
0xb6: {  	v22 =	vld [tilespmem:s12+$0x0];
	v5 =	vadd.f32 v5, v26;
	v0 =	vmul.f32 v0, v56;
	v19 =	vadd.f32 $9.999999960e-13, v19  }
0xb7: {  	v26 =	vld [tilespmem:s7+$0x0];
	(v2sf) =	vpush v23, $0x0;
	v31 =	vshrl.u32 v8, $0x1;
	v57 =	vmul.f32 $5.000000000e-01, v8  }
0xb8: {  	v8 =	vld [tilespmem:s14+$0x90];
	v58 =	vsub.s32 $0x5F3759DF, v31;
	v31 =	vshrl.u32 v19, $0x1;
	v19 =	vmul.f32 $5.000000000e-01, v19  }
0xb9: {  	v39 =	vld [tilespmem:s14+$0xA0];
	v61 =	vperm.xlane v5, v9;
	v59 =	vmul.f32 v58, v57;
	v38 =	vsub.s32 $0x5F3759DF, v31  }
0xba: {  	v40 =	vld [tilespmem:s7+$0x20];
	v52 =	vadd.f32 v41, v49;
	v0 =	vadd.f32 v0, v21;
	v31 =	vmul.f32 v38, v19  }
0xbb: {  	v20 =	vmovc v35;
	(v2sf) =	vpush v22, $0x0;
	v37 =	vadd.f32 v5, v61;
	v5 =	vld [tilespmem:s7+$0x30];
	v35 =	vmul.f32 v58, v59  }
0xbc: {  	v21 =	vld [tilespmem:s14+$0xC0];
	(v2sf) =	vpush v6, $0x0;
	v26 =	vadd.f32 v28, v26;
	v46 =	vmul.f32 v38, v31  }
0xbd: {  	v28 =	vld [tilespmem:s7+$0x40];
	v8 =	vadd.f32 v8, v60;
	v35 =	vsub.f32 $1.500000000e+00, v35  }
0xbe: {  	v42 =	vld [tilespmem:s7+$0x60];
	v31 =	vadd.f32 v26, v27;
	v17 =	vsub.f32 $1.500000000e+00, v46  }
0xbf: {  	v23 =	vld [tilespmem:s14+$0xE0];
	v26 =	vadd.f32 v8, v63;
	v8 =	vadd.f32 v39, v40;
	v35 =	vmul.f32 v58, v35  }
0xc0: {  	v15 =	vmovc v34;
	v5 =	vadd.f32 v24, v5;
	v24 =	vmul.f32 v31, v31;
	v17 =	vmul.f32 v38, v17  }
0xc1: {  	v50 =	vmul.f32 v26, v26;
	v33 =	vadd.f32 v8, v15;
	v34 =	vmul.f32 v35, v57  }
0xc2: {  	v22 =	vld [tilespmem:s14+$0xF0];
	[tilespmem:s16+$0xB0] =	vst v0;
	v8 =	vadd.f32 v5, v18;
	v5 =	vadd.f32 v21, v28;
	v0 =	vmul.f32 v17, v19  }
0xc3: {  	v28 =	vld [tilespmem:s7+$0x70];
	v21 =	vadd.f32 v50, v24;
	v24 =	vmul.f32 v33, v33;
	v53 =	vmul.f32 v34, v35  }
0xc4: {  	v23 =	vadd.f32 v23, v42;
	v54 =	vld [tilespmem:$0xA440];
	v9 =	vadd.f32 v5, v44;
	v55 =	vmul.f32 v0, v17  }
0xc5: {  	v13 =	vmovc v12;
	v21 =	vadd.f32 v24, v21;
	v24 =	vmul.f32 v8, v8;
	v19 =	vsub.f32 $1.500000000e+00, v53  }
0xc6: {  	v3 =	vmul.f32 v13, v3;
	v25 =	vadd.f32 v23, v45;
	v23 =	vld [tilespmem:$0xA4C0];
	v38 =	vsub.f32 $1.500000000e+00, v55  }
0xc7: {  	v21 =	vadd.f32 v24, v21;
	v24 =	vmul.f32 v9, v9;
	v6 =	vmul.f32 v19, v35  }
0xc8: {  	v12 =	vadd.f32 v52, v20;
	v28 =	vadd.f32 v22, v28;
	v5 =	vmul.f32 v38, v17  }
0xc9: {  	v3 =	vmul.f32 v3, v54;
	v21 =	vadd.f32 v24, v21;
	v10 =	vmul.f32 v6, v10  }
0xca: {  	v24 =	vmul.f32 v12, v12;
	v0 =	vadd.f32 v28, v48;
	v11 =	vmul.f32 v5, v11  }
0xcb: {  	v47 =	vperm.xlane v37, v51;
	v3 =	vadd.f32 v3, v23;
	v10 =	vmul.f32 v10, v4  }
0xcc: {  	v56 =	vadd.f32 v24, v21;
	v24 =	vmul.f32 v25, v25;
	[tilespmem:$0x1FBE0] =	vst v0;
	v11 =	vmul.f32 v11, v4  }
0xcd: {  	v28 =	vadd.f32 v37, v47;
	[tilespmem:s16+$0xC0] =	vst v3;
	v3 =	vadd.f32 v10, v7  }
0xce: {  	v58 =	vmul.f32 v0, v0;
	v57 =	vadd.f32 v24, v56;
	v11 =	vadd.f32 v11, v7  }
0xcf: {  	v14 =	vmov v36;
	[tilespmem:s16+$0xFFFFFF00] =	vst v3  }
0xd0: {  	s18 =	spop (v2sf);
	v24 =	vperm.xlane v28, v14;
	v17 =	vadd.f32 v58, v57;
	[tilespmem:s16+$0xFFFFFF80] =	vst v11  }
0xd1: {  	s19 =	spop (v2sf);
	v0 =	vld [tilespmem:$0x1FFD0]  }
0xd2: {  	s20 =	spop (v2sf);
	v59 =	vadd.f32 v28, v24;
	v10 =	vperm.xlane v17, v62  }
0xd3: {  	s8 =	sshll.u32 s20, $0x9  }
0xd4: {  	s7 =	sshll.u32 s18, $0x9;
	s8 =	sshra.s32 s8, $0x2;
	v19 =	vmul.f32 $7.812500000e-03, v59;
	v3 =	vadd.f32 v17, v10  }
0xd5: {  	s21 =	sshra.s32 s7, $0x2;
	v35 =	vld [tilespmem:s8+$0x10]  }
0xd6: {  	s22 =	sshll.u32 s19, $0x9;
	v36 =	vld [tilespmem:s21+$0x0];
	v11 =	vadd.f32 $9.999999960e-13, v19;
	v17 =	vperm.xlane v3, v0  }
0xd7: {  	s7 =	sshra.s32 s22, $0x2;
	v37 =	vld [tilespmem:s21+$0x10]  }
0xd8: {  	v39 =	vld [tilespmem:s7+$0x0];
	v24 =	vshrl.u32 v11, $0x1;
	v11 =	vmul.f32 $5.000000000e-01, v11;
	v3 =	vadd.f32 v3, v17  }
0xd9: {  	v40 =	vld [tilespmem:s7+$0x10];
	v60 =	vsub.s32 $0x5F3759DF, v24  }
0xda: {  	v38 =	vld [tilespmem:s14+$0xFFFFFF00];
	v24 =	vmul.f32 v60, v11;
	v61 =	vperm.xlane v3, v51  }
0xdb: {  	v41 =	vld [tilespmem:s14+$0xFFFFFF10]  }
0xdc: {  	v43 =	vld [tilespmem:s14+$0xFFFFFF80];
	v24 =	vmul.f32 v60, v24;
	v3 =	vadd.f32 v3, v61  }
0xdd: {  	v46 =	vld [tilespmem:s14+$0xFFFFFF90]  }
0xde: {  	v42 =	vld [tilespmem:s14+$0x0];
	v24 =	vsub.f32 $1.500000000e+00, v24;
	v62 =	vperm.xlane v3, v14  }
0xdf: {  	v47 =	vld [tilespmem:s14+$0x10]  }
0xe0: {  	v49 =	vld [tilespmem:s8+$0x20];
	v17 =	vmul.f32 v60, v24;
	v3 =	vadd.f32 v3, v62  }
0xe1: {  	v50 =	vld [tilespmem:s21+$0x20]  }
0xe2: {  	v52 =	vld [tilespmem:s7+$0x20];
	v11 =	vmul.f32 v17, v11;
	v3 =	vmul.f32 $7.812500000e-03, v3  }
0xe3: {  	v53 =	vld [tilespmem:s14+$0xFFFFFF20]  }
0xe4: {  	v55 =	vld [tilespmem:s14+$0xFFFFFFA0];
	v11 =	vmul.f32 v11, v17;
	v3 =	vadd.f32 $9.999999960e-13, v3  }
0xe5: {  	v23 =	vld [tilespmem:$0xA450]  }
0xe6: {  	v56 =	vld [tilespmem:s14+$0x20];
	v11 =	vsub.f32 $1.500000000e+00, v11;
	v24 =	vshrl.u32 v3, $0x1;
	v3 =	vmul.f32 $5.000000000e-01, v3  }
0xe7: {  	v28 =	vld [tilespmem:$0xA4D0];
	v54 =	vsub.s32 $0x5F3759DF, v24  }
0xe8: {  	v57 =	vld [tilespmem:s8+$0x30];
	v24 =	vmul.f32 v11, v17;
	v11 =	vmul.f32 v54, v3  }
0xe9: {  	v58 =	vld [tilespmem:s21+$0x30]  }
0xea: {  	v34 =	vld [tilespmem:$0xA410];
	v2 =	vmul.f32 v24, v2;
	v11 =	vmul.f32 v54, v11  }
0xeb: {  	v19 =	vld [tilespmem:s8+$0x0]  }
0xec: {  	v1 =	vmul.f32 v13, v1;
	v10 =	vld [tilespmem:$0xA410];
	[tilespmem:$0x1FAF0] =	vst v13;
	v2 =	vmul.f32 v2, v4;
	v4 =	vsub.f32 $1.500000000e+00, v11  }
0xed: {  	v59 =	vld [tilespmem:s7+$0x30]  }
0xee: {  	v1 =	vmul.f32 v1, v23;
	v60 =	vld [tilespmem:s14+$0xFFFFFF30];
	v62 =	vadd.f32 v2, v7;
	v2 =	vmul.f32 v54, v4  }
0xef: {  	v61 =	vld [tilespmem:s14+$0xFFFFFFB0]  }
0xf0: {  	v11 =	vadd.f32 v1, v28;
	v1 =	vadd.f32 v38, v19;
	v38 =	vld [tilespmem:s8+$0x40];
	v3 =	vmul.f32 v2, v3  }
0xf1: {  	v19 =	vadd.f32 v46, v37;
	v37 =	vld [tilespmem:s7+$0x40];
	v4 =	vadd.f32 v41, v35  }
0xf2: {  	v7 =	vadd.f32 v43, v36;
	v54 =	vld [tilespmem:s14+$0x30];
	v3 =	vmul.f32 v3, v2  }
0xf3: {  	v21 =	vmovc v6;
	v6 =	vmov v5;
	v36 =	vadd.f32 v42, v39;
	v35 =	vld [tilespmem:s21+$0x40];
	v5 =	vadd.f32 v4, v63  }
0xf4: {  	v39 =	vadd.f32 v47, v40;
	v41 =	vld [tilespmem:s14+$0xFFFFFF40];
	[tilespmem:$0x1F970] =	vst v63;
	v3 =	vsub.f32 $1.500000000e+00, v3  }
0xf5: {  	v0 =	vmovc v63;
	v17 =	vmov v13;
	v13 =	vadd.f32 v1, v27;
	v1 =	vadd.f32 v19, v63;
	[tilespmem:$0x1F9A0] =	vst v5  }
0xf6: {  	v42 =	vld [tilespmem:s14+$0xFFFFFFC0];
	v2 =	vmul.f32 v3, v2;
	v3 =	vadd.f32 v39, v0  }
0xf7: {  	v46 =	vadd.f32 v53, v49;
	v53 =	vld [tilespmem:s14+$0x40];
	[tilespmem:$0x1F9B0] =	vst v1  }
0xf8: {  	v7 =	vadd.f32 v7, v27;
	v30 =	vadd.f32 v36, v27;
	v63 =	vld [tilespmem:s8+$0x50];
	[tilespmem:$0x1F9E0] =	vst v3  }
0xf9: {  	v4 =	vmul.f32 v13, v13;
	v47 =	vmul.f32 v5, v5;
	v0 =	vadd.f32 v46, v15;
	v5 =	vld [tilespmem:$0xA400]  }
0xfa: {  	v49 =	vmul.f32 v1, v1;
	v39 =	vmul.f32 v7, v7;
	v1 =	vld [tilespmem:s21+$0x50];
	[tilespmem:$0x1F980] =	vst v15  }
0xfb: {  	v43 =	vadd.f32 v55, v50;
	v40 =	vmul.f32 v30, v30;
	v36 =	vadd.f32 v47, v4;
	[tilespmem:$0x1FA00] =	vst v0  }
0xfc: {  	v47 =	vadd.f32 v56, v52;
	v19 =	vmul.f32 v3, v3;
	v39 =	vadd.f32 v49, v39;
	v4 =	vld [tilespmem:$0xA480]  }
0xfd: {  	v31 =	vmul.f32 v2, v31;
	v49 =	vadd.f32 v60, v57;
	v3 =	vadd.f32 v43, v15  }
0xfe: {  	v50 =	vmov v2;
	v2 =	vadd.f32 v47, v15;
	v55 =	vld [tilespmem:s7+$0x50];
	v52 =	vadd.f32 v19, v40  }
0xff: {  	v19 =	vmul.f32 v0, v0;
	v56 =	vld [tilespmem:s14+$0xFFFFFF50];
	[tilespmem:$0x1FA10] =	vst v3;
	v0 =	vadd.f32 v49, v18;
	v31 =	vmul.f32 v31, v5  }
0x100: {  	v54 =	vadd.f32 v54, v59;
	v46 =	vadd.f32 v61, v58;
	v57 =	vld [tilespmem:s14+$0xFFFFFFD0];
	[tilespmem:$0x1FA20] =	vst v2  }
0x101: {  	v36 =	vadd.f32 v19, v36;
	v60 =	vld [tilespmem:s14+$0x50];
	[tilespmem:$0x1FA30] =	vst v0;
	v31 =	vadd.f32 v31, v4  }
0x102: {  	s17 =	simm.s32 $0xEA80;
	v19 =	vmul.f32 v3, v3;
	v47 =	vmul.f32 v0, v0;
	v0 =	vadd.f32 v54, v18;
	v3 =	vld [tilespmem:s8+$0x60]  }
0x103: {  	v58 =	vld [tilespmem:s21+$0x60];
	[tilespmem:s17+$0x80] =	vst v31;
	v31 =	vmul.f32 v2, v2;
	v2 =	vadd.f32 v46, v18  }
0x104: {  	v61 =	vld [tilespmem:s7+$0x60];
	[tilespmem:$0x1FA60] =	vst v0  }
0x105: {  	[tilespmem:$0x1FA40] =	vst v2  }
0x106: {  	v39 =	vadd.f32 v19, v39;
	v19 =	vld [tilespmem:$0xA410];
	_ =	sdelay $0x1  }
0x107: {  	v36 =	vadd.f32 v47, v36;
	v47 =	vmul.f32 v0, v0;
	v0 =	vld [tilespmem:$0xA490]  }
0x108: {  	v26 =	vmul.f32 v50, v26  }
0x109: {  	v38 =	vadd.f32 v41, v38;
	v35 =	vadd.f32 v42, v35  }
0x10a: {  	v37 =	vadd.f32 v53, v37;
	v31 =	vadd.f32 v31, v52;
	v52 =	vld [tilespmem:s14+$0xFFFFFF60];
	v26 =	vmul.f32 v26, v19  }
0x10b: {  	v15 =	vadd.f32 v38, v44;
	v56 =	vadd.f32 v56, v63;
	v53 =	vld [tilespmem:s14+$0xFFFFFFE0]  }
0x10c: {  	v46 =	vmul.f32 v2, v2;
	v2 =	vld [tilespmem:s14+$0x60];
	v0 =	vadd.f32 v26, v0;
	v26 =	vadd.f32 v35, v44  }
0x10d: {  	v29 =	vmul.f32 v21, v29;
	v54 =	vld [tilespmem:s8+$0x70];
	[tilespmem:$0x1FA80] =	vst v15;
	v19 =	vadd.f32 v37, v44  }
0x10e: {  	v23 =	vadd.f32 v56, v20;
	v38 =	vld [tilespmem:s21+$0x70];
	[tilespmem:$0x1FA90] =	vst v26  }
0x10f: {  	v29 =	vmul.f32 v29, v34;
	v34 =	vld [tilespmem:s14+$0xFFFFFF70];
	[tilespmem:$0x1FB70] =	vst v19  }
0x110: {  	[tilespmem:$0x1FB30] =	vst v23  }
0x111: {  	[tilespmem:s17+$0x90] =	vst v0  }
0x112: {  	v1 =	vadd.f32 v57, v1;
	v0 =	vld [tilespmem:$0x1F8E0];
	_ =	sdelay $0x1  }
0x113: {  	v63 =	vmul.f32 v15, v15;
	v15 =	vadd.f32 v1, v20  }
0x114: {  	v49 =	vmov v18;
	v55 =	vadd.f32 v60, v55  }
0x115: {  	v39 =	vadd.f32 v46, v39;
	v31 =	vadd.f32 v47, v31;
	v18 =	vmul.f32 v19, v19;
	v37 =	vld [tilespmem:$0xA490];
	[tilespmem:$0x1FBA0] =	vst v15  }
0x116: {  	v40 =	vmovc v20;
	v3 =	vadd.f32 v52, v3;
	v1 =	vmul.f32 v26, v26;
	v20 =	vld [tilespmem:$0xA490];
	v0 =	vmul.f32 v6, v0  }
0x117: {  	v59 =	vmovc v44;
	v56 =	vmul.f32 v23, v23;
	v35 =	vadd.f32 v63, v36;
	v44 =	vadd.f32 v53, v58;
	v19 =	vld [tilespmem:$0xA420]  }
0x118: {  	v1 =	vadd.f32 v1, v39;
	v60 =	vld [tilespmem:s14+$0xFFFFFFF0];
	v0 =	vmul.f32 v0, v10;
	v10 =	vadd.f32 v18, v31  }
0x119: {  	v46 =	vmul.f32 v15, v15;
	v63 =	vld [tilespmem:$0xA4A0];
	v31 =	vadd.f32 v56, v35;
	v56 =	vadd.f32 v3, v45  }
0x11a: {  	v33 =	vmul.f32 v50, v33;
	v15 =	vadd.f32 v44, v45;
	v43 =	vld [tilespmem:s7+$0x70];
	[tilespmem:s16+$0x0] =	vst v62;
	v29 =	vadd.f32 v29, v37  }
0x11b: {  	v1 =	vadd.f32 v46, v1;
	v46 =	vld [tilespmem:s14+$0x70];
	v57 =	vadd.f32 v34, v54;
	[tilespmem:$0x1FB40] =	vst v56  }
0x11c: {  	v0 =	vadd.f32 v0, v20;
	v20 =	vmul.f32 v33, v19;
	[tilespmem:s16+$0xFFFFFF10] =	vst v29  }
0x11d: {  	v2 =	vadd.f32 v2, v61;
	v61 =	vadd.f32 v57, v48;
	v3 =	vld [tilespmem:$0xA410];
	[tilespmem:$0x1FBB0] =	vst v15  }
0x11e: {  	v52 =	vld [tilespmem:$0xA490];
	[tilespmem:s16+$0xFFFFFF90] =	vst v0;
	v0 =	vadd.f32 v20, v63  }
0x11f: {  	v58 =	vadd.f32 v60, v38;
	v60 =	vld [tilespmem:$0xA420];
	[tilespmem:$0x1FB50] =	vst v61  }
0x120: {  	[tilespmem:s17+$0xA0] =	vst v0  }
0x121: {  	v0 =	vld [tilespmem:$0x1F8F0];
	_ =	sdelay $0x4  }
0x122: {  	v62 =	vmul.f32 v15, v15;
	v15 =	vadd.f32 v58, v48;
	v0 =	vmul.f32 v24, v0  }
0x123: {  	v63 =	vld [tilespmem:$0xA420]  }
0x124: {  	[tilespmem:$0x1FBC0] =	vst v15;
	v0 =	vmul.f32 v0, v3;
	v3 =	vmul.f32 v15, v15;
	v15 =	vld [tilespmem:$0x1F910]  }
0x125: {  	v20 =	vmul.f32 v56, v56;
	v23 =	vld [tilespmem:$0x1F900];
	_ =	sdelay $0x1  }
0x126: {  	v20 =	vadd.f32 v20, v31;
	v31 =	vmul.f32 v61, v61  }
0x127: {  	v56 =	vld [tilespmem:$0xA4A0];
	[tilespmem:s16+$0xD0] =	vst v11  }
0x128: {  	v20 =	vadd.f32 v31, v20;
	v31 =	vmul.f32 v6, v15;
	v15 =	vld [tilespmem:$0x1FFC0]  }
0x129: {  	v22 =	vmov v27;
	v27 =	vmul.f32 v21, v23  }
0x12a: {  	v0 =	vadd.f32 v0, v52  }
0x12b: {  	v1 =	vadd.f32 v62, v1;
	v58 =	vld [tilespmem:$0xA4A0];
	v27 =	vmul.f32 v27, v60  }
0x12c: {  	v57 =	vld [tilespmem:$0xA430];
	[tilespmem:s16+$0x10] =	vst v0  }
0x12d: {  	v1 =	vadd.f32 v3, v1;
	v11 =	vadd.f32 v27, v56;
	v27 =	vperm.xlane v20, v15;
	v15 =	vld [tilespmem:$0x1FFC0]  }
0x12e: {  	v47 =	vmovc v6;
	v60 =	vld [tilespmem:$0xA4B0];
	v3 =	vmul.f32 v50, v8;
	v6 =	vadd.f32 v55, v40;
	v8 =	vmul.f32 v31, v63;
	_ =	sdelay $0x1  }
0x12f: {  	v61 =	vld [tilespmem:$0xA460];
	[tilespmem:$0x1FBF0] =	vst v6;
	v8 =	vadd.f32 v8, v58  }
0x130: {  	v0 =	vmul.f32 v3, v57;
	v3 =	vld [tilespmem:$0xA4E0];
	[tilespmem:s16+$0xFFFFFF20] =	vst v11;
	v11 =	vmul.f32 v6, v6  }
0x131: {  	v6 =	vadd.f32 v2, v45;
	[tilespmem:s16+$0xFFFFFFA0] =	vst v8;
	v20 =	vadd.f32 v20, v27;
	v27 =	vld [tilespmem:$0xA420];
	v31 =	vperm.xlane v1, v15  }
0x132: {  	v0 =	vadd.f32 v0, v60;
	v2 =	vld [tilespmem:$0x1FFD0]  }
0x133: {  	v1 =	vadd.f32 v1, v31;
	v31 =	vld [tilespmem:$0xA4A0];
	[tilespmem:$0x1FC00] =	vst v6  }
0x134: {  	v62 =	vld [tilespmem:$0xA430];
	[tilespmem:s17+$0xB0] =	vst v0  }
0x135: {  	v0 =	vld [tilespmem:$0x1F920];
	_ =	sdelay $0x3  }
0x136: {  	v10 =	vadd.f32 v11, v10;
	v11 =	vld [tilespmem:$0x1FFD0]  }
0x137: {  	v2 =	vperm.xlane v20, v2;
	v0 =	vmul.f32 v17, v0  }
0x138: {  	v39 =	vadd.f32 v46, v43  }
0x139: {  	v2 =	vadd.f32 v20, v2;
	v20 =	vmul.f32 v6, v6;
	v6 =	vld [tilespmem:$0x1F930];
	v0 =	vmul.f32 v0, v61  }
0x13a: {  	v15 =	vadd.f32 v39, v48  }
0x13b: {  	v11 =	vperm.xlane v1, v11;
	v0 =	vadd.f32 v0, v3  }
0x13c: {  	s12 =	simm.s32 $0xE58A;
	v63 =	vld [tilespmem:$0xA430];
	[tilespmem:$0x1FC10] =	vst v15  }
0x13d: {  	v1 =	vadd.f32 v1, v11;
	v11 =	vld [tilespmem:s12+$0x1];
	[tilespmem:s16+$0xE0] =	vst v0  }
0x13e: {  	v56 =	vmul.f32 v21, v6;
	v6 =	vld [tilespmem:$0x1F940];
	_ =	sdelay $0x3  }
0x13f: {  	v8 =	vmul.f32 v24, v32;
	v41 =	vld [tilespmem:$0xA440]  }
0x140: {  	(v2sf) =	vpush v11, $0x0;
	v11 =	vmul.f32 v47, v6;
	v6 =	vld [tilespmem:$0xA470]  }
0x141: {  	v8 =	vmul.f32 v8, v27;
	v27 =	vld [tilespmem:$0xA4C0]  }
0x142: {  	v3 =	vmul.f32 v50, v9;
	v9 =	vperm.xlane v1, v51;
	_ =	sdelay $0x1  }
0x143: {  	v28 =	vmovc v48;
	v48 =	vld [tilespmem:$0xA4B0];
	v0 =	vadd.f32 v1, v9;
	v1 =	vadd.f32 v8, v31;
	v3 =	vmul.f32 v3, v41  }
0x144: {  	v8 =	vld [tilespmem:$0xA4B0];
	[tilespmem:$0x1FB20] =	vst v6  }
0x145: {  	[tilespmem:s16+$0x20] =	vst v1;
	v1 =	vadd.f32 v3, v27;
	v3 =	vld [tilespmem:$0xA4F0];
	_ =	sdelay $0x3  }
0x146: {  	v10 =	vadd.f32 v20, v10;
	v20 =	vperm.xlane v2, v51  }
0x147: {  	v9 =	vmul.f32 v56, v62;
	[tilespmem:$0x1FEF0] =	vst v3;
	v3 =	vld [tilespmem:$0x1FFC0]  }
0x148: {  	v2 =	vadd.f32 v2, v20;
	v20 =	vperm.xlane v0, v14;
	v27 =	vld [tilespmem:$0xA430]  }
0x149: {  	v9 =	vadd.f32 v9, v48;
	[tilespmem:s17+$0xC0] =	vst v1;
	v1 =	vld [tilespmem:$0xA4B0]  }
0x14a: {  	v0 =	vadd.f32 v0, v20;
	v20 =	vld [tilespmem:s12+$0xFFFFFFFF]  }
0x14b: {  	v57 =	vperm.xlane v2, v14;
	v11 =	vmul.f32 v11, v63;
	[tilespmem:s16+$0xFFFFFF30] =	vst v9;
	v9 =	vld [tilespmem:$0xA450]  }
0x14c: {  	v58 =	vld [tilespmem:s12+$0x0]  }
0x14d: {  	v2 =	vadd.f32 v2, v57;
	v8 =	vadd.f32 v11, v8;
	v11 =	vld [tilespmem:$0xA4D0]  }
0x14e: {  	s6 =	simm.s32 $0x4500;
	v12 =	vmul.f32 v50, v12;
	v46 =	vmul.f32 v15, v15;
	v60 =	vld [tilespmem:s12+$0xFFFFFFFE]  }
0x14f: {  	v2 =	vmul.f32 $7.812500000e-03, v2;
	v0 =	vmul.f32 $7.812500000e-03, v0;
	[tilespmem:s16+$0xFFFFFFB0] =	vst v8;
	v41 =	vld [tilespmem:s6+$0x80]  }
0x150: {  	v10 =	vadd.f32 v46, v10;
	s14 =	spop (v2sf);
	v8 =	vld [tilespmem:$0x1FFD0];
	v9 =	vmul.f32 v12, v9  }
0x151: {  	v2 =	vadd.f32 $9.999999960e-13, v2;
	v0 =	vadd.f32 $9.999999960e-13, v0;
	s7 =	sshll.u32 s14, $0x9;
	v18 =	vld [tilespmem:$0xA440]  }
0x152: {  	s7 =	sshra.s32 s7, $0x2;
	v63 =	vld [tilespmem:$0xA4C0];
	v3 =	vperm.xlane v10, v3;
	v9 =	vadd.f32 v9, v11  }
0x153: {  	v31 =	vshrl.u32 v0, $0x1;
	v56 =	vld [tilespmem:s7+$0x0];
	v12 =	vshrl.u32 v2, $0x1;
	v2 =	vmul.f32 $5.000000000e-01, v2  }
0x154: {  	v0 =	vmul.f32 $5.000000000e-01, v0;
	v57 =	vld [tilespmem:s7+$0x10];
	v3 =	vadd.f32 v10, v3;
	v12 =	vsub.s32 $0x5F3759DF, v12;
	[tilespmem:s17+$0xD0] =	vst v9  }
0x155: {  	v11 =	vsub.s32 $0x5F3759DF, v31;
	v31 =	vmul.f32 v12, v2;
	v6 =	vld [tilespmem:$0x1F950]  }
0x156: {  	(v2sf) =	vpush v20, $0x0;
	v10 =	vld [tilespmem:$0xA440];
	v8 =	vperm.xlane v3, v8;
	v62 =	vmul.f32 v11, v0  }
0x157: {  	v16 =	vmul.f32 v24, v16;
	(v2sf) =	vpush v58, $0x0;
	v58 =	vld [tilespmem:s6+$0xB0];
	v9 =	vmul.f32 v12, v31  }
0x158: {  	(v2sf) =	vpush v60, $0x0;
	v60 =	vld [tilespmem:s7+$0x30];
	v3 =	vadd.f32 v3, v8;
	v34 =	vmul.f32 v11, v62  }
0x159: {  	v16 =	vmul.f32 v16, v27;
	v8 =	vld [tilespmem:$0xA4C0];
	v9 =	vsub.f32 $1.500000000e+00, v9  }
0x15a: {  	v61 =	vperm.xlane v3, v51;
	v44 =	vsub.f32 $1.500000000e+00, v34;
	v27 =	vmul.f32 v21, v6;
	v6 =	vld [tilespmem:$0x1F960]  }
0x15b: {  	v31 =	vld [tilespmem:s6+$0xC0];
	v9 =	vmul.f32 v12, v9  }
0x15c: {  	v37 =	vld [tilespmem:$0xA460];
	v3 =	vadd.f32 v3, v61;
	v11 =	vmul.f32 v11, v44  }
0x15d: {  	v38 =	vld [tilespmem:$0xA4E0];
	v2 =	vmul.f32 v9, v2  }
0x15e: {  	v12 =	vld [tilespmem:s6+$0x90];
	v39 =	vperm.xlane v3, v14;
	v0 =	vmul.f32 v11, v0  }
0x15f: {  	v1 =	vadd.f32 v16, v1;
	v61 =	vld [tilespmem:s6+$0xF0];
	v2 =	vmul.f32 v2, v9;
	v20 =	vmul.f32 v47, v6  }
0x160: {  	v10 =	vmul.f32 v27, v10;
	v27 =	vld [tilespmem:s6+$0xA0];
	v0 =	vmul.f32 v0, v11  }
0x161: {  	v35 =	vmovc v14;
	v14 =	vmul.f32 v50, v25;
	[tilespmem:s16+$0x30] =	vst v1;
	v2 =	vsub.f32 $1.500000000e+00, v2;
	v18 =	vmul.f32 v20, v18;
	v20 =	vld [tilespmem:s7+$0x20]  }
0x162: {  	v26 =	vmov v45;
	v45 =	vld [tilespmem:$0xA4C0];
	v3 =	vadd.f32 v3, v39;
	v0 =	vsub.f32 $1.500000000e+00, v0  }
0x163: {  	v8 =	vadd.f32 v10, v8;
	v10 =	vmul.f32 v14, v37;
	v37 =	vld [tilespmem:$0x1F970];
	v53 =	vmul.f32 v2, v9  }
0x164: {  	v14 =	vld [tilespmem:s7+$0x40];
	v3 =	vmul.f32 $7.812500000e-03, v3;
	v48 =	vmul.f32 v0, v11  }
0x165: {  	v2 =	vadd.f32 v41, v56;
	v9 =	vadd.f32 v12, v57;
	v12 =	vld [tilespmem:s6+$0xD0];
	v6 =	vmul.f32 v53, v13  }
0x166: {  	[tilespmem:s16+$0xFFFFFF40] =	vst v8;
	v3 =	vadd.f32 $9.999999960e-13, v3;
	v7 =	vmul.f32 v48, v7;
	v0 =	vadd.f32 v27, v20;
	v20 =	vld [tilespmem:s7+$0x50]  }
0x167: {  	v43 =	vld [tilespmem:$0xA450];
	v17 =	vadd.f32 v2, v22;
	v2 =	vadd.f32 v58, v60;
	v6 =	vmul.f32 v6, v5  }
0x168: {  	v41 =	vld [tilespmem:$0x1F980];
	v18 =	vadd.f32 v18, v63;
	v23 =	vadd.f32 v9, v37;
	v7 =	vmul.f32 v7, v5  }
0x169: {  	v9 =	vld [tilespmem:$0xA440];
	v8 =	vadd.f32 v31, v14;
	v6 =	vadd.f32 v6, v4  }
0x16a: {  	v31 =	vld [tilespmem:s6+$0xE0];
	v39 =	vadd.f32 v2, v49;
	[tilespmem:s16+$0xFFFFFFC0] =	vst v18;
	v62 =	vadd.f32 v7, v4  }
0x16b: {  	v2 =	vld [tilespmem:s7+$0x70];
	v7 =	vadd.f32 v8, v59;
	[tilespmem:s17+$0xFFFFFF00] =	vst v6;
	v12 =	vadd.f32 v12, v20  }
0x16c: {  	v1 =	vadd.f32 v10, v38;
	v34 =	vld [tilespmem:$0xA450];
	v6 =	vshrl.u32 v3, $0x1;
	[tilespmem:s17+$0xFFFFFF80] =	vst v62  }
0x16d: {  	v63 =	vsub.s32 $0x5F3759DF, v6;
	v20 =	vld [tilespmem:s7+$0x60];
	[tilespmem:$0x1FA70] =	vst v7;
	v6 =	vadd.f32 v12, v40  }
0x16e: {  	v19 =	vld [tilespmem:$0xA410];
	[tilespmem:s17+$0xE0] =	vst v1  }
0x16f: {  	v32 =	vld [tilespmem:$0xA410];
	[tilespmem:$0x1FAA0] =	vst v6  }
0x170: {  	v38 =	vadd.f32 v0, v41;
	v0 =	vld [tilespmem:$0xA470]  }
0x171: {  	v14 =	vmul.f32 v17, v17;
	v27 =	vmul.f32 v23, v23;
	_ =	sdelay $0x1  }
0x172: {  	v14 =	vadd.f32 v27, v14;
	v27 =	vmul.f32 v38, v38;
	_ =	sdelay $0x1  }
0x173: {  	v8 =	vmul.f32 v39, v39;
	v3 =	vmul.f32 $5.000000000e-01, v3;
	v14 =	vadd.f32 v27, v14;
	[tilespmem:$0x1FC30] =	vst v0  }
0x174: {  	v20 =	vadd.f32 v31, v20;
	v0 =	vld [tilespmem:$0xA4F0]  }
0x175: {  	s18 =	spop (v2sf);
	v12 =	vmul.f32 v7, v7;
	v8 =	vadd.f32 v8, v14;
	v31 =	vmul.f32 v63, v3  }
0x176: {  	s19 =	spop (v2sf);
	v1 =	vadd.f32 v20, v26  }
0x177: {  	s20 =	spop (v2sf);
	v8 =	vadd.f32 v12, v8;
	v14 =	vmul.f32 v63, v31;
	v31 =	vmul.f32 v6, v6  }
0x178: {  	s8 =	sshll.u32 s20, $0x9;
	v2 =	vadd.f32 v61, v2;
	[tilespmem:$0x1FB80] =	vst v1  }
0x179: {  	s8 =	sshra.s32 s8, $0x2;
	v8 =	vadd.f32 v31, v8;
	v31 =	vmul.f32 v1, v1;
	v1 =	vld [tilespmem:$0x1F990];
	[tilespmem:$0x1FF20] =	vst v0  }
0x17a: {  	v14 =	vsub.f32 $1.500000000e+00, v14;
	v0 =	vadd.f32 v2, v28;
	v20 =	vld [tilespmem:s8+$0x0]  }
0x17b: {  	v36 =	vmov v51;
	s7 =	sshll.u32 s18, $0x9;
	v51 =	vld [tilespmem:s8+$0x10]  }
0x17c: {  	s21 =	sshra.s32 s7, $0x2;
	v14 =	vmul.f32 v63, v14;
	[tilespmem:$0x1FF10] =	vst v0;
	v16 =	vmul.f32 v0, v0;
	v0 =	vld [tilespmem:$0x1FFC0]  }
0x17d: {  	s22 =	sshll.u32 s19, $0x9;
	v8 =	vadd.f32 v31, v8;
	v2 =	vld [tilespmem:s21+$0x0]  }
0x17e: {  	s7 =	sshra.s32 s22, $0x2;
	v3 =	vmul.f32 v14, v3;
	v18 =	vld [tilespmem:s21+$0x10]  }
0x17f: {  	v31 =	vld [tilespmem:s7+$0x0];
	v8 =	vadd.f32 v16, v8  }
0x180: {  	v3 =	vmul.f32 v3, v14;
	v55 =	vld [tilespmem:s7+$0x10]  }
0x181: {  	v44 =	vperm.xlane v8, v0;
	v0 =	vld [tilespmem:$0x1FFD0]  }
0x182: {  	v3 =	vsub.f32 $1.500000000e+00, v3;
	v52 =	vld [tilespmem:s6+$0xFFFFFF00]  }
0x183: {  	v54 =	vld [tilespmem:s6+$0xFFFFFF10]  }
0x184: {  	v33 =	vld [tilespmem:s6+$0xFFFFFF80];
	v25 =	vmul.f32 v3, v14;
	v8 =	vadd.f32 v8, v44  }
0x185: {  	v46 =	vld [tilespmem:s6+$0xFFFFFF90]  }
0x186: {  	v57 =	vld [tilespmem:s6+$0x0];
	v13 =	vmul.f32 v25, v30;
	v3 =	vperm.xlane v8, v0  }
0x187: {  	v60 =	vld [tilespmem:s6+$0x10]  }
0x188: {  	v61 =	vld [tilespmem:s8+$0x20];
	v5 =	vmul.f32 v13, v5;
	v3 =	vadd.f32 v8, v3  }
0x189: {  	v62 =	vld [tilespmem:s21+$0x20]  }
0x18a: {  	v42 =	vmov v21;
	v15 =	vld [tilespmem:s7+$0x20];
	v21 =	vadd.f32 v5, v4;
	v0 =	vperm.xlane v3, v36  }
0x18b: {  	v63 =	vld [tilespmem:s6+$0xFFFFFFA0];
	v4 =	vadd.f32 v52, v20;
	v20 =	vadd.f32 v54, v51  }
0x18c: {  	v12 =	vld [tilespmem:s6+$0x20];
	v18 =	vadd.f32 v46, v18;
	v0 =	vadd.f32 v3, v0  }
0x18d: {  	v29 =	vld [tilespmem:s8+$0x30];
	v30 =	vmul.f32 v24, v1;
	v16 =	vadd.f32 v33, v2;
	v2 =	vadd.f32 v20, v37  }
0x18e: {  	v13 =	vld [tilespmem:s6+$0xFFFFFF20];
	v1 =	vadd.f32 v18, v37;
	v27 =	vadd.f32 v4, v22;
	v4 =	vperm.xlane v0, v35  }
0x18f: {  	v56 =	vld [tilespmem:s21+$0x30];
	[tilespmem:$0x1FC40] =	vst v2  }
0x190: {  	v9 =	vmul.f32 v30, v9;
	v44 =	vmov v22;
	v22 =	vld [tilespmem:s7+$0x30];
	[tilespmem:$0x1FC60] =	vst v1;
	v0 =	vadd.f32 v0, v4  }
0x191: {  	v46 =	vadd.f32 v63, v62;
	v30 =	vadd.f32 v16, v44;
	v20 =	vld [tilespmem:s6+$0xFFFFFF30]  }
0x192: {  	v45 =	vadd.f32 v9, v45;
	v33 =	vmul.f32 v1, v1;
	v58 =	vld [tilespmem:s6+$0xFFFFFFB0];
	v0 =	vmul.f32 $7.812500000e-03, v0  }
0x193: {  	v16 =	vadd.f32 v57, v31;
	v13 =	vadd.f32 v13, v61;
	v9 =	vmul.f32 v30, v30;
	v1 =	vld [tilespmem:s8+$0x40]  }
0x194: {  	v52 =	vmul.f32 v2, v2;
	v2 =	vadd.f32 v46, v41;
	v31 =	vld [tilespmem:s6+$0xFFFFFF40];
	v0 =	vadd.f32 $9.999999960e-13, v0  }
0x195: {  	v5 =	vadd.f32 v13, v41;
	v9 =	vadd.f32 v33, v9;
	v4 =	vmul.f32 v27, v27  }
0x196: {  	v51 =	vld [tilespmem:s6+$0xFFFFFFC0];
	v20 =	vadd.f32 v20, v29;
	v18 =	vshrl.u32 v0, $0x1;
	v3 =	vmul.f32 $5.000000000e-01, v0  }
0x197: {  	v29 =	vadd.f32 v58, v56;
	v4 =	vadd.f32 v52, v4;
	v52 =	vld [tilespmem:s21+$0x40];
	[tilespmem:$0x1FC80] =	vst v5;
	v56 =	vsub.s32 $0x5F3759DF, v18  }
0x198: {  	v33 =	vmul.f32 v5, v5;
	v5 =	vadd.f32 v20, v49;
	v13 =	vld [tilespmem:s8+$0x50];
	v0 =	vmul.f32 v56, v3  }
0x199: {  	v1 =	vadd.f32 v31, v1;
	v58 =	vld [tilespmem:s21+$0x50];
	[tilespmem:$0x1FCF0] =	vst v2  }
0x19a: {  	v7 =	vadd.f32 v29, v49;
	v62 =	vld [tilespmem:s6+$0xFFFFFF50];
	[tilespmem:$0x1FC90] =	vst v5;
	v0 =	vmul.f32 v56, v0  }
0x19b: {  	v63 =	vadd.f32 v1, v59;
	v4 =	vadd.f32 v33, v4;
	v1 =	vmul.f32 v5, v5;
	v20 =	vld [tilespmem:s6+$0xFFFFFFD0]  }
0x19c: {  	v33 =	vmov v49;
	v49 =	vmul.f32 v7, v7;
	[tilespmem:$0x1FD00] =	vst v7;
	v7 =	vld [tilespmem:$0x1F9A0];
	v0 =	vsub.f32 $1.500000000e+00, v0  }
0x19d: {  	v5 =	vld [tilespmem:s21+$0x60];
	v1 =	vadd.f32 v1, v4;
	v4 =	vmul.f32 v63, v63  }
0x19e: {  	v46 =	vmul.f32 v2, v2;
	v2 =	vld [tilespmem:s6+$0xFFFFFFE0];
	v52 =	vadd.f32 v51, v52;
	v0 =	vmul.f32 v56, v0  }
0x19f: {  	v6 =	vld [tilespmem:s8+$0x60];
	v1 =	vadd.f32 v4, v1;
	v4 =	vadd.f32 v62, v13  }
0x1a0: {  	v57 =	vld [tilespmem:s6+$0xFFFFFF60];
	v10 =	vadd.f32 v52, v59;
	v20 =	vadd.f32 v20, v58;
	v3 =	vmul.f32 v0, v3  }
0x1a1: {  	v8 =	vadd.f32 v60, v55;
	v9 =	vadd.f32 v46, v9;
	v11 =	vld [tilespmem:s6+$0x30];
	v46 =	vmul.f32 v53, v7  }
0x1a2: {  	v13 =	vld [tilespmem:s7+$0x40];
	[tilespmem:$0x1FD10] =	vst v10;
	v60 =	vadd.f32 v4, v40;
	v4 =	vadd.f32 v20, v40;
	v3 =	vmul.f32 v3, v0  }
0x1a3: {  	v9 =	vadd.f32 v49, v9;
	v2 =	vadd.f32 v2, v5;
	v49 =	vld [tilespmem:s6+$0x40]  }
0x1a4: {  	v19 =	vmul.f32 v46, v19;
	v7 =	vld [tilespmem:s8+$0x70];
	[tilespmem:$0x1FD20] =	vst v4;
	v46 =	vsub.f32 $1.500000000e+00, v3  }
0x1a5: {  	v5 =	vmul.f32 v10, v10;
	v10 =	vadd.f32 v2, v26;
	v51 =	vld [tilespmem:s21+$0x70]  }
0x1a6: {  	v6 =	vadd.f32 v57, v6;
	v61 =	vmul.f32 v46, v0;
	v0 =	vld [tilespmem:$0x1F9C0]  }
0x1a7: {  	v5 =	vadd.f32 v5, v9;
	v2 =	vmul.f32 v4, v4;
	v52 =	vld [tilespmem:s6+$0xFFFFFF70];
	[tilespmem:$0x1FD30] =	vst v10  }
0x1a8: {  	v54 =	vadd.f32 v6, v26;
	v6 =	vmul.f32 v60, v60;
	v9 =	vld [tilespmem:s6+$0xFFFFFFF0]  }
0x1a9: {  	v4 =	vadd.f32 v2, v5;
	v2 =	vld [tilespmem:$0x1F9B0]  }
0x1aa: {  	v6 =	vadd.f32 v6, v1;
	v1 =	vmul.f32 v54, v54;
	v18 =	vld [tilespmem:$0xA400]  }
0x1ab: {  	v12 =	vadd.f32 v12, v15;
	v15 =	vmul.f32 v42, v0;
	v0 =	vld [tilespmem:$0x1F9D0]  }
0x1ac: {  	v5 =	vadd.f32 v1, v6  }
0x1ad: {  	v20 =	vld [tilespmem:$0xA480];
	v3 =	vmul.f32 v10, v10;
	v1 =	vadd.f32 v52, v7;
	v7 =	vadd.f32 v9, v51  }
0x1ae: {  	v62 =	vld [tilespmem:s7+$0x50];
	v17 =	vmul.f32 v61, v17  }
0x1af: {  	v10 =	vld [tilespmem:s6+$0x50];
	v2 =	vmul.f32 v48, v2;
	v3 =	vadd.f32 v3, v4;
	[tilespmem:s17+$0x0] =	vst v21;
	v21 =	vadd.f32 v7, v28  }
0x1b0: {  	v4 =	vld [tilespmem:s6+$0x60];
	v7 =	vmul.f32 v17, v18;
	v58 =	vmul.f32 v47, v0;
	v0 =	vadd.f32 v8, v37  }
0x1b1: {  	v14 =	vadd.f32 v12, v41;
	v6 =	vmul.f32 v2, v32;
	v32 =	vld [tilespmem:s7+$0x60];
	[tilespmem:$0x1FD60] =	vst v21  }
0x1b2: {  	v7 =	vadd.f32 v7, v20;
	[tilespmem:$0x1FD90] =	vst v0  }
0x1b3: {  	s18 =	simm.s32 $0xEC80;
	v8 =	vld [tilespmem:s7+$0x70];
	[tilespmem:$0x1FDB0] =	vst v14  }
0x1b4: {  	v56 =	vadd.f32 v1, v28;
	v1 =	vmul.f32 v0, v0;
	v0 =	vmul.f32 v21, v21;
	[tilespmem:s18+$0x80] =	vst v7  }
0x1b5: {  	[tilespmem:s16+$0x40] =	vst v45  }
0x1b6: {  	v0 =	vadd.f32 v0, v3;
	v3 =	vmul.f32 v14, v14;
	v14 =	vld [tilespmem:$0x1FFC0]  }
0x1b7: {  	v51 =	vmul.f32 v56, v56;
	_ =	sdelay $0x1  }
0x1b8: {  	v46 =	vadd.f32 v16, v44;
	v5 =	vadd.f32 v51, v5;
	v16 =	vld [tilespmem:$0xA410]  }
0x1b9: {  	v2 =	vld [tilespmem:$0xA490]  }
0x1ba: {  	v29 =	vmov v28;
	v28 =	vperm.xlane v5, v14;
	v14 =	vld [tilespmem:$0x1FFC0]  }
0x1bb: {  	v52 =	vmov v44;
	v12 =	vmul.f32 v46, v46;
	v44 =	vld [tilespmem:$0xA490]  }
0x1bc: {  	v7 =	vld [tilespmem:$0xA490]  }
0x1bd: {  	v1 =	vadd.f32 v1, v12;
	v12 =	vld [tilespmem:$0x1F9E0]  }
0x1be: {  	v11 =	vadd.f32 v11, v22;
	v9 =	vmov v47;
	v47 =	vld [tilespmem:$0xA410]  }
0x1bf: {  	v22 =	vperm.xlane v0, v14;
	v14 =	vld [tilespmem:$0x1FFD0]  }
0x1c0: {  	v13 =	vadd.f32 v49, v13;
	v51 =	vmul.f32 v61, v23;
	v23 =	vadd.f32 v11, v33;
	v49 =	vld [tilespmem:$0xA490]  }
0x1c1: {  	v1 =	vadd.f32 v3, v1;
	v3 =	vld [tilespmem:$0xA450];
	v2 =	vadd.f32 v19, v2  }
0x1c2: {  	v5 =	vadd.f32 v5, v28;
	v0 =	vadd.f32 v0, v22;
	v22 =	vld [tilespmem:$0xA4D0];
	[tilespmem:$0x1FDC0] =	vst v23  }
0x1c3: {  	[tilespmem:s17+$0xFFFFFF10] =	vst v2  }
0x1c4: {  	v21 =	vmul.f32 v58, v34;
	v58 =	vperm.xlane v5, v14;
	v14 =	vld [tilespmem:$0x1FFD0];
	_ =	sdelay $0x1  }
0x1c5: {  	v12 =	vmul.f32 v25, v12;
	_ =	sdelay $0x1  }
0x1c6: {  	v6 =	vadd.f32 v6, v44;
	v12 =	vmul.f32 v12, v16  }
0x1c7: {  	v34 =	vperm.xlane v0, v14;
	v14 =	vadd.f32 v13, v59  }
0x1c8: {  	v11 =	vld [tilespmem:$0xA4D0];
	v2 =	vadd.f32 v12, v7;
	v7 =	vmul.f32 v51, v47;
	[tilespmem:s17+$0xFFFFFF90] =	vst v6  }
0x1c9: {  	v12 =	vld [tilespmem:$0xA4D0];
	[tilespmem:$0x1FDD0] =	vst v14  }
0x1ca: {  	[tilespmem:s17+$0x10] =	vst v2;
	v2 =	vadd.f32 v7, v49  }
0x1cb: {  	v7 =	vld [tilespmem:$0x1F9F0]  }
0x1cc: {  	v10 =	vadd.f32 v10, v62;
	v62 =	vld [tilespmem:$0x1FFC0];
	[tilespmem:s18+$0x90] =	vst v2  }
0x1cd: {  	v0 =	vadd.f32 v0, v34;
	v2 =	vld [tilespmem:$0x1FA00]  }
0x1ce: {  	v6 =	vmul.f32 v23, v23  }
0x1cf: {  	v13 =	vld [tilespmem:$0xA420];
	v28 =	vperm.xlane v0, v36  }
0x1d0: {  	v15 =	vmul.f32 v15, v43;
	v1 =	vadd.f32 v6, v1;
	v43 =	vld [tilespmem:$0xA420];
	v7 =	vmul.f32 v24, v7  }
0x1d1: {  	v11 =	vadd.f32 v21, v11;
	v6 =	vmul.f32 v14, v14;
	v0 =	vadd.f32 v0, v28;
	v14 =	vld [tilespmem:$0x1FA10]  }
0x1d2: {  	v57 =	vmovc v26;
	v23 =	vld [tilespmem:$0xA4A0];
	v2 =	vmul.f32 v53, v2;
	v3 =	vmul.f32 v7, v3;
	v7 =	vadd.f32 v15, v22  }
0x1d3: {  	v5 =	vadd.f32 v5, v58;
	v1 =	vadd.f32 v6, v1;
	v6 =	vld [tilespmem:$0xA420];
	[tilespmem:s16+$0xFFFFFFD0] =	vst v11;
	v26 =	vperm.xlane v0, v35  }
0x1d4: {  	v2 =	vmul.f32 v2, v13;
	v13 =	vld [tilespmem:$0xA4A0];
	[tilespmem:s16+$0xFFFFFF50] =	vst v7  }
0x1d5: {  	v51 =	vperm.xlane v5, v36;
	v11 =	vadd.f32 v0, v26;
	v0 =	vld [tilespmem:$0x1FA20]  }
0x1d6: {  	v15 =	vmul.f32 v48, v14  }
0x1d7: {  	v5 =	vadd.f32 v5, v51;
	v49 =	vld [tilespmem:$0xA420]  }
0x1d8: {  	v21 =	vld [tilespmem:$0xA4A0];
	v3 =	vadd.f32 v3, v12;
	v12 =	vmul.f32 v61, v38;
	v7 =	vmul.f32 v15, v43  }
0x1d9: {  	v19 =	vperm.xlane v5, v35;
	v22 =	vld [tilespmem:s6+$0x70];
	v2 =	vadd.f32 v2, v23  }
0x1da: {  	v15 =	vld [tilespmem:$0xA4A0];
	v6 =	vmul.f32 v12, v6;
	[tilespmem:s16+$0x50] =	vst v3;
	v3 =	vadd.f32 v7, v13;
	v12 =	vmul.f32 v25, v0  }
0x1db: {  	v5 =	vadd.f32 v5, v19;
	v58 =	vld [tilespmem:$0xA460];
	[tilespmem:s17+$0xFFFFFF20] =	vst v2  }
0x1dc: {  	v0 =	vld [tilespmem:$0xA460];
	[tilespmem:s17+$0xFFFFFFA0] =	vst v3;
	v7 =	vmul.f32 v12, v49;
	v12 =	vadd.f32 v10, v40  }
0x1dd: {  	v5 =	vmul.f32 $7.812500000e-03, v5;
	v10 =	vld [tilespmem:$0x1FA30]  }
0x1de: {  	v49 =	vld [tilespmem:$0xA460];
	[tilespmem:$0x1FE00] =	vst v12  }
0x1df: {  	v3 =	vadd.f32 $9.999999960e-13, v5;
	v5 =	vld [tilespmem:$0xA430];
	_ =	sdelay $0x1  }
0x1e0: {  	v13 =	vld [tilespmem:$0xA4B0]  }
0x1e1: {  	v2 =	vadd.f32 v6, v21;
	v10 =	vmul.f32 v53, v10  }
0x1e2: {  	v7 =	vadd.f32 v7, v15  }
0x1e3: {  	[tilespmem:s18+$0xA0] =	vst v2;
	v5 =	vmul.f32 v10, v5  }
0x1e4: {  	v4 =	vadd.f32 v4, v32;
	v6 =	vmul.f32 $7.812500000e-03, v11;
	v11 =	vld [tilespmem:$0xA430];
	[tilespmem:s17+$0x20] =	vst v7  }
0x1e5: {  	v12 =	vmul.f32 v12, v12;
	v5 =	vadd.f32 v5, v13;
	v13 =	vld [tilespmem:$0x1FA40]  }
0x1e6: {  	v26 =	vadd.f32 v4, v57;
	v15 =	vld [tilespmem:$0xA430]  }
0x1e7: {  	v1 =	vadd.f32 v12, v1;
	v12 =	vld [tilespmem:$0xA430]  }
0x1e8: {  	v8 =	vadd.f32 v22, v8;
	v10 =	vld [tilespmem:$0xA4B0];
	[tilespmem:$0x1FE20] =	vst v26  }
0x1e9: {  	v4 =	vmul.f32 v61, v39;
	v38 =	vmul.f32 v26, v26;
	v21 =	vld [tilespmem:$0xA4B0]  }
0x1ea: {  	v39 =	vadd.f32 v8, v29;
	v6 =	vadd.f32 $9.999999960e-13, v6;
	v13 =	vmul.f32 v48, v13  }
0x1eb: {  	v2 =	vshrl.u32 v3, $0x1;
	v3 =	vmul.f32 $5.000000000e-01, v3;
	v4 =	vmul.f32 v4, v15  }
0x1ec: {  	v2 =	vsub.s32 $0x5F3759DF, v2;
	v7 =	vshrl.u32 v6, $0x1;
	v23 =	vld [tilespmem:$0xA4B0];
	v11 =	vmul.f32 v13, v11  }
0x1ed: {  	v6 =	vmul.f32 $5.000000000e-01, v6;
	v32 =	vmul.f32 v2, v3;
	v26 =	vld [tilespmem:$0xA4E0];
	[tilespmem:$0x1FE40] =	vst v39;
	v4 =	vadd.f32 v4, v10  }
0x1ee: {  	v7 =	vsub.s32 $0x5F3759DF, v7;
	[tilespmem:s17+$0xFFFFFF30] =	vst v5;
	v10 =	vadd.f32 v11, v21  }
0x1ef: {  	v34 =	vmul.f32 v7, v6;
	v17 =	vmul.f32 v2, v32;
	[tilespmem:s18+$0xB0] =	vst v4  }
0x1f0: {  	[tilespmem:s17+$0xFFFFFFB0] =	vst v10  }
0x1f1: {  	v22 =	vmul.f32 v7, v34;
	v15 =	vsub.f32 $1.500000000e+00, v17;
	v10 =	vld [tilespmem:$0x1FA60];
	_ =	sdelay $0x1  }
0x1f2: {  	v8 =	vsub.f32 $1.500000000e+00, v22;
	v2 =	vmul.f32 v2, v15;
	_ =	sdelay $0x1  }
0x1f3: {  	v5 =	vmul.f32 v7, v8;
	v3 =	vmul.f32 v2, v3  }
0x1f4: {  	v1 =	vadd.f32 v38, v1;
	v43 =	vld [tilespmem:$0xA4E0];
	v7 =	vmul.f32 v39, v39;
	v10 =	vmul.f32 v25, v10  }
0x1f5: {  	v19 =	vld [tilespmem:$0xA4E0];
	v3 =	vmul.f32 v3, v2  }
0x1f6: {  	s8 =	simm.s32 $0xE58E;
	v1 =	vadd.f32 v7, v1;
	v7 =	vld [tilespmem:$0x1FA50];
	v10 =	vmul.f32 v10, v12  }
0x1f7: {  	v13 =	vld [tilespmem:s8+$0x1];
	v3 =	vsub.f32 $1.500000000e+00, v3  }
0x1f8: {  	v15 =	vld [tilespmem:$0xA4C0];
	v51 =	vadd.f32 v10, v23  }
0x1f9: {  	v6 =	vmul.f32 v5, v6;
	v47 =	vmul.f32 v3, v2;
	v2 =	vld [tilespmem:$0x1FA80]  }
0x1fa: {  	v12 =	vld [tilespmem:$0x1FA70];
	[tilespmem:s17+$0x30] =	vst v51  }
0x1fb: {  	v6 =	vmul.f32 v6, v5;
	v7 =	vmul.f32 v42, v7;
	v3 =	vld [tilespmem:$0x1FA90]  }
0x1fc: {  	v8 =	vld [tilespmem:$0xA440];
	(v2sf) =	vpush v13, $0x0  }
0x1fd: {  	v6 =	vsub.f32 $1.500000000e+00, v6;
	v11 =	vld [tilespmem:$0xA440];
	v7 =	vmul.f32 v58, v7  }
0x1fe: {  	v4 =	vld [tilespmem:$0xA440]  }
0x1ff: {  	v55 =	vmov v40;
	v40 =	vld [tilespmem:$0xA4C0];
	v10 =	vmul.f32 v6, v5;
	v6 =	vadd.f32 v26, v7  }
0x200: {  	v5 =	vld [tilespmem:$0xA4C0];
	v12 =	vmul.f32 v61, v12;
	v7 =	vmul.f32 v48, v3  }
0x201: {  	v13 =	vperm.xlane v1, v62;
	v2 =	vmul.f32 v53, v2;
	v3 =	vld [tilespmem:$0x1FFD0];
	[tilespmem:s16+$0xFFFFFF60] =	vst v6  }
0x202: {  	v8 =	vmul.f32 v12, v8;
	v6 =	vmul.f32 v7, v11;
	v11 =	vld [tilespmem:$0xA470]  }
0x203: {  	v21 =	vld [tilespmem:s8+$0xFFFFFFFE];
	v32 =	vmul.f32 v47, v27  }
0x204: {  	v1 =	vadd.f32 v1, v13;
	v13 =	vld [tilespmem:s8+$0xFFFFFFFF];
	v4 =	vmul.f32 v2, v4;
	v8 =	vadd.f32 v8, v40  }
0x205: {  	v2 =	vld [tilespmem:$0xA4C0];
	v7 =	vmul.f32 v10, v30  }
0x206: {  	v4 =	vadd.f32 v4, v15;
	v12 =	vld [tilespmem:s8+$0x0];
	[tilespmem:s18+$0xC0] =	vst v8;
	v8 =	vmul.f32 v32, v18;
	v58 =	vperm.xlane v1, v3  }
0x207: {  	v5 =	vadd.f32 v6, v5;
	v6 =	vmul.f32 v7, v18;
	v3 =	vld [tilespmem:$0xA440];
	[tilespmem:$0x1FE60] =	vst v11  }
0x208: {  	v1 =	vadd.f32 v1, v58;
	[tilespmem:s17+$0xFFFFFF40] =	vst v4;
	v4 =	vadd.f32 v8, v20  }
0x209: {  	[tilespmem:s17+$0xFFFFFFC0] =	vst v5;
	v5 =	vadd.f32 v6, v20  }
0x20a: {  	v7 =	vperm.xlane v1, v36;
	[tilespmem:s18+$0xFFFFFF00] =	vst v4  }
0x20b: {  	s11 =	spop (v2sf);
	v11 =	vld [tilespmem:$0xA450];
	[tilespmem:s18+$0xFFFFFF80] =	vst v5  }
0x20c: {  	s6 =	sshll.u32 s11, $0x9;
	v1 =	vadd.f32 v1, v7;
	v7 =	vld [tilespmem:$0x1FAA0]  }
0x20d: {  	s6 =	sshra.s32 s6, $0x2;
	v8 =	vld [tilespmem:$0xA4D0]  }
0x20e: {  	(v2sf) =	vpush v13, $0x0;
	v6 =	vld [tilespmem:s6+$0x0]  }
0x20f: {  	s20 =	simm.s32 $0x4700;
	(v2sf) =	vpush v12, $0x0;
	v12 =	vld [tilespmem:s6+$0x10]  }
0x210: {  	v15 =	vld [tilespmem:s20+$0xD0]  }
0x211: {  	v5 =	vld [tilespmem:s20+$0x90];
	v7 =	vmul.f32 v61, v7  }
0x212: {  	v34 =	vld [tilespmem:s6+$0x20]  }
0x213: {  	(v2sf) =	vpush v21, $0x0;
	v21 =	vld [tilespmem:s20+$0xC0];
	v7 =	vmul.f32 v7, v11  }
0x214: {  	v44 =	vld [tilespmem:$0xA450]  }
0x215: {  	v51 =	vld [tilespmem:$0xA450];
	v4 =	vperm.xlane v1, v35;
	v7 =	vadd.f32 v7, v8  }
0x216: {  	v40 =	vld [tilespmem:$0xA410];
	v5 =	vadd.f32 v5, v12  }
0x217: {  	v1 =	vadd.f32 v1, v4;
	v4 =	vld [tilespmem:s20+$0x80];
	[tilespmem:s18+$0xD0] =	vst v7  }
0x218: {  	v14 =	vadd.f32 v5, v37;
	v5 =	vld [tilespmem:$0x1FAB0]  }
0x219: {  	v11 =	vld [tilespmem:s20+$0xA0]  }
0x21a: {  	v7 =	vld [tilespmem:$0x1FAC0]  }
0x21b: {  	v32 =	vld [tilespmem:$0xA410]  }
0x21c: {  	v31 =	vmov v35;
	v35 =	vld [tilespmem:s20+$0xB0];
	v4 =	vadd.f32 v4, v6  }
0x21d: {  	v12 =	vld [tilespmem:s6+$0x30];
	[tilespmem:$0x1FEB0] =	vst v14;
	v5 =	vmul.f32 v42, v5  }
0x21e: {  	v1 =	vmul.f32 $7.812500000e-03, v1;
	v58 =	vadd.f32 v4, v52;
	v4 =	vld [tilespmem:$0xA460]  }
0x21f: {  	[tilespmem:$0x1FE70] =	vst v5;
	v5 =	vadd.f32 v11, v34;
	v11 =	vmul.f32 v9, v7;
	v7 =	vld [tilespmem:$0x1FAD0]  }
0x220: {  	v1 =	vadd.f32 $9.999999960e-13, v1;
	_ =	sdelay $0x1  }
0x221: {  	v13 =	vshrl.u32 v1, $0x1  }
0x222: {  	v8 =	vsub.s32 $0x5F3759DF, v13;
	v13 =	vld [tilespmem:$0x1FAF0]  }
0x223: {  	v45 =	vmov v36;
	v36 =	vld [tilespmem:s6+$0x40];
	v7 =	vmul.f32 v9, v7  }
0x224: {  	v27 =	vld [tilespmem:$0xA4E0]  }
0x225: {  	[tilespmem:$0x1FE80] =	vst v7;
	v7 =	vld [tilespmem:$0x1FAE0];
	_ =	sdelay $0x1  }
0x226: {  	v1 =	vmul.f32 $5.000000000e-01, v1;
	_ =	sdelay $0x1  }
0x227: {  	v6 =	vmul.f32 v8, v1  }
0x228: {  	v38 =	vmul.f32 v13, v7;
	v7 =	vld [tilespmem:$0x1FB00]  }
0x229: {  	v6 =	vmul.f32 v8, v6;
	_ =	sdelay $0x1  }
0x22a: {  	v23 =	vmul.f32 v14, v14;
	v22 =	vmul.f32 v58, v58;
	v6 =	vsub.f32 $1.500000000e+00, v6;
	_ =	sdelay $0x1  }
0x22b: {  	v6 =	vmul.f32 v8, v6;
	v8 =	vadd.f32 v23, v22;
	v23 =	vmul.f32 v24, v7;
	v7 =	vld [tilespmem:$0x1FB10]  }
0x22c: {  	v12 =	vadd.f32 v35, v12;
	v14 =	vadd.f32 v5, v41;
	_ =	sdelay $0x1  }
0x22d: {  	[tilespmem:$0x1FF40] =	vst v14;
	v9 =	vadd.f32 v12, v33  }
0x22e: {  	v5 =	vld [tilespmem:s6+$0x50]  }
0x22f: {  	v22 =	vld [tilespmem:s20+$0xE0];
	[tilespmem:$0x1FF90] =	vst v9;
	v7 =	vmul.f32 v24, v7  }
0x230: {  	v12 =	vld [tilespmem:s6+$0x60]  }
0x231: {  	[tilespmem:$0x1FF60] =	vst v7;
	v7 =	vld [tilespmem:$0x1FB20];
	_ =	sdelay $0x4  }
0x232: {  	v7 =	vmul.f32 v7, v38  }
0x233: {  	v16 =	vadd.f32 v21, v36;
	v21 =	vld [tilespmem:s20+$0xF0]  }
0x234: {  	[tilespmem:$0x1FF00] =	vst v7;
	v7 =	vld [tilespmem:$0x1FB30]  }
0x235: {  	v26 =	vmul.f32 v14, v14;
	_ =	sdelay $0x1  }
0x236: {  	v8 =	vadd.f32 v26, v8;
	v24 =	vmul.f32 v9, v9;
	_ =	sdelay $0x1  }
0x237: {  	v8 =	vadd.f32 v24, v8;
	v24 =	vmul.f32 v53, v7;
	v7 =	vld [tilespmem:$0x1FB40]  }
0x238: {  	s12 =	spop (v2sf)  }
0x239: {  	s14 =	spop (v2sf)  }
0x23a: {  	s19 =	spop (v2sf)  }
0x23b: {  	s7 =	sshll.u32 s19, $0x9;
	v1 =	vmul.f32 v6, v1;
	v11 =	vmul.f32 v11, v0;
	v0 =	vld [tilespmem:$0x1FB70]  }
0x23c: {  	s7 =	sshra.s32 s7, $0x2;
	v39 =	vld [tilespmem:s6+$0x70];
	v7 =	vmul.f32 v53, v7  }
0x23d: {  	v1 =	vmul.f32 v1, v6;
	v30 =	vadd.f32 v16, v59;
	v5 =	vadd.f32 v15, v5;
	v16 =	vld [tilespmem:s7+$0x0]  }
0x23e: {  	[tilespmem:$0x1FF70] =	vst v7;
	v7 =	vld [tilespmem:$0x1FB50]  }
0x23f: {  	v1 =	vsub.f32 $1.500000000e+00, v1;
	v15 =	vmul.f32 v30, v30;
	v26 =	vadd.f32 v5, v55;
	_ =	sdelay $0x1  }
0x240: {  	v14 =	vmul.f32 v1, v6;
	v6 =	vmul.f32 v26, v26;
	v1 =	vadd.f32 v15, v8;
	_ =	sdelay $0x1  }
0x241: {  	s21 =	sshll.u32 s12, $0x9;
	v1 =	vadd.f32 v6, v1;
	v6 =	vmul.f32 v25, v0;
	v0 =	vld [tilespmem:$0x1FB80];
	v7 =	vmul.f32 v53, v7  }
0x242: {  	s6 =	sshra.s32 s21, $0x2;
	v28 =	vld [tilespmem:s7+$0x10]  }
0x243: {  	s22 =	sshll.u32 s14, $0x9;
	v5 =	vld [tilespmem:s6+$0x0];
	[tilespmem:$0x1FB60] =	vst v7  }
0x244: {  	s8 =	sshra.s32 s22, $0x2;
	v12 =	vadd.f32 v22, v12;
	v34 =	vld [tilespmem:s6+$0x10]  }
0x245: {  	v8 =	vld [tilespmem:s8+$0x0]  }
0x246: {  	v22 =	vadd.f32 v12, v57;
	v12 =	vld [tilespmem:s8+$0x10]  }
0x247: {  	v15 =	vadd.f32 v21, v39;
	v17 =	vld [tilespmem:s20+$0xFFFFFF00]  }
0x248: {  	v21 =	vmul.f32 v61, v0;
	v35 =	vld [tilespmem:s20+$0xFFFFFF10]  }
0x249: {  	v9 =	vmul.f32 v14, v46;
	v0 =	vadd.f32 v15, v29;
	v46 =	vld [tilespmem:s20+$0xFFFFFF80]  }
0x24a: {  	v4 =	vmul.f32 v21, v4;
	v21 =	vld [tilespmem:s20+$0xFFFFFF90]  }
0x24b: {  	v3 =	vmul.f32 v6, v3;
	v6 =	vmul.f32 v0, v0;
	[tilespmem:$0x1FB90] =	vst v0;
	v0 =	vld [tilespmem:$0x1FBA0];
	_ =	sdelay $0x2  }
0x24c: {  	v23 =	vmul.f32 v23, v49;
	_ =	sdelay $0x1  }
0x24d: {  	v53 =	vadd.f32 v23, v19;
	v23 =	vmul.f32 v48, v0;
	v0 =	vld [tilespmem:$0x1FBB0];
	_ =	sdelay $0x4  }
0x24e: {  	v0 =	vmul.f32 v48, v0;
	_ =	sdelay $0x1  }
0x24f: {  	[tilespmem:$0x1FF80] =	vst v0;
	v0 =	vld [tilespmem:$0x1FBC0];
	_ =	sdelay $0x4  }
0x250: {  	v0 =	vmul.f32 v48, v0  }
0x251: {  	v49 =	vld [tilespmem:s20+$0x0]  }
0x252: {  	[tilespmem:$0x1FBD0] =	vst v0;
	v0 =	vld [tilespmem:$0x1FBE0];
	_ =	sdelay $0x2  }
0x253: {  	v9 =	vmul.f32 v9, v18;
	_ =	sdelay $0x1  }
0x254: {  	v15 =	vadd.f32 v9, v20;
	v20 =	vmul.f32 v50, v0;
	v0 =	vadd.f32 v3, v2  }
0x255: {  	v9 =	vld [tilespmem:s20+$0x10]  }
0x256: {  	[tilespmem:$0x1FDA0] =	vst v0;
	v0 =	vld [tilespmem:$0x1FBF0];
	_ =	sdelay $0x4  }
0x257: {  	v2 =	vld [tilespmem:s7+$0x20];
	v0 =	vmul.f32 v25, v0  }
0x258: {  	v38 =	vld [tilespmem:s6+$0x20]  }
0x259: {  	[tilespmem:$0x1FEA0] =	vst v0;
	v0 =	vld [tilespmem:$0x1FC00];
	_ =	sdelay $0x4  }
0x25a: {  	v0 =	vmul.f32 v25, v0;
	_ =	sdelay $0x1  }
0x25b: {  	[tilespmem:$0x1FFA0] =	vst v0;
	v0 =	vld [tilespmem:$0x1FC10];
	_ =	sdelay $0x4  }
0x25c: {  	v0 =	vmul.f32 v25, v0  }
0x25d: {  	v18 =	vld [tilespmem:s8+$0x20]  }
0x25e: {  	[tilespmem:$0x1FC20] =	vst v0;
	v0 =	vld [tilespmem:$0x1FC30]  }
0x25f: {  	v42 =	vmul.f32 v22, v22;
	_ =	sdelay $0x1  }
0x260: {  	v1 =	vadd.f32 v42, v1;
	_ =	sdelay $0x1  }
0x261: {  	v13 =	vadd.f32 v4, v27;
	v1 =	vadd.f32 v6, v1;
	v0 =	vmul.f32 v0, v20  }
0x262: {  	v4 =	vadd.f32 v35, v28;
	v3 =	vadd.f32 v17, v16;
	v17 =	vld [tilespmem:s20+$0xFFFFFF20]  }
0x263: {  	v11 =	vadd.f32 v11, v43;
	v5 =	vadd.f32 v46, v5;
	[tilespmem:$0x1FF30] =	vst v0;
	v0 =	vld [tilespmem:$0x1FFD0]  }
0x264: {  	v21 =	vadd.f32 v21, v34;
	v34 =	vadd.f32 v4, v37;
	v50 =	vperm.xlane v1, v62;
	v20 =	vld [tilespmem:s20+$0xFFFFFFA0]  }
0x265: {  	v46 =	vadd.f32 v5, v52;
	v43 =	vadd.f32 v3, v52;
	v3 =	vld [tilespmem:s20+$0x20]  }
0x266: {  	v8 =	vadd.f32 v49, v8;
	v1 =	vadd.f32 v1, v50;
	v5 =	vld [tilespmem:s7+$0x30]  }
0x267: {  	v35 =	vadd.f32 v21, v37;
	v12 =	vadd.f32 v9, v12;
	v28 =	vld [tilespmem:s6+$0x30]  }
0x268: {  	v21 =	vmul.f32 v34, v34;
	v49 =	vadd.f32 v8, v52;
	[tilespmem:$0x1FC50] =	vst v52;
	v4 =	vperm.xlane v1, v0;
	v0 =	vld [tilespmem:$0x1FC40]  }
0x269: {  	v8 =	vmul.f32 v46, v46;
	v39 =	vadd.f32 v12, v37;
	v2 =	vadd.f32 v17, v2;
	v12 =	vld [tilespmem:s20+$0xFFFFFF30]  }
0x26a: {  	v52 =	vmul.f32 v35, v35;
	v48 =	vld [tilespmem:s8+$0x30];
	v1 =	vadd.f32 v1, v4;
	v4 =	vmul.f32 v43, v43  }
0x26b: {  	v36 =	vadd.f32 v2, v41;
	v16 =	vld [tilespmem:s20+$0x30]  }
0x26c: {  	v17 =	vadd.f32 v52, v8;
	v4 =	vadd.f32 v21, v4;
	v21 =	vld [tilespmem:s20+$0xFFFFFFB0]  }
0x26d: {  	v20 =	vadd.f32 v20, v38;
	v42 =	vperm.xlane v1, v45;
	v9 =	vmul.f32 v47, v0;
	v0 =	vld [tilespmem:$0x1FC60]  }
0x26e: {  	v2 =	vmul.f32 v39, v39;
	v6 =	vld [tilespmem:s7+$0x40];
	v3 =	vadd.f32 v3, v18;
	v5 =	vadd.f32 v12, v5  }
0x26f: {  	v52 =	vld [tilespmem:s20+$0xFFFFFF40];
	v1 =	vadd.f32 v1, v42;
	v19 =	vmul.f32 v9, v40;
	v40 =	vadd.f32 v20, v41  }
0x270: {  	v8 =	vmul.f32 v49, v49;
	v12 =	vld [tilespmem:s8+$0x40];
	v38 =	vadd.f32 v3, v41;
	v37 =	vadd.f32 v5, v33  }
0x271: {  	v3 =	vperm.xlane v1, v31;
	v20 =	vadd.f32 v21, v28;
	v5 =	vmul.f32 v40, v40;
	v21 =	vld [tilespmem:s20+$0xFFFFFFC0]  }
0x272: {  	v2 =	vadd.f32 v2, v8;
	v28 =	vld [tilespmem:s20+$0x40];
	v45 =	vmul.f32 v10, v0  }
0x273: {  	[tilespmem:s16+$0xFFFFFFE0] =	vst v11;
	v0 =	vld [tilespmem:s6+$0x40];
	v1 =	vadd.f32 v1, v3;
	v17 =	vadd.f32 v5, v17;
	v5 =	vmul.f32 v24, v44  }
0x274: {  	v3 =	vadd.f32 v16, v48;
	v48 =	vld [tilespmem:s7+$0x50];
	[tilespmem:$0x1FC70] =	vst v33;
	v32 =	vmul.f32 v45, v32;
	v45 =	vmul.f32 v38, v38  }
0x275: {  	[tilespmem:$0x1FEC0] =	vst v5  }
0x276: {  	v11 =	vadd.f32 v45, v2;
	v2 =	vld [tilespmem:$0xA470];
	_ =	sdelay $0x2  }
0x277: {  	v50 =	vmul.f32 v36, v36;
	_ =	sdelay $0x1  }
0x278: {  	v4 =	vadd.f32 v50, v4;
	v50 =	vld [tilespmem:s20+$0xFFFFFF50];
	[tilespmem:$0x1FE90] =	vst v2;
	v2 =	vadd.f32 v21, v0;
	v0 =	vmul.f32 v23, v51  }
0x279: {  	v24 =	vld [tilespmem:s6+$0x50];
	[tilespmem:s16+$0x60] =	vst v53  }
0x27a: {  	[tilespmem:$0x1FED0] =	vst v0;
	v0 =	vld [tilespmem:$0x1FC80];
	_ =	sdelay $0x4  }
0x27b: {  	v0 =	vmul.f32 v47, v0  }
0x27c: {  	v23 =	vadd.f32 v28, v12;
	v28 =	vld [tilespmem:s20+$0xFFFFFFD0]  }
0x27d: {  	[tilespmem:$0x1FEE0] =	vst v0;
	v0 =	vld [tilespmem:$0x1FC90];
	_ =	sdelay $0x4  }
0x27e: {  	v18 =	vmul.f32 v47, v0;
	v0 =	vmul.f32 v47, v63  }
0x27f: {  	v41 =	vadd.f32 v20, v33;
	v20 =	vmul.f32 v37, v37  }
0x280: {  	v6 =	vadd.f32 v52, v6;
	v21 =	vld [tilespmem:$0xA470];
	[tilespmem:$0x1FCA0] =	vst v0;
	v0 =	vmul.f32 v47, v60  }
0x281: {  	v20 =	vadd.f32 v20, v4;
	v4 =	vmul.f32 v41, v41;
	v63 =	vld [tilespmem:s8+$0x50]  }
0x282: {  	v50 =	vadd.f32 v50, v48;
	v48 =	vadd.f32 v6, v59;
	v6 =	vld [tilespmem:s20+$0x50];
	[tilespmem:$0x1FCB0] =	vst v0;
	v0 =	vmul.f32 v47, v54;
	_ =	sdelay $0x1  }
0x283: {  	v17 =	vadd.f32 v4, v17;
	[tilespmem:$0x1FCC0] =	vst v0  }
0x284: {  	v45 =	vmul.f32 v48, v48;
	v50 =	vadd.f32 v50, v55;
	v0 =	vmul.f32 v47, v56;
	v4 =	vld [tilespmem:s7+$0x60]  }
0x285: {  	v5 =	vld [tilespmem:s6+$0x60];
	[tilespmem:$0x1FCE0] =	vst v59  }
0x286: {  	v1 =	vmul.f32 $7.812500000e-03, v1;
	v20 =	vadd.f32 v45, v20;
	[tilespmem:$0x1FCD0] =	vst v0;
	v0 =	vmul.f32 v50, v50  }
0x287: {  	[tilespmem:s18+$0xE0] =	vst v13  }
0x288: {  	v1 =	vadd.f32 $9.999999960e-13, v1;
	v51 =	vadd.f32 v0, v20;
	v0 =	vld [tilespmem:$0x1FCF0];
	_ =	sdelay $0x1  }
0x289: {  	v44 =	vadd.f32 v3, v33;
	v53 =	vshrl.u32 v1, $0x1;
	v1 =	vmul.f32 $5.000000000e-01, v1  }
0x28a: {  	v33 =	vsub.s32 $0x5F3759DF, v53;
	v53 =	vadd.f32 v2, v59;
	v24 =	vadd.f32 v28, v24  }
0x28b: {  	v52 =	vmul.f32 v44, v44;
	v28 =	vmul.f32 v33, v1  }
0x28c: {  	v54 =	vadd.f32 v24, v55;
	v24 =	vmul.f32 v53, v53;
	v45 =	vmul.f32 v10, v0;
	v0 =	vld [tilespmem:$0x1FD00]  }
0x28d: {  	v42 =	vadd.f32 v52, v11;
	v52 =	vadd.f32 v23, v59;
	v23 =	vmul.f32 v33, v28;
	v2 =	vld [tilespmem:s20+$0xFFFFFF60]  }
0x28e: {  	v17 =	vadd.f32 v24, v17;
	v28 =	vld [tilespmem:s8+$0x60]  }
0x28f: {  	v24 =	vmul.f32 v54, v54;
	v63 =	vadd.f32 v6, v63;
	v6 =	vsub.f32 $1.500000000e+00, v23;
	v59 =	vld [tilespmem:s20+$0xFFFFFFE0]  }
0x290: {  	v8 =	vld [tilespmem:$0x1FD20]  }
0x291: {  	v13 =	vmul.f32 v33, v6;
	v6 =	vadd.f32 v24, v17;
	v17 =	vmul.f32 v10, v0;
	v0 =	vld [tilespmem:$0xA470]  }
0x292: {  	v23 =	vld [tilespmem:s20+$0x60]  }
0x293: {  	v3 =	vld [tilespmem:s7+$0x70]  }
0x294: {  	v2 =	vadd.f32 v2, v4;
	v4 =	vld [tilespmem:s20+$0xFFFFFF70]  }
0x295: {  	v24 =	vmul.f32 v10, v8;
	v8 =	vld [tilespmem:$0x1FD30]  }
0x296: {  	[tilespmem:$0x1FF50] =	vst v0;
	v0 =	vld [tilespmem:$0x1FD10];
	_ =	sdelay $0x2  }
0x297: {  	v25 =	vmov v31;
	v31 =	vmul.f32 v52, v52  }
0x298: {  	v8 =	vmul.f32 v10, v8  }
0x299: {  	v42 =	vadd.f32 v31, v42;
	v31 =	vmul.f32 v10, v0;
	v0 =	vld [tilespmem:s6+$0x70]  }
0x29a: {  	v60 =	vadd.f32 v63, v55;
	[tilespmem:$0x1FD40] =	vst v8;
	v8 =	vld [tilespmem:$0x1FD60]  }
0x29b: {  	v1 =	vmul.f32 v13, v1;
	v5 =	vadd.f32 v59, v5;
	v23 =	vadd.f32 v23, v28  }
0x29c: {  	v3 =	vadd.f32 v4, v3;
	v28 =	vld [tilespmem:s8+$0x70];
	[tilespmem:$0x1FD50] =	vst v55;
	v55 =	vadd.f32 v2, v57  }
0x29d: {  	v1 =	vmul.f32 v1, v13  }
0x29e: {  	v7 =	vmovc v57;
	v47 =	vadd.f32 v3, v29;
	v57 =	vadd.f32 v5, v57;
	v33 =	vmul.f32 v55, v55  }
0x29f: {  	v1 =	vsub.f32 $1.500000000e+00, v1;
	v8 =	vmul.f32 v10, v8;
	v10 =	vmul.f32 v60, v60  }
0x2a0: {  	v59 =	vadd.f32 v23, v7;
	v23 =	vmul.f32 v47, v47;
	v3 =	vmul.f32 v57, v57  }
0x2a1: {  	v2 =	vld [tilespmem:s20+$0xFFFFFFF0];
	[tilespmem:$0x1FD70] =	vst v8;
	v10 =	vadd.f32 v10, v42;
	v42 =	vmul.f32 v1, v13;
	v1 =	vadd.f32 v33, v51  }
0x2a2: {  	[tilespmem:s18+$0x0] =	vst v15  }
0x2a3: {  	v11 =	vadd.f32 v3, v6;
	v3 =	vadd.f32 v23, v1;
	v1 =	vld [tilespmem:$0x1FD90];
	_ =	sdelay $0x3  }
0x2a4: {  	v4 =	vld [tilespmem:s20+$0x70]  }
0x2a5: {  	v5 =	vmul.f32 v14, v1;
	v1 =	vld [tilespmem:$0x1FDA0];
	_ =	sdelay $0x3  }
0x2a6: {  	v16 =	vld [tilespmem:$0xA4F0];
	[tilespmem:$0x1FD80] =	vst v7  }
0x2a7: {  	v0 =	vadd.f32 v2, v0;
	v2 =	vadd.f32 v4, v28;
	v28 =	vld [tilespmem:$0x1FFD0];
	[tilespmem:s17+$0x40] =	vst v1  }
0x2a8: {  	v1 =	vld [tilespmem:$0x1FDB0];
	_ =	sdelay $0x4  }
0x2a9: {  	v27 =	vmul.f32 v14, v1;
	v1 =	vld [tilespmem:$0x1FDC0];
	_ =	sdelay $0x4  }
0x2aa: {  	v20 =	vmul.f32 v14, v1;
	v1 =	vld [tilespmem:$0x1FDD0]  }
0x2ab: {  	v63 =	vld [tilespmem:$0xA400]  }
0x2ac: {  	v13 =	vld [tilespmem:$0xA410]  }
0x2ad: {  	v6 =	vmul.f32 v59, v59;
	v51 =	vld [tilespmem:$0xA480]  }
0x2ae: {  	v33 =	vld [tilespmem:$0xA490];
	v4 =	vmul.f32 v42, v58  }
0x2af: {  	v7 =	vadd.f32 v6, v10;
	v6 =	vld [tilespmem:$0xA490];
	v1 =	vmul.f32 v14, v1  }
0x2b0: {  	v56 =	vadd.f32 v0, v29;
	v0 =	vmul.f32 v4, v63;
	v4 =	vld [tilespmem:$0xA490]  }
0x2b1: {  	[tilespmem:$0x1FDE0] =	vst v1;
	v1 =	vld [tilespmem:$0x1FE00]  }
0x2b2: {  	v58 =	vadd.f32 v2, v29;
	v2 =	vadd.f32 v0, v51;
	v0 =	vld [tilespmem:$0x1FE20]  }
0x2b3: {  	v12 =	vld [tilespmem:$0x1FE40];
	_ =	sdelay $0x2  }
0x2b4: {  	v1 =	vmul.f32 v14, v1  }
0x2b5: {  	[tilespmem:$0x1FDF0] =	vst v29;
	v0 =	vmul.f32 v14, v0  }
0x2b6: {  	v12 =	vmul.f32 v14, v12;
	v8 =	vld [tilespmem:$0xA450];
	[tilespmem:$0x1FE10] =	vst v1  }
0x2b7: {  	v10 =	vld [tilespmem:$0xA4D0];
	[tilespmem:$0x1FE30] =	vst v0  }
0x2b8: {  	s21 =	simm.s32 $0xEE80;
	v33 =	vadd.f32 v19, v33;
	v9 =	vld [tilespmem:$0xA4D0];
	[tilespmem:$0x1FE50] =	vst v12  }
0x2b9: {  	[tilespmem:s21+$0x80] =	vst v2  }
0x2ba: {  	[tilespmem:s18+$0xFFFFFF10] =	vst v33  }
0x2bb: {  	v2 =	vld [tilespmem:$0x1FE60]  }
0x2bc: {  	v5 =	vmul.f32 v5, v13;
	v13 =	vld [tilespmem:$0x1FE70];
	_ =	sdelay $0x3  }
0x2bd: {  	v14 =	vld [tilespmem:$0x1FE90]  }
0x2be: {  	v6 =	vadd.f32 v32, v6;
	v32 =	vmul.f32 v2, v13;
	v2 =	vld [tilespmem:$0x1FE80];
	_ =	sdelay $0x3  }
0x2bf: {  	[tilespmem:s18+$0xFFFFFF90] =	vst v6  }
0x2c0: {  	v33 =	vmul.f32 v14, v2;
	v2 =	vld [tilespmem:$0x1FEA0];
	_ =	sdelay $0x1  }
0x2c1: {  	v4 =	vadd.f32 v5, v4;
	_ =	sdelay $0x1  }
0x2c2: {  	[tilespmem:s18+$0x10] =	vst v4  }
0x2c3: {  	v8 =	vmul.f32 v2, v8;
	v2 =	vld [tilespmem:$0x1FEB0];
	_ =	sdelay $0x4  }
0x2c4: {  	v4 =	vmul.f32 v42, v2;
	v2 =	vld [tilespmem:$0x1FEC0];
	_ =	sdelay $0x3  }
0x2c5: {  	v1 =	vmul.f32 v56, v56;
	v0 =	vmul.f32 v58, v58  }
0x2c6: {  	v10 =	vadd.f32 v2, v10;
	v2 =	vld [tilespmem:$0x1FED0]  }
0x2c7: {  	v1 =	vadd.f32 v1, v11;
	v12 =	vld [tilespmem:$0xA4D0];
	v0 =	vadd.f32 v0, v7;
	v7 =	vperm.xlane v3, v62  }
0x2c8: {  	v11 =	vld [tilespmem:$0xA410]  }
0x2c9: {  	v5 =	vperm.xlane v1, v62;
	v3 =	vadd.f32 v3, v7;
	v7 =	vld [tilespmem:$0xA490]  }
0x2ca: {  	v13 =	vld [tilespmem:$0xA420];
	[tilespmem:s17+$0xFFFFFF50] =	vst v10  }
0x2cb: {  	v1 =	vadd.f32 v1, v5;
	v10 =	vld [tilespmem:$0x1FEE0];
	v9 =	vadd.f32 v2, v9  }
0x2cc: {  	v5 =	vld [tilespmem:$0xA420]  }
0x2cd: {  	v4 =	vmul.f32 v4, v11;
	v11 =	vperm.xlane v1, v28;
	v2 =	vld [tilespmem:$0xA4A0];
	[tilespmem:s17+$0xFFFFFFD0] =	vst v9  }
0x2ce: {  	v15 =	vld [tilespmem:$0x1FFE0]  }
0x2cf: {  	v1 =	vadd.f32 v1, v11;
	v11 =	vld [tilespmem:$0x1FEF0]  }
0x2d0: {  	v6 =	vperm.xlane v0, v62;
	v10 =	vmul.f32 v10, v13;
	v13 =	vld [tilespmem:$0x1FF00]  }
0x2d1: {  	v8 =	vadd.f32 v8, v12;
	v12 =	vld [tilespmem:$0xA4A0];
	v4 =	vadd.f32 v4, v7  }
0x2d2: {  	v0 =	vadd.f32 v0, v6;
	v6 =	vperm.xlane v3, v28  }
0x2d3: {  	v14 =	vld [tilespmem:$0xA420];
	[tilespmem:s21+$0x90] =	vst v4;
	v2 =	vadd.f32 v10, v2  }
0x2d4: {  	v3 =	vadd.f32 v3, v6;
	v6 =	vperm.xlane v0, v28;
	v5 =	vmul.f32 v45, v5;
	v7 =	vld [tilespmem:$0xA4A0];
	[tilespmem:s17+$0x50] =	vst v8  }
0x2d5: {  	v10 =	vld [tilespmem:$0x1FF10];
	[tilespmem:s18+$0xFFFFFF20] =	vst v2;
	v19 =	vadd.f32 v11, v13;
	v13 =	vperm.xlane v1, v15  }
0x2d6: {  	v0 =	vadd.f32 v0, v6;
	v5 =	vadd.f32 v5, v12;
	v6 =	vperm.xlane v3, v15;
	v12 =	vld [tilespmem:$0x1FF20]  }
0x2d7: {  	v1 =	vadd.f32 v1, v13;
	v13 =	vld [tilespmem:$0x1FF30]  }
0x2d8: {  	v4 =	vmul.f32 v27, v14;
	v3 =	vadd.f32 v3, v6;
	v6 =	vperm.xlane v0, v15  }
0x2d9: {  	v9 =	vld [tilespmem:$0xA460];
	[tilespmem:s18+$0xFFFFFFA0] =	vst v5  }
0x2da: {  	v2 =	vadd.f32 v4, v7;
	v5 =	vld [tilespmem:$0x1FF40];
	v0 =	vadd.f32 v0, v6;
	v4 =	vperm.xlane v3, v25  }
0x2db: {  	v8 =	vld [tilespmem:$0xA420];
	v7 =	vmov v25  }
0x2dc: {  	v3 =	vadd.f32 v3, v4;
	v25 =	vadd.f32 v12, v13;
	v12 =	vld [tilespmem:$0x1FF50];
	[tilespmem:s18+$0x20] =	vst v2;
	v2 =	vperm.xlane v0, v7  }
0x2dd: {  	v6 =	vld [tilespmem:$0xA4A0]  }
0x2de: {  	v0 =	vadd.f32 v0, v2;
	v2 =	vmul.f32 $7.812500000e-03, v3;
	v3 =	vld [tilespmem:$0x1FF70]  }
0x2df: {  	v5 =	vmul.f32 v42, v5;
	_ =	sdelay $0x1  }
0x2e0: {  	v5 =	vmul.f32 v5, v8  }
0x2e1: {  	v11 =	vld [tilespmem:$0xA460]  }
0x2e2: {  	v10 =	vmul.f32 v61, v10;
	v61 =	vmul.f32 v9, v3;
	v3 =	vadd.f32 v5, v6;
	v5 =	vld [tilespmem:$0x1FF80];
	_ =	sdelay $0x2  }
0x2e3: {  	v4 =	vld [tilespmem:$0xA430];
	v13 =	vperm.xlane v1, v7  }
0x2e4: {  	v7 =	vld [tilespmem:$0x1FF60]  }
0x2e5: {  	v1 =	vadd.f32 v1, v13;
	v23 =	vmul.f32 v5, v11;
	v5 =	vld [tilespmem:$0xA4B0]  }
0x2e6: {  	v45 =	vld [tilespmem:$0xA430]  }
0x2e7: {  	v15 =	vld [tilespmem:$0xA460];
	v1 =	vmul.f32 $7.812500000e-03, v1;
	v0 =	vmul.f32 $7.812500000e-03, v0  }
0x2e8: {  	v14 =	vld [tilespmem:$0xA4B0];
	v2 =	vadd.f32 $9.999999960e-13, v2;
	v10 =	vmul.f32 v12, v10  }
0x2e9: {  	v29 =	vld [tilespmem:$0xA430];
	v27 =	vmul.f32 v21, v7;
	v1 =	vadd.f32 $9.999999960e-13, v1;
	v0 =	vadd.f32 $9.999999960e-13, v0  }
0x2ea: {  	v13 =	vld [tilespmem:$0xA4B0];
	v21 =	vadd.f32 v16, v10;
	v16 =	vmul.f32 v17, v4;
	v4 =	vshrl.u32 v2, $0x1;
	[tilespmem:$0x1FFB0] =	vst v5  }
0x2eb: {  	v6 =	vsub.s32 $0x5F3759DF, v4;
	v4 =	vmul.f32 $5.000000000e-01, v1;
	v5 =	vshrl.u32 v1, $0x1;
	[tilespmem:s21+$0xA0] =	vst v3  }
0x2ec: {  	v1 =	vshrl.u32 v0, $0x1;
	v12 =	vsub.s32 $0x5F3759DF, v5;
	v5 =	vmul.f32 $5.000000000e-01, v0;
	v0 =	vld [tilespmem:$0x1FF90];
	_ =	sdelay $0x1  }
0x2ed: {  	v8 =	vld [tilespmem:$0xA430]  }
0x2ee: {  	v45 =	vmul.f32 v18, v45;
	v10 =	vld [tilespmem:$0xA4E0]  }
0x2ef: {  	v9 =	vld [tilespmem:$0xA4B0]  }
0x2f0: {  	v13 =	vadd.f32 v45, v13;
	[tilespmem:s16+$0xF0] =	vst v19;
	v0 =	vmul.f32 v42, v0  }
0x2f1: {  	v14 =	vadd.f32 v16, v14;
	[tilespmem:s17+$0xF0] =	vst v25  }
0x2f2: {  	v3 =	vmul.f32 $5.000000000e-01, v2;
	v17 =	vld [tilespmem:$0xA4E0];
	v11 =	vsub.s32 $0x5F3759DF, v1;
	[tilespmem:s18+$0xFFFFFF30] =	vst v13;
	v8 =	vmul.f32 v0, v8  }
0x2f3: {  	v18 =	vld [tilespmem:$0xA4E0];
	v45 =	vmul.f32 v12, v4;
	[tilespmem:s18+$0xFFFFFFB0] =	vst v14;
	v7 =	vmul.f32 v11, v5  }
0x2f4: {  	v1 =	vld [tilespmem:$0xA4F0];
	[tilespmem:s18+$0xF0] =	vst v21;
	v2 =	vmul.f32 v6, v3;
	v19 =	vadd.f32 v10, v61;
	v61 =	vadd.f32 v8, v9  }
0x2f5: {  	v7 =	vmul.f32 v11, v7;
	v10 =	vmul.f32 v12, v45;
	v9 =	vld [tilespmem:$0x1FFA0]  }
0x2f6: {  	v16 =	vmul.f32 v6, v2;
	v2 =	vld [tilespmem:$0xA4F0];
	[tilespmem:s21+$0xB0] =	vst v61  }
0x2f7: {  	v45 =	vsub.f32 $1.500000000e+00, v7;
	v13 =	vsub.f32 $1.500000000e+00, v10;
	v7 =	vld [tilespmem:$0x1FFB0]  }
0x2f8: {  	v0 =	vld [tilespmem:$0xA4F0]  }
0x2f9: {  	v14 =	vmul.f32 v20, v29;
	v12 =	vmul.f32 v12, v13;
	v8 =	vld [tilespmem:$0xA440]  }
0x2fa: {  	v16 =	vsub.f32 $1.500000000e+00, v16;
	v13 =	vmul.f32 v11, v45;
	v45 =	vld [tilespmem:$0xA440];
	v15 =	vmul.f32 v9, v15  }
0x2fb: {  	s19 =	sshll.u32 s5, $0x1;
	v10 =	vadd.f32 v23, v17;
	v9 =	vld [tilespmem:$0xA440]  }
0x2fc: {  	s7 =	simm.s32 $0xC;
	s6 =	sadd.s32 s10, s19;
	s8 =	simm.s32 $0xE592;
	v6 =	vmul.f32 v6, v16;
	[tilespmem:s17+$0xFFFFFF60] =	vst v19;
	v11 =	vadd.f32 v15, v18;
	v14 =	vadd.f32 v14, v7;
	v7 =	vld [tilespmem:$0xA4C0]  }
.LBB2_3:
0x2fd: {  	v4 =	vmul.f32 v12, v4  }
0x2fe: {  	[tilespmem:s18+$0x30] =	vst v14;
	v5 =	vmul.f32 v13, v5;
	v14 =	vld [tilespmem:$0xA4C0];
	v2 =	vadd.f32 v2, v33  }
0x2ff: {  	v61 =	vld [tilespmem:s8+$0x1];
	[tilespmem:s17+$0xFFFFFFE0] =	vst v10;
	v4 =	vmul.f32 v4, v12;
	v0 =	vadd.f32 v0, v27;
	v27 =	vmul.f32 v42, v30  }
0x300: {  	v15 =	vld [tilespmem:$0x1FCA0];
	[tilespmem:s17+$0x60] =	vst v11;
	v5 =	vmul.f32 v5, v13  }
0x301: {  	v10 =	vld [tilespmem:s8+$0xFFFFFFFF];
	[tilespmem:s16+$0xFFFFFFF0] =	vst v2;
	v2 =	vsub.f32 $1.500000000e+00, v4;
	v27 =	vmul.f32 v27, v45  }
0x302: {  	v3 =	vmul.f32 v6, v3;
	v11 =	vld [tilespmem:s8+$0x0];
	v4 =	vsub.f32 $1.500000000e+00, v5  }
0x303: {  	v5 =	vmul.f32 v31, v9;
	v9 =	vld [tilespmem:$0xA440];
	[tilespmem:s16+$0x70] =	vst v0;
	v0 =	vadd.f32 v27, v14;
	v14 =	vmul.f32 v2, v12  }
0x304: {  	v1 =	vadd.f32 v1, v32;
	v3 =	vmul.f32 v3, v6  }
0x305: {  	v16 =	vld [tilespmem:$0x1FC50];
	v8 =	vmul.f32 v15, v8;
	[tilespmem:s21+$0xC0] =	vst v0;
	v0 =	vmul.f32 v14, v46  }
0x306: {  	v17 =	vld [tilespmem:$0x1F970];
	[tilespmem:s16+$0xFFFFFF70] =	vst v1;
	v3 =	vsub.f32 $1.500000000e+00, v3  }
0x307: {  	v1 =	vld [tilespmem:s8+$0xFFFFFFFE];
	(v2sf) =	vpush v61, $0x0;
	v8 =	vadd.f32 v8, v7;
	v0 =	vmul.f32 v0, v63  }
0x308: {  	s16 =	smov.u32 s17;
	s17 =	smov.u32 s18;
	v6 =	vmul.f32 v3, v6;
	v3 =	vld [tilespmem:$0xA4C0];
	(v2sf) =	vpush v10, $0x0  }
0x309: {  	(v2sf) =	vpush v11, $0x0;
	v11 =	vld [tilespmem:$0xA470];
	[tilespmem:s17+$0xFFFFFF40] =	vst v8;
	v8 =	vadd.f32 v0, v51;
	v0 =	vmul.f32 v14, v40  }
0x30a: {  	v20 =	vld [tilespmem:$0x1FCE0]  }
0x30b: {  	v18 =	vld [tilespmem:$0xA470];
	v27 =	vmul.f32 v4, v13;
	[tilespmem:$0x1F880] =	vst v0;
	v0 =	vmul.f32 v6, v37  }
0x30c: {  	v19 =	vld [tilespmem:$0xA470];
	v2 =	vmul.f32 v6, v43  }
0x30d: {  	v4 =	vld [tilespmem:$0xA4C0];
	[tilespmem:$0x1F8A0] =	vst v0;
	v0 =	vmul.f32 v27, v38  }
0x30e: {  	v12 =	vld [tilespmem:$0xA450];
	v2 =	vmul.f32 v2, v63;
	v3 =	vadd.f32 v5, v3  }
0x30f: {  	v43 =	vld [tilespmem:$0xA450];
	[tilespmem:$0x1F890] =	vst v0;
	v0 =	vmul.f32 v14, v41  }
0x310: {  	v26 =	vmul.f32 v42, v26;
	s20 =	sadd.s32 $0x200, s20;
	v13 =	vld [tilespmem:$0xA4D0];
	v5 =	vadd.f32 v2, v51;
	[tilespmem:s17+$0xFFFFFFC0] =	vst v3  }
0x311: {  	v30 =	vmul.f32 v14, v35;
	v35 =	vld [tilespmem:s20+$0xC0];
	[tilespmem:$0x1F8B0] =	vst v0;
	v0 =	vmul.f32 v27, v44  }
0x312: {  	(v2sf) =	vpush v1, $0x0;
	[tilespmem:s21+$0xFFFFFF00] =	vst v5;
	v5 =	vld [tilespmem:$0xA450]  }
0x313: {  	v3 =	vmul.f32 v26, v12;
	v12 =	vld [tilespmem:$0xA410];
	[tilespmem:$0x1F8C0] =	vst v0;
	v0 =	vmul.f32 v6, v48  }
0x314: {  	v26 =	vld [tilespmem:s20+$0xD0]  }
0x315: {  	v3 =	vadd.f32 v3, v13;
	[tilespmem:$0x1FCA0] =	vst v0;
	v0 =	vld [tilespmem:$0x1FDE0]  }
0x316: {  	v1 =	vmul.f32 v27, v49;
	[tilespmem:s21+$0xFFFFFF80] =	vst v8;
	v23 =	vld [tilespmem:s20+$0xFFFFFF60]  }
0x317: {  	v8 =	vld [tilespmem:$0xA410];
	[tilespmem:s21+$0xD0] =	vst v3  }
0x318: {  	v1 =	vmul.f32 v1, v63;
	v49 =	vld [tilespmem:s20+$0xB0]  }
0x319: {  	v45 =	vmul.f32 v6, v50;
	v50 =	vld [tilespmem:s20+$0x80]  }
0x31a: {  	v29 =	vadd.f32 v1, v51;
	v51 =	vld [tilespmem:s20+$0x90];
	v3 =	vmul.f32 v0, v9;
	v0 =	vmul.f32 v27, v52  }
0x31b: {  	v10 =	vmul.f32 v6, v34;
	v46 =	vmul.f32 v14, v54;
	v54 =	vld [tilespmem:s20+$0xA0]  }
0x31c: {  	s11 =	spop (v2sf);
	[tilespmem:$0x1FDE0] =	vst v0;
	v0 =	vld [tilespmem:$0x1FCB0]  }
0x31d: {  	v13 =	vmul.f32 v10, v12;
	s11 =	sshll.u32 s11, $0x9;
	v10 =	vmul.f32 v24, v5;
	v24 =	vld [tilespmem:$0x1FD50]  }
0x31e: {  	v12 =	vmul.f32 v30, v8;
	v30 =	vld [tilespmem:$0xA4E0];
	s22 =	sshra.s32 s11, $0x2  }
0x31f: {  	v31 =	vmul.f32 v14, v53;
	s12 =	spop (v2sf);
	v53 =	vld [tilespmem:s22+$0x10]  }
0x320: {  	v2 =	vmul.f32 v6, v36;
	v1 =	vmov v45;
	v45 =	vmul.f32 v6, v55;
	s12 =	sshll.u32 s12, $0x9;
	s14 =	spop (v2sf);
	v48 =	vld [tilespmem:$0xA460]  }
0x321: {  	s11 =	sshra.s32 s12, $0x2;
	s12 =	sshll.u32 s14, $0x9;
	v6 =	vmul.f32 v6, v47;
	s14 =	spop (v2sf);
	[tilespmem:$0x1FCB0] =	vst v1;
	v1 =	vld [tilespmem:$0x1FCD0];
	v8 =	vmul.f32 v0, v43;
	v0 =	vmov v46  }
0x322: {  	s14 =	sshll.u32 s14, $0x9;
	[tilespmem:$0x1F8D0] =	vst v0;
	v0 =	vld [tilespmem:$0x1FB60]  }
0x323: {  	v15 =	vmov v6;
	v6 =	vld [tilespmem:s22+$0x30];
	s14 =	sshra.s32 s14, $0x2  }
0x324: {  	v36 =	vld [tilespmem:s14+$0x0];
	v3 =	vadd.f32 v3, v4  }
0x325: {  	[tilespmem:s21+$0x0] =	vst v29;
	v41 =	vld [tilespmem:s14+$0x10]  }
0x326: {  	s12 =	sshra.s32 s12, $0x2;
	v52 =	vld [tilespmem:s22+$0x0];
	[tilespmem:s17+$0x40] =	vst v3  }
0x327: {  	v37 =	vld [tilespmem:s12+$0x0];
	v32 =	vmul.f32 v11, v0;
	v0 =	vmov v1  }
0x328: {  	v22 =	vmul.f32 v42, v22;
	v7 =	vmul.f32 v27, v39;
	[tilespmem:$0x1FB60] =	vst v0;
	v0 =	vld [tilespmem:$0x1FBD0]  }
0x329: {  	v61 =	vmul.f32 v14, v57;
	v14 =	vmul.f32 v14, v56;
	v39 =	vld [tilespmem:s12+$0x10]  }
0x32a: {  	v22 =	vmul.f32 v22, v48;
	v40 =	vld [tilespmem:s12+$0x20]  }
0x32b: {  	v3 =	vmov v14;
	v14 =	vadd.f32 v50, v52;
	v52 =	vld [tilespmem:s11+$0x10]  }
0x32c: {  	v22 =	vadd.f32 v22, v30;
	v1 =	vld [tilespmem:$0x1FD70]  }
0x32d: {  	v33 =	vmul.f32 v18, v0;
	v0 =	vld [tilespmem:$0x1FC20]  }
0x32e: {  	v11 =	vld [tilespmem:s22+$0x20];
	[tilespmem:s21+$0xE0] =	vst v22  }
0x32f: {  	v22 =	vld [tilespmem:$0xA470]  }
0x330: {  	v55 =	vmul.f32 v27, v58;
	v56 =	vld [tilespmem:s22+$0x40]  }
0x331: {  	v5 =	vmul.f32 v27, v59;
	v4 =	vmov v1;
	v1 =	vld [tilespmem:$0x1FE50]  }
0x332: {  	v9 =	vmul.f32 v27, v60;
	v18 =	vld [tilespmem:$0x1F980];
	v27 =	vmul.f32 v19, v0;
	v0 =	vmov v55  }
0x333: {  	v30 =	vadd.f32 v51, v53;
	[tilespmem:$0x1FE50] =	vst v0;
	v0 =	vld [tilespmem:$0x1FB90]  }
0x334: {  	v47 =	vadd.f32 v14, v16;
	v57 =	vld [tilespmem:$0xA4F0]  }
0x335: {  	v14 =	vadd.f32 v30, v17;
	v11 =	vadd.f32 v54, v11;
	v19 =	vld [tilespmem:$0x1FC70]  }
0x336: {  	v30 =	vld [tilespmem:s22+$0x50]  }
0x337: {  	v58 =	vmul.f32 v47, v47;
	v60 =	vmul.f32 v14, v14;
	v59 =	vld [tilespmem:s20+$0xE0];
	v11 =	vadd.f32 v11, v18  }
0x338: {  	v6 =	vadd.f32 v49, v6;
	[tilespmem:$0x1FCD0] =	vst v15;
	v63 =	vld [tilespmem:s22+$0x60];
	v15 =	vmul.f32 v42, v0  }
0x339: {  	v48 =	vadd.f32 v60, v58;
	v46 =	vld [tilespmem:s20+$0xF0];
	v49 =	vmul.f32 v11, v11  }
0x33a: {  	v50 =	vld [tilespmem:s22+$0x70];
	v6 =	vadd.f32 v6, v19;
	v15 =	vmul.f32 v22, v15;
	v22 =	vadd.f32 v35, v56  }
0x33b: {  	v26 =	vadd.f32 v26, v30;
	v0 =	vld [tilespmem:$0x1FD80];
	v35 =	vadd.f32 v49, v48  }
0x33c: {  	v1 =	vmovc v1;
	v55 =	vld [tilespmem:s20+$0xFFFFFF00];
	v51 =	vmul.f32 v6, v6;
	v15 =	vadd.f32 v57, v15;
	v30 =	vadd.f32 v22, v20  }
0x33d: {  	v26 =	vadd.f32 v26, v24;
	[tilespmem:$0x1FC20] =	vst v1;
	v1 =	vld [tilespmem:$0x1FDF0]  }
0x33e: {  	v58 =	vld [tilespmem:s20+$0xFFFFFF80];
	v22 =	vadd.f32 v51, v35;
	[tilespmem:s21+$0xF0] =	vst v15;
	v15 =	vadd.f32 v59, v63;
	v53 =	vmul.f32 v30, v30  }
0x33f: {  	v34 =	vadd.f32 v46, v50;
	v56 =	vld [tilespmem:s20+$0xFFFFFF10]  }
0x340: {  	v54 =	vmul.f32 v26, v26;
	v42 =	vld [tilespmem:s11+$0x0];
	v35 =	vadd.f32 v53, v22;
	v22 =	vadd.f32 v15, v0  }
0x341: {  	v36 =	vadd.f32 v55, v36;
	v63 =	vld [tilespmem:s20+$0x0]  }
0x342: {  	[tilespmem:$0x1FD70] =	vst v3;
	v3 =	vadd.f32 v34, v1;
	v59 =	vld [tilespmem:s20+$0xFFFFFF90];
	v35 =	vadd.f32 v54, v35;
	v57 =	vmul.f32 v22, v22  }
0x343: {  	v43 =	vadd.f32 v36, v16;
	v36 =	vld [tilespmem:s20+$0xFFFFFFA0]  }
0x344: {  	v60 =	vmul.f32 v3, v3;
	v55 =	vadd.f32 v56, v41;
	v41 =	vld [tilespmem:s14+$0x20];
	v35 =	vadd.f32 v57, v35  }
0x345: {  	v56 =	vadd.f32 v58, v42;
	v42 =	vld [tilespmem:s11+$0x20]  }
0x346: {  	v54 =	vld [tilespmem:s20+$0x10];
	v37 =	vadd.f32 v63, v37;
	v35 =	vadd.f32 v60, v35  }
0x347: {  	v38 =	vadd.f32 v59, v52;
	v59 =	vld [tilespmem:s20+$0xFFFFFF20]  }
0x348: {  	v49 =	vadd.f32 v37, v16;
	v37 =	vld [tilespmem:s20+$0x20];
	v57 =	vperm.xlane v35, v62  }
0x349: {  	v50 =	vld [tilespmem:s14+$0x30];
	v34 =	vadd.f32 v55, v17  }
0x34a: {  	[tilespmem:$0x1FBD0] =	vst v4;
	v4 =	vld [tilespmem:$0x1FFF0];
	v46 =	vadd.f32 v56, v16;
	v44 =	vadd.f32 v35, v57  }
0x34b: {  	[tilespmem:$0x1FB90] =	vst v3;
	v3 =	vld [tilespmem:$0x1FFE0];
	v42 =	vadd.f32 v36, v42;
	v39 =	vadd.f32 v54, v39  }
0x34c: {  	v51 =	vld [tilespmem:s12+$0x30];
	v41 =	vadd.f32 v59, v41;
	v35 =	vadd.f32 v38, v17;
	v63 =	vperm.xlane v44, v28  }
0x34d: {  	v16 =	vmul.f32 v46, v46;
	v54 =	vld [tilespmem:s11+$0x30];
	v39 =	vadd.f32 v39, v17;
	v37 =	vadd.f32 v37, v40  }
0x34e: {  	v40 =	vadd.f32 v42, v18;
	v42 =	vld [tilespmem:s20+$0x30];
	v17 =	vmul.f32 v35, v35;
	v38 =	vadd.f32 v44, v63  }
0x34f: {  	v58 =	vmul.f32 v43, v43;
	v62 =	vmul.f32 v34, v34;
	v63 =	vld [tilespmem:s20+$0xFFFFFF30]  }
0x350: {  	v36 =	vadd.f32 v41, v18;
	v41 =	vld [tilespmem:s20+$0xFFFFFFB0];
	v52 =	vadd.f32 v17, v16;
	v16 =	vperm.xlane v38, v3  }
0x351: {  	v21 =	vld [tilespmem:s12+$0x60];
	v55 =	vmul.f32 v40, v40  }
0x352: {  	v60 =	vmul.f32 v49, v49;
	v59 =	vld [tilespmem:s11+$0x40];
	v48 =	vadd.f32 v62, v58;
	v53 =	vadd.f32 v38, v16  }
0x353: {  	v57 =	vld [tilespmem:s12+$0x40];
	v17 =	vmul.f32 v36, v36;
	v42 =	vadd.f32 v42, v51;
	v51 =	vadd.f32 v55, v52  }
0x354: {  	v52 =	vld [tilespmem:s20+$0x40];
	v38 =	vadd.f32 v37, v18;
	v50 =	vadd.f32 v63, v50;
	v18 =	vperm.xlane v53, v4  }
0x355: {  	v58 =	vld [tilespmem:s14+$0x40];
	v62 =	vmul.f32 v39, v39;
	v41 =	vadd.f32 v41, v54;
	v48 =	vadd.f32 v17, v48  }
0x356: {  	v17 =	vld [tilespmem:s20+$0xFFFFFF40];
	v37 =	vadd.f32 v50, v19;
	v53 =	vadd.f32 v53, v18  }
0x357: {  	v44 =	vadd.f32 v62, v60;
	v16 =	vmul.f32 v38, v38;
	v50 =	vld [tilespmem:s20+$0xFFFFFFC0]  }
0x358: {  	v55 =	vld [tilespmem:s14+$0x50];
	v41 =	vadd.f32 v41, v19;
	v18 =	vmul.f32 v37, v37;
	v53 =	vmul.f32 $7.812500000e-03, v53  }
0x359: {  	v63 =	vld [tilespmem:s11+$0x50];
	v52 =	vadd.f32 v52, v57;
	v56 =	vadd.f32 v16, v44  }
0x35a: {  	v54 =	vadd.f32 v18, v48;
	v18 =	vld [tilespmem:s20+$0xFFFFFFD0];
	v53 =	vadd.f32 $9.999999960e-13, v53  }
0x35b: {  	v44 =	vadd.f32 v42, v19;
	v42 =	vmul.f32 v41, v41;
	v16 =	vld [tilespmem:s20+$0xFFFFFF50];
	v48 =	vadd.f32 v17, v58  }
0x35c: {  	v60 =	vld [tilespmem:s12+$0x50];
	v50 =	vadd.f32 v50, v59;
	v62 =	vshrl.u32 v53, $0x1;
	v17 =	vmul.f32 $5.000000000e-01, v53  }
0x35d: {  	v19 =	vld [tilespmem:s14+$0x60];
	v42 =	vadd.f32 v42, v51;
	v48 =	vadd.f32 v48, v20;
	v57 =	vsub.s32 $0x5F3759DF, v62  }
0x35e: {  	v51 =	vld [tilespmem:s20+$0x50];
	v58 =	vmul.f32 v44, v44;
	v53 =	vadd.f32 v50, v20;
	v50 =	vmul.f32 v57, v17  }
0x35f: {  	v25 =	vld [tilespmem:s12+$0x70];
	v52 =	vadd.f32 v52, v20;
	v62 =	vmul.f32 v48, v48;
	v18 =	vadd.f32 v18, v63  }
0x360: {  	v56 =	vadd.f32 v58, v56;
	v16 =	vadd.f32 v16, v55;
	v20 =	vld [tilespmem:s11+$0x60];
	v50 =	vmul.f32 v57, v50  }
0x361: {  	v55 =	vmul.f32 v52, v52;
	v59 =	vadd.f32 v62, v54;
	v54 =	vadd.f32 v18, v24;
	v18 =	vld [tilespmem:s20+$0x60]  }
0x362: {  	v58 =	vmul.f32 v53, v53;
	v63 =	vsub.f32 $1.500000000e+00, v50;
	v50 =	vadd.f32 v16, v24;
	v16 =	vld [tilespmem:s20+$0xFFFFFFE0]  }
0x363: {  	v28 =	vld [tilespmem:s20+$0xFFFFFF70];
	v19 =	vadd.f32 v23, v19;
	v51 =	vadd.f32 v51, v60  }
0x364: {  	v56 =	vadd.f32 v55, v56;
	v62 =	vld [tilespmem:s14+$0x70];
	v42 =	vadd.f32 v58, v42;
	v55 =	vmul.f32 v54, v54  }
0x365: {  	v60 =	vadd.f32 v51, v24;
	v51 =	vld [tilespmem:$0xA480];
	v58 =	vmul.f32 v57, v63  }
0x366: {  	v24 =	vld [tilespmem:s11+$0x70];
	v57 =	vmul.f32 v50, v50;
	v29 =	vadd.f32 v55, v42;
	v55 =	vadd.f32 v19, v0  }
0x367: {  	v19 =	vld [tilespmem:s20+$0xFFFFFFF0];
	v18 =	vadd.f32 v18, v21;
	v17 =	vmul.f32 v58, v17;
	v16 =	vadd.f32 v16, v20  }
0x368: {  	v23 =	vmul.f32 v60, v60;
	v63 =	vld [tilespmem:$0xA400];
	v15 =	vadd.f32 v57, v59;
	v20 =	vmul.f32 v55, v55  }
0x369: {  	v59 =	vadd.f32 v18, v0;
	v17 =	vmul.f32 v17, v58;
	v57 =	vadd.f32 v16, v0;
	v16 =	vld [tilespmem:s20+$0x70]  }
0x36a: {  	v15 =	vadd.f32 v20, v15;
	v20 =	vadd.f32 v28, v62;
	v62 =	vld [tilespmem:$0x1FFC0]  }
0x36b: {  	v21 =	vadd.f32 v23, v56;
	v28 =	vld [tilespmem:$0xA490];
	v17 =	vsub.f32 $1.500000000e+00, v17;
	v56 =	vmul.f32 v57, v57  }
0x36c: {  	v23 =	vmul.f32 v59, v59;
	v19 =	vadd.f32 v19, v24;
	v0 =	vld [tilespmem:$0x1FE10]  }
0x36d: {  	v42 =	vmul.f32 v17, v58;
	v17 =	vld [tilespmem:$0xA410];
	v18 =	vadd.f32 v56, v29  }
0x36e: {  	v56 =	vadd.f32 v19, v1;
	v19 =	vadd.f32 v23, v21;
	v23 =	vld [tilespmem:$0xA490]  }
0x36f: {  	v24 =	vmul.f32 v42, v47;
	v47 =	vadd.f32 v20, v1;
	v20 =	vld [tilespmem:$0xA490]  }
0x370: {  	v16 =	vadd.f32 v16, v25;
	v25 =	vld [tilespmem:$0xA4D0]  }
0x371: {  	v13 =	vadd.f32 v13, v28;
	v28 =	vld [tilespmem:$0xA4D0];
	v21 =	vmul.f32 v24, v63;
	v24 =	vmul.f32 v47, v47  }
0x372: {  	v58 =	vadd.f32 v16, v1;
	v16 =	vld [tilespmem:$0xA450];
	v7 =	vmul.f32 v7, v17;
	v17 =	vmul.f32 v56, v56  }
0x373: {  	s18 =	smov.u32 s21;
	v1 =	vld [tilespmem:$0x1F890];
	v21 =	vadd.f32 v21, v51  }
0x374: {  	[tilespmem:s18+$0xFFFFFF10] =	vst v13;
	v15 =	vadd.f32 v24, v15;
	v17 =	vadd.f32 v17, v18;
	v18 =	vld [tilespmem:$0xA4D0]  }
0x375: {  	s21 =	sadd.s32 $0x200, s21;
	v24 =	vmul.f32 v58, v58;
	v12 =	vadd.f32 v12, v20;
	v7 =	vadd.f32 v7, v23;
	v23 =	vld [tilespmem:$0xA420]  }
0x376: {  	v10 =	vadd.f32 v10, v28;
	v28 =	vld [tilespmem:$0x1FFD0];
	[tilespmem:s21+$0x80] =	vst v21  }
0x377: {  	v20 =	vperm.xlane v15, v62;
	v19 =	vadd.f32 v24, v19;
	v21 =	vld [tilespmem:$0xA410];
	v13 =	vperm.xlane v17, v62;
	[tilespmem:s18+$0xFFFFFF90] =	vst v12  }
0x378: {  	v12 =	vmul.f32 v0, v16;
	v0 =	vmov v9;
	v16 =	vld [tilespmem:$0xA490];
	[tilespmem:s18+$0x10] =	vst v7;
	v7 =	vadd.f32 v8, v25  }
0x379: {  	[tilespmem:$0x1FE10] =	vst v0;
	v9 =	vadd.f32 v15, v20;
	v15 =	vperm.xlane v19, v62;
	v0 =	vld [tilespmem:$0x1F880];
	v8 =	vadd.f32 v17, v13  }
0x37a: {  	v13 =	vmul.f32 v42, v14;
	v14 =	vld [tilespmem:$0xA420];
	[tilespmem:s17+$0xFFFFFF50] =	vst v7;
	v7 =	vadd.f32 v12, v18  }
0x37b: {  	v17 =	vperm.xlane v9, v28;
	v15 =	vadd.f32 v19, v15;
	v19 =	vld [tilespmem:$0xA420];
	v12 =	vperm.xlane v8, v28  }
0x37c: {  	[tilespmem:s17+$0x50] =	vst v7  }
0x37d: {  	v13 =	vmul.f32 v13, v21;
	v9 =	vadd.f32 v9, v17;
	v7 =	vadd.f32 v8, v12;
	v12 =	vld [tilespmem:$0xA4A0]  }
0x37e: {  	[tilespmem:s17+$0xFFFFFFD0] =	vst v10;
	v18 =	vld [tilespmem:$0xA4A0];
	v10 =	vperm.xlane v15, v28  }
0x37f: {  	v17 =	vld [tilespmem:$0xA4A0];
	v8 =	vadd.f32 v13, v16;
	v13 =	vperm.xlane v9, v3  }
0x380: {  	v10 =	vadd.f32 v15, v10;
	v0 =	vmul.f32 v0, v14;
	v14 =	vld [tilespmem:$0xA460];
	v1 =	vmul.f32 v1, v19  }
0x381: {  	v15 =	vperm.xlane v7, v3;
	[tilespmem:s21+$0x90] =	vst v8;
	v8 =	vld [tilespmem:$0xA460]  }
0x382: {  	v9 =	vadd.f32 v9, v13;
	v13 =	vperm.xlane v10, v3;
	v3 =	vld [tilespmem:$0x1FD40];
	v1 =	vadd.f32 v1, v12  }
0x383: {  	v7 =	vadd.f32 v7, v15;
	v15 =	vld [tilespmem:$0xA460]  }
0x384: {  	v2 =	vmul.f32 v2, v23;
	[tilespmem:s18+$0x20] =	vst v1;
	v1 =	vld [tilespmem:$0x1FCC0]  }
0x385: {  	v16 =	vld [tilespmem:$0xA420]  }
0x386: {  	v2 =	vadd.f32 v2, v18  }
0x387: {  	v0 =	vadd.f32 v0, v17  }
0x388: {  	v11 =	vmul.f32 v42, v11;
	[tilespmem:s18+$0xFFFFFF20] =	vst v2;
	v10 =	vadd.f32 v10, v13;
	v13 =	vld [tilespmem:$0xA4A0];
	v2 =	vperm.xlane v7, v4  }
0x389: {  	v17 =	vperm.xlane v9, v4;
	[tilespmem:s18+$0xFFFFFFA0] =	vst v0;
	v14 =	vmul.f32 v14, v1  }
0x38a: {  	v12 =	vld [tilespmem:$0xA430];
	v1 =	vadd.f32 v7, v2;
	v2 =	vmul.f32 v11, v16;
	v11 =	vmul.f32 v3, v8;
	v3 =	vmovc v45  }
0x38b: {  	[tilespmem:$0x1FCC0] =	vst v3;
	v3 =	vld [tilespmem:$0x1FE30]  }
0x38c: {  	v0 =	vadd.f32 v9, v17;
	v17 =	vld [tilespmem:$0xA430];
	v9 =	vmov v61  }
0x38d: {  	[tilespmem:$0x1FD40] =	vst v9;
	v9 =	vld [tilespmem:$0xA4B0];
	v2 =	vadd.f32 v2, v13  }
0x38e: {  	v13 =	vld [tilespmem:$0xA4E0]  }
0x38f: {  	v18 =	vperm.xlane v10, v4;
	[tilespmem:s21+$0xA0] =	vst v2;
	v2 =	vld [tilespmem:$0x1F8B0]  }
0x390: {  	v0 =	vmul.f32 $7.812500000e-03, v0;
	v61 =	vld [tilespmem:$0xA430];
	v15 =	vmul.f32 v3, v15;
	v3 =	vmov v5  }
0x391: {  	v4 =	vadd.f32 v10, v18;
	v1 =	vmul.f32 $7.812500000e-03, v1;
	[tilespmem:$0x1FE30] =	vst v3;
	v3 =	vld [tilespmem:$0x1F8A0]  }
0x392: {  	v23 =	vld [tilespmem:$0xA4E0];
	v0 =	vadd.f32 $9.999999960e-13, v0  }
0x393: {  	v6 =	vmul.f32 v42, v6;
	v4 =	vmul.f32 $7.812500000e-03, v4;
	v1 =	vadd.f32 $9.999999960e-13, v1;
	v20 =	vld [tilespmem:$0xA4B0]  }
0x394: {  	v18 =	vld [tilespmem:$0xA4E0];
	v5 =	vshrl.u32 v0, $0x1;
	v13 =	vadd.f32 v13, v14;
	v2 =	vmul.f32 v2, v17  }
0x395: {  	v8 =	vld [tilespmem:$0xA4B0];
	v17 =	vsub.s32 $0x5F3759DF, v5;
	v5 =	vshrl.u32 v1, $0x1;
	v6 =	vmul.f32 v6, v61  }
0x396: {  	v7 =	vld [tilespmem:$0xA430];
	v10 =	vmul.f32 v3, v12;
	v3 =	vmul.f32 $5.000000000e-01, v0;
	v0 =	vadd.f32 $9.999999960e-13, v4  }
0x397: {  	v45 =	vsub.s32 $0x5F3759DF, v5;
	v9 =	vadd.f32 v2, v9;
	v2 =	vld [tilespmem:$0xA4F0];
	v4 =	vmul.f32 $5.000000000e-01, v1  }
0x398: {  	v14 =	vadd.f32 v6, v20;
	v6 =	vld [tilespmem:$0x1F8C0];
	v1 =	vshrl.u32 v0, $0x1;
	v5 =	vmul.f32 $5.000000000e-01, v0  }
0x399: {  	v12 =	vld [tilespmem:$0xA4B0];
	[tilespmem:s18+$0xFFFFFFB0] =	vst v9;
	v0 =	vmul.f32 v17, v3;
	v24 =	vmul.f32 v45, v4;
	v21 =	vsub.s32 $0x5F3759DF, v1  }
0x39a: {  	s7 =	sadd.s32 $0x4, s7;
	v8 =	vadd.f32 v10, v8;
	v9 =	vld [tilespmem:$0xA440];
	v25 =	vmul.f32 v21, v5  }
0x39b: {  	p1 =	slt.u32 s7, $0xC4;
	v1 =	vld [tilespmem:$0xA4F0];
	v10 =	vmul.f32 v17, v0;
	v61 =	vmul.f32 v45, v24  }
.Ltmp0:
0x39c: {  	[tilespmem:s18+$0xFFFFFF30] =	vst v8;
	v0 =	vld [tilespmem:$0xA4F0];
	v24 =	vmul.f32 v21, v25;
	(pc) =	sbr.rel @p1 .LBB2_3-.Ltmp0, $4  }
0x39d: {  	v8 =	vld [tilespmem:$0xA440];
	v20 =	vmul.f32 v6, v7;
	[tilespmem:s17+$0xFFFFFF60] =	vst v13;
	v10 =	vsub.f32 $1.500000000e+00, v10;
	v16 =	vsub.f32 $1.500000000e+00, v61  }
0x39e: {  	[tilespmem:s21+$0xB0] =	vst v14;
	v7 =	vld [tilespmem:$0xA4C0];
	v24 =	vsub.f32 $1.500000000e+00, v24  }
0x39f: {  	v14 =	vadd.f32 v20, v12;
	v6 =	vmul.f32 v17, v10;
	v12 =	vmul.f32 v45, v16;
	v45 =	vld [tilespmem:$0xA440]  }
0x3a0: {  	s8 =	sadd.s32 $0x4, s8;
	v10 =	vadd.f32 v11, v18;
	v11 =	vadd.f32 v15, v23;
	v13 =	vmul.f32 v21, v24;
	v24 =	vld [tilespmem:$0x1F8D0]  }
0x3a1: {  	v3 =	vmul.f32 v6, v3  }
0x3a2: {  	v4 =	vmul.f32 v12, v4  }
0x3a3: {  	v3 =	vmul.f32 v3, v6  }
0x3a4: {  	v4 =	vmul.f32 v4, v12  }
0x3a5: {  	v5 =	vmul.f32 v13, v5;
	v3 =	vsub.f32 $1.500000000e+00, v3  }
0x3a6: {  	v16 =	vmul.f32 v42, v30;
	v17 =	vld [tilespmem:$0xA4C0];
	v4 =	vsub.f32 $1.500000000e+00, v4  }
0x3a7: {  	v15 =	vmul.f32 v5, v13;
	v5 =	vmul.f32 v3, v6  }
0x3a8: {  	v4 =	vmul.f32 v4, v12  }
0x3a9: {  	v20 =	vmul.f32 v16, v45;
	v19 =	vsub.f32 $1.500000000e+00, v15;
	v21 =	vmul.f32 v5, v43  }
0x3aa: {  	v23 =	vmul.f32 v4, v46  }
0x3ab: {  	v6 =	vadd.f32 v20, v17;
	v3 =	vmul.f32 v19, v13;
	v12 =	vmul.f32 v21, v63  }
0x3ac: {  	v29 =	vld [tilespmem:$0x1FFF0];
	v13 =	vmul.f32 v23, v63  }
0x3ad: {  	v25 =	vld [tilespmem:$0x1FFE0];
	[tilespmem:s21+$0xC0] =	vst v6;
	v43 =	vmul.f32 v3, v49;
	v12 =	vadd.f32 v12, v51  }
0x3ae: {  	v46 =	vld [tilespmem:$0xA450];
	v13 =	vadd.f32 v13, v51  }
0x3af: {  	v49 =	vld [tilespmem:$0xA4D0];
	v45 =	vmul.f32 v43, v63;
	[tilespmem:s21+$0xFFFFFF00] =	vst v12  }
0x3b0: {  	[tilespmem:s21+$0xFFFFFF80] =	vst v13;
	v12 =	vld [tilespmem:$0xA410]  }
0x3b1: {  	v61 =	vmul.f32 v42, v26;
	v6 =	vadd.f32 v45, v51;
	v13 =	vld [tilespmem:$0xA410]  }
0x3b2: {  	v18 =	vld [tilespmem:$0xA490]  }
0x3b3: {  	v19 =	vmul.f32 v5, v34;
	[tilespmem:s21+$0x0] =	vst v6;
	v6 =	vmul.f32 v61, v46;
	v34 =	vld [tilespmem:$0xA490]  }
0x3b4: {  	v20 =	vmul.f32 v4, v35;
	v63 =	vld [tilespmem:$0xA410]  }
0x3b5: {  	v6 =	vadd.f32 v6, v49;
	v12 =	vmul.f32 v19, v12  }
0x3b6: {  	v21 =	vld [tilespmem:$0xA490];
	v13 =	vmul.f32 v20, v13  }
0x3b7: {  	v43 =	vld [tilespmem:$0xA4C0];
	v45 =	vmul.f32 v3, v39;
	[tilespmem:s21+$0xD0] =	vst v6;
	v12 =	vadd.f32 v12, v18  }
0x3b8: {  	v46 =	vld [tilespmem:$0xA460];
	v13 =	vadd.f32 v13, v34  }
0x3b9: {  	v49 =	vld [tilespmem:$0xA4E0];
	v17 =	vmul.f32 v45, v63;
	[tilespmem:s21+$0xFFFFFF10] =	vst v12  }
0x3ba: {  	[tilespmem:s21+$0xFFFFFF90] =	vst v13;
	v51 =	vld [tilespmem:$0xA420]  }
0x3bb: {  	v17 =	vadd.f32 v17, v21;
	v13 =	vld [tilespmem:$0xA420]  }
0x3bc: {  	[tilespmem:s18+$0x30] =	vst v14;
	v34 =	vld [tilespmem:$0xA4A0]  }
0x3bd: {  	[tilespmem:s21+$0x10] =	vst v17;
	v23 =	vld [tilespmem:$0xA4A0]  }
0x3be: {  	v63 =	vmul.f32 v42, v22;
	v61 =	vld [tilespmem:$0x1FCA0]  }
0x3bf: {  	v9 =	vmul.f32 v31, v9;
	v35 =	vmul.f32 v5, v36;
	v17 =	vld [tilespmem:$0xA420]  }
0x3c0: {  	v36 =	vmul.f32 v4, v40;
	v15 =	vmul.f32 v63, v46  }
0x3c1: {  	v9 =	vadd.f32 v9, v43;
	[tilespmem:s17+$0xFFFFFFE0] =	vst v10;
	v39 =	vld [tilespmem:$0xA4A0];
	v40 =	vmul.f32 v35, v51  }
0x3c2: {  	v43 =	vmul.f32 v3, v38;
	[tilespmem:s17+$0x60] =	vst v11;
	v12 =	vadd.f32 v15, v49;
	v10 =	vmul.f32 v36, v13  }
0x3c3: {  	[tilespmem:s18+$0xFFFFFFC0] =	vst v9;
	v8 =	vmul.f32 v61, v8;
	v11 =	vadd.f32 v40, v34  }
0x3c4: {  	v14 =	vld [tilespmem:$0xA440];
	[tilespmem:s21+$0xE0] =	vst v12;
	v45 =	vmul.f32 v43, v17;
	v10 =	vadd.f32 v10, v23  }
0x3c5: {  	v6 =	vld [tilespmem:$0xA470];
	v8 =	vadd.f32 v8, v7;
	[tilespmem:s21+$0xFFFFFF20] =	vst v11  }
0x3c6: {  	v20 =	vld [tilespmem:$0xA4C0];
	v9 =	vadd.f32 v45, v39;
	[tilespmem:s21+$0xFFFFFFA0] =	vst v10  }
0x3c7: {  	v12 =	vld [tilespmem:$0xA450];
	[tilespmem:s18+$0xFFFFFF40] =	vst v8  }
0x3c8: {  	v15 =	vld [tilespmem:$0xA470];
	[tilespmem:s21+$0x20] =	vst v9  }
0x3c9: {  	v9 =	vld [tilespmem:$0x1FDE0]  }
0x3ca: {  	v10 =	vld [tilespmem:$0xA430]  }
0x3cb: {  	v11 =	vld [tilespmem:$0xA430]  }
0x3cc: {  	v63 =	vld [tilespmem:$0xA4B0]  }
0x3cd: {  	v34 =	vmul.f32 v4, v41;
	v51 =	vld [tilespmem:$0xA4B0]  }
0x3ce: {  	v61 =	vmul.f32 v5, v37;
	v49 =	vld [tilespmem:$0xA430];
	v9 =	vmul.f32 v9, v14  }
0x3cf: {  	v40 =	vld [tilespmem:$0xA4D0];
	v10 =	vmul.f32 v34, v10  }
0x3d0: {  	v36 =	vld [tilespmem:$0xA4B0];
	v35 =	vmul.f32 v61, v11;
	v9 =	vadd.f32 v9, v20  }
0x3d1: {  	v37 =	vmul.f32 v3, v44;
	v46 =	vld [tilespmem:$0xA450];
	v10 =	vadd.f32 v10, v63  }
0x3d2: {  	v39 =	vld [tilespmem:$0xA4D0];
	[tilespmem:s18+$0x40] =	vst v9;
	v9 =	vadd.f32 v35, v51  }
0x3d3: {  	v14 =	vmul.f32 v37, v49;
	[tilespmem:s21+$0xFFFFFFB0] =	vst v10;
	v38 =	vld [tilespmem:$0xA450]  }
0x3d4: {  	v41 =	vld [tilespmem:$0xA4D0];
	[tilespmem:s21+$0xFFFFFF30] =	vst v9  }
0x3d5: {  	v43 =	vadd.f32 v14, v36;
	v45 =	vld [tilespmem:$0x1FCB0]  }
0x3d6: {  	v44 =	vld [tilespmem:$0xA440]  }
0x3d7: {  	[tilespmem:s21+$0x30] =	vst v43;
	v49 =	vld [tilespmem:$0xA4C0]  }
0x3d8: {  	v51 =	vld [tilespmem:$0x1FE10]  }
0x3d9: {  	v12 =	vmul.f32 v24, v12;
	v61 =	vld [tilespmem:$0xA440]  }
0x3da: {  	v63 =	vmul.f32 v5, v48;
	v13 =	vmul.f32 v45, v46;
	v46 =	vld [tilespmem:$0xA440]  }
0x3db: {  	v23 =	vld [tilespmem:$0xA4C0]  }
0x3dc: {  	v12 =	vadd.f32 v12, v40;
	v34 =	vmul.f32 v3, v52;
	v21 =	vld [tilespmem:$0xA4C0];
	v11 =	vmul.f32 v63, v44  }
0x3dd: {  	v22 =	vmul.f32 v4, v53;
	v17 =	vld [tilespmem:$0xA4F0];
	v18 =	vmul.f32 v51, v38;
	v13 =	vadd.f32 v13, v39  }
0x3de: {  	v7 =	vld [tilespmem:$0xA470];
	[tilespmem:s18+$0xFFFFFFD0] =	vst v12;
	v38 =	vmul.f32 v34, v61;
	v10 =	vadd.f32 v11, v49  }
0x3df: {  	v8 =	vld [tilespmem:$0xA470];
	v9 =	vadd.f32 v18, v41;
	[tilespmem:s18+$0xFFFFFF50] =	vst v13;
	v13 =	vmul.f32 v22, v46  }
0x3e0: {  	v41 =	vadd.f32 v38, v23;
	[tilespmem:s21+$0xFFFFFF40] =	vst v10;
	v35 =	vld [tilespmem:$0xA460]  }
0x3e1: {  	[tilespmem:s18+$0x50] =	vst v9;
	v39 =	vld [tilespmem:$0xA4E0];
	v13 =	vadd.f32 v13, v21  }
0x3e2: {  	v43 =	vld [tilespmem:$0xA450];
	[tilespmem:s21+$0x40] =	vst v41  }
0x3e3: {  	v44 =	vld [tilespmem:$0xA4D0];
	[tilespmem:s21+$0xFFFFFFC0] =	vst v13  }
0x3e4: {  	v49 =	vld [tilespmem:$0x1FCC0]  }
0x3e5: {  	v13 =	vld [tilespmem:$0xA450]  }
0x3e6: {  	v45 =	vmul.f32 v5, v50;
	v10 =	vld [tilespmem:$0xA450]  }
0x3e7: {  	v46 =	vld [tilespmem:$0xA4D0]  }
0x3e8: {  	v48 =	vmul.f32 v4, v54;
	v50 =	vld [tilespmem:$0xA4D0];
	v11 =	vmul.f32 v45, v43  }
0x3e9: {  	v24 =	vmul.f32 v3, v60;
	v20 =	vld [tilespmem:$0xA4F0];
	v19 =	vmul.f32 v35, v49  }
0x3ea: {  	v36 =	vld [tilespmem:$0xA460];
	v11 =	vadd.f32 v11, v44;
	v13 =	vmul.f32 v48, v13  }
0x3eb: {  	v40 =	vld [tilespmem:$0xA4E0];
	v10 =	vmul.f32 v24, v10;
	v12 =	vadd.f32 v39, v19  }
0x3ec: {  	v37 =	vld [tilespmem:$0xA460];
	[tilespmem:s21+$0xFFFFFF50] =	vst v11;
	v52 =	vadd.f32 v13, v46  }
0x3ed: {  	v51 =	vld [tilespmem:$0xA4E0];
	v10 =	vadd.f32 v10, v50;
	[tilespmem:s18+$0xFFFFFF60] =	vst v12  }
0x3ee: {  	v53 =	vld [tilespmem:$0xA460];
	[tilespmem:s21+$0xFFFFFFD0] =	vst v52  }
0x3ef: {  	v54 =	vld [tilespmem:$0x1FD40];
	[tilespmem:s21+$0x50] =	vst v10  }
0x3f0: {  	v61 =	vld [tilespmem:$0x1FE30]  }
0x3f1: {  	v34 =	vld [tilespmem:$0xA4E0]  }
0x3f2: {  	v19 =	vld [tilespmem:$0xA4F0]  }
0x3f3: {  	v13 =	vld [tilespmem:$0xA4F0]  }
0x3f4: {  	v60 =	vld [tilespmem:$0xA460];
	v9 =	vmul.f32 v54, v36  }
0x3f5: {  	v1 =	vadd.f32 v1, v32;
	v11 =	vld [tilespmem:$0xA470];
	v14 =	vmul.f32 v61, v37  }
0x3f6: {  	v35 =	vmul.f32 v5, v55;
	v36 =	vld [tilespmem:$0xA4E0];
	v9 =	vadd.f32 v9, v40  }
0x3f7: {  	v43 =	vld [tilespmem:$0xA4F0];
	[tilespmem:s16+$0xFFFFFF70] =	vst v1;
	v37 =	vmul.f32 v4, v57;
	v14 =	vadd.f32 v14, v51  }
0x3f8: {  	v12 =	vmul.f32 v53, v35;
	v63 =	vld [tilespmem:$0xA460];
	[tilespmem:s18+$0xFFFFFFE0] =	vst v9  }
0x3f9: {  	v2 =	vadd.f32 v2, v33;
	v38 =	vld [tilespmem:$0xA4E0];
	v10 =	vmul.f32 v37, v60;
	[tilespmem:s18+$0x60] =	vst v14  }
0x3fa: {  	v12 =	vadd.f32 v34, v12;
	v1 =	vld [tilespmem:$0x1FB90]  }
0x3fb: {  	v39 =	vmul.f32 v3, v59;
	v40 =	vld [tilespmem:$0xA470];
	v44 =	vadd.f32 v10, v36;
	[tilespmem:s16+$0xFFFFFFF0] =	vst v2  }
0x3fc: {  	v41 =	vld [tilespmem:$0xA470];
	[tilespmem:s21+$0xFFFFFF60] =	vst v12  }
0x3fd: {  	v14 =	vmul.f32 v39, v63;
	v48 =	vld [tilespmem:$0x1FB60];
	[tilespmem:s21+$0xFFFFFFE0] =	vst v44  }
0x3fe: {  	v0 =	vadd.f32 v0, v27;
	v50 =	vld [tilespmem:$0x1FBD0]  }
0x3ff: {  	v9 =	vadd.f32 v14, v38;
	v49 =	vld [tilespmem:$0xA470];
	v1 =	vmul.f32 v42, v1  }
0x400: {  	v55 =	vld [tilespmem:$0xA4F0];
	[tilespmem:s16+$0x70] =	vst v0  }
0x401: {  	v51 =	vld [tilespmem:$0xA470];
	[tilespmem:s21+$0x60] =	vst v9;
	v1 =	vmul.f32 v15, v1  }
0x402: {  	v0 =	vld [tilespmem:$0x1FC20];
	v6 =	vmul.f32 v6, v48  }
0x403: {  	v57 =	vld [tilespmem:$0xA4F0];
	v7 =	vmul.f32 v7, v50;
	v1 =	vadd.f32 v20, v1  }
0x404: {  	v52 =	vld [tilespmem:$0xA470];
	v6 =	vadd.f32 v19, v6  }
0x405: {  	v59 =	vld [tilespmem:$0xA4F0];
	v53 =	vadd.f32 v17, v7;
	[tilespmem:s21+$0xF0] =	vst v1  }
0x406: {  	v5 =	vmul.f32 v5, v47;
	v54 =	vld [tilespmem:$0x1FCD0];
	[tilespmem:s17+$0xFFFFFF70] =	vst v6  }
0x407: {  	v4 =	vmul.f32 v4, v56;
	v0 =	vmul.f32 v8, v0;
	v6 =	vld [tilespmem:$0x1FD70];
	[tilespmem:s17+$0xFFFFFFF0] =	vst v53  }
0x408: {  	v3 =	vmul.f32 v3, v58;
	v2 =	vmul.f32 v49, v5;
	v1 =	vld [tilespmem:$0x1FE50]  }
0x409: {  	v45 =	vld [tilespmem:$0xA4F0];
	v4 =	vmul.f32 v51, v4;
	v0 =	vadd.f32 v13, v0  }
0x40a: {  	v46 =	vld [tilespmem:$0xA4F0];
	v2 =	vadd.f32 v55, v2;
	v61 =	vmul.f32 v52, v3  }
0x40b: {  	v63 =	vadd.f32 v57, v4;
	[tilespmem:s17+$0x70] =	vst v0;
	v7 =	vmul.f32 v11, v54  }
0x40c: {  	v0 =	vadd.f32 v59, v61;
	[tilespmem:s21+$0xFFFFFF70] =	vst v2;
	v6 =	vmul.f32 v40, v6  }
0x40d: {  	p1 =	sne.s32 s5, $0x3F;
	[tilespmem:s21+$0xFFFFFFF0] =	vst v63;
	v1 =	vmul.f32 v41, v1;
	v7 =	vadd.f32 v43, v7  }
.Ltmp1:
0x40e: {  	[tilespmem:s21+$0x70] =	vst v0;
	v60 =	vadd.f32 v45, v6;
	(pc) =	sbr.rel @p1 .LBB2_6-.Ltmp1, $4  }
0x40f: {  	s6 =	smul.u32 $0xC80, s6;
	v1 =	vadd.f32 v46, v1;
	[tilespmem:s18+$0xFFFFFF70] =	vst v7  }
0x410: {  	[tilespmem:s18+$0xFFFFFFF0] =	vst v60  }
0x411: {  	s6 =	sadd.s32 s3, s6;
	[tilespmem:s18+$0x70] =	vst v1  }
0x412: {  	[hbm4b:s6+s4] =	stream.linear.scatter [tilespmem:s26], [sflag:$0x4], $0x6400, $0x38;
	[tilespmem:$0x1AF80] =	vst v63  }
.Ltmp2:
0x413: {  	(pc) =	sbr.rel .LBB2_7-.Ltmp2, $4  }
0x414: {  	_ = 	snop  }
0x415: {  	_ =	swait.ge [sflag:s28], $0xC8  }
0x416: {  	[sflag:s28] =	ssyncset.done $0x0  }
0x417: {  	v51 =	vmov v25;
	[sflag:s28] =	ssyncadd.s32 $0xFFFFFF38  }
.LBB2_6:
0x418: {  	s6 =	sadd.s32 s19, s13  }
0x419: {  	s6 =	smul.u32 $0x19, s6;
	_ =	sdelay $0x1  }
.Ltmp3:
0x41a: {  	s6 =	sadd.s32 s9, s6;
	(pc) =	sbr.rel @p0 .LBB2_8-.Ltmp3, $4  }
0x41b: {  	[tilespmem:s23], [sflag:$0x2] =	stream.linear.gather [hbm4b:s6+s4], $0xC8, $0x38;
	[tilespmem:$0x1AF80] =	vst v63  }
0x41c: {  	_ =	swait.ge [sflag:s28], $0xC8  }
0x41d: {  	[sflag:s28] =	ssyncset.done $0x0  }
0x41e: {  	v51 =	vmov v25;
	[sflag:s28] =	ssyncadd.s32 $0xFFFFFF38  }
.LBB2_7:
0x41f: {  	_ =	swait.ge [sflag:s29], $0x6400  }
0x420: {  	[sflag:s29] =	ssyncset.done $0x0  }
0x421: {  	[sflag:s29] =	ssyncadd.s32 $0xFFFF9C00  }
.LBB2_8:
0x422: {  	s7 =	simm.s32 $0xE682  }
0x423: {  	v0 =	vld [tilespmem:s7+$0x1];
	_ =	sdelay $0x4  }
0x424: {  	(v2sf) =	vpush v0, $0x0;
	_ =	sdelay $0x5  }
0x425: {  	v1 =	vld [tilespmem:s7+$0x0]  }
0x426: {  	s6 =	simm.s32 $0x4100;
	v2 =	vld [tilespmem:s7+$0xFFFFFFFE]  }
0x427: {  	v3 =	vld [tilespmem:s6+$0xB0]  }
0x428: {  	v4 =	vld [tilespmem:s6+$0x80]  }
0x429: {  	v5 =	vld [tilespmem:s6+$0x90]  }
0x42a: {  	v9 =	vld [tilespmem:s6+$0xA0]  }
0x42b: {  	s2 =	sshll.u32 s2, $0x7;
	v12 =	vld [tilespmem:s6+$0xD0]  }
0x42c: {  	s2 =	sand.u32 $0x3FFFFF80, s2;
	v13 =	vld [tilespmem:s6+$0xC0]  }
0x42d: {  	v27 =	vld [tilespmem:s2+$0xA580]  }
0x42e: {  	v63 =	vld [tilespmem:s2+$0xA590];
	s12 =	spop (v2sf)  }
0x42f: {  	v0 =	vld [tilespmem:s7+$0xFFFFFFFF];
	s7 =	sshll.u32 s12, $0x9  }
0x430: {  	v34 =	vld [tilespmem:s2+$0xA5A0];
	s7 =	sshra.s32 s7, $0x2  }
0x431: {  	v6 =	vld [tilespmem:s7+$0x0]  }
0x432: {  	v7 =	vld [tilespmem:s7+$0x10]  }
0x433: {  	v33 =	vld [tilespmem:s2+$0xA5B0]  }
0x434: {  	v10 =	vld [tilespmem:s7+$0x20]  }
0x435: {  	v11 =	vld [tilespmem:s7+$0x30]  }
0x436: {  	v45 =	vld [tilespmem:s2+$0xA5C0];
	(v2sf) =	vpush v0, $0x0;
	v4 =	vadd.f32 v4, v6  }
0x437: {  	(v2sf) =	vpush v1, $0x0;
	v1 =	vld [tilespmem:s7+$0x40];
	v0 =	vadd.f32 v5, v7  }
0x438: {  	v35 =	vld [tilespmem:s2+$0xA5D0];
	v8 =	vadd.f32 v4, v27  }
0x439: {  	v6 =	vadd.f32 v0, v63;
	v0 =	vadd.f32 v9, v10;
	v4 =	vld [tilespmem:s7+$0x50]  }
0x43a: {  	(v2sf) =	vpush v2, $0x0;
	v2 =	vadd.f32 v3, v11;
	v7 =	vld [tilespmem:s6+$0xE0]  }
0x43b: {  	v10 =	vld [tilespmem:s7+$0x60];
	v3 =	vmul.f32 v8, v8;
	v9 =	vmul.f32 v6, v6;
	v5 =	vadd.f32 v0, v34  }
0x43c: {  	v1 =	vadd.f32 v13, v1;
	v11 =	vld [tilespmem:s7+$0x70]  }
0x43d: {  	v0 =	vadd.f32 v2, v33;
	v2 =	vld [tilespmem:s6+$0xF0];
	v3 =	vadd.f32 v9, v3;
	v9 =	vmul.f32 v5, v5  }
0x43e: {  	v44 =	vld [tilespmem:s2+$0xA5E0];
	v4 =	vadd.f32 v12, v4  }
0x43f: {  	v12 =	vmul.f32 v0, v0;
	v9 =	vadd.f32 v9, v3;
	v3 =	vadd.f32 v1, v45  }
0x440: {  	v48 =	vld [tilespmem:s2+$0xA5F0];
	v7 =	vadd.f32 v7, v10  }
0x441: {  	v1 =	vadd.f32 v4, v35;
	v9 =	vadd.f32 v12, v9;
	v10 =	vmul.f32 v3, v3  }
0x442: {  	v2 =	vadd.f32 v2, v11  }
0x443: {  	v7 =	vadd.f32 v7, v44;
	v4 =	vadd.f32 v10, v9;
	v9 =	vmul.f32 v1, v1;
	_ =	sdelay $0x1  }
0x444: {  	[tilespmem:$0x1F230] =	vst v7;
	v7 =	vmul.f32 v7, v7;
	v4 =	vadd.f32 v9, v4;
	v9 =	vadd.f32 v2, v48;
	_ =	sdelay $0x1  }
0x445: {  	v2 =	vadd.f32 v7, v4;
	v4 =	vmul.f32 v9, v9;
	_ =	sdelay $0x1  }
0x446: {  	v2 =	vadd.f32 v4, v2  }
0x447: {  	s14 =	spop (v2sf)  }
0x448: {  	s16 =	spop (v2sf);
	v4 =	vperm.xlane v2, v62  }
0x449: {  	s8 =	spop (v2sf)  }
0x44a: {  	s8 =	sshll.u32 s8, $0x9;
	v2 =	vadd.f32 v2, v4  }
0x44b: {  	s2 =	sshll.u32 s14, $0x9;
	s8 =	sshra.s32 s8, $0x2;
	[tilespmem:$0x1F390] =	vst v9  }
0x44c: {  	s2 =	sshra.s32 s2, $0x2;
	v7 =	vld [tilespmem:s8+$0x0];
	v10 =	vperm.xlane v2, v28  }
0x44d: {  	s7 =	sshll.u32 s16, $0x9;
	v9 =	vld [tilespmem:s2+$0x0]  }
0x44e: {  	s7 =	sshra.s32 s7, $0x2;
	v11 =	vld [tilespmem:s2+$0x10];
	v2 =	vadd.f32 v2, v10  }
0x44f: {  	v12 =	vld [tilespmem:s7+$0x0]  }
0x450: {  	v13 =	vld [tilespmem:s7+$0x10];
	v14 =	vperm.xlane v2, v51  }
0x451: {  	v15 =	vld [tilespmem:s6+$0xFFFFFF10]  }
0x452: {  	v16 =	vld [tilespmem:s6+$0xFFFFFF80];
	v2 =	vadd.f32 v2, v14  }
0x453: {  	v17 =	vld [tilespmem:s6+$0x0]  }
0x454: {  	v19 =	vld [tilespmem:s6+$0x10];
	v18 =	vperm.xlane v2, v29  }
0x455: {  	v21 =	vld [tilespmem:s8+$0x20]  }
0x456: {  	v10 =	vld [tilespmem:s6+$0xFFFFFF00];
	v2 =	vadd.f32 v2, v18  }
0x457: {  	v4 =	vld [tilespmem:s8+$0x10]  }
0x458: {  	v43 =	vld [tilespmem:s2+$0x20];
	v2 =	vmul.f32 $7.812500000e-03, v2  }
0x459: {  	v14 =	vld [tilespmem:s6+$0xFFFFFF90]  }
0x45a: {  	v22 =	vld [tilespmem:s7+$0x20];
	v2 =	vadd.f32 $9.999999960e-13, v2  }
0x45b: {  	v23 =	vld [tilespmem:s6+$0xFFFFFF20];
	v7 =	vadd.f32 v10, v7  }
0x45c: {  	v24 =	vld [tilespmem:s6+$0xFFFFFFA0];
	v20 =	vshrl.u32 v2, $0x1;
	v28 =	vmul.f32 $5.000000000e-01, v2;
	v2 =	vadd.f32 v15, v4  }
0x45d: {  	v25 =	vld [tilespmem:s6+$0x20];
	v10 =	vadd.f32 v7, v27  }
0x45e: {  	v26 =	vld [tilespmem:s8+$0x30];
	v7 =	vsub.s32 $0x5F3759DF, v20;
	v20 =	vadd.f32 v2, v63;
	v2 =	vadd.f32 v14, v11  }
0x45f: {  	v46 =	vld [tilespmem:s6+$0xFFFFFF30];
	v9 =	vadd.f32 v16, v9  }
0x460: {  	v36 =	vmovc v29;
	v12 =	vadd.f32 v17, v12;
	v29 =	vld [tilespmem:s6+$0xFFFFFFB0];
	v15 =	vmul.f32 v7, v28;
	v47 =	vadd.f32 v2, v63  }
0x461: {  	v13 =	vadd.f32 v19, v13;
	v21 =	vadd.f32 v23, v21;
	v4 =	vld [tilespmem:s2+$0x30]  }
0x462: {  	v23 =	vadd.f32 v24, v43;
	v11 =	vadd.f32 v9, v27;
	v9 =	vld [tilespmem:s8+$0x40];
	v15 =	vmul.f32 v7, v15;
	[tilespmem:$0x1F200] =	vst v47  }
0x463: {  	v50 =	vadd.f32 v21, v34;
	v14 =	vmul.f32 v10, v10;
	v30 =	vmul.f32 v20, v20;
	v49 =	vld [tilespmem:s2+$0x40]  }
0x464: {  	v2 =	vadd.f32 v12, v27;
	v15 =	vsub.f32 $1.500000000e+00, v15;
	v12 =	vld [tilespmem:s6+$0xFFFFFF40]  }
0x465: {  	v30 =	vadd.f32 v30, v14;
	v14 =	vmul.f32 v11, v11;
	v31 =	vmul.f32 v47, v47;
	v32 =	vld [tilespmem:s6+$0xFFFFFFC0]  }
0x466: {  	v16 =	vadd.f32 v46, v26;
	v24 =	vld [tilespmem:s8+$0x50];
	v7 =	vmul.f32 v7, v15;
	v15 =	vadd.f32 v23, v34  }
0x467: {  	v18 =	vadd.f32 v13, v63;
	v13 =	vadd.f32 v31, v14;
	v31 =	vld [tilespmem:s2+$0x50];
	[tilespmem:$0x1F210] =	vst v50  }
0x468: {  	v4 =	vadd.f32 v29, v4;
	[tilespmem:$0x1F220] =	vst v15  }
0x469: {  	v52 =	vadd.f32 v16, v33;
	v21 =	vld [tilespmem:s6+$0xFFFFFF50]  }
0x46a: {  	v53 =	vadd.f32 v4, v33;
	v26 =	vld [tilespmem:s6+$0xFFFFFFD0]  }
0x46b: {  	v23 =	vmul.f32 v7, v28;
	v28 =	vld [tilespmem:s8+$0x60];
	[tilespmem:$0x1F240] =	vst v52;
	v9 =	vadd.f32 v12, v9  }
0x46c: {  	v22 =	vadd.f32 v25, v22;
	[tilespmem:$0x1F250] =	vst v53  }
0x46d: {  	v25 =	vmul.f32 v50, v50;
	v23 =	vmul.f32 v23, v7;
	v54 =	vld [tilespmem:s2+$0x60];
	v56 =	vadd.f32 v9, v45  }
0x46e: {  	v29 =	vmul.f32 v15, v15;
	v55 =	vld [tilespmem:s6+$0xFFFFFF60];
	v19 =	vadd.f32 v32, v49  }
0x46f: {  	v4 =	vld [tilespmem:$0xA400];
	v12 =	vsub.f32 $1.500000000e+00, v23;
	v23 =	vadd.f32 v25, v30;
	v25 =	vmul.f32 v52, v52;
	[tilespmem:$0x1F260] =	vst v56  }
0x470: {  	v13 =	vadd.f32 v29, v13;
	v29 =	vmul.f32 v53, v53;
	v57 =	vadd.f32 v19, v45;
	v30 =	vld [tilespmem:s6+$0xFFFFFFE0]  }
0x471: {  	v12 =	vmul.f32 v12, v7;
	v9 =	vadd.f32 v25, v23;
	v23 =	vmul.f32 v56, v56;
	v7 =	vld [tilespmem:$0xA480]  }
0x472: {  	v13 =	vadd.f32 v29, v13;
	v58 =	vadd.f32 v21, v24;
	v29 =	vld [tilespmem:s8+$0x70];
	[tilespmem:$0x1F270] =	vst v57  }
0x473: {  	v8 =	vmul.f32 v12, v8;
	v21 =	vld [tilespmem:s6+$0xFFFFFF70];
	v23 =	vadd.f32 v23, v9;
	v9 =	vadd.f32 v26, v31  }
0x474: {  	v59 =	vadd.f32 v55, v28;
	v25 =	vadd.f32 v58, v35  }
0x475: {  	v28 =	vmul.f32 v57, v57;
	v8 =	vmul.f32 v8, v4;
	v9 =	vadd.f32 v9, v35  }
0x476: {  	v24 =	vld [tilespmem:s2+$0x70];
	[tilespmem:$0x1F2B0] =	vst v25;
	v60 =	vmul.f32 v25, v25;
	v25 =	vadd.f32 v59, v44;
	v16 =	vadd.f32 v30, v54  }
0x477: {  	v13 =	vadd.f32 v28, v13;
	v26 =	vld [tilespmem:s6+$0xFFFFFFF0];
	[tilespmem:$0x1F2C0] =	vst v9;
	v8 =	vadd.f32 v8, v7  }
0x478: {  	s2 =	simm.s32 $0x14C80;
	v28 =	vmul.f32 v9, v9;
	v31 =	vld [tilespmem:s7+$0x30];
	[tilespmem:$0x1F330] =	vst v25;
	v21 =	vadd.f32 v21, v29;
	v9 =	vadd.f32 v16, v44  }
0x479: {  	[tilespmem:s2+$0x80] =	vst v8  }
0x47a: {  	v14 =	vmov v34;
	v34 =	vmul.f32 v25, v25;
	v61 =	vld [tilespmem:s6+$0x30];
	v25 =	vadd.f32 v21, v48;
	[tilespmem:$0x1F370] =	vst v9  }
0x47b: {  	v8 =	vadd.f32 v60, v23;
	v23 =	vld [tilespmem:$0xA410]  }
0x47c: {  	v30 =	vld [tilespmem:s7+$0x40];
	[tilespmem:$0x1F360] =	vst v25  }
0x47d: {  	v37 =	vld [tilespmem:$0xA490]  }
0x47e: {  	v6 =	vmul.f32 v12, v6;
	v24 =	vadd.f32 v26, v24  }
0x47f: {  	v32 =	vadd.f32 v22, v14;
	v26 =	vld [tilespmem:s6+$0x40]  }
0x480: {  	v21 =	vmul.f32 v9, v9;
	v9 =	vadd.f32 v24, v48;
	v6 =	vmul.f32 v6, v23  }
0x481: {  	v13 =	vadd.f32 v28, v13;
	v8 =	vadd.f32 v34, v8;
	v24 =	vmul.f32 v25, v25  }
0x482: {  	s17 =	simm.s32 $0xE686;
	v29 =	vmul.f32 v2, v2;
	v28 =	vmul.f32 v18, v18;
	[tilespmem:$0x1F380] =	vst v9;
	v6 =	vadd.f32 v6, v37  }
0x483: {  	v13 =	vadd.f32 v21, v13;
	v8 =	vadd.f32 v24, v8;
	v22 =	vld [tilespmem:s17+$0x1]  }
0x484: {  	v21 =	vmul.f32 v9, v9;
	v23 =	vadd.f32 v28, v29;
	v28 =	vld [tilespmem:s7+$0x50];
	v38 =	vadd.f32 v26, v30;
	[tilespmem:s2+$0x90] =	vst v6  }
0x485: {  	v24 =	vmul.f32 v32, v32;
	v9 =	vld [tilespmem:$0x1FFD0]  }
0x486: {  	v29 =	vld [tilespmem:s6+$0x50];
	v13 =	vadd.f32 v21, v13;
	v21 =	vperm.xlane v8, v62;
	v25 =	vadd.f32 v38, v45  }
0x487: {  	v19 =	vadd.f32 v61, v31;
	v26 =	vld [tilespmem:s7+$0x60]  }
0x488: {  	v15 =	vmov v33;
	v23 =	vadd.f32 v24, v23;
	v24 =	vld [tilespmem:s6+$0x60];
	v8 =	vadd.f32 v8, v21;
	[tilespmem:$0x1F280] =	vst v25  }
0x489: {  	v16 =	vadd.f32 v19, v15;
	v39 =	vld [tilespmem:$0xA420]  }
0x48a: {  	v31 =	vperm.xlane v13, v62;
	(v2sf) =	vpush v22, $0x0;
	v22 =	vperm.xlane v8, v9;
	v9 =	vld [tilespmem:$0x1FFD0]  }
0x48b: {  	v21 =	vld [tilespmem:s7+$0x70]  }
0x48c: {  	v6 =	vmul.f32 v16, v16;
	v13 =	vadd.f32 v13, v31;
	v31 =	vld [tilespmem:$0xA4A0]  }
0x48d: {  	v40 =	vld [tilespmem:s6+$0x70];
	v8 =	vadd.f32 v8, v22;
	v22 =	vadd.f32 v29, v28  }
0x48e: {  	v5 =	vmul.f32 v12, v5;
	v6 =	vadd.f32 v6, v23;
	v23 =	vmul.f32 v25, v25  }
0x48f: {  	v42 =	vadd.f32 v24, v26;
	v41 =	vperm.xlane v13, v9;
	v9 =	vadd.f32 v22, v35  }
0x490: {  	v6 =	vadd.f32 v23, v6;
	v5 =	vmul.f32 v5, v39;
	v28 =	vperm.xlane v8, v51  }
0x491: {  	v23 =	vadd.f32 v13, v41;
	[tilespmem:$0x1F2E0] =	vst v9;
	v24 =	vmul.f32 v9, v9;
	v9 =	vadd.f32 v42, v44  }
0x492: {  	v43 =	vadd.f32 v40, v21;
	v5 =	vadd.f32 v5, v31  }
0x493: {  	v8 =	vadd.f32 v8, v28;
	v22 =	vperm.xlane v23, v51;
	[tilespmem:$0x1F3B0] =	vst v9  }
0x494: {  	[tilespmem:s2+$0xA0] =	vst v5;
	v5 =	vadd.f32 v24, v6;
	v6 =	vmul.f32 v9, v9;
	v9 =	vadd.f32 v43, v48  }
0x495: {  	v21 =	vadd.f32 v23, v22  }
0x496: {  	v22 =	vperm.xlane v8, v36;
	[tilespmem:$0x1F3C0] =	vst v9;
	v5 =	vadd.f32 v6, v5;
	v6 =	vmul.f32 v9, v9;
	v9 =	vld [tilespmem:$0x1FFD0]  }
0x497: {  	v46 =	vld [tilespmem:$0xA430]  }
0x498: {  	v8 =	vadd.f32 v8, v22;
	v22 =	vld [tilespmem:$0xA4B0]  }
0x499: {  	s18 =	simm.s32 $0x4300;
	s19 =	spop (v2sf);
	v24 =	vld [tilespmem:s17+$0xFFFFFFFF]  }
0x49a: {  	s7 =	sshll.u32 s19, $0x9;
	v23 =	vperm.xlane v21, v36;
	v28 =	vld [tilespmem:s18+$0xB0]  }
0x49b: {  	s7 =	sshra.s32 s7, $0x2;
	v29 =	vld [tilespmem:s18+$0x80]  }
0x49c: {  	v52 =	vld [tilespmem:s7+$0x10];
	v5 =	vadd.f32 v6, v5;
	v21 =	vadd.f32 v21, v23  }
0x49d: {  	v0 =	vmul.f32 v12, v0;
	v41 =	vld [tilespmem:s18+$0xD0];
	v8 =	vmul.f32 $7.812500000e-03, v8  }
0x49e: {  	v55 =	vld [tilespmem:s7+$0x50];
	v26 =	vperm.xlane v5, v62;
	v21 =	vmul.f32 $7.812500000e-03, v21  }
0x49f: {  	v57 =	vld [tilespmem:s7+$0x60];
	v8 =	vadd.f32 $9.999999960e-13, v8  }
0x4a0: {  	v23 =	vld [tilespmem:s17+$0x0];
	v5 =	vadd.f32 v5, v26;
	v0 =	vmul.f32 v0, v46;
	v21 =	vadd.f32 $9.999999960e-13, v21  }
0x4a1: {  	v26 =	vld [tilespmem:s7+$0x0];
	(v2sf) =	vpush v24, $0x0;
	v31 =	vshrl.u32 v8, $0x1;
	v47 =	vmul.f32 $5.000000000e-01, v8  }
0x4a2: {  	v24 =	vld [tilespmem:s18+$0xE0];
	v49 =	vsub.s32 $0x5F3759DF, v31;
	v31 =	vshrl.u32 v21, $0x1;
	v21 =	vmul.f32 $5.000000000e-01, v21  }
0x4a3: {  	v59 =	vadd.f32 v41, v55;
	v8 =	vld [tilespmem:s18+$0x90];
	v50 =	vmul.f32 v49, v47;
	v38 =	vsub.s32 $0x5F3759DF, v31  }
0x4a4: {  	v17 =	vmovc v35;
	v39 =	vld [tilespmem:s18+$0xA0];
	v37 =	vperm.xlane v5, v9;
	v0 =	vadd.f32 v0, v22;
	v31 =	vmul.f32 v38, v21  }
0x4a5: {  	v25 =	vmovc v12;
	v40 =	vld [tilespmem:s7+$0x20];
	(v2sf) =	vpush v23, $0x0;
	v12 =	vadd.f32 v59, v17;
	v35 =	vmul.f32 v49, v50  }
0x4a6: {  	v37 =	vadd.f32 v5, v37;
	v5 =	vld [tilespmem:s7+$0x30];
	v26 =	vadd.f32 v29, v26;
	v53 =	vmul.f32 v38, v31  }
0x4a7: {  	v54 =	vld [tilespmem:s7+$0x40];
	v24 =	vadd.f32 v24, v57;
	v35 =	vsub.f32 $1.500000000e+00, v35  }
0x4a8: {  	v22 =	vld [tilespmem:s18+$0xC0];
	v8 =	vadd.f32 v8, v52;
	v19 =	vsub.f32 $1.500000000e+00, v53  }
0x4a9: {  	v31 =	vadd.f32 v26, v27;
	v30 =	vadd.f32 v24, v44;
	v34 =	vmul.f32 v49, v35  }
0x4aa: {  	v26 =	vadd.f32 v8, v63;
	v8 =	vadd.f32 v39, v40;
	v19 =	vmul.f32 v38, v19  }
0x4ab: {  	v58 =	vld [tilespmem:s7+$0x70];
	v5 =	vadd.f32 v28, v5;
	v28 =	vmul.f32 v31, v31;
	v33 =	vmul.f32 v34, v47  }
0x4ac: {  	v23 =	vld [tilespmem:s18+$0xF0];
	[tilespmem:s2+$0xB0] =	vst v0;
	v56 =	vmul.f32 v26, v26;
	v29 =	vadd.f32 v8, v14;
	v0 =	vmul.f32 v19, v21  }
0x4ad: {  	v6 =	vld [tilespmem:s17+$0xFFFFFFFE];
	v8 =	vadd.f32 v5, v15;
	v5 =	vadd.f32 v22, v54;
	v21 =	vmul.f32 v33, v34  }
0x4ae: {  	v60 =	vld [tilespmem:$0xA440];
	v22 =	vadd.f32 v56, v28;
	v28 =	vmul.f32 v29, v29;
	v61 =	vmul.f32 v0, v19  }
0x4af: {  	v3 =	vmul.f32 v25, v3;
	v9 =	vadd.f32 v5, v45;
	v21 =	vsub.f32 $1.500000000e+00, v21  }
0x4b0: {  	v13 =	vmovc v36;
	v24 =	vld [tilespmem:$0xA4C0];
	v22 =	vadd.f32 v28, v22;
	v28 =	vmul.f32 v8, v8;
	v36 =	vsub.f32 $1.500000000e+00, v61  }
0x4b1: {  	v23 =	vadd.f32 v23, v58;
	v40 =	vmul.f32 v12, v12;
	v5 =	vmovc v25;
	v25 =	vmul.f32 v21, v34  }
0x4b2: {  	v22 =	vadd.f32 v28, v22;
	v28 =	vmul.f32 v9, v9;
	v21 =	vmul.f32 v36, v19  }
0x4b3: {  	(v2sf) =	vpush v6, $0x0;
	v3 =	vmul.f32 v3, v60;
	v10 =	vmul.f32 v25, v10  }
0x4b4: {  	v0 =	vadd.f32 v23, v48;
	v28 =	vadd.f32 v28, v22;
	v11 =	vmul.f32 v21, v11  }
0x4b5: {  	v42 =	vperm.xlane v37, v51;
	v3 =	vadd.f32 v3, v24;
	v10 =	vmul.f32 v10, v4  }
0x4b6: {  	v41 =	vmul.f32 v30, v30;
	[tilespmem:$0x1F490] =	vst v0;
	v28 =	vadd.f32 v40, v28;
	v11 =	vmul.f32 v11, v4  }
0x4b7: {  	v23 =	vadd.f32 v37, v42;
	[tilespmem:s2+$0xC0] =	vst v3;
	v3 =	vadd.f32 v10, v7  }
0x4b8: {  	v43 =	vadd.f32 v41, v28;
	v28 =	vmul.f32 v0, v0;
	v11 =	vadd.f32 v11, v7  }
0x4b9: {  	[tilespmem:s2+$0xFFFFFF00] =	vst v3  }
0x4ba: {  	s20 =	spop (v2sf);
	v46 =	vperm.xlane v23, v13;
	v19 =	vadd.f32 v28, v43;
	[tilespmem:s2+$0xFFFFFF80] =	vst v11  }
0x4bb: {  	s7 =	sshll.u32 s20, $0x9;
	v0 =	vld [tilespmem:$0x1FFD0]  }
0x4bc: {  	s11 =	sshra.s32 s7, $0x2;
	v23 =	vadd.f32 v23, v46;
	v10 =	vperm.xlane v19, v62  }
0x4bd: {  	v37 =	vld [tilespmem:s11+$0x10]  }
0x4be: {  	v38 =	vld [tilespmem:s18+$0xFFFFFF00];
	v23 =	vmul.f32 $7.812500000e-03, v23;
	v3 =	vadd.f32 v19, v10  }
0x4bf: {  	v42 =	vld [tilespmem:s18+$0x0]  }
0x4c0: {  	v52 =	vld [tilespmem:s18+$0xFFFFFF20];
	v11 =	vadd.f32 $9.999999960e-13, v23;
	v19 =	vperm.xlane v3, v0  }
0x4c1: {  	v55 =	vld [tilespmem:s18+$0xFFFFFFA0]  }
0x4c2: {  	v56 =	vld [tilespmem:s18+$0x20];
	v24 =	vshrl.u32 v11, $0x1;
	v11 =	vmul.f32 $5.000000000e-01, v11;
	v3 =	vadd.f32 v3, v19  }
0x4c3: {  	v58 =	vld [tilespmem:s11+$0x30];
	v47 =	vsub.s32 $0x5F3759DF, v24  }
0x4c4: {  	s12 =	spop (v2sf);
	v34 =	vld [tilespmem:$0xA4D0];
	v24 =	vmul.f32 v47, v11;
	v49 =	vperm.xlane v3, v51  }
0x4c5: {  	s22 =	sshll.u32 s12, $0x9;
	v36 =	vld [tilespmem:s11+$0x0]  }
0x4c6: {  	s7 =	sshra.s32 s22, $0x2;
	v46 =	vld [tilespmem:s18+$0xFFFFFF90];
	v24 =	vmul.f32 v47, v24;
	v3 =	vadd.f32 v3, v49  }
0x4c7: {  	s21 =	spop (v2sf);
	v39 =	vld [tilespmem:s7+$0x0]  }
0x4c8: {  	s8 =	sshll.u32 s21, $0x9;
	v40 =	vld [tilespmem:s7+$0x10];
	v24 =	vsub.f32 $1.500000000e+00, v24;
	v50 =	vperm.xlane v3, v13  }
0x4c9: {  	s8 =	sshra.s32 s8, $0x2;
	v53 =	vld [tilespmem:s7+$0x20]  }
0x4ca: {  	v35 =	vld [tilespmem:s8+$0x10];
	v19 =	vmul.f32 v47, v24;
	v3 =	vadd.f32 v3, v50  }
0x4cb: {  	v57 =	vld [tilespmem:s8+$0x30]  }
0x4cc: {  	v41 =	vld [tilespmem:s18+$0xFFFFFF10];
	v11 =	vmul.f32 v19, v11;
	v3 =	vmul.f32 $7.812500000e-03, v3  }
0x4cd: {  	v28 =	vld [tilespmem:$0xA450]  }
0x4ce: {  	v43 =	vld [tilespmem:s18+$0xFFFFFF80];
	v11 =	vmul.f32 v11, v19;
	v3 =	vadd.f32 $9.999999960e-13, v3  }
0x4cf: {  	v33 =	vld [tilespmem:$0xA410]  }
0x4d0: {  	v23 =	vld [tilespmem:s8+$0x0];
	v11 =	vsub.f32 $1.500000000e+00, v11;
	v24 =	vshrl.u32 v3, $0x1;
	v3 =	vmul.f32 $5.000000000e-01, v3  }
0x4d1: {  	v10 =	vld [tilespmem:$0xA410];
	v54 =	vsub.s32 $0x5F3759DF, v24  }
0x4d2: {  	v47 =	vld [tilespmem:s18+$0x10];
	v24 =	vmul.f32 v11, v19;
	v11 =	vmul.f32 v54, v3  }
0x4d3: {  	v1 =	vmul.f32 v5, v1;
	v49 =	vld [tilespmem:s8+$0x20]  }
0x4d4: {  	v50 =	vld [tilespmem:s11+$0x20];
	[tilespmem:$0x1F3A0] =	vst v5;
	v2 =	vmul.f32 v24, v2;
	v11 =	vmul.f32 v54, v11  }
0x4d5: {  	v1 =	vmul.f32 v1, v28;
	v59 =	vld [tilespmem:s7+$0x30]  }
0x4d6: {  	v60 =	vld [tilespmem:s18+$0xFFFFFF30];
	v2 =	vmul.f32 v2, v4;
	v4 =	vsub.f32 $1.500000000e+00, v11  }
0x4d7: {  	v61 =	vld [tilespmem:s18+$0xFFFFFFB0];
	v19 =	vadd.f32 v46, v37;
	v11 =	vadd.f32 v1, v34  }
0x4d8: {  	v37 =	vld [tilespmem:s7+$0x40];
	v62 =	vadd.f32 v2, v7;
	v2 =	vmul.f32 v54, v4;
	v4 =	vadd.f32 v41, v35  }
0x4d9: {  	v1 =	vadd.f32 v38, v23;
	v34 =	vld [tilespmem:s8+$0x40];
	v38 =	vadd.f32 v47, v40  }
0x4da: {  	v6 =	vmovc v5;
	v7 =	vadd.f32 v43, v36;
	v54 =	vld [tilespmem:s18+$0x30];
	v3 =	vmul.f32 v2, v3;
	v5 =	vadd.f32 v4, v63  }
0x4db: {  	v47 =	vmov v63;
	v36 =	vadd.f32 v42, v39;
	v39 =	vadd.f32 v52, v49;
	v35 =	vld [tilespmem:s11+$0x40]  }
0x4dc: {  	v41 =	vld [tilespmem:s18+$0xFFFFFF40];
	v23 =	vadd.f32 v1, v27;
	v1 =	vadd.f32 v19, v47;
	v3 =	vmul.f32 v3, v2;
	[tilespmem:$0x1F290] =	vst v5  }
0x4dd: {  	v22 =	vadd.f32 v38, v47;
	v7 =	vadd.f32 v7, v27;
	v42 =	vld [tilespmem:s18+$0xFFFFFFC0]  }
0x4de: {  	v46 =	vmul.f32 v1, v1;
	v63 =	vld [tilespmem:s18+$0x40];
	[tilespmem:$0x1F2A0] =	vst v1;
	v3 =	vsub.f32 $1.500000000e+00, v3  }
0x4df: {  	v0 =	vadd.f32 v39, v14;
	v38 =	vmul.f32 v7, v7;
	v52 =	vmul.f32 v5, v5;
	v5 =	vld [tilespmem:s8+$0x50];
	[tilespmem:$0x1F2D0] =	vst v22  }
0x4e0: {  	v4 =	vmul.f32 v23, v23;
	v19 =	vmul.f32 v3, v2;
	v3 =	vadd.f32 v36, v27;
	v2 =	vld [tilespmem:$0xA400]  }
0x4e1: {  	v40 =	vadd.f32 v55, v50;
	v43 =	vmul.f32 v22, v22;
	v38 =	vadd.f32 v46, v38;
	v1 =	vld [tilespmem:s11+$0x50];
	[tilespmem:$0x1F2F0] =	vst v0  }
0x4e2: {  	v46 =	vadd.f32 v56, v53;
	v36 =	vadd.f32 v52, v4;
	v4 =	vld [tilespmem:$0xA480];
	v39 =	vmul.f32 v3, v3  }
0x4e3: {  	v50 =	vadd.f32 v60, v57;
	v49 =	vmovc v27;
	v27 =	vadd.f32 v40, v14;
	v31 =	vmul.f32 v19, v31  }
0x4e4: {  	v22 =	vadd.f32 v46, v14;
	v55 =	vld [tilespmem:s7+$0x50];
	v39 =	vadd.f32 v43, v39  }
0x4e5: {  	v53 =	vld [tilespmem:s18+$0xFFFFFF50];
	[tilespmem:$0x1F300] =	vst v27;
	v43 =	vmul.f32 v0, v0;
	v0 =	vadd.f32 v50, v15;
	v31 =	vmul.f32 v31, v2  }
0x4e6: {  	v54 =	vadd.f32 v54, v59;
	v57 =	vld [tilespmem:s18+$0xFFFFFFD0];
	[tilespmem:$0x1F310] =	vst v22  }
0x4e7: {  	v60 =	vld [tilespmem:s18+$0x50];
	[tilespmem:$0x1F320] =	vst v0;
	v31 =	vadd.f32 v31, v4  }
0x4e8: {  	s16 =	simm.s32 $0x14E80;
	v46 =	vmul.f32 v0, v0;
	v0 =	vadd.f32 v54, v15;
	v56 =	vld [tilespmem:s8+$0x60]  }
0x4e9: {  	v50 =	vadd.f32 v61, v58;
	v58 =	vld [tilespmem:s11+$0x60];
	[tilespmem:s16+$0x80] =	vst v31  }
0x4ea: {  	v61 =	vld [tilespmem:s7+$0x60];
	[tilespmem:$0x1F340] =	vst v0  }
0x4eb: {  	v34 =	vadd.f32 v41, v34;
	v36 =	vadd.f32 v43, v36;
	v54 =	vld [tilespmem:$0xA410]  }
0x4ec: {  	v40 =	vmul.f32 v27, v27;
	v35 =	vadd.f32 v42, v35;
	v31 =	vmul.f32 v22, v22  }
0x4ed: {  	v43 =	vadd.f32 v50, v15;
	v36 =	vadd.f32 v46, v36;
	v46 =	vmul.f32 v0, v0;
	v0 =	vld [tilespmem:$0xA490]  }
0x4ee: {  	v37 =	vadd.f32 v63, v37;
	v26 =	vmul.f32 v19, v26;
	v31 =	vadd.f32 v31, v39;
	v39 =	vld [tilespmem:s18+$0xFFFFFF60]  }
0x4ef: {  	v38 =	vadd.f32 v40, v38;
	v28 =	vadd.f32 v35, v45;
	v41 =	vmul.f32 v43, v43;
	v63 =	vld [tilespmem:s18+$0xFFFFFFE0]  }
0x4f0: {  	v5 =	vadd.f32 v53, v5;
	v22 =	vadd.f32 v37, v45;
	v42 =	vld [tilespmem:s18+$0x60];
	v26 =	vmul.f32 v26, v54  }
0x4f1: {  	v38 =	vadd.f32 v41, v38;
	v41 =	vadd.f32 v34, v45;
	v53 =	vld [tilespmem:s8+$0x70]  }
0x4f2: {  	v34 =	vld [tilespmem:s11+$0x70];
	[tilespmem:$0x1F350] =	vst v28;
	v0 =	vadd.f32 v26, v0;
	v26 =	vadd.f32 v5, v17  }
0x4f3: {  	v35 =	vld [tilespmem:s18+$0xFFFFFF70];
	[tilespmem:$0x1F420] =	vst v22  }
0x4f4: {  	[tilespmem:$0x1F3E0] =	vst v26  }
0x4f5: {  	v1 =	vadd.f32 v57, v1;
	[tilespmem:s16+$0x90] =	vst v0  }
0x4f6: {  	v0 =	vld [tilespmem:$0x1F200]  }
0x4f7: {  	v20 =	vmul.f32 v25, v20;
	v52 =	vmov v14;
	v14 =	vadd.f32 v1, v17;
	_ =	sdelay $0x1  }
0x4f8: {  	v20 =	vmul.f32 v20, v33;
	v5 =	vmul.f32 v41, v41;
	v37 =	vld [tilespmem:$0xA490];
	[tilespmem:$0x1F450] =	vst v14  }
0x4f9: {  	v29 =	vmul.f32 v19, v29;
	v40 =	vmovc v17;
	v31 =	vadd.f32 v46, v31;
	v56 =	vadd.f32 v39, v56;
	v17 =	vld [tilespmem:$0xA490]  }
0x4fa: {  	v5 =	vadd.f32 v5, v36;
	v36 =	vmul.f32 v22, v22;
	v33 =	vld [tilespmem:$0xA420];
	v0 =	vmul.f32 v21, v0  }
0x4fb: {  	v50 =	vmovc v15;
	v55 =	vadd.f32 v60, v55;
	v1 =	vmul.f32 v28, v28;
	v15 =	vadd.f32 v56, v44;
	v60 =	vld [tilespmem:s18+$0xFFFFFFF0]  }
0x4fc: {  	[tilespmem:s2+$0x0] =	vst v62;
	v62 =	vadd.f32 v63, v58;
	v0 =	vmul.f32 v0, v10;
	v10 =	vadd.f32 v36, v31;
	v31 =	vld [tilespmem:$0xA4A0]  }
0x4fd: {  	v59 =	vmovc v45;
	v1 =	vadd.f32 v1, v38;
	v45 =	vmul.f32 v14, v14;
	v39 =	vld [tilespmem:s7+$0x70];
	v20 =	vadd.f32 v20, v37  }
0x4fe: {  	v35 =	vadd.f32 v35, v53;
	v14 =	vadd.f32 v62, v44;
	v37 =	vld [tilespmem:s18+$0x70];
	[tilespmem:$0x1F3F0] =	vst v15  }
0x4ff: {  	v1 =	vadd.f32 v45, v1;
	v63 =	vmul.f32 v29, v33;
	[tilespmem:s2+$0xFFFFFF10] =	vst v20;
	v0 =	vadd.f32 v0, v17  }
0x500: {  	v54 =	vmul.f32 v26, v26;
	v26 =	vadd.f32 v35, v48;
	v34 =	vadd.f32 v60, v34;
	v45 =	vld [tilespmem:$0xA410];
	[tilespmem:$0x1F460] =	vst v14  }
0x501: {  	v20 =	vld [tilespmem:$0xA490];
	[tilespmem:s2+$0xFFFFFF90] =	vst v0;
	v0 =	vadd.f32 v63, v31  }
0x502: {  	v57 =	vmul.f32 v15, v15;
	v15 =	vadd.f32 v34, v48;
	v31 =	vld [tilespmem:$0xA420];
	[tilespmem:$0x1F400] =	vst v26  }
0x503: {  	v60 =	vld [tilespmem:$0xA420];
	[tilespmem:s16+$0xA0] =	vst v0  }
0x504: {  	v34 =	vmul.f32 v15, v15;
	[tilespmem:$0x1F470] =	vst v15;
	v15 =	vld [tilespmem:$0x1F220];
	_ =	sdelay $0x2  }
0x505: {  	v0 =	vmul.f32 v24, v18  }
0x506: {  	v5 =	vadd.f32 v54, v5;
	v58 =	vmul.f32 v14, v14;
	v14 =	vld [tilespmem:$0x1F210];
	[tilespmem:s2+$0xD0] =	vst v11  }
0x507: {  	v0 =	vmul.f32 v0, v45;
	v45 =	vmul.f32 v21, v15;
	v15 =	vld [tilespmem:$0x1FFC0]  }
0x508: {  	v5 =	vadd.f32 v57, v5;
	v62 =	vmul.f32 v26, v26  }
0x509: {  	v42 =	vadd.f32 v42, v61;
	v61 =	vld [tilespmem:$0xA4A0];
	v0 =	vadd.f32 v0, v20  }
0x50a: {  	v5 =	vadd.f32 v62, v5;
	v63 =	vld [tilespmem:$0xA430]  }
0x50b: {  	v38 =	vld [tilespmem:$0xA4A0];
	v14 =	vmul.f32 v25, v14;
	[tilespmem:s2+$0x10] =	vst v0  }
0x50c: {  	v57 =	vperm.xlane v5, v15;
	v15 =	vld [tilespmem:$0x1FFC0]  }
0x50d: {  	v46 =	vmovc v21;
	v1 =	vadd.f32 v58, v1;
	v27 =	vld [tilespmem:$0xA4B0];
	v21 =	vadd.f32 v55, v40;
	v14 =	vmul.f32 v14, v31  }
0x50e: {  	v8 =	vmul.f32 v19, v8;
	v11 =	vmul.f32 v45, v60  }
0x50f: {  	v1 =	vadd.f32 v34, v1;
	v56 =	vld [tilespmem:$0xA460];
	[tilespmem:$0x1F4B0] =	vst v21;
	v14 =	vadd.f32 v14, v61  }
0x510: {  	v0 =	vmul.f32 v8, v63;
	v8 =	vld [tilespmem:$0xA4E0];
	v11 =	vadd.f32 v11, v38  }
0x511: {  	v58 =	vld [tilespmem:$0xA420];
	[tilespmem:s2+$0xFFFFFF20] =	vst v14;
	v14 =	vmul.f32 v21, v21;
	v21 =	vadd.f32 v42, v44;
	v20 =	vperm.xlane v1, v15  }
0x512: {  	v0 =	vadd.f32 v0, v27;
	[tilespmem:s2+$0xFFFFFFA0] =	vst v11  }
0x513: {  	v1 =	vadd.f32 v1, v20;
	v20 =	vld [tilespmem:$0xA4A0];
	[tilespmem:$0x1F4C0] =	vst v21  }
0x514: {  	v15 =	vld [tilespmem:$0x1FFD0];
	[tilespmem:s16+$0xB0] =	vst v0  }
0x515: {  	v0 =	vld [tilespmem:$0x1F230];
	_ =	sdelay $0x2  }
0x516: {  	v39 =	vadd.f32 v37, v39  }
0x517: {  	v10 =	vadd.f32 v14, v10;
	v14 =	vld [tilespmem:$0x1FFD0]  }
0x518: {  	v31 =	vld [tilespmem:$0xA430];
	v0 =	vmul.f32 v6, v0;
	v6 =	vadd.f32 v39, v48  }
0x519: {  	v60 =	vld [tilespmem:$0xA430]  }
0x51a: {  	[tilespmem:$0x1F4D0] =	vst v6;
	v0 =	vmul.f32 v0, v56;
	v62 =	vmul.f32 v6, v6;
	v6 =	vld [tilespmem:$0x1F240];
	_ =	sdelay $0x1  }
0x51b: {  	v14 =	vperm.xlane v1, v14;
	v0 =	vadd.f32 v0, v8  }
0x51c: {  	s12 =	simm.s32 $0xE68A  }
0x51d: {  	v1 =	vadd.f32 v1, v14;
	v14 =	vld [tilespmem:s12+$0x1];
	[tilespmem:s2+$0xE0] =	vst v0  }
0x51e: {  	v5 =	vadd.f32 v5, v57;
	v35 =	vmul.f32 v25, v6;
	v6 =	vld [tilespmem:$0x1F250];
	_ =	sdelay $0x1  }
0x51f: {  	v27 =	vperm.xlane v5, v15;
	_ =	sdelay $0x1  }
0x520: {  	v11 =	vmul.f32 v24, v32;
	v5 =	vadd.f32 v5, v27;
	v27 =	vmul.f32 v21, v21;
	v61 =	vld [tilespmem:$0xA440]  }
0x521: {  	(v2sf) =	vpush v14, $0x0;
	v14 =	vmul.f32 v46, v6;
	v6 =	vld [tilespmem:$0xA470]  }
0x522: {  	v11 =	vmul.f32 v11, v58;
	v10 =	vadd.f32 v27, v10;
	v27 =	vld [tilespmem:$0xA4C0]  }
0x523: {  	v8 =	vmul.f32 v19, v9;
	v9 =	vperm.xlane v1, v51;
	_ =	sdelay $0x1  }
0x524: {  	v33 =	vld [tilespmem:$0xA4B0];
	v0 =	vadd.f32 v1, v9;
	v1 =	vadd.f32 v11, v20;
	v8 =	vmul.f32 v8, v61  }
0x525: {  	v9 =	vld [tilespmem:$0xA4B0];
	[tilespmem:$0x1F3D0] =	vst v6  }
0x526: {  	[tilespmem:s2+$0x20] =	vst v1;
	v1 =	vadd.f32 v8, v27;
	v8 =	vld [tilespmem:$0xA4F0];
	_ =	sdelay $0x3  }
0x527: {  	v11 =	vmul.f32 v35, v31  }
0x528: {  	v14 =	vmul.f32 v14, v60;
	[tilespmem:$0x1F7A0] =	vst v8;
	v8 =	vld [tilespmem:$0x1FFC0]  }
0x529: {  	v63 =	vperm.xlane v5, v51;
	v11 =	vadd.f32 v11, v33  }
0x52a: {  	v9 =	vadd.f32 v14, v9;
	v20 =	vld [tilespmem:$0xA430];
	[tilespmem:s16+$0xC0] =	vst v1  }
0x52b: {  	v5 =	vadd.f32 v5, v63;
	v10 =	vadd.f32 v62, v10;
	v1 =	vld [tilespmem:$0xA4B0];
	[tilespmem:s2+$0xFFFFFF30] =	vst v11  }
0x52c: {  	v37 =	vperm.xlane v0, v13;
	[tilespmem:s2+$0xFFFFFFB0] =	vst v9;
	v11 =	vld [tilespmem:$0xA440]  }
0x52d: {  	v36 =	vperm.xlane v5, v13;
	v9 =	vld [tilespmem:$0x1FFD0];
	v8 =	vperm.xlane v10, v8  }
0x52e: {  	v0 =	vadd.f32 v0, v37;
	v14 =	vld [tilespmem:$0xA4D0]  }
0x52f: {  	v5 =	vadd.f32 v5, v36;
	v8 =	vadd.f32 v10, v8;
	v10 =	vld [tilespmem:$0xA450];
	[tilespmem:$0x1F4A0] =	vst v19  }
0x530: {  	v0 =	vmul.f32 $7.812500000e-03, v0;
	v17 =	vld [tilespmem:$0xA440]  }
0x531: {  	v5 =	vmul.f32 $7.812500000e-03, v5;
	v38 =	vld [tilespmem:s12+$0xFFFFFFFF]  }
0x532: {  	v0 =	vadd.f32 $9.999999960e-13, v0;
	v31 =	vld [tilespmem:s12+$0x0]  }
0x533: {  	v12 =	vmul.f32 v19, v12;
	v5 =	vadd.f32 $9.999999960e-13, v5;
	s17 =	spop (v2sf);
	v39 =	vld [tilespmem:s12+$0xFFFFFFFE]  }
0x534: {  	s14 =	simm.s32 $0x4500;
	v27 =	vshrl.u32 v0, $0x1;
	s7 =	sshll.u32 s17, $0x9;
	v57 =	vld [tilespmem:$0xA4C0];
	v9 =	vperm.xlane v8, v9  }
0x535: {  	s7 =	sshra.s32 s7, $0x2;
	v63 =	vld [tilespmem:s14+$0x80];
	v10 =	vmul.f32 v12, v10;
	v12 =	vshrl.u32 v5, $0x1;
	v5 =	vmul.f32 $5.000000000e-01, v5  }
0x536: {  	v0 =	vmul.f32 $5.000000000e-01, v0;
	v36 =	vld [tilespmem:s7+$0x0];
	v8 =	vadd.f32 v8, v9;
	v12 =	vsub.s32 $0x5F3759DF, v12  }
0x537: {  	v9 =	vld [tilespmem:$0xA4C0];
	v10 =	vadd.f32 v10, v14;
	v14 =	vsub.s32 $0x5F3759DF, v27;
	v27 =	vmul.f32 v12, v5  }
0x538: {  	(v2sf) =	vpush v38, $0x0;
	v38 =	vld [tilespmem:s7+$0x10];
	v56 =	vmul.f32 v14, v0  }
0x539: {  	(v2sf) =	vpush v31, $0x0;
	v31 =	vld [tilespmem:s14+$0xB0];
	[tilespmem:s16+$0xD0] =	vst v10;
	v10 =	vmul.f32 v12, v27  }
0x53a: {  	v58 =	vmul.f32 v14, v56;
	v6 =	vld [tilespmem:$0x1F260]  }
0x53b: {  	(v2sf) =	vpush v39, $0x0;
	v39 =	vld [tilespmem:s7+$0x20];
	v10 =	vsub.f32 $1.500000000e+00, v10  }
0x53c: {  	v16 =	vmul.f32 v24, v16;
	v55 =	vperm.xlane v8, v51;
	v27 =	vld [tilespmem:s14+$0xC0];
	v42 =	vsub.f32 $1.500000000e+00, v58  }
0x53d: {  	v60 =	vld [tilespmem:$0xA460];
	v10 =	vmul.f32 v12, v10  }
0x53e: {  	v16 =	vmul.f32 v16, v20;
	v8 =	vadd.f32 v8, v55;
	v61 =	vld [tilespmem:$0xA4E0];
	v14 =	vmul.f32 v14, v42  }
0x53f: {  	v20 =	vmul.f32 v25, v6;
	v6 =	vld [tilespmem:$0x1F270];
	v5 =	vmul.f32 v10, v5  }
0x540: {  	v26 =	vmov v13;
	v62 =	vperm.xlane v8, v13;
	v13 =	vmul.f32 v19, v30;
	v56 =	vld [tilespmem:s7+$0x40]  }
0x541: {  	v12 =	vld [tilespmem:s14+$0x90];
	v0 =	vmul.f32 v14, v0;
	v5 =	vmul.f32 v5, v10  }
0x542: {  	v1 =	vadd.f32 v16, v1;
	v13 =	vmul.f32 v13, v60;
	v11 =	vmul.f32 v20, v11;
	v20 =	vld [tilespmem:s14+$0xA0]  }
0x543: {  	v60 =	vld [tilespmem:s7+$0x70];
	v0 =	vmul.f32 v0, v14;
	v5 =	vsub.f32 $1.500000000e+00, v5  }
0x544: {  	[tilespmem:s2+$0x30] =	vst v1;
	v1 =	vadd.f32 v13, v61;
	v9 =	vadd.f32 v11, v9;
	v11 =	vld [tilespmem:s7+$0x30];
	v37 =	vmul.f32 v46, v6  }
0x545: {  	v13 =	vld [tilespmem:s7+$0x50];
	v0 =	vsub.f32 $1.500000000e+00, v0;
	v53 =	vmul.f32 v5, v10;
	v5 =	vadd.f32 v63, v36  }
0x546: {  	v8 =	vadd.f32 v8, v62;
	v10 =	vadd.f32 v12, v38;
	v12 =	vld [tilespmem:s14+$0xD0];
	v17 =	vmul.f32 v37, v17  }
0x547: {  	v28 =	vmovc v48;
	v18 =	vld [tilespmem:$0xA440];
	v48 =	vmul.f32 v0, v14;
	v0 =	vadd.f32 v20, v39;
	v19 =	vadd.f32 v5, v49  }
0x548: {  	[tilespmem:s2+$0xFFFFFF40] =	vst v9;
	v9 =	vld [tilespmem:$0xA4C0];
	v14 =	vadd.f32 v27, v56;
	v21 =	vadd.f32 v10, v47;
	v6 =	vmul.f32 v53, v23  }
0x549: {  	v29 =	vld [tilespmem:$0xA450];
	v5 =	vadd.f32 v31, v11;
	v7 =	vmul.f32 v48, v7;
	v20 =	vmul.f32 v19, v19  }
0x54a: {  	[tilespmem:s16+$0xE0] =	vst v1;
	v35 =	vadd.f32 v0, v52;
	v31 =	vld [tilespmem:s14+$0xE0];
	v27 =	vmul.f32 v21, v21;
	v6 =	vmul.f32 v6, v2  }
0x54b: {  	v17 =	vadd.f32 v17, v57;
	v0 =	vld [tilespmem:$0xA470];
	v12 =	vadd.f32 v12, v13;
	v7 =	vmul.f32 v7, v2  }
0x54c: {  	v13 =	vld [tilespmem:s7+$0x60];
	v20 =	vadd.f32 v27, v20;
	v6 =	vadd.f32 v6, v4;
	v27 =	vmul.f32 v35, v35  }
0x54d: {  	v57 =	vld [tilespmem:s14+$0xF0];
	[tilespmem:s2+$0xFFFFFFC0] =	vst v17;
	v58 =	vadd.f32 v7, v4  }
0x54e: {  	v8 =	vmul.f32 $7.812500000e-03, v8;
	[tilespmem:s16+$0xFFFFFF00] =	vst v6;
	v20 =	vadd.f32 v27, v20;
	v27 =	vld [tilespmem:$0xA450]  }
0x54f: {  	[tilespmem:s16+$0xFFFFFF80] =	vst v58;
	v15 =	vld [tilespmem:$0xA410]  }
0x550: {  	v8 =	vadd.f32 $9.999999960e-13, v8;
	v38 =	vadd.f32 v5, v50;
	v32 =	vld [tilespmem:$0xA410];
	[tilespmem:$0x1F4F0] =	vst v0  }
0x551: {  	v13 =	vadd.f32 v31, v13;
	v0 =	vld [tilespmem:$0xA4F0]  }
0x552: {  	v22 =	vmovc v44;
	s18 =	spop (v2sf);
	v39 =	vadd.f32 v14, v59;
	v5 =	vshrl.u32 v8, $0x1;
	v14 =	vmul.f32 v38, v38  }
0x553: {  	s19 =	spop (v2sf);
	v8 =	vmul.f32 $5.000000000e-01, v8;
	v61 =	vsub.s32 $0x5F3759DF, v5;
	v1 =	vadd.f32 v13, v22  }
0x554: {  	s20 =	spop (v2sf);
	v44 =	vadd.f32 v12, v40;
	v12 =	vmul.f32 v39, v39;
	v14 =	vadd.f32 v14, v20  }
0x555: {  	s8 =	sshll.u32 s20, $0x9;
	v31 =	vmul.f32 v61, v8;
	v20 =	vadd.f32 v57, v60;
	[tilespmem:$0x1F430] =	vst v1  }
0x556: {  	s8 =	sshra.s32 s8, $0x2;
	v62 =	vmul.f32 v44, v44;
	v14 =	vadd.f32 v12, v14;
	[tilespmem:$0x1F7D0] =	vst v0  }
0x557: {  	v31 =	vmul.f32 v61, v31;
	v0 =	vadd.f32 v20, v28;
	v13 =	vld [tilespmem:s8+$0x0]  }
0x558: {  	s7 =	sshll.u32 s18, $0x9;
	v14 =	vadd.f32 v62, v14;
	v63 =	vmul.f32 v1, v1;
	v45 =	vld [tilespmem:s8+$0x10]  }
0x559: {  	s21 =	sshra.s32 s7, $0x2;
	v31 =	vsub.f32 $1.500000000e+00, v31;
	[tilespmem:$0x1F7C0] =	vst v0;
	v16 =	vmul.f32 v0, v0;
	v0 =	vld [tilespmem:$0x1FFC0]  }
0x55a: {  	s22 =	sshll.u32 s19, $0x9;
	v14 =	vadd.f32 v63, v14;
	v20 =	vld [tilespmem:s21+$0x0]  }
0x55b: {  	s7 =	sshra.s32 s22, $0x2;
	v17 =	vmul.f32 v61, v31;
	v31 =	vld [tilespmem:s21+$0x10]  }
0x55c: {  	v42 =	vld [tilespmem:s7+$0x0];
	v14 =	vadd.f32 v16, v14  }
0x55d: {  	v8 =	vmul.f32 v17, v8;
	v55 =	vld [tilespmem:s7+$0x10]  }
0x55e: {  	v33 =	vperm.xlane v14, v0;
	v0 =	vld [tilespmem:$0x1FFD0]  }
0x55f: {  	v34 =	vmov v51;
	v51 =	vld [tilespmem:s14+$0xFFFFFF00];
	v8 =	vmul.f32 v8, v17  }
0x560: {  	v54 =	vld [tilespmem:s14+$0xFFFFFF10]  }
0x561: {  	v56 =	vld [tilespmem:s14+$0xFFFFFF80];
	v8 =	vsub.f32 $1.500000000e+00, v8;
	v57 =	vadd.f32 v14, v33  }
0x562: {  	v36 =	vld [tilespmem:s14+$0xFFFFFF90]  }
0x563: {  	v60 =	vld [tilespmem:s14+$0x0];
	v23 =	vmul.f32 v8, v17;
	v8 =	vperm.xlane v57, v0  }
0x564: {  	v61 =	vld [tilespmem:s14+$0x10]  }
0x565: {  	v62 =	vld [tilespmem:s8+$0x20];
	v8 =	vadd.f32 v57, v8  }
0x566: {  	v63 =	vld [tilespmem:s21+$0x20]  }
0x567: {  	v33 =	vadd.f32 v54, v45;
	v3 =	vmul.f32 v23, v3;
	v0 =	vld [tilespmem:$0x1F280];
	v37 =	vperm.xlane v8, v34  }
0x568: {  	v12 =	vld [tilespmem:s7+$0x20]  }
0x569: {  	v11 =	vld [tilespmem:s14+$0x20];
	v1 =	vadd.f32 v33, v47;
	v2 =	vmul.f32 v3, v2;
	v54 =	vadd.f32 v8, v37  }
0x56a: {  	v3 =	vld [tilespmem:s14+$0xFFFFFFA0];
	v8 =	vadd.f32 v56, v20;
	v20 =	vadd.f32 v36, v31  }
0x56b: {  	v57 =	vld [tilespmem:s14+$0xFFFFFF20];
	v16 =	vadd.f32 v2, v4;
	v2 =	vadd.f32 v51, v13  }
0x56c: {  	v51 =	vld [tilespmem:s8+$0x30];
	v30 =	vmul.f32 v24, v0;
	v0 =	vadd.f32 v20, v47  }
0x56d: {  	v17 =	vadd.f32 v2, v49;
	v31 =	vld [tilespmem:s21+$0x30];
	[tilespmem:$0x1F500] =	vst v1  }
0x56e: {  	v13 =	vld [tilespmem:s7+$0x30];
	v58 =	vperm.xlane v54, v26;
	[tilespmem:$0x1F530] =	vst v0  }
0x56f: {  	v42 =	vadd.f32 v60, v42;
	v36 =	vmovc v47;
	v37 =	vmul.f32 v17, v17;
	v47 =	vmul.f32 v1, v1;
	v20 =	vld [tilespmem:s14+$0xFFFFFF30]  }
0x570: {  	v30 =	vmul.f32 v30, v18;
	v18 =	vadd.f32 v8, v49;
	v33 =	vadd.f32 v54, v58  }
0x571: {  	v45 =	vadd.f32 v47, v37;
	v37 =	vadd.f32 v57, v62;
	v56 =	vld [tilespmem:s14+$0xFFFFFFB0]  }
0x572: {  	v3 =	vadd.f32 v3, v63;
	v30 =	vadd.f32 v30, v9;
	v58 =	vmul.f32 v0, v0;
	v0 =	vld [tilespmem:s8+$0x40]  }
0x573: {  	v9 =	vmul.f32 v18, v18;
	v60 =	vld [tilespmem:s21+$0x40];
	v33 =	vmul.f32 $7.812500000e-03, v33;
	v1 =	vadd.f32 v37, v52  }
0x574: {  	v2 =	vadd.f32 v3, v52;
	v57 =	vld [tilespmem:s14+$0xFFFFFF40];
	v20 =	vadd.f32 v20, v51  }
0x575: {  	v9 =	vadd.f32 v58, v9;
	v58 =	vld [tilespmem:s14+$0xFFFFFFC0];
	v33 =	vadd.f32 $9.999999960e-13, v33;
	[tilespmem:$0x1F560] =	vst v1  }
0x576: {  	v62 =	vld [tilespmem:s21+$0x50];
	v31 =	vadd.f32 v56, v31;
	v4 =	vadd.f32 v20, v50  }
0x577: {  	v51 =	vld [tilespmem:s8+$0x50];
	[tilespmem:$0x1F5C0] =	vst v2  }
0x578: {  	v47 =	vshrl.u32 v33, $0x1;
	v33 =	vmul.f32 $5.000000000e-01, v33;
	v5 =	vld [tilespmem:s14+$0xFFFFFF50];
	v7 =	vadd.f32 v31, v50;
	[tilespmem:$0x1F570] =	vst v4  }
0x579: {  	v3 =	vsub.s32 $0x5F3759DF, v47;
	v47 =	vmul.f32 v1, v1;
	v1 =	vadd.f32 v57, v0;
	v57 =	vld [tilespmem:s14+$0xFFFFFFD0]  }
0x57a: {  	v6 =	vadd.f32 v61, v55;
	v0 =	vmul.f32 v3, v33;
	v55 =	vmul.f32 v7, v7;
	[tilespmem:$0x1F5D0] =	vst v7;
	v7 =	vld [tilespmem:$0x1F290]  }
0x57b: {  	v37 =	vmov v52;
	v52 =	vmul.f32 v2, v2;
	v2 =	vld [tilespmem:s8+$0x60]  }
0x57c: {  	v63 =	vadd.f32 v1, v59;
	v0 =	vmul.f32 v3, v0;
	v1 =	vmul.f32 v4, v4;
	v4 =	vld [tilespmem:s21+$0x60]  }
0x57d: {  	v9 =	vadd.f32 v52, v9;
	v58 =	vadd.f32 v58, v60;
	v56 =	vld [tilespmem:s14+$0xFFFFFF60]  }
0x57e: {  	v45 =	vadd.f32 v47, v45;
	v0 =	vsub.f32 $1.500000000e+00, v0;
	v61 =	vld [tilespmem:s14+$0xFFFFFFE0]  }
0x57f: {  	v9 =	vadd.f32 v55, v9;
	v5 =	vadd.f32 v5, v51  }
0x580: {  	v0 =	vmul.f32 v3, v0;
	v3 =	vadd.f32 v58, v59;
	v55 =	vadd.f32 v57, v62  }
0x581: {  	v1 =	vadd.f32 v1, v45;
	v45 =	vmul.f32 v63, v63;
	v8 =	vld [tilespmem:s7+$0x40];
	v60 =	vadd.f32 v5, v40  }
0x582: {  	v47 =	vmul.f32 v53, v7;
	v7 =	vld [tilespmem:s14+$0x30];
	[tilespmem:$0x1F5E0] =	vst v3;
	v5 =	vmul.f32 v0, v33;
	v10 =	vadd.f32 v55, v40  }
0x583: {  	v58 =	vld [tilespmem:s14+$0x40];
	v2 =	vadd.f32 v56, v2;
	v4 =	vadd.f32 v61, v4  }
0x584: {  	v1 =	vadd.f32 v45, v1;
	v33 =	vld [tilespmem:s8+$0x70];
	v5 =	vmul.f32 v5, v0;
	[tilespmem:$0x1F5F0] =	vst v10  }
0x585: {  	v54 =	vadd.f32 v2, v22;
	v2 =	vmul.f32 v60, v60;
	v14 =	vadd.f32 v4, v22;
	v56 =	vld [tilespmem:s21+$0x70]  }
0x586: {  	v51 =	vmul.f32 v3, v3;
	v62 =	vld [tilespmem:s14+$0xFFFFFF70]  }
0x587: {  	v5 =	vsub.f32 $1.500000000e+00, v5;
	[tilespmem:$0x1F600] =	vst v14;
	v3 =	vadd.f32 v2, v1;
	v2 =	vld [tilespmem:$0x1F2A0]  }
0x588: {  	v9 =	vadd.f32 v51, v9;
	v51 =	vld [tilespmem:s14+$0xFFFFFFF0]  }
0x589: {  	v61 =	vmul.f32 v5, v0;
	v0 =	vld [tilespmem:$0x1F2B0]  }
0x58a: {  	v4 =	vmul.f32 v10, v10  }
0x58b: {  	v11 =	vadd.f32 v11, v12;
	v1 =	vmul.f32 v54, v54;
	v10 =	vld [tilespmem:s7+$0x50]  }
0x58c: {  	v4 =	vadd.f32 v4, v9;
	v9 =	vld [tilespmem:$0xA400];
	v52 =	vmul.f32 v48, v2;
	v2 =	vmul.f32 v14, v14  }
0x58d: {  	v5 =	vld [tilespmem:s14+$0x50];
	v3 =	vadd.f32 v1, v3;
	v19 =	vmul.f32 v61, v19;
	v1 =	vadd.f32 v62, v33  }
0x58e: {  	v62 =	vadd.f32 v51, v56;
	v33 =	vmul.f32 v25, v0;
	v2 =	vadd.f32 v2, v4;
	v4 =	vld [tilespmem:$0xA480]  }
0x58f: {  	v0 =	vld [tilespmem:$0x1F2C0];
	v12 =	vmul.f32 v52, v32;
	v52 =	vadd.f32 v1, v28;
	v1 =	vadd.f32 v6, v36  }
0x590: {  	v57 =	vmov v22;
	v45 =	vld [tilespmem:s7+$0x60];
	[tilespmem:s16+$0x0] =	vst v16;
	v22 =	vadd.f32 v62, v28  }
0x591: {  	v20 =	vadd.f32 v42, v49;
	v42 =	vld [tilespmem:s14+$0x60];
	v14 =	vadd.f32 v11, v37;
	v6 =	vmul.f32 v19, v9;
	[tilespmem:$0x1F660] =	vst v1  }
0x592: {  	[tilespmem:$0x1F630] =	vst v22  }
0x593: {  	v15 =	vmul.f32 v47, v15;
	v16 =	vld [tilespmem:s7+$0x70];
	[tilespmem:$0x1F670] =	vst v14;
	v6 =	vadd.f32 v6, v4  }
0x594: {  	s17 =	simm.s32 $0x15080;
	v62 =	vld [tilespmem:$0x1FFC0];
	v47 =	vmul.f32 v46, v0;
	v0 =	vmul.f32 v22, v22;
	[tilespmem:s2+$0x40] =	vst v30  }
0x595: {  	v19 =	vld [tilespmem:$0xA410];
	[tilespmem:s17+$0x80] =	vst v6  }
0x596: {  	v0 =	vadd.f32 v0, v2;
	v2 =	vmul.f32 v14, v14;
	v14 =	vld [tilespmem:$0x1F2D0]  }
0x597: {  	v56 =	vmul.f32 v1, v1;
	v1 =	vld [tilespmem:$0xA490]  }
0x598: {  	v11 =	vmul.f32 v20, v20;
	v51 =	vmul.f32 v52, v52;
	v32 =	vld [tilespmem:$0xA490]  }
0x599: {  	v7 =	vadd.f32 v7, v13;
	v6 =	vld [tilespmem:$0xA490]  }
0x59a: {  	v3 =	vadd.f32 v51, v3;
	v11 =	vadd.f32 v56, v11;
	v56 =	vld [tilespmem:$0xA410]  }
0x59b: {  	v30 =	vmul.f32 v23, v14;
	v14 =	vld [tilespmem:$0x1FFD0]  }
0x59c: {  	v22 =	vadd.f32 v7, v50;
	v51 =	vperm.xlane v3, v62;
	v2 =	vadd.f32 v2, v11;
	v11 =	vld [tilespmem:$0xA450]  }
0x59d: {  	v1 =	vadd.f32 v15, v1;
	v15 =	vld [tilespmem:$0xA4D0]  }
0x59e: {  	v13 =	vperm.xlane v0, v62;
	v3 =	vadd.f32 v3, v51;
	v19 =	vmul.f32 v30, v19;
	v30 =	vld [tilespmem:$0xA490];
	[tilespmem:$0x1F680] =	vst v22  }
0x59f: {  	[tilespmem:s16+$0xFFFFFF10] =	vst v1  }
0x5a0: {  	v0 =	vadd.f32 v0, v13;
	v13 =	vmul.f32 v61, v21;
	v21 =	vperm.xlane v3, v14;
	v14 =	vld [tilespmem:$0x1FFD0];
	_ =	sdelay $0x2  }
0x5a1: {  	v8 =	vadd.f32 v58, v8  }
0x5a2: {  	v12 =	vadd.f32 v12, v32  }
0x5a3: {  	v51 =	vperm.xlane v0, v14;
	v14 =	vadd.f32 v8, v59  }
0x5a4: {  	v7 =	vld [tilespmem:$0xA4D0];
	v1 =	vadd.f32 v19, v6;
	v6 =	vmul.f32 v13, v56;
	[tilespmem:s16+$0xFFFFFF90] =	vst v12  }
0x5a5: {  	v13 =	vld [tilespmem:$0xA4D0];
	[tilespmem:$0x1F690] =	vst v14  }
0x5a6: {  	[tilespmem:s16+$0x10] =	vst v1;
	v1 =	vadd.f32 v6, v30;
	_ =	sdelay $0x1  }
0x5a7: {  	v8 =	vmul.f32 v22, v22;
	v6 =	vld [tilespmem:$0x1F2E0];
	[tilespmem:s17+$0x90] =	vst v1  }
0x5a8: {  	v1 =	vld [tilespmem:$0x1F2F0]  }
0x5a9: {  	v0 =	vadd.f32 v0, v51;
	v2 =	vadd.f32 v8, v2;
	v8 =	vmul.f32 v14, v14;
	v14 =	vld [tilespmem:$0x1F300]  }
0x5aa: {  	v27 =	vmul.f32 v47, v27;
	v12 =	vld [tilespmem:$0xA420]  }
0x5ab: {  	v5 =	vadd.f32 v5, v10;
	v3 =	vadd.f32 v3, v21;
	v58 =	vperm.xlane v0, v34  }
0x5ac: {  	v29 =	vmul.f32 v33, v29;
	v7 =	vadd.f32 v27, v7;
	v56 =	vld [tilespmem:$0xA420];
	v6 =	vmul.f32 v24, v6  }
0x5ad: {  	v30 =	vperm.xlane v3, v34;
	v10 =	vld [tilespmem:$0xA4A0];
	v0 =	vadd.f32 v0, v58;
	v1 =	vmul.f32 v53, v1  }
0x5ae: {  	v21 =	vld [tilespmem:$0xA420];
	v6 =	vmul.f32 v6, v11;
	v11 =	vadd.f32 v29, v15;
	v15 =	vmul.f32 v48, v14;
	v14 =	vmovc v26  }
0x5af: {  	v3 =	vadd.f32 v3, v30;
	[tilespmem:s2+$0xFFFFFFD0] =	vst v7;
	v30 =	vperm.xlane v0, v14;
	v1 =	vmul.f32 v1, v12;
	v12 =	vld [tilespmem:$0xA4A0]  }
0x5b0: {  	v2 =	vadd.f32 v8, v2;
	v8 =	vld [tilespmem:$0xA420];
	[tilespmem:s2+$0xFFFFFF50] =	vst v11  }
0x5b1: {  	v27 =	vperm.xlane v3, v26;
	v7 =	vadd.f32 v0, v30;
	v0 =	vld [tilespmem:$0x1F310]  }
0x5b2: {  	v29 =	vld [tilespmem:$0xA4A0];
	v6 =	vadd.f32 v6, v13;
	v11 =	vmul.f32 v15, v56  }
0x5b3: {  	v3 =	vadd.f32 v3, v27;
	v26 =	vld [tilespmem:s14+$0x70];
	v13 =	vmul.f32 v61, v35;
	v1 =	vadd.f32 v1, v10  }
0x5b4: {  	v15 =	vld [tilespmem:$0xA460];
	[tilespmem:s2+$0x50] =	vst v6;
	v6 =	vadd.f32 v11, v12  }
0x5b5: {  	v3 =	vmul.f32 $7.812500000e-03, v3;
	v10 =	vld [tilespmem:$0xA4A0];
	v8 =	vmul.f32 v13, v8;
	[tilespmem:s16+$0xFFFFFF20] =	vst v1  }
0x5b6: {  	v32 =	vld [tilespmem:$0xA460];
	v12 =	vadd.f32 v5, v40;
	v13 =	vmul.f32 v23, v0;
	[tilespmem:s16+$0xFFFFFFA0] =	vst v6  }
0x5b7: {  	v3 =	vadd.f32 $9.999999960e-13, v3;
	v1 =	vadd.f32 v8, v29;
	v8 =	vld [tilespmem:$0x1F320]  }
0x5b8: {  	v0 =	vld [tilespmem:$0xA460];
	v11 =	vmul.f32 v13, v21;
	[tilespmem:$0x1F6C0] =	vst v12  }
0x5b9: {  	v42 =	vadd.f32 v42, v45;
	v7 =	vmul.f32 $7.812500000e-03, v7;
	v5 =	vld [tilespmem:$0xA430];
	[tilespmem:s17+$0xA0] =	vst v1;
	v1 =	vshrl.u32 v3, $0x1  }
0x5ba: {  	v3 =	vmul.f32 $5.000000000e-01, v3;
	v6 =	vadd.f32 v11, v10;
	v11 =	vmul.f32 v12, v12;
	v12 =	vld [tilespmem:$0xA4B0]  }
0x5bb: {  	v22 =	vmov v14;
	v7 =	vadd.f32 $9.999999960e-13, v7;
	v1 =	vsub.s32 $0x5F3759DF, v1;
	v13 =	vld [tilespmem:$0xA430]  }
0x5bc: {  	v14 =	vadd.f32 v42, v57;
	v10 =	vld [tilespmem:$0xA430];
	v21 =	vmul.f32 v1, v3;
	[tilespmem:s16+$0x20] =	vst v6;
	v8 =	vmul.f32 v53, v8  }
0x5bd: {  	v6 =	vshrl.u32 v7, $0x1;
	v7 =	vmul.f32 $5.000000000e-01, v7;
	v2 =	vadd.f32 v11, v2;
	v11 =	vld [tilespmem:$0xA430]  }
0x5be: {  	v45 =	vmul.f32 v61, v38;
	v6 =	vsub.s32 $0x5F3759DF, v6;
	v5 =	vmul.f32 v8, v5;
	v8 =	vld [tilespmem:$0xA4B0];
	[tilespmem:$0x1F6E0] =	vst v14  }
0x5bf: {  	v16 =	vadd.f32 v26, v16;
	v21 =	vmul.f32 v1, v21;
	v26 =	vmul.f32 v6, v7;
	v27 =	vld [tilespmem:$0xA4B0]  }
0x5c0: {  	v31 =	vmovc v28;
	v13 =	vmul.f32 v45, v13;
	v5 =	vadd.f32 v5, v12;
	v12 =	vmul.f32 v48, v43  }
0x5c1: {  	v47 =	vsub.f32 $1.500000000e+00, v21;
	v21 =	vmul.f32 v14, v14;
	v14 =	vadd.f32 v16, v31  }
0x5c2: {  	v28 =	vld [tilespmem:$0xA4B0];
	v10 =	vmul.f32 v12, v10  }
0x5c3: {  	v26 =	vmul.f32 v6, v26;
	v29 =	vld [tilespmem:$0xA4E0];
	[tilespmem:$0x1F700] =	vst v14;
	v8 =	vadd.f32 v13, v8  }
0x5c4: {  	[tilespmem:s16+$0xFFFFFF30] =	vst v5;
	v10 =	vadd.f32 v10, v27  }
0x5c5: {  	v12 =	vsub.f32 $1.500000000e+00, v26;
	[tilespmem:s17+$0xB0] =	vst v8  }
0x5c6: {  	[tilespmem:s16+$0xFFFFFFB0] =	vst v10  }
0x5c7: {  	v5 =	vmul.f32 v6, v12;
	v12 =	vld [tilespmem:$0x1F340];
	_ =	sdelay $0x2  }
0x5c8: {  	s11 =	simm.s32 $0xE68E  }
0x5c9: {  	v2 =	vadd.f32 v21, v2;
	v51 =	vld [tilespmem:s11+$0x1];
	v6 =	vmul.f32 v14, v14  }
0x5ca: {  	v12 =	vmul.f32 v23, v12  }
0x5cb: {  	v2 =	vadd.f32 v6, v2;
	v7 =	vmul.f32 v5, v7;
	v6 =	vld [tilespmem:$0x1F330]  }
0x5cc: {  	v11 =	vmul.f32 v12, v11  }
0x5cd: {  	v10 =	vld [tilespmem:$0xA440];
	v7 =	vmul.f32 v7, v5  }
0x5ce: {  	v43 =	vld [tilespmem:$0xA4E0];
	(v2sf) =	vpush v51, $0x0;
	v11 =	vadd.f32 v11, v28  }
0x5cf: {  	v1 =	vmul.f32 v1, v47;
	v45 =	vld [tilespmem:$0xA4E0];
	v7 =	vsub.f32 $1.500000000e+00, v7  }
0x5d0: {  	v33 =	vld [tilespmem:$0xA4C0];
	v6 =	vmul.f32 v25, v6;
	v12 =	vmul.f32 v61, v39;
	[tilespmem:s16+$0x30] =	vst v11  }
0x5d1: {  	v3 =	vmul.f32 v1, v3;
	v14 =	vmul.f32 v7, v5;
	v7 =	vld [tilespmem:$0x1F350]  }
0x5d2: {  	v6 =	vmul.f32 v15, v6;
	v12 =	vmul.f32 v12, v10;
	v10 =	vld [tilespmem:$0x1FFD0]  }
0x5d3: {  	v21 =	vld [tilespmem:$0xA4C0];
	v56 =	vperm.xlane v2, v62  }
0x5d4: {  	v3 =	vmul.f32 v3, v1;
	v13 =	vld [tilespmem:$0xA440];
	v6 =	vadd.f32 v29, v6  }
0x5d5: {  	v8 =	vld [tilespmem:$0xA440];
	v2 =	vadd.f32 v2, v56  }
0x5d6: {  	v3 =	vsub.f32 $1.500000000e+00, v3;
	v5 =	vld [tilespmem:$0xA4C0];
	[tilespmem:s2+$0xFFFFFF60] =	vst v6  }
0x5d7: {  	v7 =	vmul.f32 v48, v7;
	v11 =	vperm.xlane v2, v10;
	v10 =	vld [tilespmem:$0xA470]  }
0x5d8: {  	v35 =	vld [tilespmem:s11+$0xFFFFFFFE];
	v47 =	vmul.f32 v3, v1;
	v3 =	vmul.f32 v53, v41;
	v12 =	vadd.f32 v12, v21  }
0x5d9: {  	v1 =	vld [tilespmem:s11+$0x0];
	v11 =	vadd.f32 v2, v11;
	v6 =	vmul.f32 v7, v13;
	v7 =	vmul.f32 v14, v18  }
0x5da: {  	v8 =	vmul.f32 v3, v8;
	v17 =	vmul.f32 v47, v17;
	v15 =	vld [tilespmem:s11+$0xFFFFFFFF]  }
0x5db: {  	v3 =	vld [tilespmem:$0xA440];
	[tilespmem:s17+$0xC0] =	vst v12;
	v5 =	vadd.f32 v6, v5;
	v6 =	vmul.f32 v7, v9;
	v7 =	vperm.xlane v11, v34  }
0x5dc: {  	v8 =	vadd.f32 v8, v33;
	v12 =	vmul.f32 v17, v9;
	v2 =	vld [tilespmem:$0xA4C0];
	[tilespmem:$0x1F710] =	vst v10  }
0x5dd: {  	s12 =	spop (v2sf);
	v13 =	vld [tilespmem:$0xA450];
	v7 =	vadd.f32 v11, v7;
	[tilespmem:s16+$0xFFFFFFC0] =	vst v5;
	v5 =	vadd.f32 v6, v4  }
0x5de: {  	s18 =	simm.s32 $0x4700;
	s6 =	sshll.u32 s12, $0x9;
	[tilespmem:s16+$0xFFFFFF40] =	vst v8;
	v8 =	vadd.f32 v12, v4;
	v12 =	vld [tilespmem:$0xA4D0]  }
0x5df: {  	s6 =	sshra.s32 s6, $0x2;
	v6 =	vld [tilespmem:s18+$0x90];
	[tilespmem:s17+$0xFFFFFF80] =	vst v5;
	v5 =	vperm.xlane v7, v22  }
0x5e0: {  	(v2sf) =	vpush v15, $0x0;
	v11 =	vld [tilespmem:s6+$0x10]  }
0x5e1: {  	(v2sf) =	vpush v1, $0x0;
	v15 =	vld [tilespmem:s18+$0xD0];
	v1 =	vadd.f32 v7, v5  }
0x5e2: {  	v16 =	vld [tilespmem:s18+$0xA0];
	[tilespmem:s17+$0xFFFFFF00] =	vst v8;
	v8 =	vmul.f32 v61, v44  }
0x5e3: {  	v5 =	vld [tilespmem:s18+$0x80];
	v1 =	vmul.f32 $7.812500000e-03, v1  }
0x5e4: {  	v7 =	vld [tilespmem:s6+$0x0];
	v8 =	vmul.f32 v8, v13  }
0x5e5: {  	v56 =	vld [tilespmem:s6+$0x20];
	v1 =	vadd.f32 $9.999999960e-13, v1  }
0x5e6: {  	v39 =	vld [tilespmem:s18+$0xB0];
	v8 =	vadd.f32 v8, v12  }
0x5e7: {  	v42 =	vld [tilespmem:$0xA450];
	v6 =	vadd.f32 v6, v11;
	v13 =	vshrl.u32 v1, $0x1;
	v1 =	vmul.f32 $5.000000000e-01, v1  }
0x5e8: {  	v51 =	vld [tilespmem:$0xA450];
	[tilespmem:s17+$0xD0] =	vst v8;
	v12 =	vsub.s32 $0x5F3759DF, v13  }
0x5e9: {  	v5 =	vadd.f32 v5, v7;
	v13 =	vadd.f32 v6, v36;
	v6 =	vld [tilespmem:$0x1F360];
	v7 =	vmul.f32 v12, v1  }
0x5ea: {  	v55 =	vmov v40;
	v40 =	vld [tilespmem:$0xA410]  }
0x5eb: {  	v44 =	vmul.f32 v12, v7;
	v7 =	vld [tilespmem:$0x1F370]  }
0x5ec: {  	v41 =	vld [tilespmem:$0xA410]  }
0x5ed: {  	v11 =	vld [tilespmem:s6+$0x30]  }
0x5ee: {  	v8 =	vld [tilespmem:s18+$0xC0];
	[tilespmem:$0x1F760] =	vst v13;
	v6 =	vmul.f32 v25, v6  }
0x5ef: {  	v33 =	vadd.f32 v5, v49;
	v5 =	vld [tilespmem:$0xA460]  }
0x5f0: {  	[tilespmem:$0x1F720] =	vst v6;
	v6 =	vadd.f32 v16, v56;
	v16 =	vmul.f32 v46, v7;
	v7 =	vld [tilespmem:$0x1F380];
	_ =	sdelay $0x3  }
0x5f1: {  	v10 =	vld [tilespmem:$0x1F3A0]  }
0x5f2: {  	v56 =	vld [tilespmem:s6+$0x40];
	v7 =	vmul.f32 v46, v7  }
0x5f3: {  	v21 =	vld [tilespmem:$0xA4E0]  }
0x5f4: {  	[tilespmem:$0x1F730] =	vst v7;
	v7 =	vld [tilespmem:$0x1F390];
	_ =	sdelay $0x4  }
0x5f5: {  	v38 =	vmov v34;
	v34 =	vmul.f32 v10, v7;
	v7 =	vld [tilespmem:$0x1F3B0];
	_ =	sdelay $0x4  }
0x5f6: {  	v25 =	vmul.f32 v24, v7;
	v7 =	vld [tilespmem:$0x1F3C0]  }
0x5f7: {  	v11 =	vadd.f32 v39, v11;
	v26 =	vmul.f32 v13, v13;
	v13 =	vadd.f32 v6, v37;
	_ =	sdelay $0x1  }
0x5f8: {  	v58 =	vmovc v31;
	v31 =	vmov v22;
	v22 =	vmul.f32 v33, v33;
	[tilespmem:$0x1F7F0] =	vst v13;
	v10 =	vadd.f32 v11, v50  }
0x5f9: {  	v6 =	vld [tilespmem:s6+$0x50]  }
0x5fa: {  	(v2sf) =	vpush v35, $0x0;
	v35 =	vadd.f32 v26, v22;
	v22 =	vld [tilespmem:s18+$0xE0];
	[tilespmem:$0x1F830] =	vst v10;
	v7 =	vmul.f32 v24, v7  }
0x5fb: {  	v11 =	vld [tilespmem:s6+$0x60]  }
0x5fc: {  	[tilespmem:$0x1F800] =	vst v7;
	v7 =	vld [tilespmem:$0x1F3D0];
	_ =	sdelay $0x4  }
0x5fd: {  	v7 =	vmul.f32 v7, v34  }
0x5fe: {  	v39 =	vld [tilespmem:s18+$0xF0]  }
0x5ff: {  	[tilespmem:$0x1F7B0] =	vst v7;
	v7 =	vld [tilespmem:$0x1F3E0];
	_ =	sdelay $0x3  }
0x600: {  	v19 =	vsub.f32 $1.500000000e+00, v44  }
0x601: {  	v18 =	vmul.f32 v53, v7;
	v7 =	vld [tilespmem:$0x1F3F0]  }
0x602: {  	s14 =	spop (v2sf);
	v12 =	vmul.f32 v12, v19  }
0x603: {  	s19 =	spop (v2sf)  }
0x604: {  	s20 =	spop (v2sf);
	v1 =	vmul.f32 v12, v1;
	v26 =	vmul.f32 v13, v13  }
0x605: {  	s7 =	sshll.u32 s20, $0x9;
	v16 =	vmul.f32 v16, v0;
	v0 =	vld [tilespmem:$0x1F420];
	v8 =	vadd.f32 v8, v56  }
0x606: {  	s7 =	sshra.s32 s7, $0x2;
	v1 =	vmul.f32 v1, v12;
	v44 =	vadd.f32 v26, v35;
	v46 =	vld [tilespmem:s6+$0x70];
	v7 =	vmul.f32 v53, v7  }
0x607: {  	v30 =	vadd.f32 v8, v59;
	v6 =	vadd.f32 v15, v6;
	v24 =	vmul.f32 v10, v10;
	v8 =	vld [tilespmem:s7+$0x0]  }
0x608: {  	v1 =	vsub.f32 $1.500000000e+00, v1;
	[tilespmem:$0x1F810] =	vst v7;
	v7 =	vld [tilespmem:$0x1F400]  }
0x609: {  	v26 =	vadd.f32 v6, v55;
	v6 =	vmul.f32 v30, v30;
	v15 =	vadd.f32 v24, v44;
	_ =	sdelay $0x1  }
0x60a: {  	v13 =	vmul.f32 v1, v12;
	v1 =	vadd.f32 v6, v15;
	v6 =	vmul.f32 v26, v26;
	_ =	sdelay $0x1  }
0x60b: {  	s21 =	sshll.u32 s14, $0x9;
	v1 =	vadd.f32 v6, v1;
	v6 =	vmul.f32 v23, v0;
	v0 =	vld [tilespmem:$0x1F430];
	v7 =	vmul.f32 v53, v7  }
0x60c: {  	s6 =	sshra.s32 s21, $0x2;
	v24 =	vld [tilespmem:s7+$0x10]  }
0x60d: {  	s22 =	sshll.u32 s19, $0x9;
	v27 =	vld [tilespmem:s6+$0x0];
	[tilespmem:$0x1F410] =	vst v7  }
0x60e: {  	s8 =	sshra.s32 s22, $0x2;
	v11 =	vadd.f32 v22, v11;
	v28 =	vld [tilespmem:s6+$0x10]  }
0x60f: {  	v12 =	vld [tilespmem:s8+$0x0]  }
0x610: {  	v22 =	vadd.f32 v11, v57;
	v11 =	vld [tilespmem:s8+$0x10]  }
0x611: {  	v15 =	vadd.f32 v39, v46;
	v19 =	vld [tilespmem:s18+$0xFFFFFF00]  }
0x612: {  	v56 =	vmul.f32 v13, v20;
	v20 =	vmul.f32 v61, v0;
	v29 =	vld [tilespmem:s18+$0xFFFFFF10]  }
0x613: {  	v0 =	vadd.f32 v15, v58;
	v44 =	vld [tilespmem:s18+$0xFFFFFF80]  }
0x614: {  	v5 =	vmul.f32 v20, v5;
	v20 =	vld [tilespmem:s18+$0xFFFFFF90]  }
0x615: {  	v3 =	vmul.f32 v6, v3;
	v6 =	vmul.f32 v0, v0;
	[tilespmem:$0x1F440] =	vst v0;
	v0 =	vld [tilespmem:$0x1F450];
	_ =	sdelay $0x4  }
0x616: {  	v53 =	vmul.f32 v48, v0;
	v0 =	vld [tilespmem:$0x1F460];
	_ =	sdelay $0x4  }
0x617: {  	v0 =	vmul.f32 v48, v0;
	_ =	sdelay $0x1  }
0x618: {  	[tilespmem:$0x1F820] =	vst v0;
	v0 =	vld [tilespmem:$0x1F470]  }
0x619: {  	v39 =	vmul.f32 v22, v22;
	_ =	sdelay $0x1  }
0x61a: {  	v1 =	vadd.f32 v39, v1;
	_ =	sdelay $0x1  }
0x61b: {  	v1 =	vadd.f32 v6, v1;
	v6 =	vld [tilespmem:$0x1F4A0];
	v0 =	vmul.f32 v48, v0  }
0x61c: {  	v46 =	vld [tilespmem:s18+$0x0]  }
0x61d: {  	[tilespmem:$0x1F480] =	vst v0;
	v0 =	vld [tilespmem:$0x1F490];
	_ =	sdelay $0x2  }
0x61e: {  	v9 =	vmul.f32 v56, v9;
	_ =	sdelay $0x1  }
0x61f: {  	v10 =	vadd.f32 v9, v4;
	v9 =	vmul.f32 v6, v0;
	v0 =	vld [tilespmem:$0x1F4B0];
	_ =	sdelay $0x3  }
0x620: {  	v4 =	vld [tilespmem:s18+$0x10]  }
0x621: {  	v56 =	vadd.f32 v3, v2;
	v2 =	vld [tilespmem:s7+$0x20];
	v0 =	vmul.f32 v23, v0  }
0x622: {  	v3 =	vadd.f32 v19, v8;
	v8 =	vld [tilespmem:s6+$0x20]  }
0x623: {  	[tilespmem:$0x1F750] =	vst v0;
	v0 =	vld [tilespmem:$0x1F4C0];
	_ =	sdelay $0x4  }
0x624: {  	v0 =	vmul.f32 v23, v0;
	_ =	sdelay $0x1  }
0x625: {  	[tilespmem:$0x1F860] =	vst v0;
	v0 =	vld [tilespmem:$0x1F4D0];
	_ =	sdelay $0x4  }
0x626: {  	v0 =	vmul.f32 v23, v0  }
0x627: {  	v6 =	vadd.f32 v5, v21;
	v21 =	vld [tilespmem:s8+$0x20]  }
0x628: {  	[tilespmem:$0x1F4E0] =	vst v0;
	v0 =	vld [tilespmem:$0x1F4F0];
	_ =	sdelay $0x4  }
0x629: {  	v0 =	vmul.f32 v0, v9  }
0x62a: {  	v35 =	vperm.xlane v1, v62;
	v39 =	vld [tilespmem:s18+$0xFFFFFF20]  }
0x62b: {  	v16 =	vadd.f32 v16, v43;
	[tilespmem:$0x1F7E0] =	vst v0;
	v0 =	vld [tilespmem:$0x1FFD0]  }
0x62c: {  	v1 =	vadd.f32 v1, v35;
	v17 =	vadd.f32 v44, v27  }
0x62d: {  	v20 =	vadd.f32 v20, v28;
	v4 =	vadd.f32 v4, v11;
	v11 =	vld [tilespmem:s18+$0xFFFFFFA0]  }
0x62e: {  	v43 =	vadd.f32 v3, v49;
	v5 =	vadd.f32 v29, v24;
	v3 =	vld [tilespmem:s18+$0x20]  }
0x62f: {  	v9 =	vadd.f32 v46, v12;
	v46 =	vadd.f32 v17, v49;
	v17 =	vld [tilespmem:s7+$0x30]  }
0x630: {  	v35 =	vadd.f32 v20, v36;
	v34 =	vadd.f32 v5, v36;
	v5 =	vperm.xlane v1, v0;
	v0 =	vld [tilespmem:$0x1F500]  }
0x631: {  	v24 =	vld [tilespmem:s6+$0x30];
	[tilespmem:$0x1F510] =	vst v49  }
0x632: {  	v29 =	vmul.f32 v35, v35;
	v44 =	vld [tilespmem:s8+$0x30];
	[tilespmem:$0x1F520] =	vst v36  }
0x633: {  	v20 =	vmul.f32 v34, v34;
	v2 =	vadd.f32 v39, v2;
	v39 =	vadd.f32 v4, v36;
	v4 =	vld [tilespmem:s18+$0xFFFFFF30]  }
0x634: {  	v3 =	vadd.f32 v3, v21;
	v21 =	vld [tilespmem:s7+$0x40];
	v1 =	vadd.f32 v1, v5;
	v5 =	vmul.f32 v43, v43  }
0x635: {  	v28 =	vmul.f32 v46, v46;
	v36 =	vadd.f32 v2, v37;
	v12 =	vmul.f32 v47, v0;
	v0 =	vld [tilespmem:$0x1F530]  }
0x636: {  	v11 =	vadd.f32 v11, v8;
	v5 =	vadd.f32 v20, v5;
	v20 =	vld [tilespmem:s18+$0xFFFFFFB0]  }
0x637: {  	v23 =	vmul.f32 v12, v40;
	v12 =	vadd.f32 v29, v28;
	v28 =	vperm.xlane v1, v38;
	v29 =	vld [tilespmem:s18+$0x30]  }
0x638: {  	v48 =	vmul.f32 v36, v36;
	v40 =	vadd.f32 v11, v37;
	v11 =	vld [tilespmem:s8+$0x40]  }
0x639: {  	v4 =	vadd.f32 v4, v17;
	v1 =	vadd.f32 v1, v28;
	v28 =	vld [tilespmem:s6+$0x40];
	[tilespmem:$0x1F540] =	vst v37  }
0x63a: {  	v15 =	vmovc v38;
	v17 =	vadd.f32 v48, v5;
	v38 =	vadd.f32 v3, v37;
	v8 =	vmul.f32 v14, v0;
	v19 =	vld [tilespmem:s18+$0xFFFFFF40]  }
0x63b: {  	v5 =	vadd.f32 v20, v24;
	v20 =	vld [tilespmem:s18+$0xFFFFFFC0];
	v0 =	vmul.f32 v18, v42;
	v3 =	vperm.xlane v1, v31  }
0x63c: {  	v48 =	vld [tilespmem:s7+$0x50];
	[tilespmem:s2+$0xFFFFFFE0] =	vst v16  }
0x63d: {  	v1 =	vadd.f32 v1, v3;
	v3 =	vadd.f32 v29, v44;
	v29 =	vld [tilespmem:s18+$0x40];
	[tilespmem:$0x1F770] =	vst v0  }
0x63e: {  	v25 =	vmul.f32 v25, v32;
	v49 =	vadd.f32 v9, v49;
	[tilespmem:$0x1F550] =	vst v50  }
0x63f: {  	v0 =	vld [tilespmem:$0xA470]  }
0x640: {  	v25 =	vadd.f32 v25, v45;
	v2 =	vmul.f32 v39, v39;
	v45 =	vmul.f32 v49, v49;
	_ =	sdelay $0x1  }
0x641: {  	v2 =	vadd.f32 v2, v45  }
0x642: {  	v37 =	vadd.f32 v4, v50;
	v24 =	vmul.f32 v38, v38;
	v32 =	vmul.f32 v8, v41  }
0x643: {  	v41 =	vadd.f32 v5, v50;
	v44 =	vadd.f32 v3, v50;
	v50 =	vld [tilespmem:s18+$0xFFFFFF50];
	[tilespmem:$0x1F740] =	vst v0;
	v0 =	vmul.f32 v53, v51  }
0x644: {  	v16 =	vadd.f32 v24, v2;
	v24 =	vld [tilespmem:s6+$0x50];
	[tilespmem:s2+$0x60] =	vst v25  }
0x645: {  	[tilespmem:$0x1F780] =	vst v0;
	v0 =	vld [tilespmem:$0x1F560];
	_ =	sdelay $0x4  }
0x646: {  	v0 =	vmul.f32 v47, v0  }
0x647: {  	v4 =	vmul.f32 v40, v40;
	v45 =	vld [tilespmem:s18+$0xFFFFFFD0]  }
0x648: {  	[tilespmem:$0x1F790] =	vst v0;
	v0 =	vld [tilespmem:$0x1F570]  }
0x649: {  	v4 =	vadd.f32 v4, v12;
	v12 =	vmul.f32 v37, v37;
	_ =	sdelay $0x1  }
0x64a: {  	v17 =	vadd.f32 v12, v17  }
0x64b: {  	v12 =	vmul.f32 v41, v41;
	v19 =	vadd.f32 v19, v21;
	v21 =	vmul.f32 v44, v44  }
0x64c: {  	v18 =	vmul.f32 v47, v0;
	v0 =	vmul.f32 v47, v63  }
0x64d: {  	v20 =	vadd.f32 v20, v28  }
0x64e: {  	v28 =	vadd.f32 v12, v4;
	v4 =	vadd.f32 v21, v16;
	v21 =	vld [tilespmem:$0xA470];
	[tilespmem:$0x1F580] =	vst v0;
	v0 =	vmul.f32 v47, v60  }
0x64f: {  	v25 =	vadd.f32 v29, v11;
	v63 =	vld [tilespmem:s8+$0x50]  }
0x650: {  	v50 =	vadd.f32 v50, v48;
	v48 =	vadd.f32 v19, v59;
	v19 =	vld [tilespmem:s18+$0x50];
	[tilespmem:$0x1F590] =	vst v0  }
0x651: {  	v0 =	vmul.f32 v47, v52;
	v52 =	vadd.f32 v25, v59;
	v2 =	vld [tilespmem:s7+$0x60]  }
0x652: {  	v3 =	vld [tilespmem:s6+$0x60];
	[tilespmem:$0x1F5B0] =	vst v59  }
0x653: {  	v1 =	vmul.f32 $7.812500000e-03, v1;
	[tilespmem:$0x1F5A0] =	vst v0;
	v31 =	vmul.f32 v52, v52  }
0x654: {  	[tilespmem:s17+$0xE0] =	vst v6  }
0x655: {  	v1 =	vadd.f32 $9.999999960e-13, v1;
	v8 =	vadd.f32 v31, v4;
	v4 =	vld [tilespmem:$0x1F5C0];
	_ =	sdelay $0x1  }
0x656: {  	v53 =	vshrl.u32 v1, $0x1;
	v1 =	vmul.f32 $5.000000000e-01, v1  }
0x657: {  	v51 =	vsub.s32 $0x5F3759DF, v53;
	v24 =	vadd.f32 v45, v24;
	v45 =	vmul.f32 v48, v48  }
0x658: {  	v60 =	vmul.f32 v51, v1  }
0x659: {  	v17 =	vadd.f32 v45, v17;
	v45 =	vmul.f32 v14, v4;
	v4 =	vld [tilespmem:$0x1F5D0]  }
0x65a: {  	v50 =	vadd.f32 v50, v55;
	v25 =	vmul.f32 v51, v60;
	_ =	sdelay $0x1  }
0x65b: {  	v25 =	vsub.f32 $1.500000000e+00, v25;
	v0 =	vmul.f32 v50, v50  }
0x65c: {  	v53 =	vadd.f32 v20, v59  }
0x65d: {  	v25 =	vmul.f32 v51, v25;
	v51 =	vadd.f32 v0, v17;
	v17 =	vmul.f32 v14, v4;
	v4 =	vld [tilespmem:$0x1F5E0]  }
0x65e: {  	v29 =	vmul.f32 v47, v54;
	v54 =	vadd.f32 v24, v55;
	v24 =	vmul.f32 v53, v53;
	_ =	sdelay $0x1  }
0x65f: {  	v24 =	vadd.f32 v24, v28;
	v31 =	vmul.f32 v54, v54;
	_ =	sdelay $0x1  }
0x660: {  	v9 =	vadd.f32 v31, v24;
	v31 =	vmul.f32 v14, v4;
	v4 =	vld [tilespmem:$0x1F5F0];
	_ =	sdelay $0x2  }
0x661: {  	v20 =	vld [tilespmem:s18+$0xFFFFFF60]  }
0x662: {  	v47 =	vld [tilespmem:s18+$0xFFFFFFE0]  }
0x663: {  	v24 =	vmul.f32 v14, v4;
	v4 =	vld [tilespmem:$0x1F600]  }
0x664: {  	v28 =	vld [tilespmem:s7+$0x70]  }
0x665: {  	v0 =	vld [tilespmem:s18+$0xFFFFFF70]  }
0x666: {  	v7 =	vld [tilespmem:$0x1F630]  }
0x667: {  	v42 =	vld [tilespmem:s8+$0x60]  }
0x668: {  	v59 =	vld [tilespmem:s18+$0x60];
	v19 =	vadd.f32 v19, v63;
	v4 =	vmul.f32 v14, v4  }
0x669: {  	v5 =	vld [tilespmem:s6+$0x70];
	v2 =	vadd.f32 v20, v2;
	v3 =	vadd.f32 v47, v3  }
0x66a: {  	v6 =	vmov v57;
	v60 =	vadd.f32 v19, v55;
	v20 =	vld [tilespmem:$0xA470];
	v0 =	vadd.f32 v0, v28;
	[tilespmem:$0x1F610] =	vst v4  }
0x66b: {  	v7 =	vmul.f32 v14, v7;
	v4 =	vld [tilespmem:s8+$0x70];
	[tilespmem:$0x1F620] =	vst v55;
	v55 =	vadd.f32 v2, v57;
	v57 =	vadd.f32 v3, v57  }
0x66c: {  	v1 =	vmul.f32 v25, v1  }
0x66d: {  	v47 =	vadd.f32 v0, v58;
	v2 =	vld [tilespmem:s18+$0xFFFFFFF0];
	[tilespmem:$0x1F640] =	vst v7;
	v0 =	vmul.f32 v57, v57  }
0x66e: {  	v1 =	vmul.f32 v1, v25;
	v3 =	vld [tilespmem:s18+$0x70];
	[tilespmem:s17+$0x0] =	vst v10  }
0x66f: {  	v11 =	vadd.f32 v0, v9;
	v0 =	vld [tilespmem:$0x1F660]  }
0x670: {  	v42 =	vadd.f32 v59, v42;
	v1 =	vsub.f32 $1.500000000e+00, v1  }
0x671: {  	v28 =	vmul.f32 v55, v55  }
0x672: {  	v59 =	vadd.f32 v42, v6;
	v42 =	vmul.f32 v1, v25;
	v16 =	vld [tilespmem:$0xA4F0];
	[tilespmem:$0x1F650] =	vst v6  }
0x673: {  	v1 =	vadd.f32 v28, v51;
	v28 =	vld [tilespmem:$0x1FFD0];
	[tilespmem:s16+$0x40] =	vst v56  }
0x674: {  	v3 =	vadd.f32 v3, v4;
	v4 =	vmul.f32 v42, v33;
	v33 =	vmul.f32 v13, v0;
	v0 =	vld [tilespmem:$0x1F670];
	_ =	sdelay $0x4  }
0x675: {  	v27 =	vmul.f32 v13, v0;
	v0 =	vld [tilespmem:$0x1F680]  }
0x676: {  	v19 =	vmul.f32 v60, v60;
	_ =	sdelay $0x1  }
0x677: {  	v8 =	vadd.f32 v19, v8;
	v19 =	vmul.f32 v47, v47;
	_ =	sdelay $0x1  }
0x678: {  	v6 =	vadd.f32 v19, v1;
	v19 =	vmul.f32 v13, v0;
	v0 =	vld [tilespmem:$0x1F690]  }
0x679: {  	v63 =	vld [tilespmem:$0xA400]  }
0x67a: {  	v12 =	vld [tilespmem:$0xA410]  }
0x67b: {  	v51 =	vld [tilespmem:$0xA480]  }
0x67c: {  	v7 =	vld [tilespmem:$0xA490];
	v2 =	vadd.f32 v2, v5  }
0x67d: {  	v5 =	vld [tilespmem:$0xA490];
	v0 =	vmul.f32 v13, v0  }
0x67e: {  	v56 =	vadd.f32 v2, v58;
	v2 =	vmul.f32 v4, v63;
	v4 =	vld [tilespmem:$0xA490]  }
0x67f: {  	[tilespmem:$0x1F6A0] =	vst v0;
	v0 =	vld [tilespmem:$0x1F6C0];
	_ =	sdelay $0x4  }
0x680: {  	[tilespmem:$0x1F6B0] =	vst v58;
	v0 =	vmul.f32 v13, v0  }
0x681: {  	v58 =	vadd.f32 v3, v58;
	v3 =	vld [tilespmem:$0xA450]  }
0x682: {  	[tilespmem:$0x1F6D0] =	vst v0;
	v0 =	vld [tilespmem:$0x1F6E0];
	_ =	sdelay $0x4  }
0x683: {  	v0 =	vmul.f32 v13, v0  }
0x684: {  	v2 =	vadd.f32 v2, v51  }
0x685: {  	s20 =	simm.s32 $0x15280;
	v5 =	vadd.f32 v23, v5;
	v10 =	vld [tilespmem:$0xA4D0];
	[tilespmem:$0x1F6F0] =	vst v0  }
0x686: {  	v14 =	vld [tilespmem:$0x1F700];
	[tilespmem:s20+$0x80] =	vst v2  }
0x687: {  	v1 =	vmul.f32 v56, v56;
	[tilespmem:s17+$0xFFFFFF10] =	vst v5  }
0x688: {  	v2 =	vld [tilespmem:$0x1F710]  }
0x689: {  	v1 =	vadd.f32 v1, v11;
	v11 =	vld [tilespmem:$0x1F720];
	_ =	sdelay $0x3  }
0x68a: {  	v25 =	vmul.f32 v13, v14;
	v13 =	vld [tilespmem:$0x1F740]  }
0x68b: {  	v7 =	vadd.f32 v32, v7;
	v32 =	vmul.f32 v2, v11;
	v2 =	vld [tilespmem:$0x1F730];
	_ =	sdelay $0x3  }
0x68c: {  	[tilespmem:s17+$0xFFFFFF90] =	vst v7  }
0x68d: {  	v12 =	vmul.f32 v33, v12;
	v33 =	vmul.f32 v13, v2;
	v2 =	vld [tilespmem:$0x1F750];
	_ =	sdelay $0x1  }
0x68e: {  	v4 =	vadd.f32 v12, v4;
	_ =	sdelay $0x1  }
0x68f: {  	[tilespmem:s17+$0x10] =	vst v4  }
0x690: {  	v3 =	vmul.f32 v2, v3;
	v2 =	vld [tilespmem:$0x1F760];
	_ =	sdelay $0x4  }
0x691: {  	v9 =	vmul.f32 v59, v59;
	v4 =	vmul.f32 v42, v2;
	v2 =	vld [tilespmem:$0x1F770];
	_ =	sdelay $0x1  }
0x692: {  	v9 =	vadd.f32 v9, v8;
	v0 =	vmul.f32 v58, v58;
	v8 =	vld [tilespmem:$0xA4D0]  }
0x693: {  	v14 =	vld [tilespmem:$0xA4D0]  }
0x694: {  	v0 =	vadd.f32 v0, v9;
	v9 =	vld [tilespmem:$0xA410]  }
0x695: {  	v10 =	vadd.f32 v2, v10;
	v2 =	vld [tilespmem:$0x1F780]  }
0x696: {  	v5 =	vperm.xlane v6, v62;
	v12 =	vld [tilespmem:$0xA420]  }
0x697: {  	v11 =	vperm.xlane v1, v62;
	v7 =	vld [tilespmem:$0xA490];
	[tilespmem:s16+$0xFFFFFF50] =	vst v10  }
0x698: {  	v5 =	vadd.f32 v6, v5;
	v6 =	vperm.xlane v0, v62;
	v10 =	vld [tilespmem:$0x1F790]  }
0x699: {  	v1 =	vadd.f32 v1, v11;
	v11 =	vld [tilespmem:$0xA420]  }
0x69a: {  	v0 =	vadd.f32 v0, v6;
	v6 =	vperm.xlane v5, v28;
	v8 =	vadd.f32 v2, v8;
	v2 =	vld [tilespmem:$0xA4A0]  }
0x69b: {  	v13 =	vld [tilespmem:$0xA420];
	v4 =	vmul.f32 v4, v9  }
0x69c: {  	v5 =	vadd.f32 v5, v6;
	v6 =	vperm.xlane v0, v28;
	v3 =	vadd.f32 v3, v14;
	v14 =	vld [tilespmem:$0xA4A0]  }
0x69d: {  	v4 =	vadd.f32 v4, v7;
	v7 =	vld [tilespmem:$0xA4A0];
	[tilespmem:s16+$0xFFFFFFD0] =	vst v8;
	v10 =	vmul.f32 v10, v12  }
0x69e: {  	v0 =	vadd.f32 v0, v6;
	v6 =	vmul.f32 v45, v11;
	v11 =	vld [tilespmem:$0x1F7A0]  }
0x69f: {  	v12 =	vld [tilespmem:$0x1F7B0];
	[tilespmem:s20+$0x90] =	vst v4;
	v2 =	vadd.f32 v10, v2  }
0x6a0: {  	v9 =	vperm.xlane v1, v28;
	v4 =	vmul.f32 v27, v13;
	[tilespmem:s16+$0x50] =	vst v3  }
0x6a1: {  	v8 =	vperm.xlane v5, v15;
	v10 =	vld [tilespmem:$0x1F7C0];
	[tilespmem:s17+$0xFFFFFF20] =	vst v2  }
0x6a2: {  	v1 =	vadd.f32 v1, v9;
	v2 =	vadd.f32 v4, v7;
	v7 =	vld [tilespmem:$0x1FFF0]  }
0x6a3: {  	v6 =	vadd.f32 v6, v14;
	v3 =	vadd.f32 v5, v8  }
0x6a4: {  	v5 =	vperm.xlane v0, v15;
	v23 =	vadd.f32 v11, v12;
	v12 =	vperm.xlane v1, v15  }
0x6a5: {  	v13 =	vld [tilespmem:$0x1F7E0]  }
0x6a6: {  	v0 =	vadd.f32 v0, v5;
	v1 =	vadd.f32 v1, v12;
	v12 =	vld [tilespmem:$0x1F7D0];
	[tilespmem:s17+$0xFFFFFFA0] =	vst v6  }
0x6a7: {  	v6 =	vld [tilespmem:$0x1F7F0];
	[tilespmem:s17+$0x20] =	vst v2;
	v4 =	vperm.xlane v3, v7  }
0x6a8: {  	v14 =	vperm.xlane v1, v7;
	v2 =	vperm.xlane v0, v7;
	v7 =	vld [tilespmem:$0x1F800];
	_ =	sdelay $0x1  }
0x6a9: {  	v9 =	vld [tilespmem:$0xA460];
	v3 =	vadd.f32 v3, v4  }
0x6aa: {  	v8 =	vld [tilespmem:$0xA420]  }
0x6ab: {  	v0 =	vadd.f32 v0, v2;
	v2 =	vmul.f32 $7.812500000e-03, v3;
	v3 =	vld [tilespmem:$0x1F810]  }
0x6ac: {  	v27 =	vmul.f32 v21, v7;
	v7 =	vld [tilespmem:$0xA430]  }
0x6ad: {  	v5 =	vld [tilespmem:$0xA4A0]  }
0x6ae: {  	v11 =	vld [tilespmem:$0xA460]  }
0x6af: {  	v15 =	vld [tilespmem:$0xA460];
	v6 =	vmul.f32 v42, v6  }
0x6b0: {  	v45 =	vld [tilespmem:$0xA430]  }
0x6b1: {  	v4 =	vld [tilespmem:$0xA430];
	v6 =	vmul.f32 v6, v8;
	v3 =	vmul.f32 v9, v3;
	[tilespmem:$0x1F850] =	vst v7  }
0x6b2: {  	v1 =	vadd.f32 v1, v14;
	v14 =	vld [tilespmem:$0xA4B0]  }
0x6b3: {  	[tilespmem:$0x1F840] =	vst v3;
	v3 =	vadd.f32 v6, v5;
	v5 =	vld [tilespmem:$0x1F820];
	_ =	sdelay $0x3  }
0x6b4: {  	v10 =	vmul.f32 v61, v10  }
0x6b5: {  	v21 =	vmul.f32 v5, v11;
	v5 =	vld [tilespmem:$0xA4B0]  }
0x6b6: {  	v10 =	vmul.f32 v20, v10  }
0x6b7: {  	v1 =	vmul.f32 $7.812500000e-03, v1  }
0x6b8: {  	v20 =	vadd.f32 v16, v10;
	v0 =	vmul.f32 $7.812500000e-03, v0;
	v2 =	vadd.f32 $9.999999960e-13, v2  }
0x6b9: {  	v61 =	vadd.f32 v12, v13;
	v1 =	vadd.f32 $9.999999960e-13, v1  }
0x6ba: {  	v0 =	vadd.f32 $9.999999960e-13, v0;
	v16 =	vmul.f32 v17, v4;
	v4 =	vshrl.u32 v2, $0x1;
	v13 =	vld [tilespmem:$0xA4B0];
	[tilespmem:$0x1F870] =	vst v5  }
0x6bb: {  	v6 =	vsub.s32 $0x5F3759DF, v4;
	v4 =	vmul.f32 $5.000000000e-01, v1;
	v5 =	vshrl.u32 v1, $0x1;
	[tilespmem:s20+$0xA0] =	vst v3  }
0x6bc: {  	v1 =	vshrl.u32 v0, $0x1;
	v12 =	vsub.s32 $0x5F3759DF, v5;
	v5 =	vmul.f32 $5.000000000e-01, v0;
	v0 =	vld [tilespmem:$0x1F830];
	_ =	sdelay $0x1  }
0x6bd: {  	v45 =	vmul.f32 v18, v45;
	v8 =	vld [tilespmem:$0xA430]  }
0x6be: {  	v11 =	vld [tilespmem:$0xA4E0]  }
0x6bf: {  	v14 =	vadd.f32 v45, v14;
	v9 =	vld [tilespmem:$0xA4B0];
	[tilespmem:s2+$0xF0] =	vst v23  }
0x6c0: {  	v17 =	vld [tilespmem:$0xA4E0];
	[tilespmem:s16+$0xF0] =	vst v61;
	v0 =	vmul.f32 v42, v0  }
0x6c1: {  	v13 =	vadd.f32 v16, v13;
	v18 =	vld [tilespmem:$0xA4E0];
	[tilespmem:s17+$0xFFFFFF30] =	vst v14  }
0x6c2: {  	v3 =	vmul.f32 $5.000000000e-01, v2;
	v10 =	vsub.s32 $0x5F3759DF, v1;
	v8 =	vmul.f32 v0, v8;
	v0 =	vld [tilespmem:$0x1F840]  }
0x6c3: {  	v1 =	vld [tilespmem:$0xA4F0];
	v7 =	vmul.f32 v10, v5;
	[tilespmem:s17+$0xFFFFFFB0] =	vst v13  }
0x6c4: {  	v2 =	vmul.f32 v6, v3;
	v61 =	vadd.f32 v8, v9;
	v8 =	vld [tilespmem:$0x1F850];
	[tilespmem:s17+$0xF0] =	vst v20  }
0x6c5: {  	v45 =	vmul.f32 v12, v4;
	v7 =	vmul.f32 v10, v7;
	v9 =	vld [tilespmem:$0x1F860]  }
0x6c6: {  	v16 =	vmul.f32 v6, v2;
	v2 =	vld [tilespmem:$0xA4F0];
	[tilespmem:s20+$0xB0] =	vst v61  }
0x6c7: {  	v14 =	vsub.f32 $1.500000000e+00, v7;
	v23 =	vadd.f32 v11, v0;
	v11 =	vmul.f32 v12, v45;
	v7 =	vld [tilespmem:$0x1F870]  }
0x6c8: {  	v0 =	vld [tilespmem:$0xA4F0]  }
0x6c9: {  	v45 =	vmul.f32 v19, v8;
	v8 =	vld [tilespmem:$0xA440];
	v13 =	vsub.f32 $1.500000000e+00, v11  }
0x6ca: {  	v16 =	vsub.f32 $1.500000000e+00, v16;
	v15 =	vmul.f32 v9, v15;
	v9 =	vld [tilespmem:$0xA440]  }
0x6cb: {  	v11 =	vadd.f32 v21, v17;
	v12 =	vmul.f32 v12, v13;
	v13 =	vmul.f32 v10, v14;
	v14 =	vld [tilespmem:$0xA440]  }
0x6cc: {  	s6 =	simm.s32 $0xC;
	s7 =	simm.s32 $0xE692;
	v6 =	vmul.f32 v6, v16;
	[tilespmem:s16+$0xFFFFFF60] =	vst v23;
	v45 =	vadd.f32 v45, v7;
	v7 =	vld [tilespmem:$0xA4C0];
	v10 =	vadd.f32 v15, v18  }
.LBB2_9:
0x6cd: {  	_ = 	snop  }
0x6ce: {  	v61 =	vld [tilespmem:s7+$0x1];
	[tilespmem:s17+$0x30] =	vst v45  }
0x6cf: {  	v4 =	vmul.f32 v12, v4;
	v45 =	vld [tilespmem:$0xA4C0];
	[tilespmem:s16+$0xFFFFFFE0] =	vst v11  }
0x6d0: {  	v5 =	vmul.f32 v13, v5;
	v11 =	vld [tilespmem:s7+$0xFFFFFFFF];
	v2 =	vadd.f32 v2, v33  }
0x6d1: {  	v4 =	vmul.f32 v4, v12;
	v0 =	vadd.f32 v0, v27;
	v27 =	vmul.f32 v42, v30  }
0x6d2: {  	v15 =	vld [tilespmem:$0x1F580];
	[tilespmem:s16+$0x60] =	vst v10;
	v5 =	vmul.f32 v5, v13  }
0x6d3: {  	v3 =	vmul.f32 v6, v3;
	[tilespmem:s2+$0xFFFFFFF0] =	vst v2;
	v2 =	vsub.f32 $1.500000000e+00, v4;
	v14 =	vmul.f32 v27, v14  }
0x6d4: {  	v10 =	vld [tilespmem:s7+$0x0];
	v4 =	vsub.f32 $1.500000000e+00, v5;
	v5 =	vmul.f32 v31, v9;
	(v2sf) =	vpush v61, $0x0  }
0x6d5: {  	v9 =	vld [tilespmem:$0xA440];
	[tilespmem:s2+$0x70] =	vst v0;
	(v2sf) =	vpush v11, $0x0;
	v11 =	vmul.f32 v2, v12;
	v0 =	vadd.f32 v14, v45  }
0x6d6: {  	v1 =	vadd.f32 v1, v32;
	v3 =	vmul.f32 v3, v6  }
0x6d7: {  	v8 =	vmul.f32 v15, v8;
	[tilespmem:s20+$0xC0] =	vst v0;
	v0 =	vmul.f32 v11, v46  }
0x6d8: {  	v16 =	vld [tilespmem:$0x1F540];
	[tilespmem:s2+$0xFFFFFF70] =	vst v1  }
0x6d9: {  	v1 =	vld [tilespmem:s7+$0xFFFFFFFE];
	v3 =	vsub.f32 $1.500000000e+00, v3;
	v8 =	vadd.f32 v8, v7;
	v0 =	vmul.f32 v0, v63  }
0x6da: {  	s2 =	smov.u32 s16;
	s16 =	smov.u32 s17;
	v27 =	vld [tilespmem:$0xA470]  }
0x6db: {  	v6 =	vmul.f32 v3, v6;
	v3 =	vld [tilespmem:$0xA4C0];
	[tilespmem:s16+$0xFFFFFF40] =	vst v8;
	v8 =	vadd.f32 v0, v51;
	v0 =	vmul.f32 v11, v40  }
0x6dc: {  	v17 =	vld [tilespmem:$0x1F550]  }
0x6dd: {  	v20 =	vld [tilespmem:$0x1F5B0];
	v14 =	vmul.f32 v4, v13;
	[tilespmem:$0x1F180] =	vst v0;
	v0 =	vmul.f32 v6, v37  }
0x6de: {  	v18 =	vld [tilespmem:$0xA470];
	v2 =	vmul.f32 v6, v43  }
0x6df: {  	v19 =	vld [tilespmem:$0xA470];
	[tilespmem:$0x1F1B0] =	vst v0;
	v0 =	vmul.f32 v14, v38  }
0x6e0: {  	v4 =	vld [tilespmem:$0xA4C0];
	v2 =	vmul.f32 v2, v63;
	v3 =	vadd.f32 v5, v3  }
0x6e1: {  	v12 =	vld [tilespmem:$0xA450];
	[tilespmem:$0x1F190] =	vst v0;
	v0 =	vmul.f32 v11, v41  }
0x6e2: {  	v45 =	vld [tilespmem:$0xA450];
	v5 =	vadd.f32 v2, v51;
	[tilespmem:s16+$0xFFFFFFC0] =	vst v3  }
0x6e3: {  	s18 =	sadd.s32 $0x200, s18;
	(v2sf) =	vpush v10, $0x0;
	v13 =	vld [tilespmem:$0xA4D0];
	[tilespmem:$0x1F1C0] =	vst v0;
	v0 =	vmul.f32 v14, v44  }
0x6e4: {  	v26 =	vmul.f32 v42, v26;
	v30 =	vmul.f32 v11, v35;
	(v2sf) =	vpush v1, $0x0;
	v35 =	vld [tilespmem:s18+$0xC0];
	[tilespmem:s20+$0xFFFFFF00] =	vst v5  }
0x6e5: {  	v5 =	vld [tilespmem:$0xA450];
	[tilespmem:$0x1F1E0] =	vst v0;
	v0 =	vmul.f32 v6, v48  }
0x6e6: {  	v3 =	vmul.f32 v26, v12;
	v12 =	vld [tilespmem:$0xA410]  }
0x6e7: {  	[tilespmem:$0x1F580] =	vst v0;
	v0 =	vld [tilespmem:$0x1F6A0]  }
0x6e8: {  	v26 =	vld [tilespmem:s18+$0xD0];
	v3 =	vadd.f32 v3, v13  }
0x6e9: {  	v1 =	vmul.f32 v14, v49;
	[tilespmem:s20+$0xFFFFFF80] =	vst v8;
	v23 =	vld [tilespmem:s18+$0xFFFFFF60]  }
0x6ea: {  	v8 =	vld [tilespmem:$0xA410];
	[tilespmem:s20+$0xD0] =	vst v3  }
0x6eb: {  	v46 =	vmul.f32 v6, v50;
	v1 =	vmul.f32 v1, v63;
	v49 =	vld [tilespmem:$0xA460]  }
0x6ec: {  	v50 =	vld [tilespmem:s18+$0xB0];
	v3 =	vmul.f32 v0, v9;
	v0 =	vmul.f32 v14, v52  }
0x6ed: {  	[tilespmem:$0x1F1A0] =	vst v29;
	v10 =	vmul.f32 v6, v34;
	v29 =	vadd.f32 v1, v51;
	v51 =	vld [tilespmem:s18+$0x80]  }
0x6ee: {  	s8 =	spop (v2sf);
	[tilespmem:$0x1F6A0] =	vst v0;
	v0 =	vld [tilespmem:$0x1F590]  }
0x6ef: {  	v13 =	vmul.f32 v10, v12;
	s8 =	sshll.u32 s8, $0x9;
	v10 =	vmul.f32 v24, v5;
	v24 =	vld [tilespmem:$0x1F620]  }
0x6f0: {  	v22 =	vmul.f32 v42, v22;
	v12 =	vmul.f32 v30, v8;
	v30 =	vld [tilespmem:$0xA4E0];
	s14 =	sshra.s32 s8, $0x2  }
0x6f1: {  	v31 =	vmul.f32 v11, v53;
	s11 =	spop (v2sf);
	v53 =	vld [tilespmem:s14+$0x0];
	v48 =	vmul.f32 v11, v54  }
0x6f2: {  	v1 =	vmov v46;
	s12 =	spop (v2sf);
	v54 =	vld [tilespmem:s14+$0x10]  }
0x6f3: {  	s22 =	spop (v2sf);
	v22 =	vmul.f32 v22, v49;
	[tilespmem:$0x1F590] =	vst v1;
	v1 =	vld [tilespmem:$0x1F5A0];
	v8 =	vmul.f32 v0, v45;
	v0 =	vmov v48  }
0x6f4: {  	s21 =	sshll.u32 s12, $0x9;
	s12 =	sshll.u32 s22, $0x9;
	[tilespmem:$0x1F1F0] =	vst v0;
	v0 =	vld [tilespmem:$0x1F410]  }
0x6f5: {  	s12 =	sshra.s32 s12, $0x2;
	v22 =	vadd.f32 v22, v30;
	v30 =	vld [tilespmem:s14+$0x20];
	v3 =	vadd.f32 v3, v4  }
0x6f6: {  	[tilespmem:s20+$0x0] =	vst v29;
	s11 =	sshll.u32 s11, $0x9;
	v41 =	vld [tilespmem:s12+$0x10]  }
0x6f7: {  	s19 =	sshra.s32 s11, $0x2;
	s11 =	sshra.s32 s21, $0x2;
	v52 =	vld [tilespmem:s18+$0x90];
	[tilespmem:s16+$0x40] =	vst v3  }
0x6f8: {  	v37 =	vld [tilespmem:s11+$0x0]  }
0x6f9: {  	v7 =	vmul.f32 v14, v39;
	v39 =	vld [tilespmem:s11+$0x10];
	v32 =	vmul.f32 v27, v0;
	v0 =	vmov v1  }
0x6fa: {  	[tilespmem:$0x1F410] =	vst v0;
	v0 =	vld [tilespmem:$0x1F480]  }
0x6fb: {  	v61 =	vmul.f32 v11, v57;
	v11 =	vmul.f32 v11, v56;
	v40 =	vld [tilespmem:s11+$0x20]  }
0x6fc: {  	v1 =	vld [tilespmem:$0x1F640]  }
0x6fd: {  	v2 =	vmul.f32 v6, v36;
	v3 =	vmov v11;
	v11 =	vadd.f32 v51, v53;
	v53 =	vld [tilespmem:s19+$0x10]  }
0x6fe: {  	v45 =	vmul.f32 v6, v55;
	v6 =	vmul.f32 v6, v47;
	v55 =	vld [tilespmem:s18+$0xA0]  }
0x6ff: {  	v33 =	vmul.f32 v18, v0;
	v0 =	vld [tilespmem:$0x1F4E0]  }
0x700: {  	v15 =	vmov v6;
	v6 =	vld [tilespmem:s14+$0x30];
	[tilespmem:s20+$0xE0] =	vst v22  }
0x701: {  	v5 =	vmul.f32 v14, v59;
	[tilespmem:$0x1F640] =	vst v3;
	v3 =	vld [tilespmem:$0x1F510];
	v4 =	vmov v1  }
0x702: {  	v9 =	vmul.f32 v14, v60;
	v14 =	vmul.f32 v14, v58;
	[tilespmem:$0x1F480] =	vst v4;
	v4 =	vld [tilespmem:$0x1F520]  }
0x703: {  	v22 =	vld [tilespmem:$0xA470]  }
0x704: {  	v56 =	vld [tilespmem:s14+$0x40];
	v27 =	vmul.f32 v19, v0;
	v0 =	vmov v14  }
0x705: {  	v14 =	vadd.f32 v52, v54;
	[tilespmem:$0x1F1D0] =	vst v0;
	v0 =	vld [tilespmem:$0x1F440]  }
0x706: {  	v57 =	vld [tilespmem:$0xA4F0];
	v47 =	vadd.f32 v11, v3  }
0x707: {  	v59 =	vld [tilespmem:s18+$0xE0];
	v11 =	vadd.f32 v55, v30;
	v14 =	vadd.f32 v14, v4  }
0x708: {  	v30 =	vld [tilespmem:s14+$0x50]  }
0x709: {  	v63 =	vld [tilespmem:s14+$0x60];
	v58 =	vmul.f32 v47, v47;
	v11 =	vadd.f32 v11, v16;
	v60 =	vmul.f32 v14, v14  }
0x70a: {  	[tilespmem:$0x1F5A0] =	vst v15;
	v46 =	vld [tilespmem:s18+$0xF0];
	v6 =	vadd.f32 v50, v6;
	v15 =	vmul.f32 v42, v0  }
0x70b: {  	v50 =	vld [tilespmem:s14+$0x70];
	v1 =	vmov v25;
	v49 =	vmul.f32 v11, v11;
	v48 =	vadd.f32 v60, v58  }
0x70c: {  	v6 =	vadd.f32 v6, v17;
	[tilespmem:$0x1F4E0] =	vst v1;
	v1 =	vld [tilespmem:$0x1F6B0];
	v15 =	vmul.f32 v22, v15;
	v22 =	vadd.f32 v35, v56  }
0x70d: {  	v26 =	vadd.f32 v26, v30;
	v0 =	vld [tilespmem:$0x1F650];
	v35 =	vadd.f32 v49, v48  }
0x70e: {  	v51 =	vmul.f32 v6, v6;
	v19 =	vld [tilespmem:s18+$0x0];
	v15 =	vadd.f32 v57, v15;
	v30 =	vadd.f32 v22, v20  }
0x70f: {  	v54 =	vld [tilespmem:s12+$0x0];
	v26 =	vadd.f32 v26, v24  }
0x710: {  	v52 =	vld [tilespmem:s19+$0x0];
	v22 =	vadd.f32 v51, v35;
	[tilespmem:s20+$0xF0] =	vst v15;
	v15 =	vadd.f32 v59, v63;
	v55 =	vmul.f32 v30, v30  }
0x711: {  	v34 =	vadd.f32 v46, v50;
	v57 =	vld [tilespmem:s18+$0xFFFFFF00]  }
0x712: {  	v58 =	vld [tilespmem:s18+$0xFFFFFF10];
	v56 =	vmul.f32 v26, v26;
	v35 =	vadd.f32 v55, v22;
	v22 =	vadd.f32 v15, v0  }
0x713: {  	v37 =	vadd.f32 v19, v37;
	v60 =	vld [tilespmem:s18+$0xFFFFFF80]  }
0x714: {  	v42 =	vld [tilespmem:s19+$0x20];
	v15 =	vadd.f32 v34, v1;
	v35 =	vadd.f32 v56, v35;
	v59 =	vmul.f32 v22, v22  }
0x715: {  	v49 =	vadd.f32 v37, v3;
	v37 =	vld [tilespmem:s18+$0x20]  }
0x716: {  	v63 =	vld [tilespmem:s18+$0xFFFFFF90];
	v36 =	vadd.f32 v57, v54;
	v18 =	vmul.f32 v15, v15;
	v35 =	vadd.f32 v59, v35  }
0x717: {  	v54 =	vld [tilespmem:s18+$0x10]  }
0x718: {  	v43 =	vadd.f32 v36, v3;
	v36 =	vld [tilespmem:s18+$0xFFFFFFA0];
	v35 =	vadd.f32 v18, v35  }
0x719: {  	v21 =	vld [tilespmem:s11+$0x60];
	v55 =	vadd.f32 v58, v41  }
0x71a: {  	v37 =	vadd.f32 v37, v40;
	v41 =	vld [tilespmem:s12+$0x20];
	v56 =	vadd.f32 v60, v52;
	v57 =	vperm.xlane v35, v62  }
0x71b: {  	v34 =	vadd.f32 v55, v4;
	v38 =	vadd.f32 v63, v53;
	v59 =	vld [tilespmem:s18+$0xFFFFFF20]  }
0x71c: {  	v50 =	vld [tilespmem:s12+$0x30];
	v46 =	vadd.f32 v56, v3;
	v44 =	vadd.f32 v35, v57  }
0x71d: {  	v60 =	vmul.f32 v34, v34;
	v3 =	vld [tilespmem:$0x1FFE0];
	v39 =	vadd.f32 v54, v39;
	v42 =	vadd.f32 v36, v42  }
0x71e: {  	v51 =	vld [tilespmem:s11+$0x30];
	v58 =	vmul.f32 v43, v43;
	v35 =	vadd.f32 v38, v4;
	v62 =	vperm.xlane v44, v28  }
0x71f: {  	v63 =	vmul.f32 v46, v46;
	v39 =	vadd.f32 v39, v4;
	v40 =	vadd.f32 v42, v16;
	v42 =	vld [tilespmem:s18+$0x30]  }
0x720: {  	v41 =	vadd.f32 v59, v41;
	v18 =	vmul.f32 v35, v35;
	v38 =	vadd.f32 v44, v62;
	v62 =	vld [tilespmem:s18+$0xFFFFFF30]  }
0x721: {  	v19 =	vmul.f32 v49, v49;
	v48 =	vadd.f32 v60, v58;
	v60 =	vmul.f32 v39, v39;
	v4 =	vld [tilespmem:$0x1FFF0]  }
0x722: {  	v54 =	vld [tilespmem:s19+$0x30];
	v36 =	vadd.f32 v41, v16;
	v52 =	vadd.f32 v18, v63;
	v63 =	vperm.xlane v38, v3  }
0x723: {  	v41 =	vld [tilespmem:s18+$0xFFFFFFB0];
	v55 =	vmul.f32 v40, v40  }
0x724: {  	v58 =	vld [tilespmem:s12+$0x40];
	v18 =	vmul.f32 v36, v36;
	v44 =	vadd.f32 v60, v19;
	v53 =	vadd.f32 v38, v63  }
0x725: {  	v57 =	vld [tilespmem:s11+$0x40];
	v42 =	vadd.f32 v42, v51;
	v50 =	vadd.f32 v62, v50  }
0x726: {  	v48 =	vadd.f32 v18, v48;
	v51 =	vadd.f32 v55, v52;
	v52 =	vld [tilespmem:s18+$0x40];
	v19 =	vperm.xlane v53, v4  }
0x727: {  	v18 =	vld [tilespmem:s18+$0xFFFFFF40];
	v38 =	vadd.f32 v37, v16;
	v37 =	vadd.f32 v50, v17  }
0x728: {  	v59 =	vld [tilespmem:s19+$0x40];
	v41 =	vadd.f32 v41, v54;
	v53 =	vadd.f32 v53, v19  }
0x729: {  	v50 =	vld [tilespmem:s18+$0xFFFFFFC0];
	v19 =	vmul.f32 v37, v37  }
0x72a: {  	v55 =	vld [tilespmem:s12+$0x50];
	v41 =	vadd.f32 v41, v17;
	v53 =	vmul.f32 $7.812500000e-03, v53  }
0x72b: {  	v63 =	vld [tilespmem:s19+$0x50];
	v16 =	vmul.f32 v38, v38;
	v52 =	vadd.f32 v52, v57;
	v54 =	vadd.f32 v19, v48  }
0x72c: {  	v48 =	vadd.f32 v18, v58;
	v18 =	vld [tilespmem:s18+$0xFFFFFFD0];
	v53 =	vadd.f32 $9.999999960e-13, v53  }
0x72d: {  	v56 =	vadd.f32 v16, v44;
	v44 =	vadd.f32 v42, v17;
	v42 =	vmul.f32 v41, v41;
	v16 =	vld [tilespmem:s18+$0xFFFFFF50]  }
0x72e: {  	v25 =	vld [tilespmem:s11+$0x70];
	v50 =	vadd.f32 v50, v59;
	v62 =	vshrl.u32 v53, $0x1;
	v17 =	vmul.f32 $5.000000000e-01, v53  }
0x72f: {  	v60 =	vld [tilespmem:s11+$0x50];
	v42 =	vadd.f32 v42, v51;
	v48 =	vadd.f32 v48, v20;
	v57 =	vsub.s32 $0x5F3759DF, v62  }
0x730: {  	v51 =	vld [tilespmem:s18+$0x50];
	v58 =	vmul.f32 v44, v44;
	v53 =	vadd.f32 v50, v20;
	v50 =	vmul.f32 v57, v17  }
0x731: {  	v52 =	vadd.f32 v52, v20;
	v19 =	vld [tilespmem:s12+$0x60];
	v62 =	vmul.f32 v48, v48;
	v18 =	vadd.f32 v18, v63  }
0x732: {  	v56 =	vadd.f32 v58, v56;
	v16 =	vadd.f32 v16, v55;
	v20 =	vld [tilespmem:s19+$0x60];
	v50 =	vmul.f32 v57, v50  }
0x733: {  	v55 =	vmul.f32 v52, v52;
	v59 =	vadd.f32 v62, v54;
	v54 =	vadd.f32 v18, v24;
	v18 =	vld [tilespmem:s18+$0x60]  }
0x734: {  	v58 =	vmul.f32 v53, v53;
	v63 =	vsub.f32 $1.500000000e+00, v50;
	v50 =	vadd.f32 v16, v24;
	v16 =	vld [tilespmem:s18+$0xFFFFFFE0]  }
0x735: {  	v28 =	vld [tilespmem:s18+$0xFFFFFF70];
	v51 =	vadd.f32 v51, v60;
	v56 =	vadd.f32 v55, v56  }
0x736: {  	v19 =	vadd.f32 v23, v19;
	v62 =	vld [tilespmem:s12+$0x70];
	v42 =	vadd.f32 v58, v42;
	v55 =	vmul.f32 v54, v54  }
0x737: {  	v60 =	vadd.f32 v51, v24;
	v51 =	vld [tilespmem:$0xA480];
	v58 =	vmul.f32 v57, v63  }
0x738: {  	v24 =	vld [tilespmem:s19+$0x70];
	v57 =	vmul.f32 v50, v50;
	v29 =	vadd.f32 v55, v42;
	v55 =	vadd.f32 v19, v0  }
0x739: {  	v19 =	vld [tilespmem:s18+$0xFFFFFFF0];
	v18 =	vadd.f32 v18, v21;
	v17 =	vmul.f32 v58, v17;
	v16 =	vadd.f32 v16, v20  }
0x73a: {  	[tilespmem:$0x1F440] =	vst v15;
	v23 =	vmul.f32 v60, v60;
	v63 =	vld [tilespmem:$0xA400];
	v15 =	vadd.f32 v57, v59;
	v20 =	vmul.f32 v55, v55  }
0x73b: {  	v59 =	vadd.f32 v18, v0;
	v17 =	vmul.f32 v17, v58;
	v57 =	vadd.f32 v16, v0;
	v16 =	vld [tilespmem:s18+$0x70]  }
0x73c: {  	v15 =	vadd.f32 v20, v15;
	v20 =	vadd.f32 v28, v62;
	v62 =	vld [tilespmem:$0x1FFC0]  }
0x73d: {  	v21 =	vadd.f32 v23, v56;
	v28 =	vld [tilespmem:$0xA490];
	v17 =	vsub.f32 $1.500000000e+00, v17;
	v56 =	vmul.f32 v57, v57  }
0x73e: {  	v23 =	vmul.f32 v59, v59;
	v19 =	vadd.f32 v19, v24;
	v0 =	vld [tilespmem:$0x1F6D0]  }
0x73f: {  	v42 =	vmul.f32 v17, v58;
	v17 =	vld [tilespmem:$0xA410];
	v18 =	vadd.f32 v56, v29  }
0x740: {  	v56 =	vadd.f32 v19, v1;
	v19 =	vadd.f32 v23, v21;
	v23 =	vld [tilespmem:$0xA490]  }
0x741: {  	v24 =	vmul.f32 v42, v47;
	v47 =	vadd.f32 v20, v1;
	v20 =	vld [tilespmem:$0xA490]  }
0x742: {  	v16 =	vadd.f32 v16, v25;
	v25 =	vld [tilespmem:$0xA4D0]  }
0x743: {  	v13 =	vadd.f32 v13, v28;
	v28 =	vld [tilespmem:$0xA4D0];
	v21 =	vmul.f32 v24, v63;
	v24 =	vmul.f32 v47, v47  }
0x744: {  	v58 =	vadd.f32 v16, v1;
	v16 =	vld [tilespmem:$0xA450];
	v7 =	vmul.f32 v7, v17;
	v17 =	vmul.f32 v56, v56  }
0x745: {  	s17 =	smov.u32 s20;
	v1 =	vld [tilespmem:$0x1F190];
	v21 =	vadd.f32 v21, v51  }
0x746: {  	[tilespmem:s17+$0xFFFFFF10] =	vst v13;
	v15 =	vadd.f32 v24, v15;
	v17 =	vadd.f32 v17, v18;
	v18 =	vld [tilespmem:$0xA4D0]  }
0x747: {  	s20 =	sadd.s32 $0x200, s20;
	v24 =	vmul.f32 v58, v58;
	v12 =	vadd.f32 v12, v20;
	v7 =	vadd.f32 v7, v23;
	v23 =	vld [tilespmem:$0xA420]  }
0x748: {  	v10 =	vadd.f32 v10, v28;
	v28 =	vld [tilespmem:$0x1FFD0];
	[tilespmem:s20+$0x80] =	vst v21  }
0x749: {  	v20 =	vperm.xlane v15, v62;
	v19 =	vadd.f32 v24, v19;
	v21 =	vld [tilespmem:$0xA410];
	v13 =	vperm.xlane v17, v62;
	[tilespmem:s17+$0xFFFFFF90] =	vst v12  }
0x74a: {  	v12 =	vmul.f32 v0, v16;
	v0 =	vmov v9;
	v16 =	vld [tilespmem:$0xA490];
	[tilespmem:s17+$0x10] =	vst v7;
	v7 =	vadd.f32 v8, v25  }
0x74b: {  	[tilespmem:$0x1F6D0] =	vst v0;
	v9 =	vadd.f32 v15, v20;
	v15 =	vperm.xlane v19, v62;
	v0 =	vld [tilespmem:$0x1F180];
	v8 =	vadd.f32 v17, v13  }
0x74c: {  	v13 =	vmul.f32 v42, v14;
	v14 =	vld [tilespmem:$0xA420];
	[tilespmem:s16+$0xFFFFFF50] =	vst v7;
	v7 =	vadd.f32 v12, v18  }
0x74d: {  	v17 =	vperm.xlane v9, v28;
	v15 =	vadd.f32 v19, v15;
	v19 =	vld [tilespmem:$0xA420];
	v12 =	vperm.xlane v8, v28  }
0x74e: {  	[tilespmem:s16+$0x50] =	vst v7  }
0x74f: {  	v13 =	vmul.f32 v13, v21;
	v9 =	vadd.f32 v9, v17;
	v7 =	vadd.f32 v8, v12;
	v12 =	vld [tilespmem:$0xA4A0]  }
0x750: {  	[tilespmem:s16+$0xFFFFFFD0] =	vst v10;
	v18 =	vld [tilespmem:$0xA4A0];
	v10 =	vperm.xlane v15, v28  }
0x751: {  	v17 =	vld [tilespmem:$0xA4A0];
	v8 =	vadd.f32 v13, v16;
	v13 =	vperm.xlane v9, v3  }
0x752: {  	v10 =	vadd.f32 v15, v10;
	v0 =	vmul.f32 v0, v14;
	v14 =	vld [tilespmem:$0xA460];
	v1 =	vmul.f32 v1, v19  }
0x753: {  	v15 =	vperm.xlane v7, v3;
	[tilespmem:s20+$0x90] =	vst v8;
	v8 =	vld [tilespmem:$0xA460]  }
0x754: {  	v9 =	vadd.f32 v9, v13;
	v13 =	vperm.xlane v10, v3;
	v3 =	vld [tilespmem:$0x1F610];
	v1 =	vadd.f32 v1, v12  }
0x755: {  	v2 =	vmul.f32 v2, v23;
	v7 =	vadd.f32 v7, v15;
	v15 =	vld [tilespmem:$0xA460]  }
0x756: {  	[tilespmem:s17+$0x20] =	vst v1;
	v1 =	vld [tilespmem:$0x1F1A0]  }
0x757: {  	v2 =	vadd.f32 v2, v18;
	v16 =	vld [tilespmem:$0xA420]  }
0x758: {  	v0 =	vadd.f32 v0, v17  }
0x759: {  	[tilespmem:s17+$0xFFFFFF20] =	vst v2;
	v17 =	vperm.xlane v9, v4;
	v10 =	vadd.f32 v10, v13;
	v13 =	vld [tilespmem:$0xA4A0]  }
0x75a: {  	v11 =	vmul.f32 v42, v11;
	v12 =	vld [tilespmem:$0xA430];
	v2 =	vperm.xlane v7, v4;
	[tilespmem:s17+$0xFFFFFFA0] =	vst v0  }
0x75b: {  	v0 =	vadd.f32 v9, v17;
	v17 =	vld [tilespmem:$0xA430];
	v14 =	vmul.f32 v14, v1  }
0x75c: {  	v9 =	vmovc v61;
	v1 =	vadd.f32 v7, v2;
	v2 =	vmul.f32 v11, v16;
	v11 =	vmul.f32 v3, v8;
	v3 =	vld [tilespmem:$0x1F6F0]  }
0x75d: {  	v18 =	vperm.xlane v10, v4;
	[tilespmem:$0x1F610] =	vst v9;
	v9 =	vld [tilespmem:$0xA4B0]  }
0x75e: {  	v23 =	vld [tilespmem:$0xA4E0];
	v2 =	vadd.f32 v2, v13  }
0x75f: {  	v4 =	vadd.f32 v10, v18;
	v18 =	vld [tilespmem:$0xA4E0]  }
0x760: {  	v0 =	vmul.f32 $7.812500000e-03, v0;
	[tilespmem:s20+$0xA0] =	vst v2;
	v2 =	vld [tilespmem:$0x1F1C0]  }
0x761: {  	v1 =	vmul.f32 $7.812500000e-03, v1;
	v10 =	vmul.f32 v3, v15;
	v3 =	vmov v5;
	v61 =	vld [tilespmem:$0xA430]  }
0x762: {  	v0 =	vadd.f32 $9.999999960e-13, v0;
	[tilespmem:$0x1F6F0] =	vst v3;
	v3 =	vld [tilespmem:$0x1F1B0]  }
0x763: {  	v1 =	vadd.f32 $9.999999960e-13, v1;
	v15 =	vld [tilespmem:$0xA4E0]  }
0x764: {  	v6 =	vmul.f32 v42, v6;
	v5 =	vshrl.u32 v0, $0x1;
	v20 =	vld [tilespmem:$0xA4B0]  }
0x765: {  	v29 =	vmovc v45;
	v4 =	vmul.f32 $7.812500000e-03, v4;
	v8 =	vld [tilespmem:$0xA4B0];
	v45 =	vsub.s32 $0x5F3759DF, v5;
	v5 =	vshrl.u32 v1, $0x1  }
0x766: {  	v7 =	vld [tilespmem:$0xA430];
	v19 =	vsub.s32 $0x5F3759DF, v5;
	v2 =	vmul.f32 v2, v17;
	v6 =	vmul.f32 v6, v61  }
0x767: {  	v13 =	vld [tilespmem:$0xA4B0];
	v12 =	vmul.f32 v3, v12;
	v3 =	vmul.f32 $5.000000000e-01, v0;
	v0 =	vadd.f32 $9.999999960e-13, v4  }
0x768: {  	v14 =	vadd.f32 v15, v14;
	v4 =	vmul.f32 $5.000000000e-01, v1;
	v9 =	vadd.f32 v2, v9;
	v2 =	vld [tilespmem:$0xA4F0]  }
0x769: {  	v15 =	vadd.f32 v6, v20;
	v6 =	vld [tilespmem:$0x1F1E0];
	v1 =	vshrl.u32 v0, $0x1;
	v5 =	vmul.f32 $5.000000000e-01, v0  }
0x76a: {  	v0 =	vmul.f32 v45, v3;
	v8 =	vadd.f32 v12, v8;
	[tilespmem:s17+$0xFFFFFFB0] =	vst v9;
	v21 =	vsub.s32 $0x5F3759DF, v1;
	v1 =	vld [tilespmem:$0xA4F0]  }
0x76b: {  	s6 =	sadd.s32 $0x4, s6;
	v24 =	vmul.f32 v19, v4;
	v9 =	vld [tilespmem:$0xA440];
	v25 =	vmul.f32 v21, v5  }
0x76c: {  	p0 =	slt.u32 s6, $0xC4;
	v12 =	vmul.f32 v45, v0;
	[tilespmem:s17+$0xFFFFFF30] =	vst v8;
	v0 =	vld [tilespmem:$0xA4F0]  }
.Ltmp4:
0x76d: {  	[tilespmem:s20+$0xB0] =	vst v15;
	v61 =	vmul.f32 v19, v24;
	v8 =	vld [tilespmem:$0xA440];
	v24 =	vmul.f32 v21, v25;
	(pc) =	sbr.rel @p0 .LBB2_9-.Ltmp4, $4  }
0x76e: {  	[tilespmem:s16+$0xFFFFFF60] =	vst v14;
	v14 =	vld [tilespmem:$0xA440];
	v12 =	vsub.f32 $1.500000000e+00, v12  }
0x76f: {  	v25 =	vld [tilespmem:$0x1F1D0];
	v20 =	vmul.f32 v6, v7;
	v16 =	vsub.f32 $1.500000000e+00, v61;
	v24 =	vsub.f32 $1.500000000e+00, v24  }
0x770: {  	v11 =	vadd.f32 v11, v18;
	v10 =	vadd.f32 v10, v23;
	v7 =	vld [tilespmem:$0xA4C0];
	v6 =	vmul.f32 v45, v12  }
0x771: {  	s7 =	sadd.s32 $0x4, s7;
	v45 =	vadd.f32 v20, v13;
	v12 =	vmul.f32 v19, v16;
	v13 =	vmul.f32 v21, v24;
	v24 =	vld [tilespmem:$0x1F1F0]  }
0x772: {  	v3 =	vmul.f32 v6, v3;
	_ =	sdelay $0x1  }
0x773: {  	v4 =	vmul.f32 v12, v4;
	v3 =	vmul.f32 v3, v6  }
0x774: {  	v5 =	vmul.f32 v13, v5  }
0x775: {  	v4 =	vmul.f32 v4, v12;
	v3 =	vsub.f32 $1.500000000e+00, v3  }
0x776: {  	v16 =	vmul.f32 v42, v30;
	v17 =	vld [tilespmem:$0xA4C0];
	v15 =	vmul.f32 v5, v13  }
0x777: {  	v4 =	vsub.f32 $1.500000000e+00, v4;
	v5 =	vmul.f32 v3, v6  }
0x778: {  	v16 =	vmul.f32 v16, v14;
	v15 =	vsub.f32 $1.500000000e+00, v15  }
0x779: {  	v4 =	vmul.f32 v4, v12;
	v43 =	vmul.f32 v5, v43  }
0x77a: {  	v3 =	vmul.f32 v15, v13  }
0x77b: {  	v6 =	vadd.f32 v16, v17;
	v46 =	vmul.f32 v4, v46;
	v12 =	vmul.f32 v43, v63  }
0x77c: {  	v61 =	vmul.f32 v3, v49  }
0x77d: {  	[tilespmem:s20+$0xC0] =	vst v6;
	v13 =	vmul.f32 v46, v63;
	v12 =	vadd.f32 v12, v51  }
0x77e: {  	[tilespmem:s17+$0x30] =	vst v45;
	v45 =	vld [tilespmem:$0xA450];
	v43 =	vmul.f32 v61, v63  }
0x77f: {  	v46 =	vld [tilespmem:$0xA4D0];
	v13 =	vadd.f32 v13, v51;
	[tilespmem:s20+$0xFFFFFF00] =	vst v12  }
0x780: {  	v6 =	vadd.f32 v43, v51;
	v12 =	vld [tilespmem:$0xA410]  }
0x781: {  	[tilespmem:s20+$0xFFFFFF80] =	vst v13;
	v18 =	vld [tilespmem:$0xA490]  }
0x782: {  	[tilespmem:s20+$0x0] =	vst v6;
	v13 =	vld [tilespmem:$0xA410]  }
0x783: {  	v49 =	vmul.f32 v42, v26;
	v51 =	vld [tilespmem:$0xA410]  }
0x784: {  	v19 =	vmul.f32 v5, v34;
	v61 =	vld [tilespmem:$0xA490]  }
0x785: {  	v20 =	vmul.f32 v4, v35;
	v6 =	vmul.f32 v49, v45;
	v21 =	vld [tilespmem:$0xA490]  }
0x786: {  	v12 =	vmul.f32 v19, v12;
	v19 =	vmul.f32 v3, v39  }
0x787: {  	v6 =	vadd.f32 v6, v46;
	v13 =	vmul.f32 v20, v13  }
0x788: {  	v17 =	vmul.f32 v19, v51;
	v12 =	vadd.f32 v12, v18  }
0x789: {  	[tilespmem:s20+$0xD0] =	vst v6;
	v13 =	vadd.f32 v13, v61  }
0x78a: {  	[tilespmem:s20+$0xFFFFFF10] =	vst v12;
	v17 =	vadd.f32 v17, v21  }
0x78b: {  	v63 =	vld [tilespmem:$0xA4C0];
	[tilespmem:s20+$0xFFFFFF90] =	vst v13  }
0x78c: {  	v26 =	vld [tilespmem:$0xA460];
	[tilespmem:s20+$0x10] =	vst v17  }
0x78d: {  	v19 =	vld [tilespmem:$0x1F580]  }
0x78e: {  	v13 =	vld [tilespmem:$0xA420]  }
0x78f: {  	v34 =	vld [tilespmem:$0xA4E0]  }
0x790: {  	v23 =	vld [tilespmem:$0xA4A0]  }
0x791: {  	v9 =	vmul.f32 v31, v9;
	v35 =	vmul.f32 v4, v40;
	v18 =	vld [tilespmem:$0xA420]  }
0x792: {  	v17 =	vld [tilespmem:$0xA420];
	v8 =	vmul.f32 v19, v8;
	v19 =	vmul.f32 v42, v22  }
0x793: {  	v21 =	vld [tilespmem:$0xA4A0];
	[tilespmem:s16+$0xFFFFFFE0] =	vst v11;
	v11 =	vmul.f32 v35, v13  }
0x794: {  	v9 =	vadd.f32 v9, v63;
	v22 =	vmul.f32 v5, v36;
	v14 =	vmul.f32 v19, v26;
	v19 =	vld [tilespmem:$0xA4A0]  }
0x795: {  	v38 =	vmul.f32 v3, v38;
	[tilespmem:s16+$0x60] =	vst v10;
	v11 =	vadd.f32 v11, v23  }
0x796: {  	[tilespmem:s17+$0xFFFFFFC0] =	vst v9;
	v8 =	vadd.f32 v8, v7;
	v36 =	vmul.f32 v22, v18  }
0x797: {  	v39 =	vmul.f32 v38, v17;
	[tilespmem:s20+$0xFFFFFFA0] =	vst v11;
	v12 =	vadd.f32 v14, v34  }
0x798: {  	[tilespmem:s17+$0xFFFFFF40] =	vst v8;
	v10 =	vadd.f32 v36, v21  }
0x799: {  	v15 =	vld [tilespmem:$0xA440];
	[tilespmem:s20+$0xE0] =	vst v12;
	v9 =	vadd.f32 v39, v19  }
0x79a: {  	v20 =	vld [tilespmem:$0xA4C0];
	[tilespmem:s20+$0xFFFFFF20] =	vst v10  }
0x79b: {  	v11 =	vld [tilespmem:$0xA430];
	[tilespmem:s20+$0x20] =	vst v9  }
0x79c: {  	v9 =	vld [tilespmem:$0x1F6A0]  }
0x79d: {  	v18 =	vld [tilespmem:$0xA4B0]  }
0x79e: {  	v10 =	vld [tilespmem:$0xA430]  }
0x79f: {  	v45 =	vld [tilespmem:$0xA430]  }
0x7a0: {  	v46 =	vld [tilespmem:$0xA4B0];
	v19 =	vmul.f32 v4, v41  }
0x7a1: {  	v49 =	vmul.f32 v5, v37;
	v61 =	vld [tilespmem:$0xA4B0];
	v9 =	vmul.f32 v9, v15  }
0x7a2: {  	v63 =	vmul.f32 v3, v44;
	v11 =	vmul.f32 v19, v11  }
0x7a3: {  	v6 =	vld [tilespmem:$0xA470];
	v51 =	vmul.f32 v49, v10;
	v9 =	vadd.f32 v9, v20  }
0x7a4: {  	v43 =	vld [tilespmem:$0xA450];
	v11 =	vadd.f32 v11, v18;
	v15 =	vmul.f32 v63, v45  }
0x7a5: {  	v40 =	vld [tilespmem:$0xA450];
	[tilespmem:s17+$0x40] =	vst v9;
	v9 =	vadd.f32 v51, v46  }
0x7a6: {  	v26 =	vld [tilespmem:$0xA4D0];
	[tilespmem:s20+$0xFFFFFFB0] =	vst v11;
	v10 =	vadd.f32 v15, v61  }
0x7a7: {  	v19 =	vld [tilespmem:$0xA450];
	[tilespmem:s20+$0xFFFFFF30] =	vst v9  }
0x7a8: {  	v37 =	vld [tilespmem:$0x1F590];
	[tilespmem:s20+$0x30] =	vst v10  }
0x7a9: {  	v18 =	vld [tilespmem:$0x1F6D0]  }
0x7aa: {  	v38 =	vld [tilespmem:$0xA440]  }
0x7ab: {  	v36 =	vld [tilespmem:$0xA440]  }
0x7ac: {  	v35 =	vld [tilespmem:$0xA4D0]  }
0x7ad: {  	v39 =	vld [tilespmem:$0xA4C0];
	v13 =	vmul.f32 v37, v40  }
0x7ae: {  	v41 =	vld [tilespmem:$0xA4C0];
	v18 =	vmul.f32 v18, v19;
	v19 =	vmul.f32 v5, v48  }
0x7af: {  	v7 =	vld [tilespmem:$0xA470];
	v12 =	vmul.f32 v24, v43;
	v43 =	vmul.f32 v4, v53;
	v13 =	vadd.f32 v13, v26  }
0x7b0: {  	v34 =	vld [tilespmem:$0xA4D0];
	v11 =	vmul.f32 v19, v36  }
0x7b1: {  	v40 =	vld [tilespmem:$0xA440];
	[tilespmem:s17+$0xFFFFFF50] =	vst v13;
	v13 =	vmul.f32 v43, v38  }
0x7b2: {  	v9 =	vadd.f32 v18, v35;
	v18 =	vld [tilespmem:$0xA4C0];
	v10 =	vadd.f32 v11, v39  }
0x7b3: {  	v19 =	vld [tilespmem:$0xA460];
	v13 =	vadd.f32 v13, v41  }
0x7b4: {  	v44 =	vmul.f32 v3, v52;
	v49 =	vld [tilespmem:$0xA4E0];
	[tilespmem:s20+$0xFFFFFF40] =	vst v10  }
0x7b5: {  	v53 =	vld [tilespmem:$0xA450];
	[tilespmem:s20+$0xFFFFFFC0] =	vst v13  }
0x7b6: {  	v48 =	vmul.f32 v44, v40;
	v13 =	vld [tilespmem:$0xA450]  }
0x7b7: {  	v61 =	vld [tilespmem:$0xA4D0]  }
0x7b8: {  	v52 =	vadd.f32 v48, v18;
	v18 =	vmul.f32 v5, v50;
	v21 =	vld [tilespmem:$0xA4D0]  }
0x7b9: {  	v22 =	vmul.f32 v4, v54;
	v8 =	vld [tilespmem:$0xA470];
	v12 =	vadd.f32 v12, v34;
	v19 =	vmul.f32 v19, v29  }
0x7ba: {  	v14 =	vld [tilespmem:$0xA470];
	[tilespmem:s20+$0x40] =	vst v52;
	v11 =	vmul.f32 v18, v53  }
0x7bb: {  	[tilespmem:s17+$0xFFFFFFD0] =	vst v12;
	v10 =	vld [tilespmem:$0xA450];
	v12 =	vadd.f32 v49, v19;
	v13 =	vmul.f32 v22, v13  }
0x7bc: {  	v20 =	vld [tilespmem:$0xA4F0];
	[tilespmem:s17+$0x50] =	vst v9;
	v11 =	vadd.f32 v11, v61  }
0x7bd: {  	v23 =	vld [tilespmem:$0xA4D0];
	[tilespmem:s17+$0xFFFFFF60] =	vst v12;
	v34 =	vadd.f32 v13, v21  }
0x7be: {  	v63 =	vmul.f32 v3, v60;
	v45 =	vld [tilespmem:$0xA460];
	[tilespmem:s20+$0xFFFFFF50] =	vst v11  }
0x7bf: {  	v51 =	vld [tilespmem:$0xA4E0];
	[tilespmem:s20+$0xFFFFFFD0] =	vst v34  }
0x7c0: {  	v10 =	vmul.f32 v63, v10;
	v21 =	vld [tilespmem:$0x1F610]  }
0x7c1: {  	v26 =	vld [tilespmem:$0xA4F0]  }
0x7c2: {  	v35 =	vld [tilespmem:$0xA4F0];
	v10 =	vadd.f32 v10, v23  }
0x7c3: {  	v46 =	vld [tilespmem:$0xA460]  }
0x7c4: {  	v19 =	vld [tilespmem:$0xA4F0];
	[tilespmem:s20+$0x50] =	vst v10  }
0x7c5: {  	v9 =	vmul.f32 v21, v45;
	v21 =	vld [tilespmem:$0x1F6F0]  }
0x7c6: {  	v18 =	vld [tilespmem:$0xA4E0]  }
0x7c7: {  	v36 =	vld [tilespmem:$0xA470]  }
0x7c8: {  	v37 =	vld [tilespmem:$0xA460]  }
0x7c9: {  	v39 =	vld [tilespmem:$0xA4E0]  }
0x7ca: {  	v1 =	vadd.f32 v1, v32;
	v38 =	vld [tilespmem:$0xA460];
	v15 =	vmul.f32 v21, v46  }
0x7cb: {  	v22 =	vmul.f32 v5, v55;
	v40 =	vld [tilespmem:$0xA4E0];
	v9 =	vadd.f32 v9, v51  }
0x7cc: {  	[tilespmem:s2+$0xFFFFFF70] =	vst v1;
	v21 =	vld [tilespmem:$0xA460];
	v15 =	vadd.f32 v15, v18  }
0x7cd: {  	v12 =	vmul.f32 v37, v22;
	[tilespmem:s17+$0xFFFFFFE0] =	vst v9;
	v18 =	vld [tilespmem:$0xA4E0]  }
0x7ce: {  	v2 =	vadd.f32 v2, v33;
	v23 =	vmul.f32 v4, v57;
	v22 =	vld [tilespmem:$0xA470];
	[tilespmem:s17+$0x60] =	vst v15  }
0x7cf: {  	v12 =	vadd.f32 v39, v12;
	v1 =	vld [tilespmem:$0x1F440]  }
0x7d0: {  	v41 =	vmul.f32 v3, v59;
	v10 =	vmul.f32 v23, v38;
	v23 =	vld [tilespmem:$0xA470];
	[tilespmem:s2+$0xFFFFFFF0] =	vst v2  }
0x7d1: {  	[tilespmem:s20+$0xFFFFFF60] =	vst v12;
	v45 =	vld [tilespmem:$0xA4F0]  }
0x7d2: {  	v15 =	vmul.f32 v41, v21;
	v46 =	vld [tilespmem:$0x1F410];
	v43 =	vadd.f32 v10, v18  }
0x7d3: {  	v48 =	vld [tilespmem:$0xA470]  }
0x7d4: {  	v54 =	vld [tilespmem:$0xA4F0];
	v9 =	vadd.f32 v15, v40;
	[tilespmem:s20+$0xFFFFFFE0] =	vst v43;
	v1 =	vmul.f32 v42, v1  }
0x7d5: {  	v0 =	vadd.f32 v0, v27;
	v49 =	vld [tilespmem:$0x1F480]  }
0x7d6: {  	[tilespmem:s20+$0x60] =	vst v9;
	v50 =	vld [tilespmem:$0xA470];
	v1 =	vmul.f32 v14, v1  }
0x7d7: {  	[tilespmem:s2+$0x70] =	vst v0;
	v55 =	vld [tilespmem:$0xA4F0];
	v6 =	vmul.f32 v6, v46  }
0x7d8: {  	v0 =	vld [tilespmem:$0x1F4E0];
	v1 =	vadd.f32 v20, v1  }
0x7d9: {  	v5 =	vmul.f32 v5, v47;
	v51 =	vld [tilespmem:$0xA470];
	v6 =	vadd.f32 v19, v6  }
0x7da: {  	v57 =	vmul.f32 v23, v25;
	v59 =	vld [tilespmem:$0xA4F0];
	[tilespmem:s20+$0xF0] =	vst v1  }
0x7db: {  	v2 =	vmul.f32 v48, v5;
	v53 =	vld [tilespmem:$0x1F5A0];
	[tilespmem:s16+$0xFFFFFF70] =	vst v6  }
0x7dc: {  	v4 =	vmul.f32 v4, v56;
	v7 =	vmul.f32 v7, v49;
	v1 =	vadd.f32 v45, v57;
	v6 =	vld [tilespmem:$0x1F640]  }
0x7dd: {  	v3 =	vmul.f32 v3, v58;
	v42 =	vld [tilespmem:$0xA4F0];
	v2 =	vadd.f32 v54, v2;
	v0 =	vmul.f32 v8, v0  }
0x7de: {  	v44 =	vld [tilespmem:$0xA4F0];
	v4 =	vmul.f32 v50, v4;
	v52 =	vadd.f32 v26, v7;
	[tilespmem:s17+$0x70] =	vst v1  }
0x7df: {  	v61 =	vmul.f32 v51, v3;
	v0 =	vadd.f32 v35, v0;
	[tilespmem:s20+$0xFFFFFF70] =	vst v2  }
0x7e0: {  	v63 =	vadd.f32 v55, v4;
	[tilespmem:s16+$0xFFFFFFF0] =	vst v52;
	v7 =	vmul.f32 v36, v53  }
0x7e1: {  	s5 =	sadd.s32 $0x1, s5;
	[tilespmem:s16+$0x70] =	vst v0;
	v0 =	vadd.f32 v59, v61;
	v6 =	vmul.f32 v22, v6  }
0x7e2: {  	p0 =	sne.s32 s5, $0x40;
	[tilespmem:s20+$0xFFFFFFF0] =	vst v63;
	v7 =	vadd.f32 v42, v7  }
.Ltmp5:
0x7e3: {  	[tilespmem:s20+$0x70] =	vst v0;
	v60 =	vadd.f32 v44, v6;
	(pc) =	sbr.rel @p0 .LBB2_2-.Ltmp5, $4  }
0x7e4: {  	s1 =	smul.u32 $0xC80, s1;
	[tilespmem:s17+$0xFFFFFF70] =	vst v7  }
0x7e5: {  	[tilespmem:s17+$0xFFFFFFF0] =	vst v60  }
0x7e6: {  	s1 =	sadd.s32 s3, s1;
	v51 =	vld [tilespmem:$0x1FFE0]  }
0x7e7: {  	[hbm4b:s1+s4] =	stream.linear.scatter [tilespmem:s30], [sflag:$0x5], $0x6400, $0x38;
	v20 =	vld [tilespmem:$0x1FFF0]  }
0x7e8: {  	_ =	swait.ge [sflag:s31], $0x6400  }
0x7e9: {  	[sflag:s31] =	ssyncset.done $0x0  }
0x7ea: {  	[sflag:s31] =	ssyncadd.s32 $0xFFFF9C00  }
0x7eb: {  	_ =	swait.ge [sflag:s29], $0x6400  }
0x7ec: {  	s0 =	sadd.s32 $0x1, s0;
	s1 =	rddreg [dreg:$0xb]  }
0x7ed: {  	p0 =	sne.s32 s0, s1  }
.Ltmp6:
0x7ee: {  	_ = 	snop;
	(pc) =	sbr.rel @p0 .LBB2_1-.Ltmp6, $3  }
0x7ef: {  	_ =	sdelay $0x1  }
0x7f0: {  	[sflag:s29] =	ssyncset.done $0x0  }
0x7f1: {  	[sflag:s29] =	ssyncadd.s32 $0xFFFF9C00  }
0x7f2: {  	_ =	sfence.sel $0x180000  }
0x7f3: {  	[bflag:$0x0] =	sbarrier.arrive $0xFFFF  }
0x7f4: {  	_ =	strace $0x90000047  }
0x7f5: {  	s0 =	stileid.u32;
	[bflag:$0x2] =	sbarrier.arrive $0xFFFF  }
0x7f6: {  	p0 =	sne.s32 s0, $0x0;
	s0 =	rddreg [dreg:$0x5]  }
0x7f7: {  	s0 =	sadd.s32 @!p0 $0x100000, s0  }
0x7f8: {  	[sflag:s0] =	ssyncadd.tile.s32 @!p0 $0x1;
	_ =	shalt  }
.Lfunc_end2:
_tile_overlayer_lowered:
.L_overlay_start_2:
0x7f9: {  	(tag) =	ssettag $0x2  }
0x7fa: {  	s0 =	rddreg [dreg:$0x0];
	s2 =	stileid.u32  }
0x7fb: {  	s1 =	rddreg [dreg:$0x1];
	p0 =	sne.s32 s2, $0x0  }
0x7fc: {  	s3 =	rddreg [dreg:$0x2];
	[bflag:$0x3] =	sbarrier.arrive $0xFFFF;
	s2 =	simm.s32 @!p0 $0x1C06  }
0x7fd: {  	[timem:s3], [sflag:s2] =	dma.local @!p0 [hbm:s0], s1  }
0x7fe: {  	s0 =	simm.s32 @!p0 $0x6  }
0x7ff: {  	_ =	swait.ge @!p0 [sflag:s0], s1  }
0x800: {  	s1 =	ssub.s32 @!p0 $0x0, s1;
	[sflag:s0] =	ssyncset.done @!p0 $0x0  }
0x801: {  	[sflag:s0] =	ssyncadd.s32 @!p0 s1  }
0x802: {  	[bflag:$0x3] =	sbarrier.arrive $0xFFFF  }
0x803: {  	_ =	shalt  }

</sc_bundles>
